<compile_context>
chip_gen: v7x
topology: tpu7x:2x2x1
jax: 0.10.2.dev20260603
libtpu: 0.0.44.dev20260713+nightly
codegen_flags: <defaults>
</compile_context>

<pallas_src>
import math

import jax
import jax.numpy as jnp
from jax import lax
from jax.experimental import pallas as pl
from jax.experimental.pallas import tpu as pltpu
from jax.experimental.pallas import tpu_sc as plsc

_BINS = 10
_ALPHA = 0.75
_N = 4000000

_NW = 32
_NSLOTS = _BINS * 16

_TC_ROWS = 14784
_TC_BLK = 672
_TC_GRID = _TC_ROWS // _TC_BLK
_SC_START = _TC_ROWS * 128
_PER_W = (_N - _SC_START) // _NW
_CH = 16000
_SIZES = [_CH] * 4 + [_PER_W - 4 * _CH]

_S1 = math.log(6.0 / 4.0)
_S2 = math.log(7.0 / 3.0)
_S3 = math.log(8.0 / 2.0)
_S4 = math.log(9.0 / 1.0)
_XCUT = 25.0 * math.log(2.0)


def _body(o1_hbm, o2_hbm, t_hbm, cnt_out, sum_out,
          o1_v0, o1_v1, o2_v0, o2_v1, t_v0, t_v1,
          cnt_acc, sum_acc, sem0, sem1):
    cid_c = lax.axis_index("c")
    cid_s = lax.axis_index("s")
    wid = cid_s * 2 + cid_c
    base = _SC_START + wid * _PER_W
    sems = [sem0, sem1]
    o1_bufs = [o1_v0, o1_v1]
    o2_bufs = [o2_v0, o2_v1]
    t_bufs = [t_v0, t_v1]

    zero = jnp.zeros((16,), jnp.float32)
    for b in range(_BINS):
        cnt_acc[pl.ds(b * 16, 16)] = zero
        sum_acc[pl.ds(b * 16, 16)] = zero

    lane = lax.iota(jnp.int32, 16)
    tail_mask = lane < 8
    lane64 = lane + 4 * 16
    lane80 = lane + 5 * 16
    ones = jnp.full((16,), 1.0, jnp.float32)

    def start(k, b):
        off = base + k * _CH
        sz = _SIZES[k]
        cps = [
            pltpu.make_async_copy(o1_hbm.at[pl.ds(off, sz)],
                                  o1_bufs[b].at[pl.ds(0, sz)], sems[b]),
            pltpu.make_async_copy(o2_hbm.at[pl.ds(off, sz)],
                                  o2_bufs[b].at[pl.ds(0, sz)], sems[b]),
            pltpu.make_async_copy(t_hbm.at[pl.ds(off, sz)],
                                  t_bufs[b].at[pl.ds(0, sz)], sems[b]),
        ]
        for cp in cps:
            cp.start()
        return cps

    def accumulate(o1, o2, t, mask):
        d = o2 - o1
        ad = jnp.abs(d)
        h16 = (jnp.where(ad >= _S1, 16, 0) + jnp.where(ad >= _S2, 16, 0)
               + jnp.where(ad >= _S3, 16, 0) + jnp.where(ad >= _S4, 16, 0))
        tb = t == 1
        xpos = tb == (d >= 0.0)
        slot = jnp.where(xpos, lane80 + h16, lane64 - h16)
        lmask = tb if mask is None else tb & mask
        plsc.addupdate_scatter(sum_acc, [slot], jnp.maximum(d, 0.0),
                               mask=lmask)
        plsc.addupdate_scatter(cnt_acc, [slot], ones, mask=mask)

    def process(b, sz):
        nvec = sz // 16
        o1b, o2b, tbuf = o1_bufs[b], o2_bufs[b], t_bufs[b]

        @plsc.parallel_loop(0, nvec * 16, step=16, unroll=3)
        def _(i):
            o1 = o1b[pl.ds(i, 16)]
            o2 = o2b[pl.ds(i, 16)]
            t = tbuf[pl.ds(i, 16)]
            accumulate(o1, o2, t, None)

        if sz % 16:
            o1 = o1b[pl.ds(nvec * 16, 16)]
            o2 = o2b[pl.ds(nvec * 16, 16)]
            t = tbuf[pl.ds(nvec * 16, 16)]
            accumulate(o1, o2, t, tail_mask)

    cps = start(0, 0)
    for k in range(len(_SIZES)):
        b = k & 1
        nxt = start(k + 1, 1 - b) if k + 1 < len(_SIZES) else None
        for cp in cps:
            cp.wait()
        process(b, _SIZES[k])
        cps = nxt

    pltpu.sync_copy(cnt_acc, cnt_out.at[wid])
    pltpu.sync_copy(sum_acc, sum_out.at[wid])


def _fold8(x):
    r = x[0:8]
    for j in range(1, _TC_BLK // 8):
        r = r + x[j * 8:(j + 1) * 8]
    return r


def _tc_body(o1_ref, o2_ref, t_ref, c_o, p_o, sp_o):
    i = pl.program_id(0)

    @pl.when(i == 0)
    def _init():
        c_o[...] = jnp.zeros_like(c_o)
        p_o[...] = jnp.zeros_like(p_o)
        sp_o[...] = jnp.zeros_like(sp_o)

    d = o2_ref[...] - o1_ref[...]
    ad = jnp.abs(d)
    tb = t_ref[...] == 1
    xpos = tb == (d >= 0.0)
    lossv = jnp.where(tb, jnp.maximum(d, 0.0), 0.0)
    masks = [ad >= _S1, ad >= _S2, ad >= _S3, ad >= _S4]
    p_o[0] = p_o[0] + _fold8(jnp.where(xpos, 1.0, 0.0))
    sp_o[0] = sp_o[0] + _fold8(lossv)
    for k, m in enumerate(masks):
        c_o[k] = c_o[k] + _fold8(jnp.where(m, 1.0, 0.0))
        p_o[k + 1] = p_o[k + 1] + _fold8(jnp.where(m & xpos, 1.0, 0.0))
        sp_o[k + 1] = sp_o[k + 1] + _fold8(jnp.where(m, lossv, 0.0))


def _tc_call(o1_2d, o2_2d, t_2d):
    blk = pl.BlockSpec((_TC_BLK, 128), lambda i: (i, 0))

    def acc(n):
        return pl.BlockSpec((n, 8, 128), lambda i: (0, 0, 0))

    return pl.pallas_call(
        _tc_body,
        grid=(_TC_GRID,),
        in_specs=[blk, blk, blk],
        out_specs=[acc(4), acc(5), acc(5)],
        out_shape=[
            jax.ShapeDtypeStruct((4, 8, 128), jnp.float32),
            jax.ShapeDtypeStruct((5, 8, 128), jnp.float32),
            jax.ShapeDtypeStruct((5, 8, 128), jnp.float32),
        ],
    )(o1_2d, o2_2d, t_2d)


def kernel(output1, output2, target):
    mesh = plsc.VectorSubcoreMesh(core_axis_name="c", subcore_axis_name="s",
                                  num_cores=2, num_subcores=16)
    cnt, sm = pl.kernel(
        _body,
        out_type=[
            jax.ShapeDtypeStruct((_NW, _NSLOTS), jnp.float32),
            jax.ShapeDtypeStruct((_NW, _NSLOTS), jnp.float32),
        ],
        mesh=mesh,
        scratch_types=[
            pltpu.VMEM((_CH,), jnp.float32),
            pltpu.VMEM((_CH,), jnp.float32),
            pltpu.VMEM((_CH,), jnp.float32),
            pltpu.VMEM((_CH,), jnp.float32),
            pltpu.VMEM((_CH,), jnp.int32),
            pltpu.VMEM((_CH,), jnp.int32),
            pltpu.VMEM((_NSLOTS,), jnp.float32),
            pltpu.VMEM((_NSLOTS,), jnp.float32),
            pltpu.SemaphoreType.DMA,
            pltpu.SemaphoreType.DMA,
        ],
        compiler_params=pltpu.CompilerParams(needs_layout_passes=False),
    )(output1, output2, target)

    rows = _N // 128
    c_o, p_o, sp_o = _tc_call(output1.reshape(rows, 128),
                              output2.reshape(rows, 128),
                              target.reshape(rows, 128))
    c = c_o.sum(axis=(1, 2))
    p = p_o.sum(axis=(1, 2))
    sp = sp_o.sum(axis=(1, 2))
    ntc = float(_TC_ROWS * 128)
    m = jnp.concatenate([(ntc - p[0])[None], c - p[1:]])
    p5 = jnp.concatenate([p, jnp.zeros((1,), jnp.float32)])
    m5 = jnp.concatenate([m, jnp.zeros((1,), jnp.float32)])
    sp5 = jnp.concatenate([sp, jnp.zeros((1,), jnp.float32)])
    tc_cnt = jnp.concatenate([(m5[:5] - m5[1:])[::-1], p5[:5] - p5[1:]])
    tc_sum = jnp.concatenate([jnp.zeros((5,), jnp.float32),
                              sp5[:5] - sp5[1:]])

    tot = cnt.sum(axis=0).reshape(_BINS, 16).sum(axis=1) + tc_cnt
    tot = jnp.clip(tot, 1.0, None)
    w = tot ** (-_ALPHA)
    s_per_bin = sm.sum(axis=0).reshape(_BINS, 16).sum(axis=1) + tc_sum
    return jnp.dot(s_per_bin, w) / _N

# --- scband reference (transcript-rebuilt; emitter-appended) ---
"""Pipeline reference for scband-ghmranking-loss-16183436771680 (READ-ONLY COPY).

The authoritative reference and input builder live on the scoring server;
editing this copy changes nothing except your own understanding.
"""

import jax, jax.numpy as jnp
import numpy as np

MARGIN = 0.0
BINS = 10
ALPHA = 0.75
N = 4000000


def setup_inputs(seed: int = 0) -> dict:
    key = jax.random.key(seed)
    k1, k2, k3 = jax.random.split(key, 3)
    output1 = jax.random.normal(k1, (N,), dtype=jnp.float32)
    output2 = jax.random.normal(k2, (N,), dtype=jnp.float32)
    target = jax.random.randint(k3, (N,), 0, 2, dtype=jnp.int32)
    return {"output1": output1, "output2": output2, "target": target}


def reference(output1, output2, target):
    target_f = target.astype(jnp.float32)
    # MarginRankingLoss with reduction='none': max(0, -target*(x1-x2) + margin)
    loss = jnp.maximum(-target_f * (output1 - output2) + MARGIN, 0.0)
    diff = output1 - output2
    expected_sign = 2.0 * target_f - 1.0
    g = jax.nn.sigmoid(-diff * expected_sign + MARGIN)
    # histogram of |g| over BINS equal-width bins on [0, 1]
    edges = jnp.arange(0, BINS + 1, dtype=jnp.float32) / BINS
    g_norm = jnp.abs(g)
    tot = jnp.stack([
        jnp.sum(((g_norm >= edges[i]) & (g_norm < edges[i + 1])).astype(jnp.float32))
        for i in range(BINS)
    ])
    tot = jnp.clip(tot, 1.0, None)
    w = tot ** (-ALPHA)
    bin_idx = jnp.clip(jnp.floor(g * BINS).astype(jnp.int32), 0, BINS - 1)
    sample_weights = w[bin_idx]
    weighted_loss = loss * sample_weights
    return jnp.mean(weighted_loss)

if __name__ == "__main__":
    import jax
    _d = setup_inputs()
    print(jax.jit(kernel)(*tuple(_d.values())))

</pallas_src>

<mosaic_0001>
#map = affine_map<(d0, d1) -> (0)>
#map1 = affine_map<(d0, d1) -> (0, 0)>
module attributes {stable_mosaic.version = 14 : i64} {
  func.func @_body(%arg0: i32, %arg1: i32, %arg2: memref<4000000xf32, #tpu.memory_space<hbm>>, %arg3: memref<4000000xf32, #tpu.memory_space<hbm>>, %arg4: memref<4000000xi32, #tpu.memory_space<hbm>>, %arg5: memref<32x160xf32, #tpu.memory_space<hbm>>, %arg6: memref<32x160xf32, #tpu.memory_space<hbm>>, %arg7: memref<16000xf32, #tpu.memory_space<vmem>>, %arg8: memref<16000xf32, #tpu.memory_space<vmem>>, %arg9: memref<16000xf32, #tpu.memory_space<vmem>>, %arg10: memref<16000xf32, #tpu.memory_space<vmem>>, %arg11: memref<16000xi32, #tpu.memory_space<vmem>>, %arg12: memref<16000xi32, #tpu.memory_space<vmem>>, %arg13: memref<160xf32, #tpu.memory_space<vmem>>, %arg14: memref<160xf32, #tpu.memory_space<vmem>>, %arg15: memref<!tpu.dma_semaphore, #tpu.memory_space<semaphore_mem>>, %arg16: memref<!tpu.dma_semaphore, #tpu.memory_space<semaphore_mem>>) attributes {dimension_semantics = [#tpu.dimension_semantics<core_parallel>, #tpu.dimension_semantics<subcore_parallel>], iteration_bounds = array<i64: 2, 16>, scalar_prefetch = 0 : i64, scratch_operands = 10 : i64, tpu.core_type = #tpu.core_type<sc_vector_subcore>, window_params = [{transform_indices = #map}, {transform_indices = #map}, {transform_indices = #map}, {transform_indices = #map1}, {transform_indices = #map1}]} {
    %mul3A = arith.constant 2 : i32
    %mul3A_0 = arith.muli %arg1, %mul3A : i32
    %add3A = arith.addi %mul3A_0, %arg0 : i32
    %mul3A_1 = arith.constant 65864 : i32
    %mul3A_2 = arith.muli %add3A, %mul3A_1 : i32
    %add3A_3 = arith.constant 1892352 : i32
    %add3A_4 = arith.addi %add3A_3, %mul3A_2 : i32
    %broadcast_in_dim3A = arith.constant 0.000000e+00 : f32
    %broadcast_in_dim3A_5 = vector.broadcast %broadcast_in_dim3A : f32 to vector<16xf32>
    %swap3A = arith.constant 0 : index
    %swap3A_6 = tpu.vector_load %arg13[%swap3A] {strides = array<i32>} : memref<160xf32, #tpu.memory_space<vmem>>, vector<16xf32>,
    tpu.vector_store %arg13[%swap3A], %broadcast_in_dim3A_5 {strides = array<i32>} : memref<160xf32, #tpu.memory_space<vmem>>, vector<16xf32>,
    %swap3A_7 = arith.constant 0 : index
    %swap3A_8 = tpu.vector_load %arg14[%swap3A_7] {strides = array<i32>} : memref<160xf32, #tpu.memory_space<vmem>>, vector<16xf32>,
    tpu.vector_store %arg14[%swap3A_7], %broadcast_in_dim3A_5 {strides = array<i32>} : memref<160xf32, #tpu.memory_space<vmem>>, vector<16xf32>,
    %swap3A_9 = arith.constant 16 : index
    %swap3A_10 = tpu.vector_load %arg13[%swap3A_9] {strides = array<i32>} : memref<160xf32, #tpu.memory_space<vmem>>, vector<16xf32>,
    tpu.vector_store %arg13[%swap3A_9], %broadcast_in_dim3A_5 {strides = array<i32>} : memref<160xf32, #tpu.memory_space<vmem>>, vector<16xf32>,
    %swap3A_11 = arith.constant 16 : index
    %swap3A_12 = tpu.vector_load %arg14[%swap3A_11] {strides = array<i32>} : memref<160xf32, #tpu.memory_space<vmem>>, vector<16xf32>,
    tpu.vector_store %arg14[%swap3A_11], %broadcast_in_dim3A_5 {strides = array<i32>} : memref<160xf32, #tpu.memory_space<vmem>>, vector<16xf32>,
    %swap3A_13 = arith.constant 32 : index
    %swap3A_14 = tpu.vector_load %arg13[%swap3A_13] {strides = array<i32>} : memref<160xf32, #tpu.memory_space<vmem>>, vector<16xf32>,
    tpu.vector_store %arg13[%swap3A_13], %broadcast_in_dim3A_5 {strides = array<i32>} : memref<160xf32, #tpu.memory_space<vmem>>, vector<16xf32>,
    %swap3A_15 = arith.constant 32 : index
    %swap3A_16 = tpu.vector_load %arg14[%swap3A_15] {strides = array<i32>} : memref<160xf32, #tpu.memory_space<vmem>>, vector<16xf32>,
    tpu.vector_store %arg14[%swap3A_15], %broadcast_in_dim3A_5 {strides = array<i32>} : memref<160xf32, #tpu.memory_space<vmem>>, vector<16xf32>,
    %swap3A_17 = arith.constant 48 : index
    %swap3A_18 = tpu.vector_load %arg13[%swap3A_17] {strides = array<i32>} : memref<160xf32, #tpu.memory_space<vmem>>, vector<16xf32>,
    tpu.vector_store %arg13[%swap3A_17], %broadcast_in_dim3A_5 {strides = array<i32>} : memref<160xf32, #tpu.memory_space<vmem>>, vector<16xf32>,
    %swap3A_19 = arith.constant 48 : index
    %swap3A_20 = tpu.vector_load %arg14[%swap3A_19] {strides = array<i32>} : memref<160xf32, #tpu.memory_space<vmem>>, vector<16xf32>,
    tpu.vector_store %arg14[%swap3A_19], %broadcast_in_dim3A_5 {strides = array<i32>} : memref<160xf32, #tpu.memory_space<vmem>>, vector<16xf32>,
    %swap3A_21 = arith.constant 64 : index
    %swap3A_22 = tpu.vector_load %arg13[%swap3A_21] {strides = array<i32>} : memref<160xf32, #tpu.memory_space<vmem>>, vector<16xf32>,
    tpu.vector_store %arg13[%swap3A_21], %broadcast_in_dim3A_5 {strides = array<i32>} : memref<160xf32, #tpu.memory_space<vmem>>, vector<16xf32>,
    %swap3A_23 = arith.constant 64 : index
    %swap3A_24 = tpu.vector_load %arg14[%swap3A_23] {strides = array<i32>} : memref<160xf32, #tpu.memory_space<vmem>>, vector<16xf32>,
    tpu.vector_store %arg14[%swap3A_23], %broadcast_in_dim3A_5 {strides = array<i32>} : memref<160xf32, #tpu.memory_space<vmem>>, vector<16xf32>,
    %swap3A_25 = arith.constant 80 : index
    %swap3A_26 = tpu.vector_load %arg13[%swap3A_25] {strides = array<i32>} : memref<160xf32, #tpu.memory_space<vmem>>, vector<16xf32>,
    tpu.vector_store %arg13[%swap3A_25], %broadcast_in_dim3A_5 {strides = array<i32>} : memref<160xf32, #tpu.memory_space<vmem>>, vector<16xf32>,
    %swap3A_27 = arith.constant 80 : index
    %swap3A_28 = tpu.vector_load %arg14[%swap3A_27] {strides = array<i32>} : memref<160xf32, #tpu.memory_space<vmem>>, vector<16xf32>,
    tpu.vector_store %arg14[%swap3A_27], %broadcast_in_dim3A_5 {strides = array<i32>} : memref<160xf32, #tpu.memory_space<vmem>>, vector<16xf32>,
    %swap3A_29 = arith.constant 96 : index
    %swap3A_30 = tpu.vector_load %arg13[%swap3A_29] {strides = array<i32>} : memref<160xf32, #tpu.memory_space<vmem>>, vector<16xf32>,
    tpu.vector_store %arg13[%swap3A_29], %broadcast_in_dim3A_5 {strides = array<i32>} : memref<160xf32, #tpu.memory_space<vmem>>, vector<16xf32>,
    %swap3A_31 = arith.constant 96 : index
    %swap3A_32 = tpu.vector_load %arg14[%swap3A_31] {strides = array<i32>} : memref<160xf32, #tpu.memory_space<vmem>>, vector<16xf32>,
    tpu.vector_store %arg14[%swap3A_31], %broadcast_in_dim3A_5 {strides = array<i32>} : memref<160xf32, #tpu.memory_space<vmem>>, vector<16xf32>,
    %swap3A_33 = arith.constant 112 : index
    %swap3A_34 = tpu.vector_load %arg13[%swap3A_33] {strides = array<i32>} : memref<160xf32, #tpu.memory_space<vmem>>, vector<16xf32>,
    tpu.vector_store %arg13[%swap3A_33], %broadcast_in_dim3A_5 {strides = array<i32>} : memref<160xf32, #tpu.memory_space<vmem>>, vector<16xf32>,
    %swap3A_35 = arith.constant 112 : index
    %swap3A_36 = tpu.vector_load %arg14[%swap3A_35] {strides = array<i32>} : memref<160xf32, #tpu.memory_space<vmem>>, vector<16xf32>,
    tpu.vector_store %arg14[%swap3A_35], %broadcast_in_dim3A_5 {strides = array<i32>} : memref<160xf32, #tpu.memory_space<vmem>>, vector<16xf32>,
    %swap3A_37 = arith.constant 128 : index
    %swap3A_38 = tpu.vector_load %arg13[%swap3A_37] {strides = array<i32>} : memref<160xf32, #tpu.memory_space<vmem>>, vector<16xf32>,
    tpu.vector_store %arg13[%swap3A_37], %broadcast_in_dim3A_5 {strides = array<i32>} : memref<160xf32, #tpu.memory_space<vmem>>, vector<16xf32>,
    %swap3A_39 = arith.constant 128 : index
    %swap3A_40 = tpu.vector_load %arg14[%swap3A_39] {strides = array<i32>} : memref<160xf32, #tpu.memory_space<vmem>>, vector<16xf32>,
    tpu.vector_store %arg14[%swap3A_39], %broadcast_in_dim3A_5 {strides = array<i32>} : memref<160xf32, #tpu.memory_space<vmem>>, vector<16xf32>,
    %swap3A_41 = arith.constant 144 : index
    %swap3A_42 = tpu.vector_load %arg13[%swap3A_41] {strides = array<i32>} : memref<160xf32, #tpu.memory_space<vmem>>, vector<16xf32>,
    tpu.vector_store %arg13[%swap3A_41], %broadcast_in_dim3A_5 {strides = array<i32>} : memref<160xf32, #tpu.memory_space<vmem>>, vector<16xf32>,
    %swap3A_43 = arith.constant 144 : index
    %swap3A_44 = tpu.vector_load %arg14[%swap3A_43] {strides = array<i32>} : memref<160xf32, #tpu.memory_space<vmem>>, vector<16xf32>,
    tpu.vector_store %arg14[%swap3A_43], %broadcast_in_dim3A_5 {strides = array<i32>} : memref<160xf32, #tpu.memory_space<vmem>>, vector<16xf32>,
    %iota3A = tpu.iota {dimensions = array<i32: 0>} : vector<16xi32>
    %lt3A = arith.constant 8 : i32
    %lt3A_45 = vector.broadcast %lt3A : i32 to vector<16xi32>
    %lt3A_46 = arith.cmpi slt, %iota3A, %lt3A_45 : vector<16xi32>
    %add3A_47 = arith.constant 64 : i32
    %add3A_48 = vector.broadcast %add3A_47 : i32 to vector<16xi32>
    %add3A_49 = arith.addi %iota3A, %add3A_48 : vector<16xi32>
    %add3A_50 = arith.constant 80 : i32
    %add3A_51 = vector.broadcast %add3A_50 : i32 to vector<16xi32>
    %add3A_52 = arith.addi %iota3A, %add3A_51 : vector<16xi32>
    %broadcast_in_dim3A_53 = arith.constant 1.000000e+00 : f32
    %broadcast_in_dim3A_54 = vector.broadcast %broadcast_in_dim3A_53 : f32 to vector<16xf32>
    %add3A_55 = arith.constant 0 : i32
    %add3A_56 = arith.addi %add3A_4, %add3A_55 : i32
    %dma_start3A = arith.constant 0 : i32
    %dma_start3A_57 = tpu.memref_slice %arg7[%dma_start3A] : memref<16000xf32, #tpu.memory_space<vmem>> -> memref<16000xf32, #tpu.memory_space<vmem>>
    %dma_start3A_58 = tpu.memref_slice %arg2[%add3A_56] : memref<4000000xf32, #tpu.memory_space<hbm>> -> memref<16000xf32, #tpu.memory_space<hbm>>
    %dma_start3A_59 = arith.constant 0 : i32
    %dma_start3A_60 = tpu.memref_slice %arg7[%dma_start3A_59] : memref<16000xf32, #tpu.memory_space<vmem>> -> memref<16000xf32, #tpu.memory_space<vmem>>
    %dma_start3A_61 = tpu.memref_slice %arg2[%add3A_56] : memref<4000000xf32, #tpu.memory_space<hbm>> -> memref<16000xf32, #tpu.memory_space<hbm>>
    tpu.enqueue_dma source(%dma_start3A_61 : memref<16000xf32, #tpu.memory_space<hbm>>) target(%dma_start3A_60 : memref<16000xf32, #tpu.memory_space<vmem>>) target_semaphore(%arg15 : memref<!tpu.dma_semaphore, #tpu.memory_space<semaphore_mem>>)
    %dma_start3A_62 = arith.constant 0 : i32
    %dma_start3A_63 = tpu.memref_slice %arg9[%dma_start3A_62] : memref<16000xf32, #tpu.memory_space<vmem>> -> memref<16000xf32, #tpu.memory_space<vmem>>
    %dma_start3A_64 = tpu.memref_slice %arg3[%add3A_56] : memref<4000000xf32, #tpu.memory_space<hbm>> -> memref<16000xf32, #tpu.memory_space<hbm>>
    %dma_start3A_65 = arith.constant 0 : i32
    %dma_start3A_66 = tpu.memref_slice %arg9[%dma_start3A_65] : memref<16000xf32, #tpu.memory_space<vmem>> -> memref<16000xf32, #tpu.memory_space<vmem>>
    %dma_start3A_67 = tpu.memref_slice %arg3[%add3A_56] : memref<4000000xf32, #tpu.memory_space<hbm>> -> memref<16000xf32, #tpu.memory_space<hbm>>
    tpu.enqueue_dma source(%dma_start3A_67 : memref<16000xf32, #tpu.memory_space<hbm>>) target(%dma_start3A_66 : memref<16000xf32, #tpu.memory_space<vmem>>) target_semaphore(%arg15 : memref<!tpu.dma_semaphore, #tpu.memory_space<semaphore_mem>>)
    %dma_start3A_68 = arith.constant 0 : i32
    %dma_start3A_69 = tpu.memref_slice %arg11[%dma_start3A_68] : memref<16000xi32, #tpu.memory_space<vmem>> -> memref<16000xi32, #tpu.memory_space<vmem>>
    %dma_start3A_70 = tpu.memref_slice %arg4[%add3A_56] : memref<4000000xi32, #tpu.memory_space<hbm>> -> memref<16000xi32, #tpu.memory_space<hbm>>
    %dma_start3A_71 = arith.constant 0 : i32
    %dma_start3A_72 = tpu.memref_slice %arg11[%dma_start3A_71] : memref<16000xi32, #tpu.memory_space<vmem>> -> memref<16000xi32, #tpu.memory_space<vmem>>
    %dma_start3A_73 = tpu.memref_slice %arg4[%add3A_56] : memref<4000000xi32, #tpu.memory_space<hbm>> -> memref<16000xi32, #tpu.memory_space<hbm>>
    tpu.enqueue_dma source(%dma_start3A_73 : memref<16000xi32, #tpu.memory_space<hbm>>) target(%dma_start3A_72 : memref<16000xi32, #tpu.memory_space<vmem>>) target_semaphore(%arg15 : memref<!tpu.dma_semaphore, #tpu.memory_space<semaphore_mem>>)
    %add3A_74 = arith.constant 16000 : i32
    %add3A_75 = arith.addi %add3A_4, %add3A_74 : i32
    %dma_start3A_76 = arith.constant 0 : i32
    %dma_start3A_77 = tpu.memref_slice %arg8[%dma_start3A_76] : memref<16000xf32, #tpu.memory_space<vmem>> -> memref<16000xf32, #tpu.memory_space<vmem>>
    %dma_start3A_78 = tpu.memref_slice %arg2[%add3A_75] : memref<4000000xf32, #tpu.memory_space<hbm>> -> memref<16000xf32, #tpu.memory_space<hbm>>
    %dma_start3A_79 = arith.constant 0 : i32
    %dma_start3A_80 = tpu.memref_slice %arg8[%dma_start3A_79] : memref<16000xf32, #tpu.memory_space<vmem>> -> memref<16000xf32, #tpu.memory_space<vmem>>
    %dma_start3A_81 = tpu.memref_slice %arg2[%add3A_75] : memref<4000000xf32, #tpu.memory_space<hbm>> -> memref<16000xf32, #tpu.memory_space<hbm>>
    tpu.enqueue_dma source(%dma_start3A_81 : memref<16000xf32, #tpu.memory_space<hbm>>) target(%dma_start3A_80 : memref<16000xf32, #tpu.memory_space<vmem>>) target_semaphore(%arg16 : memref<!tpu.dma_semaphore, #tpu.memory_space<semaphore_mem>>)
    %dma_start3A_82 = arith.constant 0 : i32
    %dma_start3A_83 = tpu.memref_slice %arg10[%dma_start3A_82] : memref<16000xf32, #tpu.memory_space<vmem>> -> memref<16000xf32, #tpu.memory_space<vmem>>
    %dma_start3A_84 = tpu.memref_slice %arg3[%add3A_75] : memref<4000000xf32, #tpu.memory_space<hbm>> -> memref<16000xf32, #tpu.memory_space<hbm>>
    %dma_start3A_85 = arith.constant 0 : i32
    %dma_start3A_86 = tpu.memref_slice %arg10[%dma_start3A_85] : memref<16000xf32, #tpu.memory_space<vmem>> -> memref<16000xf32, #tpu.memory_space<vmem>>
    %dma_start3A_87 = tpu.memref_slice %arg3[%add3A_75] : memref<4000000xf32, #tpu.memory_space<hbm>> -> memref<16000xf32, #tpu.memory_space<hbm>>
    tpu.enqueue_dma source(%dma_start3A_87 : memref<16000xf32, #tpu.memory_space<hbm>>) target(%dma_start3A_86 : memref<16000xf32, #tpu.memory_space<vmem>>) target_semaphore(%arg16 : memref<!tpu.dma_semaphore, #tpu.memory_space<semaphore_mem>>)
    %dma_start3A_88 = arith.constant 0 : i32
    %dma_start3A_89 = tpu.memref_slice %arg12[%dma_start3A_88] : memref<16000xi32, #tpu.memory_space<vmem>> -> memref<16000xi32, #tpu.memory_space<vmem>>
    %dma_start3A_90 = tpu.memref_slice %arg4[%add3A_75] : memref<4000000xi32, #tpu.memory_space<hbm>> -> memref<16000xi32, #tpu.memory_space<hbm>>
    %dma_start3A_91 = arith.constant 0 : i32
    %dma_start3A_92 = tpu.memref_slice %arg12[%dma_start3A_91] : memref<16000xi32, #tpu.memory_space<vmem>> -> memref<16000xi32, #tpu.memory_space<vmem>>
    %dma_start3A_93 = tpu.memref_slice %arg4[%add3A_75] : memref<4000000xi32, #tpu.memory_space<hbm>> -> memref<16000xi32, #tpu.memory_space<hbm>>
    tpu.enqueue_dma source(%dma_start3A_93 : memref<16000xi32, #tpu.memory_space<hbm>>) target(%dma_start3A_92 : memref<16000xi32, #tpu.memory_space<vmem>>) target_semaphore(%arg16 : memref<!tpu.dma_semaphore, #tpu.memory_space<semaphore_mem>>)
    %dma_wait3A = arith.constant 0 : i32
    %dma_wait3A_94 = tpu.memref_slice %arg7[%dma_wait3A] : memref<16000xf32, #tpu.memory_space<vmem>> -> memref<16000xf32, #tpu.memory_space<vmem>>
    %dma_wait3A_95 = tpu.memref_slice %arg2[%add3A_56] : memref<4000000xf32, #tpu.memory_space<hbm>> -> memref<16000xf32, #tpu.memory_space<hbm>>
    %dma_wait3A_96 = arith.constant 0 : i32
    %dma_wait3A_97 = tpu.memref_slice %arg7[%dma_wait3A_96] : memref<16000xf32, #tpu.memory_space<vmem>> -> memref<16000xf32, #tpu.memory_space<vmem>>
    %dma_wait3A_98 = tpu.memref_slice %arg2[%add3A_56] : memref<4000000xf32, #tpu.memory_space<hbm>> -> memref<16000xf32, #tpu.memory_space<hbm>>
    tpu.wait_dma2 semaphore(%arg15 : memref<!tpu.dma_semaphore, #tpu.memory_space<semaphore_mem>>) src(%dma_wait3A_98 : memref<16000xf32, #tpu.memory_space<hbm>>) dst(%dma_wait3A_97 : memref<16000xf32, #tpu.memory_space<vmem>>)
    %dma_wait3A_99 = arith.constant 0 : i32
    %dma_wait3A_100 = tpu.memref_slice %arg9[%dma_wait3A_99] : memref<16000xf32, #tpu.memory_space<vmem>> -> memref<16000xf32, #tpu.memory_space<vmem>>
    %dma_wait3A_101 = tpu.memref_slice %arg3[%add3A_56] : memref<4000000xf32, #tpu.memory_space<hbm>> -> memref<16000xf32, #tpu.memory_space<hbm>>
    %dma_wait3A_102 = arith.constant 0 : i32
    %dma_wait3A_103 = tpu.memref_slice %arg9[%dma_wait3A_102] : memref<16000xf32, #tpu.memory_space<vmem>> -> memref<16000xf32, #tpu.memory_space<vmem>>
    %dma_wait3A_104 = tpu.memref_slice %arg3[%add3A_56] : memref<4000000xf32, #tpu.memory_space<hbm>> -> memref<16000xf32, #tpu.memory_space<hbm>>
    tpu.wait_dma2 semaphore(%arg15 : memref<!tpu.dma_semaphore, #tpu.memory_space<semaphore_mem>>) src(%dma_wait3A_104 : memref<16000xf32, #tpu.memory_space<hbm>>) dst(%dma_wait3A_103 : memref<16000xf32, #tpu.memory_space<vmem>>)
    %dma_wait3A_105 = arith.constant 0 : i32
    %dma_wait3A_106 = tpu.memref_slice %arg11[%dma_wait3A_105] : memref<16000xi32, #tpu.memory_space<vmem>> -> memref<16000xi32, #tpu.memory_space<vmem>>
    %dma_wait3A_107 = tpu.memref_slice %arg4[%add3A_56] : memref<4000000xi32, #tpu.memory_space<hbm>> -> memref<16000xi32, #tpu.memory_space<hbm>>
    %dma_wait3A_108 = arith.constant 0 : i32
    %dma_wait3A_109 = tpu.memref_slice %arg11[%dma_wait3A_108] : memref<16000xi32, #tpu.memory_space<vmem>> -> memref<16000xi32, #tpu.memory_space<vmem>>
    %dma_wait3A_110 = tpu.memref_slice %arg4[%add3A_56] : memref<4000000xi32, #tpu.memory_space<hbm>> -> memref<16000xi32, #tpu.memory_space<hbm>>
    tpu.wait_dma2 semaphore(%arg15 : memref<!tpu.dma_semaphore, #tpu.memory_space<semaphore_mem>>) src(%dma_wait3A_110 : memref<16000xi32, #tpu.memory_space<hbm>>) dst(%dma_wait3A_109 : memref<16000xi32, #tpu.memory_space<vmem>>)
    %parallel_loop3A = arith.constant 0 : i32
    %parallel_loop3A_111 = arith.constant 16000 : i32
    %parallel_loop3A_112 = arith.constant 16 : i32
    scf.for %parallel_loop3A_307 = %parallel_loop3A to %parallel_loop3A_111 step %parallel_loop3A_112  : i32 {
      %parallel_loop3A_308 = arith.index_cast %parallel_loop3A_307 : i32 to index
      %parallel_loop3A_309 = tpu.vector_load %arg7[%parallel_loop3A_308] {strides = array<i32>} : memref<16000xf32, #tpu.memory_space<vmem>>, vector<16xf32>,
      %parallel_loop3A_310 = arith.index_cast %parallel_loop3A_307 : i32 to index
      %parallel_loop3A_311 = tpu.vector_load %arg9[%parallel_loop3A_310] {strides = array<i32>} : memref<16000xf32, #tpu.memory_space<vmem>>, vector<16xf32>,
      %parallel_loop3A_312 = arith.index_cast %parallel_loop3A_307 : i32 to index
      %parallel_loop3A_313 = tpu.vector_load %arg11[%parallel_loop3A_312] {strides = array<i32>} : memref<16000xi32, #tpu.memory_space<vmem>>, vector<16xi32>,
      %parallel_loop3A_314 = arith.subf %parallel_loop3A_311, %parallel_loop3A_309 : vector<16xf32>
      %parallel_loop3A_315 = math.absf %parallel_loop3A_314 : vector<16xf32>
      %parallel_loop3A_316 = arith.constant 0.405465096 : f32
      %parallel_loop3A_317 = vector.broadcast %parallel_loop3A_316 : f32 to vector<16xf32>
      %parallel_loop3A_318 = arith.cmpf oge, %parallel_loop3A_315, %parallel_loop3A_317 : vector<16xf32>
      %parallel_loop3A_319 = arith.constant 16 : i32
      %parallel_loop3A_320 = arith.constant 0 : i32
      %parallel_loop3A_321 = vector.broadcast %parallel_loop3A_319 : i32 to vector<16xi32>
      %parallel_loop3A_322 = vector.broadcast %parallel_loop3A_320 : i32 to vector<16xi32>
      %parallel_loop3A_323 = arith.select %parallel_loop3A_318, %parallel_loop3A_321, %parallel_loop3A_322 : vector<16xi1>, vector<16xi32>
      %parallel_loop3A_324 = arith.constant 0.847297847 : f32
      %parallel_loop3A_325 = vector.broadcast %parallel_loop3A_324 : f32 to vector<16xf32>
      %parallel_loop3A_326 = arith.cmpf oge, %parallel_loop3A_315, %parallel_loop3A_325 : vector<16xf32>
      %parallel_loop3A_327 = arith.constant 16 : i32
      %parallel_loop3A_328 = arith.constant 0 : i32
      %parallel_loop3A_329 = vector.broadcast %parallel_loop3A_327 : i32 to vector<16xi32>
      %parallel_loop3A_330 = vector.broadcast %parallel_loop3A_328 : i32 to vector<16xi32>
      %parallel_loop3A_331 = arith.select %parallel_loop3A_326, %parallel_loop3A_329, %parallel_loop3A_330 : vector<16xi1>, vector<16xi32>
      %parallel_loop3A_332 = arith.addi %parallel_loop3A_323, %parallel_loop3A_331 : vector<16xi32>
      %parallel_loop3A_333 = arith.constant 1.38629436 : f32
      %parallel_loop3A_334 = vector.broadcast %parallel_loop3A_333 : f32 to vector<16xf32>
      %parallel_loop3A_335 = arith.cmpf oge, %parallel_loop3A_315, %parallel_loop3A_334 : vector<16xf32>
      %parallel_loop3A_336 = arith.constant 16 : i32
      %parallel_loop3A_337 = arith.constant 0 : i32
      %parallel_loop3A_338 = vector.broadcast %parallel_loop3A_336 : i32 to vector<16xi32>
      %parallel_loop3A_339 = vector.broadcast %parallel_loop3A_337 : i32 to vector<16xi32>
      %parallel_loop3A_340 = arith.select %parallel_loop3A_335, %parallel_loop3A_338, %parallel_loop3A_339 : vector<16xi1>, vector<16xi32>
      %parallel_loop3A_341 = arith.addi %parallel_loop3A_332, %parallel_loop3A_340 : vector<16xi32>
      %parallel_loop3A_342 = arith.constant 2.19722462 : f32
      %parallel_loop3A_343 = vector.broadcast %parallel_loop3A_342 : f32 to vector<16xf32>
      %parallel_loop3A_344 = arith.cmpf oge, %parallel_loop3A_315, %parallel_loop3A_343 : vector<16xf32>
      %parallel_loop3A_345 = arith.constant 16 : i32
      %parallel_loop3A_346 = arith.constant 0 : i32
      %parallel_loop3A_347 = vector.broadcast %parallel_loop3A_345 : i32 to vector<16xi32>
      %parallel_loop3A_348 = vector.broadcast %parallel_loop3A_346 : i32 to vector<16xi32>
      %parallel_loop3A_349 = arith.select %parallel_loop3A_344, %parallel_loop3A_347, %parallel_loop3A_348 : vector<16xi1>, vector<16xi32>
      %parallel_loop3A_350 = arith.addi %parallel_loop3A_341, %parallel_loop3A_349 : vector<16xi32>
      %parallel_loop3A_351 = arith.constant 1 : i32
      %parallel_loop3A_352 = vector.broadcast %parallel_loop3A_351 : i32 to vector<16xi32>
      %parallel_loop3A_353 = arith.cmpi eq, %parallel_loop3A_313, %parallel_loop3A_352 : vector<16xi32>
      %parallel_loop3A_354 = arith.constant 0.000000e+00 : f32
      %parallel_loop3A_355 = vector.broadcast %parallel_loop3A_354 : f32 to vector<16xf32>
      %parallel_loop3A_356 = arith.cmpf oge, %parallel_loop3A_314, %parallel_loop3A_355 : vector<16xf32>
      %parallel_loop3A_357 = arith.xori %parallel_loop3A_353, %parallel_loop3A_356 : vector<16xi1>
      %parallel_loop3A_358 = arith.constant dense<true> : vector<16xi1>
      %parallel_loop3A_359 = arith.xori %parallel_loop3A_357, %parallel_loop3A_358 : vector<16xi1>
      %parallel_loop3A_360 = arith.addi %add3A_52, %parallel_loop3A_350 : vector<16xi32>
      %parallel_loop3A_361 = arith.subi %add3A_49, %parallel_loop3A_350 : vector<16xi32>
      %parallel_loop3A_362 = arith.select %parallel_loop3A_359, %parallel_loop3A_360, %parallel_loop3A_361 : vector<16xi1>, vector<16xi32>
      %parallel_loop3A_363 = arith.constant 0.000000e+00 : f32
      %parallel_loop3A_364 = vector.broadcast %parallel_loop3A_363 : f32 to vector<16xf32>
      %parallel_loop3A_365 = arith.maximumf %parallel_loop3A_314, %parallel_loop3A_364 : vector<16xf32>
      tpu.vector_store_idx %arg14[%parallel_loop3A_362], %parallel_loop3A_365 masked %parallel_loop3A_353 {add = true} : memref<160xf32, #tpu.memory_space<vmem>>[vector<16xi32>], vector<16xf32>, vector<16xi1>
      tpu.vector_store_idx %arg13[%parallel_loop3A_362], %broadcast_in_dim3A_54 {add = true} : memref<160xf32, #tpu.memory_space<vmem>>[vector<16xi32>], vector<16xf32>,
    } {sc.loop_unroll_factor = 3 : i64, sc.parallel_access}
    %add3A_113 = arith.constant 32000 : i32
    %add3A_114 = arith.addi %add3A_4, %add3A_113 : i32
    %dma_start3A_115 = arith.constant 0 : i32
    %dma_start3A_116 = tpu.memref_slice %arg7[%dma_start3A_115] : memref<16000xf32, #tpu.memory_space<vmem>> -> memref<16000xf32, #tpu.memory_space<vmem>>
    %dma_start3A_117 = tpu.memref_slice %arg2[%add3A_114] : memref<4000000xf32, #tpu.memory_space<hbm>> -> memref<16000xf32, #tpu.memory_space<hbm>>
    %dma_start3A_118 = arith.constant 0 : i32
    %dma_start3A_119 = tpu.memref_slice %arg7[%dma_start3A_118] : memref<16000xf32, #tpu.memory_space<vmem>> -> memref<16000xf32, #tpu.memory_space<vmem>>
    %dma_start3A_120 = tpu.memref_slice %arg2[%add3A_114] : memref<4000000xf32, #tpu.memory_space<hbm>> -> memref<16000xf32, #tpu.memory_space<hbm>>
    tpu.enqueue_dma source(%dma_start3A_120 : memref<16000xf32, #tpu.memory_space<hbm>>) target(%dma_start3A_119 : memref<16000xf32, #tpu.memory_space<vmem>>) target_semaphore(%arg15 : memref<!tpu.dma_semaphore, #tpu.memory_space<semaphore_mem>>)
    %dma_start3A_121 = arith.constant 0 : i32
    %dma_start3A_122 = tpu.memref_slice %arg9[%dma_start3A_121] : memref<16000xf32, #tpu.memory_space<vmem>> -> memref<16000xf32, #tpu.memory_space<vmem>>
    %dma_start3A_123 = tpu.memref_slice %arg3[%add3A_114] : memref<4000000xf32, #tpu.memory_space<hbm>> -> memref<16000xf32, #tpu.memory_space<hbm>>
    %dma_start3A_124 = arith.constant 0 : i32
    %dma_start3A_125 = tpu.memref_slice %arg9[%dma_start3A_124] : memref<16000xf32, #tpu.memory_space<vmem>> -> memref<16000xf32, #tpu.memory_space<vmem>>
    %dma_start3A_126 = tpu.memref_slice %arg3[%add3A_114] : memref<4000000xf32, #tpu.memory_space<hbm>> -> memref<16000xf32, #tpu.memory_space<hbm>>
    tpu.enqueue_dma source(%dma_start3A_126 : memref<16000xf32, #tpu.memory_space<hbm>>) target(%dma_start3A_125 : memref<16000xf32, #tpu.memory_space<vmem>>) target_semaphore(%arg15 : memref<!tpu.dma_semaphore, #tpu.memory_space<semaphore_mem>>)
    %dma_start3A_127 = arith.constant 0 : i32
    %dma_start3A_128 = tpu.memref_slice %arg11[%dma_start3A_127] : memref<16000xi32, #tpu.memory_space<vmem>> -> memref<16000xi32, #tpu.memory_space<vmem>>
    %dma_start3A_129 = tpu.memref_slice %arg4[%add3A_114] : memref<4000000xi32, #tpu.memory_space<hbm>> -> memref<16000xi32, #tpu.memory_space<hbm>>
    %dma_start3A_130 = arith.constant 0 : i32
    %dma_start3A_131 = tpu.memref_slice %arg11[%dma_start3A_130] : memref<16000xi32, #tpu.memory_space<vmem>> -> memref<16000xi32, #tpu.memory_space<vmem>>
    %dma_start3A_132 = tpu.memref_slice %arg4[%add3A_114] : memref<4000000xi32, #tpu.memory_space<hbm>> -> memref<16000xi32, #tpu.memory_space<hbm>>
    tpu.enqueue_dma source(%dma_start3A_132 : memref<16000xi32, #tpu.memory_space<hbm>>) target(%dma_start3A_131 : memref<16000xi32, #tpu.memory_space<vmem>>) target_semaphore(%arg15 : memref<!tpu.dma_semaphore, #tpu.memory_space<semaphore_mem>>)
    %dma_wait3A_133 = arith.constant 0 : i32
    %dma_wait3A_134 = tpu.memref_slice %arg8[%dma_wait3A_133] : memref<16000xf32, #tpu.memory_space<vmem>> -> memref<16000xf32, #tpu.memory_space<vmem>>
    %dma_wait3A_135 = tpu.memref_slice %arg2[%add3A_75] : memref<4000000xf32, #tpu.memory_space<hbm>> -> memref<16000xf32, #tpu.memory_space<hbm>>
    %dma_wait3A_136 = arith.constant 0 : i32
    %dma_wait3A_137 = tpu.memref_slice %arg8[%dma_wait3A_136] : memref<16000xf32, #tpu.memory_space<vmem>> -> memref<16000xf32, #tpu.memory_space<vmem>>
    %dma_wait3A_138 = tpu.memref_slice %arg2[%add3A_75] : memref<4000000xf32, #tpu.memory_space<hbm>> -> memref<16000xf32, #tpu.memory_space<hbm>>
    tpu.wait_dma2 semaphore(%arg16 : memref<!tpu.dma_semaphore, #tpu.memory_space<semaphore_mem>>) src(%dma_wait3A_138 : memref<16000xf32, #tpu.memory_space<hbm>>) dst(%dma_wait3A_137 : memref<16000xf32, #tpu.memory_space<vmem>>)
    %dma_wait3A_139 = arith.constant 0 : i32
    %dma_wait3A_140 = tpu.memref_slice %arg10[%dma_wait3A_139] : memref<16000xf32, #tpu.memory_space<vmem>> -> memref<16000xf32, #tpu.memory_space<vmem>>
    %dma_wait3A_141 = tpu.memref_slice %arg3[%add3A_75] : memref<4000000xf32, #tpu.memory_space<hbm>> -> memref<16000xf32, #tpu.memory_space<hbm>>
    %dma_wait3A_142 = arith.constant 0 : i32
    %dma_wait3A_143 = tpu.memref_slice %arg10[%dma_wait3A_142] : memref<16000xf32, #tpu.memory_space<vmem>> -> memref<16000xf32, #tpu.memory_space<vmem>>
    %dma_wait3A_144 = tpu.memref_slice %arg3[%add3A_75] : memref<4000000xf32, #tpu.memory_space<hbm>> -> memref<16000xf32, #tpu.memory_space<hbm>>
    tpu.wait_dma2 semaphore(%arg16 : memref<!tpu.dma_semaphore, #tpu.memory_space<semaphore_mem>>) src(%dma_wait3A_144 : memref<16000xf32, #tpu.memory_space<hbm>>) dst(%dma_wait3A_143 : memref<16000xf32, #tpu.memory_space<vmem>>)
    %dma_wait3A_145 = arith.constant 0 : i32
    %dma_wait3A_146 = tpu.memref_slice %arg12[%dma_wait3A_145] : memref<16000xi32, #tpu.memory_space<vmem>> -> memref<16000xi32, #tpu.memory_space<vmem>>
    %dma_wait3A_147 = tpu.memref_slice %arg4[%add3A_75] : memref<4000000xi32, #tpu.memory_space<hbm>> -> memref<16000xi32, #tpu.memory_space<hbm>>
    %dma_wait3A_148 = arith.constant 0 : i32
    %dma_wait3A_149 = tpu.memref_slice %arg12[%dma_wait3A_148] : memref<16000xi32, #tpu.memory_space<vmem>> -> memref<16000xi32, #tpu.memory_space<vmem>>
    %dma_wait3A_150 = tpu.memref_slice %arg4[%add3A_75] : memref<4000000xi32, #tpu.memory_space<hbm>> -> memref<16000xi32, #tpu.memory_space<hbm>>
    tpu.wait_dma2 semaphore(%arg16 : memref<!tpu.dma_semaphore, #tpu.memory_space<semaphore_mem>>) src(%dma_wait3A_150 : memref<16000xi32, #tpu.memory_space<hbm>>) dst(%dma_wait3A_149 : memref<16000xi32, #tpu.memory_space<vmem>>)
    %parallel_loop3A_151 = arith.constant 0 : i32
    %parallel_loop3A_152 = arith.constant 16000 : i32
    %parallel_loop3A_153 = arith.constant 16 : i32
    scf.for %parallel_loop3A_307 = %parallel_loop3A_151 to %parallel_loop3A_152 step %parallel_loop3A_153  : i32 {
      %parallel_loop3A_308 = arith.index_cast %parallel_loop3A_307 : i32 to index
      %parallel_loop3A_309 = tpu.vector_load %arg8[%parallel_loop3A_308] {strides = array<i32>} : memref<16000xf32, #tpu.memory_space<vmem>>, vector<16xf32>,
      %parallel_loop3A_310 = arith.index_cast %parallel_loop3A_307 : i32 to index
      %parallel_loop3A_311 = tpu.vector_load %arg10[%parallel_loop3A_310] {strides = array<i32>} : memref<16000xf32, #tpu.memory_space<vmem>>, vector<16xf32>,
      %parallel_loop3A_312 = arith.index_cast %parallel_loop3A_307 : i32 to index
      %parallel_loop3A_313 = tpu.vector_load %arg12[%parallel_loop3A_312] {strides = array<i32>} : memref<16000xi32, #tpu.memory_space<vmem>>, vector<16xi32>,
      %parallel_loop3A_314 = arith.subf %parallel_loop3A_311, %parallel_loop3A_309 : vector<16xf32>
      %parallel_loop3A_315 = math.absf %parallel_loop3A_314 : vector<16xf32>
      %parallel_loop3A_316 = arith.constant 0.405465096 : f32
      %parallel_loop3A_317 = vector.broadcast %parallel_loop3A_316 : f32 to vector<16xf32>
      %parallel_loop3A_318 = arith.cmpf oge, %parallel_loop3A_315, %parallel_loop3A_317 : vector<16xf32>
      %parallel_loop3A_319 = arith.constant 16 : i32
      %parallel_loop3A_320 = arith.constant 0 : i32
      %parallel_loop3A_321 = vector.broadcast %parallel_loop3A_319 : i32 to vector<16xi32>
      %parallel_loop3A_322 = vector.broadcast %parallel_loop3A_320 : i32 to vector<16xi32>
      %parallel_loop3A_323 = arith.select %parallel_loop3A_318, %parallel_loop3A_321, %parallel_loop3A_322 : vector<16xi1>, vector<16xi32>
      %parallel_loop3A_324 = arith.constant 0.847297847 : f32
      %parallel_loop3A_325 = vector.broadcast %parallel_loop3A_324 : f32 to vector<16xf32>
      %parallel_loop3A_326 = arith.cmpf oge, %parallel_loop3A_315, %parallel_loop3A_325 : vector<16xf32>
      %parallel_loop3A_327 = arith.constant 16 : i32
      %parallel_loop3A_328 = arith.constant 0 : i32
      %parallel_loop3A_329 = vector.broadcast %parallel_loop3A_327 : i32 to vector<16xi32>
      %parallel_loop3A_330 = vector.broadcast %parallel_loop3A_328 : i32 to vector<16xi32>
      %parallel_loop3A_331 = arith.select %parallel_loop3A_326, %parallel_loop3A_329, %parallel_loop3A_330 : vector<16xi1>, vector<16xi32>
      %parallel_loop3A_332 = arith.addi %parallel_loop3A_323, %parallel_loop3A_331 : vector<16xi32>
      %parallel_loop3A_333 = arith.constant 1.38629436 : f32
      %parallel_loop3A_334 = vector.broadcast %parallel_loop3A_333 : f32 to vector<16xf32>
      %parallel_loop3A_335 = arith.cmpf oge, %parallel_loop3A_315, %parallel_loop3A_334 : vector<16xf32>
      %parallel_loop3A_336 = arith.constant 16 : i32
      %parallel_loop3A_337 = arith.constant 0 : i32
      %parallel_loop3A_338 = vector.broadcast %parallel_loop3A_336 : i32 to vector<16xi32>
      %parallel_loop3A_339 = vector.broadcast %parallel_loop3A_337 : i32 to vector<16xi32>
      %parallel_loop3A_340 = arith.select %parallel_loop3A_335, %parallel_loop3A_338, %parallel_loop3A_339 : vector<16xi1>, vector<16xi32>
      %parallel_loop3A_341 = arith.addi %parallel_loop3A_332, %parallel_loop3A_340 : vector<16xi32>
      %parallel_loop3A_342 = arith.constant 2.19722462 : f32
      %parallel_loop3A_343 = vector.broadcast %parallel_loop3A_342 : f32 to vector<16xf32>
      %parallel_loop3A_344 = arith.cmpf oge, %parallel_loop3A_315, %parallel_loop3A_343 : vector<16xf32>
      %parallel_loop3A_345 = arith.constant 16 : i32
      %parallel_loop3A_346 = arith.constant 0 : i32
      %parallel_loop3A_347 = vector.broadcast %parallel_loop3A_345 : i32 to vector<16xi32>
      %parallel_loop3A_348 = vector.broadcast %parallel_loop3A_346 : i32 to vector<16xi32>
      %parallel_loop3A_349 = arith.select %parallel_loop3A_344, %parallel_loop3A_347, %parallel_loop3A_348 : vector<16xi1>, vector<16xi32>
      %parallel_loop3A_350 = arith.addi %parallel_loop3A_341, %parallel_loop3A_349 : vector<16xi32>
      %parallel_loop3A_351 = arith.constant 1 : i32
      %parallel_loop3A_352 = vector.broadcast %parallel_loop3A_351 : i32 to vector<16xi32>
      %parallel_loop3A_353 = arith.cmpi eq, %parallel_loop3A_313, %parallel_loop3A_352 : vector<16xi32>
      %parallel_loop3A_354 = arith.constant 0.000000e+00 : f32
      %parallel_loop3A_355 = vector.broadcast %parallel_loop3A_354 : f32 to vector<16xf32>
      %parallel_loop3A_356 = arith.cmpf oge, %parallel_loop3A_314, %parallel_loop3A_355 : vector<16xf32>
      %parallel_loop3A_357 = arith.xori %parallel_loop3A_353, %parallel_loop3A_356 : vector<16xi1>
      %parallel_loop3A_358 = arith.constant dense<true> : vector<16xi1>
      %parallel_loop3A_359 = arith.xori %parallel_loop3A_357, %parallel_loop3A_358 : vector<16xi1>
      %parallel_loop3A_360 = arith.addi %add3A_52, %parallel_loop3A_350 : vector<16xi32>
      %parallel_loop3A_361 = arith.subi %add3A_49, %parallel_loop3A_350 : vector<16xi32>
      %parallel_loop3A_362 = arith.select %parallel_loop3A_359, %parallel_loop3A_360, %parallel_loop3A_361 : vector<16xi1>, vector<16xi32>
      %parallel_loop3A_363 = arith.constant 0.000000e+00 : f32
      %parallel_loop3A_364 = vector.broadcast %parallel_loop3A_363 : f32 to vector<16xf32>
      %parallel_loop3A_365 = arith.maximumf %parallel_loop3A_314, %parallel_loop3A_364 : vector<16xf32>
      tpu.vector_store_idx %arg14[%parallel_loop3A_362], %parallel_loop3A_365 masked %parallel_loop3A_353 {add = true} : memref<160xf32, #tpu.memory_space<vmem>>[vector<16xi32>], vector<16xf32>, vector<16xi1>
      tpu.vector_store_idx %arg13[%parallel_loop3A_362], %broadcast_in_dim3A_54 {add = true} : memref<160xf32, #tpu.memory_space<vmem>>[vector<16xi32>], vector<16xf32>,
    } {sc.loop_unroll_factor = 3 : i64, sc.parallel_access}
    %add3A_154 = arith.constant 48000 : i32
    %add3A_155 = arith.addi %add3A_4, %add3A_154 : i32
    %dma_start3A_156 = arith.constant 0 : i32
    %dma_start3A_157 = tpu.memref_slice %arg8[%dma_start3A_156] : memref<16000xf32, #tpu.memory_space<vmem>> -> memref<16000xf32, #tpu.memory_space<vmem>>
    %dma_start3A_158 = tpu.memref_slice %arg2[%add3A_155] : memref<4000000xf32, #tpu.memory_space<hbm>> -> memref<16000xf32, #tpu.memory_space<hbm>>
    %dma_start3A_159 = arith.constant 0 : i32
    %dma_start3A_160 = tpu.memref_slice %arg8[%dma_start3A_159] : memref<16000xf32, #tpu.memory_space<vmem>> -> memref<16000xf32, #tpu.memory_space<vmem>>
    %dma_start3A_161 = tpu.memref_slice %arg2[%add3A_155] : memref<4000000xf32, #tpu.memory_space<hbm>> -> memref<16000xf32, #tpu.memory_space<hbm>>
    tpu.enqueue_dma source(%dma_start3A_161 : memref<16000xf32, #tpu.memory_space<hbm>>) target(%dma_start3A_160 : memref<16000xf32, #tpu.memory_space<vmem>>) target_semaphore(%arg16 : memref<!tpu.dma_semaphore, #tpu.memory_space<semaphore_mem>>)
    %dma_start3A_162 = arith.constant 0 : i32
    %dma_start3A_163 = tpu.memref_slice %arg10[%dma_start3A_162] : memref<16000xf32, #tpu.memory_space<vmem>> -> memref<16000xf32, #tpu.memory_space<vmem>>
    %dma_start3A_164 = tpu.memref_slice %arg3[%add3A_155] : memref<4000000xf32, #tpu.memory_space<hbm>> -> memref<16000xf32, #tpu.memory_space<hbm>>
    %dma_start3A_165 = arith.constant 0 : i32
    %dma_start3A_166 = tpu.memref_slice %arg10[%dma_start3A_165] : memref<16000xf32, #tpu.memory_space<vmem>> -> memref<16000xf32, #tpu.memory_space<vmem>>
    %dma_start3A_167 = tpu.memref_slice %arg3[%add3A_155] : memref<4000000xf32, #tpu.memory_space<hbm>> -> memref<16000xf32, #tpu.memory_space<hbm>>
    tpu.enqueue_dma source(%dma_start3A_167 : memref<16000xf32, #tpu.memory_space<hbm>>) target(%dma_start3A_166 : memref<16000xf32, #tpu.memory_space<vmem>>) target_semaphore(%arg16 : memref<!tpu.dma_semaphore, #tpu.memory_space<semaphore_mem>>)
    %dma_start3A_168 = arith.constant 0 : i32
    %dma_start3A_169 = tpu.memref_slice %arg12[%dma_start3A_168] : memref<16000xi32, #tpu.memory_space<vmem>> -> memref<16000xi32, #tpu.memory_space<vmem>>
    %dma_start3A_170 = tpu.memref_slice %arg4[%add3A_155] : memref<4000000xi32, #tpu.memory_space<hbm>> -> memref<16000xi32, #tpu.memory_space<hbm>>
    %dma_start3A_171 = arith.constant 0 : i32
    %dma_start3A_172 = tpu.memref_slice %arg12[%dma_start3A_171] : memref<16000xi32, #tpu.memory_space<vmem>> -> memref<16000xi32, #tpu.memory_space<vmem>>
    %dma_start3A_173 = tpu.memref_slice %arg4[%add3A_155] : memref<4000000xi32, #tpu.memory_space<hbm>> -> memref<16000xi32, #tpu.memory_space<hbm>>
    tpu.enqueue_dma source(%dma_start3A_173 : memref<16000xi32, #tpu.memory_space<hbm>>) target(%dma_start3A_172 : memref<16000xi32, #tpu.memory_space<vmem>>) target_semaphore(%arg16 : memref<!tpu.dma_semaphore, #tpu.memory_space<semaphore_mem>>)
    %dma_wait3A_174 = arith.constant 0 : i32
    %dma_wait3A_175 = tpu.memref_slice %arg7[%dma_wait3A_174] : memref<16000xf32, #tpu.memory_space<vmem>> -> memref<16000xf32, #tpu.memory_space<vmem>>
    %dma_wait3A_176 = tpu.memref_slice %arg2[%add3A_114] : memref<4000000xf32, #tpu.memory_space<hbm>> -> memref<16000xf32, #tpu.memory_space<hbm>>
    %dma_wait3A_177 = arith.constant 0 : i32
    %dma_wait3A_178 = tpu.memref_slice %arg7[%dma_wait3A_177] : memref<16000xf32, #tpu.memory_space<vmem>> -> memref<16000xf32, #tpu.memory_space<vmem>>
    %dma_wait3A_179 = tpu.memref_slice %arg2[%add3A_114] : memref<4000000xf32, #tpu.memory_space<hbm>> -> memref<16000xf32, #tpu.memory_space<hbm>>
    tpu.wait_dma2 semaphore(%arg15 : memref<!tpu.dma_semaphore, #tpu.memory_space<semaphore_mem>>) src(%dma_wait3A_179 : memref<16000xf32, #tpu.memory_space<hbm>>) dst(%dma_wait3A_178 : memref<16000xf32, #tpu.memory_space<vmem>>)
    %dma_wait3A_180 = arith.constant 0 : i32
    %dma_wait3A_181 = tpu.memref_slice %arg9[%dma_wait3A_180] : memref<16000xf32, #tpu.memory_space<vmem>> -> memref<16000xf32, #tpu.memory_space<vmem>>
    %dma_wait3A_182 = tpu.memref_slice %arg3[%add3A_114] : memref<4000000xf32, #tpu.memory_space<hbm>> -> memref<16000xf32, #tpu.memory_space<hbm>>
    %dma_wait3A_183 = arith.constant 0 : i32
    %dma_wait3A_184 = tpu.memref_slice %arg9[%dma_wait3A_183] : memref<16000xf32, #tpu.memory_space<vmem>> -> memref<16000xf32, #tpu.memory_space<vmem>>
    %dma_wait3A_185 = tpu.memref_slice %arg3[%add3A_114] : memref<4000000xf32, #tpu.memory_space<hbm>> -> memref<16000xf32, #tpu.memory_space<hbm>>
    tpu.wait_dma2 semaphore(%arg15 : memref<!tpu.dma_semaphore, #tpu.memory_space<semaphore_mem>>) src(%dma_wait3A_185 : memref<16000xf32, #tpu.memory_space<hbm>>) dst(%dma_wait3A_184 : memref<16000xf32, #tpu.memory_space<vmem>>)
    %dma_wait3A_186 = arith.constant 0 : i32
    %dma_wait3A_187 = tpu.memref_slice %arg11[%dma_wait3A_186] : memref<16000xi32, #tpu.memory_space<vmem>> -> memref<16000xi32, #tpu.memory_space<vmem>>
    %dma_wait3A_188 = tpu.memref_slice %arg4[%add3A_114] : memref<4000000xi32, #tpu.memory_space<hbm>> -> memref<16000xi32, #tpu.memory_space<hbm>>
    %dma_wait3A_189 = arith.constant 0 : i32
    %dma_wait3A_190 = tpu.memref_slice %arg11[%dma_wait3A_189] : memref<16000xi32, #tpu.memory_space<vmem>> -> memref<16000xi32, #tpu.memory_space<vmem>>
    %dma_wait3A_191 = tpu.memref_slice %arg4[%add3A_114] : memref<4000000xi32, #tpu.memory_space<hbm>> -> memref<16000xi32, #tpu.memory_space<hbm>>
    tpu.wait_dma2 semaphore(%arg15 : memref<!tpu.dma_semaphore, #tpu.memory_space<semaphore_mem>>) src(%dma_wait3A_191 : memref<16000xi32, #tpu.memory_space<hbm>>) dst(%dma_wait3A_190 : memref<16000xi32, #tpu.memory_space<vmem>>)
    %parallel_loop3A_192 = arith.constant 0 : i32
    %parallel_loop3A_193 = arith.constant 16000 : i32
    %parallel_loop3A_194 = arith.constant 16 : i32
    scf.for %parallel_loop3A_307 = %parallel_loop3A_192 to %parallel_loop3A_193 step %parallel_loop3A_194  : i32 {
      %parallel_loop3A_308 = arith.index_cast %parallel_loop3A_307 : i32 to index
      %parallel_loop3A_309 = tpu.vector_load %arg7[%parallel_loop3A_308] {strides = array<i32>} : memref<16000xf32, #tpu.memory_space<vmem>>, vector<16xf32>,
      %parallel_loop3A_310 = arith.index_cast %parallel_loop3A_307 : i32 to index
      %parallel_loop3A_311 = tpu.vector_load %arg9[%parallel_loop3A_310] {strides = array<i32>} : memref<16000xf32, #tpu.memory_space<vmem>>, vector<16xf32>,
      %parallel_loop3A_312 = arith.index_cast %parallel_loop3A_307 : i32 to index
      %parallel_loop3A_313 = tpu.vector_load %arg11[%parallel_loop3A_312] {strides = array<i32>} : memref<16000xi32, #tpu.memory_space<vmem>>, vector<16xi32>,
      %parallel_loop3A_314 = arith.subf %parallel_loop3A_311, %parallel_loop3A_309 : vector<16xf32>
      %parallel_loop3A_315 = math.absf %parallel_loop3A_314 : vector<16xf32>
      %parallel_loop3A_316 = arith.constant 0.405465096 : f32
      %parallel_loop3A_317 = vector.broadcast %parallel_loop3A_316 : f32 to vector<16xf32>
      %parallel_loop3A_318 = arith.cmpf oge, %parallel_loop3A_315, %parallel_loop3A_317 : vector<16xf32>
      %parallel_loop3A_319 = arith.constant 16 : i32
      %parallel_loop3A_320 = arith.constant 0 : i32
      %parallel_loop3A_321 = vector.broadcast %parallel_loop3A_319 : i32 to vector<16xi32>
      %parallel_loop3A_322 = vector.broadcast %parallel_loop3A_320 : i32 to vector<16xi32>
      %parallel_loop3A_323 = arith.select %parallel_loop3A_318, %parallel_loop3A_321, %parallel_loop3A_322 : vector<16xi1>, vector<16xi32>
      %parallel_loop3A_324 = arith.constant 0.847297847 : f32
      %parallel_loop3A_325 = vector.broadcast %parallel_loop3A_324 : f32 to vector<16xf32>
      %parallel_loop3A_326 = arith.cmpf oge, %parallel_loop3A_315, %parallel_loop3A_325 : vector<16xf32>
      %parallel_loop3A_327 = arith.constant 16 : i32
      %parallel_loop3A_328 = arith.constant 0 : i32
      %parallel_loop3A_329 = vector.broadcast %parallel_loop3A_327 : i32 to vector<16xi32>
      %parallel_loop3A_330 = vector.broadcast %parallel_loop3A_328 : i32 to vector<16xi32>
      %parallel_loop3A_331 = arith.select %parallel_loop3A_326, %parallel_loop3A_329, %parallel_loop3A_330 : vector<16xi1>, vector<16xi32>
      %parallel_loop3A_332 = arith.addi %parallel_loop3A_323, %parallel_loop3A_331 : vector<16xi32>
      %parallel_loop3A_333 = arith.constant 1.38629436 : f32
      %parallel_loop3A_334 = vector.broadcast %parallel_loop3A_333 : f32 to vector<16xf32>
      %parallel_loop3A_335 = arith.cmpf oge, %parallel_loop3A_315, %parallel_loop3A_334 : vector<16xf32>
      %parallel_loop3A_336 = arith.constant 16 : i32
      %parallel_loop3A_337 = arith.constant 0 : i32
      %parallel_loop3A_338 = vector.broadcast %parallel_loop3A_336 : i32 to vector<16xi32>
      %parallel_loop3A_339 = vector.broadcast %parallel_loop3A_337 : i32 to vector<16xi32>
      %parallel_loop3A_340 = arith.select %parallel_loop3A_335, %parallel_loop3A_338, %parallel_loop3A_339 : vector<16xi1>, vector<16xi32>
      %parallel_loop3A_341 = arith.addi %parallel_loop3A_332, %parallel_loop3A_340 : vector<16xi32>
      %parallel_loop3A_342 = arith.constant 2.19722462 : f32
      %parallel_loop3A_343 = vector.broadcast %parallel_loop3A_342 : f32 to vector<16xf32>
      %parallel_loop3A_344 = arith.cmpf oge, %parallel_loop3A_315, %parallel_loop3A_343 : vector<16xf32>
      %parallel_loop3A_345 = arith.constant 16 : i32
      %parallel_loop3A_346 = arith.constant 0 : i32
      %parallel_loop3A_347 = vector.broadcast %parallel_loop3A_345 : i32 to vector<16xi32>
      %parallel_loop3A_348 = vector.broadcast %parallel_loop3A_346 : i32 to vector<16xi32>
      %parallel_loop3A_349 = arith.select %parallel_loop3A_344, %parallel_loop3A_347, %parallel_loop3A_348 : vector<16xi1>, vector<16xi32>
      %parallel_loop3A_350 = arith.addi %parallel_loop3A_341, %parallel_loop3A_349 : vector<16xi32>
      %parallel_loop3A_351 = arith.constant 1 : i32
      %parallel_loop3A_352 = vector.broadcast %parallel_loop3A_351 : i32 to vector<16xi32>
      %parallel_loop3A_353 = arith.cmpi eq, %parallel_loop3A_313, %parallel_loop3A_352 : vector<16xi32>
      %parallel_loop3A_354 = arith.constant 0.000000e+00 : f32
      %parallel_loop3A_355 = vector.broadcast %parallel_loop3A_354 : f32 to vector<16xf32>
      %parallel_loop3A_356 = arith.cmpf oge, %parallel_loop3A_314, %parallel_loop3A_355 : vector<16xf32>
      %parallel_loop3A_357 = arith.xori %parallel_loop3A_353, %parallel_loop3A_356 : vector<16xi1>
      %parallel_loop3A_358 = arith.constant dense<true> : vector<16xi1>
      %parallel_loop3A_359 = arith.xori %parallel_loop3A_357, %parallel_loop3A_358 : vector<16xi1>
      %parallel_loop3A_360 = arith.addi %add3A_52, %parallel_loop3A_350 : vector<16xi32>
      %parallel_loop3A_361 = arith.subi %add3A_49, %parallel_loop3A_350 : vector<16xi32>
      %parallel_loop3A_362 = arith.select %parallel_loop3A_359, %parallel_loop3A_360, %parallel_loop3A_361 : vector<16xi1>, vector<16xi32>
      %parallel_loop3A_363 = arith.constant 0.000000e+00 : f32
      %parallel_loop3A_364 = vector.broadcast %parallel_loop3A_363 : f32 to vector<16xf32>
      %parallel_loop3A_365 = arith.maximumf %parallel_loop3A_314, %parallel_loop3A_364 : vector<16xf32>
      tpu.vector_store_idx %arg14[%parallel_loop3A_362], %parallel_loop3A_365 masked %parallel_loop3A_353 {add = true} : memref<160xf32, #tpu.memory_space<vmem>>[vector<16xi32>], vector<16xf32>, vector<16xi1>
      tpu.vector_store_idx %arg13[%parallel_loop3A_362], %broadcast_in_dim3A_54 {add = true} : memref<160xf32, #tpu.memory_space<vmem>>[vector<16xi32>], vector<16xf32>,
    } {sc.loop_unroll_factor = 3 : i64, sc.parallel_access}
    %add3A_195 = arith.constant 64000 : i32
    %add3A_196 = arith.addi %add3A_4, %add3A_195 : i32
    %dma_start3A_197 = arith.constant 0 : i32
    %dma_start3A_198 = tpu.memref_slice %arg7[%dma_start3A_197] : memref<16000xf32, #tpu.memory_space<vmem>> -> memref<1864xf32, #tpu.memory_space<vmem>>
    %dma_start3A_199 = tpu.memref_slice %arg2[%add3A_196] : memref<4000000xf32, #tpu.memory_space<hbm>> -> memref<1864xf32, #tpu.memory_space<hbm>>
    %dma_start3A_200 = arith.constant 0 : i32
    %dma_start3A_201 = tpu.memref_slice %arg7[%dma_start3A_200] : memref<16000xf32, #tpu.memory_space<vmem>> -> memref<1864xf32, #tpu.memory_space<vmem>>
    %dma_start3A_202 = tpu.memref_slice %arg2[%add3A_196] : memref<4000000xf32, #tpu.memory_space<hbm>> -> memref<1864xf32, #tpu.memory_space<hbm>>
    tpu.enqueue_dma source(%dma_start3A_202 : memref<1864xf32, #tpu.memory_space<hbm>>) target(%dma_start3A_201 : memref<1864xf32, #tpu.memory_space<vmem>>) target_semaphore(%arg15 : memref<!tpu.dma_semaphore, #tpu.memory_space<semaphore_mem>>)
    %dma_start3A_203 = arith.constant 0 : i32
    %dma_start3A_204 = tpu.memref_slice %arg9[%dma_start3A_203] : memref<16000xf32, #tpu.memory_space<vmem>> -> memref<1864xf32, #tpu.memory_space<vmem>>
    %dma_start3A_205 = tpu.memref_slice %arg3[%add3A_196] : memref<4000000xf32, #tpu.memory_space<hbm>> -> memref<1864xf32, #tpu.memory_space<hbm>>
    %dma_start3A_206 = arith.constant 0 : i32
    %dma_start3A_207 = tpu.memref_slice %arg9[%dma_start3A_206] : memref<16000xf32, #tpu.memory_space<vmem>> -> memref<1864xf32, #tpu.memory_space<vmem>>
    %dma_start3A_208 = tpu.memref_slice %arg3[%add3A_196] : memref<4000000xf32, #tpu.memory_space<hbm>> -> memref<1864xf32, #tpu.memory_space<hbm>>
    tpu.enqueue_dma source(%dma_start3A_208 : memref<1864xf32, #tpu.memory_space<hbm>>) target(%dma_start3A_207 : memref<1864xf32, #tpu.memory_space<vmem>>) target_semaphore(%arg15 : memref<!tpu.dma_semaphore, #tpu.memory_space<semaphore_mem>>)
    %dma_start3A_209 = arith.constant 0 : i32
    %dma_start3A_210 = tpu.memref_slice %arg11[%dma_start3A_209] : memref<16000xi32, #tpu.memory_space<vmem>> -> memref<1864xi32, #tpu.memory_space<vmem>>
    %dma_start3A_211 = tpu.memref_slice %arg4[%add3A_196] : memref<4000000xi32, #tpu.memory_space<hbm>> -> memref<1864xi32, #tpu.memory_space<hbm>>
    %dma_start3A_212 = arith.constant 0 : i32
    %dma_start3A_213 = tpu.memref_slice %arg11[%dma_start3A_212] : memref<16000xi32, #tpu.memory_space<vmem>> -> memref<1864xi32, #tpu.memory_space<vmem>>
    %dma_start3A_214 = tpu.memref_slice %arg4[%add3A_196] : memref<4000000xi32, #tpu.memory_space<hbm>> -> memref<1864xi32, #tpu.memory_space<hbm>>
    tpu.enqueue_dma source(%dma_start3A_214 : memref<1864xi32, #tpu.memory_space<hbm>>) target(%dma_start3A_213 : memref<1864xi32, #tpu.memory_space<vmem>>) target_semaphore(%arg15 : memref<!tpu.dma_semaphore, #tpu.memory_space<semaphore_mem>>)
    %dma_wait3A_215 = arith.constant 0 : i32
    %dma_wait3A_216 = tpu.memref_slice %arg8[%dma_wait3A_215] : memref<16000xf32, #tpu.memory_space<vmem>> -> memref<16000xf32, #tpu.memory_space<vmem>>
    %dma_wait3A_217 = tpu.memref_slice %arg2[%add3A_155] : memref<4000000xf32, #tpu.memory_space<hbm>> -> memref<16000xf32, #tpu.memory_space<hbm>>
    %dma_wait3A_218 = arith.constant 0 : i32
    %dma_wait3A_219 = tpu.memref_slice %arg8[%dma_wait3A_218] : memref<16000xf32, #tpu.memory_space<vmem>> -> memref<16000xf32, #tpu.memory_space<vmem>>
    %dma_wait3A_220 = tpu.memref_slice %arg2[%add3A_155] : memref<4000000xf32, #tpu.memory_space<hbm>> -> memref<16000xf32, #tpu.memory_space<hbm>>
    tpu.wait_dma2 semaphore(%arg16 : memref<!tpu.dma_semaphore, #tpu.memory_space<semaphore_mem>>) src(%dma_wait3A_220 : memref<16000xf32, #tpu.memory_space<hbm>>) dst(%dma_wait3A_219 : memref<16000xf32, #tpu.memory_space<vmem>>)
    %dma_wait3A_221 = arith.constant 0 : i32
    %dma_wait3A_222 = tpu.memref_slice %arg10[%dma_wait3A_221] : memref<16000xf32, #tpu.memory_space<vmem>> -> memref<16000xf32, #tpu.memory_space<vmem>>
    %dma_wait3A_223 = tpu.memref_slice %arg3[%add3A_155] : memref<4000000xf32, #tpu.memory_space<hbm>> -> memref<16000xf32, #tpu.memory_space<hbm>>
    %dma_wait3A_224 = arith.constant 0 : i32
    %dma_wait3A_225 = tpu.memref_slice %arg10[%dma_wait3A_224] : memref<16000xf32, #tpu.memory_space<vmem>> -> memref<16000xf32, #tpu.memory_space<vmem>>
    %dma_wait3A_226 = tpu.memref_slice %arg3[%add3A_155] : memref<4000000xf32, #tpu.memory_space<hbm>> -> memref<16000xf32, #tpu.memory_space<hbm>>
    tpu.wait_dma2 semaphore(%arg16 : memref<!tpu.dma_semaphore, #tpu.memory_space<semaphore_mem>>) src(%dma_wait3A_226 : memref<16000xf32, #tpu.memory_space<hbm>>) dst(%dma_wait3A_225 : memref<16000xf32, #tpu.memory_space<vmem>>)
    %dma_wait3A_227 = arith.constant 0 : i32
    %dma_wait3A_228 = tpu.memref_slice %arg12[%dma_wait3A_227] : memref<16000xi32, #tpu.memory_space<vmem>> -> memref<16000xi32, #tpu.memory_space<vmem>>
    %dma_wait3A_229 = tpu.memref_slice %arg4[%add3A_155] : memref<4000000xi32, #tpu.memory_space<hbm>> -> memref<16000xi32, #tpu.memory_space<hbm>>
    %dma_wait3A_230 = arith.constant 0 : i32
    %dma_wait3A_231 = tpu.memref_slice %arg12[%dma_wait3A_230] : memref<16000xi32, #tpu.memory_space<vmem>> -> memref<16000xi32, #tpu.memory_space<vmem>>
    %dma_wait3A_232 = tpu.memref_slice %arg4[%add3A_155] : memref<4000000xi32, #tpu.memory_space<hbm>> -> memref<16000xi32, #tpu.memory_space<hbm>>
    tpu.wait_dma2 semaphore(%arg16 : memref<!tpu.dma_semaphore, #tpu.memory_space<semaphore_mem>>) src(%dma_wait3A_232 : memref<16000xi32, #tpu.memory_space<hbm>>) dst(%dma_wait3A_231 : memref<16000xi32, #tpu.memory_space<vmem>>)
    %parallel_loop3A_233 = arith.constant 0 : i32
    %parallel_loop3A_234 = arith.constant 16000 : i32
    %parallel_loop3A_235 = arith.constant 16 : i32
    scf.for %parallel_loop3A_307 = %parallel_loop3A_233 to %parallel_loop3A_234 step %parallel_loop3A_235  : i32 {
      %parallel_loop3A_308 = arith.index_cast %parallel_loop3A_307 : i32 to index
      %parallel_loop3A_309 = tpu.vector_load %arg8[%parallel_loop3A_308] {strides = array<i32>} : memref<16000xf32, #tpu.memory_space<vmem>>, vector<16xf32>,
      %parallel_loop3A_310 = arith.index_cast %parallel_loop3A_307 : i32 to index
      %parallel_loop3A_311 = tpu.vector_load %arg10[%parallel_loop3A_310] {strides = array<i32>} : memref<16000xf32, #tpu.memory_space<vmem>>, vector<16xf32>,
      %parallel_loop3A_312 = arith.index_cast %parallel_loop3A_307 : i32 to index
      %parallel_loop3A_313 = tpu.vector_load %arg12[%parallel_loop3A_312] {strides = array<i32>} : memref<16000xi32, #tpu.memory_space<vmem>>, vector<16xi32>,
      %parallel_loop3A_314 = arith.subf %parallel_loop3A_311, %parallel_loop3A_309 : vector<16xf32>
      %parallel_loop3A_315 = math.absf %parallel_loop3A_314 : vector<16xf32>
      %parallel_loop3A_316 = arith.constant 0.405465096 : f32
      %parallel_loop3A_317 = vector.broadcast %parallel_loop3A_316 : f32 to vector<16xf32>
      %parallel_loop3A_318 = arith.cmpf oge, %parallel_loop3A_315, %parallel_loop3A_317 : vector<16xf32>
      %parallel_loop3A_319 = arith.constant 16 : i32
      %parallel_loop3A_320 = arith.constant 0 : i32
      %parallel_loop3A_321 = vector.broadcast %parallel_loop3A_319 : i32 to vector<16xi32>
      %parallel_loop3A_322 = vector.broadcast %parallel_loop3A_320 : i32 to vector<16xi32>
      %parallel_loop3A_323 = arith.select %parallel_loop3A_318, %parallel_loop3A_321, %parallel_loop3A_322 : vector<16xi1>, vector<16xi32>
      %parallel_loop3A_324 = arith.constant 0.847297847 : f32
      %parallel_loop3A_325 = vector.broadcast %parallel_loop3A_324 : f32 to vector<16xf32>
      %parallel_loop3A_326 = arith.cmpf oge, %parallel_loop3A_315, %parallel_loop3A_325 : vector<16xf32>
      %parallel_loop3A_327 = arith.constant 16 : i32
      %parallel_loop3A_328 = arith.constant 0 : i32
      %parallel_loop3A_329 = vector.broadcast %parallel_loop3A_327 : i32 to vector<16xi32>
      %parallel_loop3A_330 = vector.broadcast %parallel_loop3A_328 : i32 to vector<16xi32>
      %parallel_loop3A_331 = arith.select %parallel_loop3A_326, %parallel_loop3A_329, %parallel_loop3A_330 : vector<16xi1>, vector<16xi32>
      %parallel_loop3A_332 = arith.addi %parallel_loop3A_323, %parallel_loop3A_331 : vector<16xi32>
      %parallel_loop3A_333 = arith.constant 1.38629436 : f32
      %parallel_loop3A_334 = vector.broadcast %parallel_loop3A_333 : f32 to vector<16xf32>
      %parallel_loop3A_335 = arith.cmpf oge, %parallel_loop3A_315, %parallel_loop3A_334 : vector<16xf32>
      %parallel_loop3A_336 = arith.constant 16 : i32
      %parallel_loop3A_337 = arith.constant 0 : i32
      %parallel_loop3A_338 = vector.broadcast %parallel_loop3A_336 : i32 to vector<16xi32>
      %parallel_loop3A_339 = vector.broadcast %parallel_loop3A_337 : i32 to vector<16xi32>
      %parallel_loop3A_340 = arith.select %parallel_loop3A_335, %parallel_loop3A_338, %parallel_loop3A_339 : vector<16xi1>, vector<16xi32>
      %parallel_loop3A_341 = arith.addi %parallel_loop3A_332, %parallel_loop3A_340 : vector<16xi32>
      %parallel_loop3A_342 = arith.constant 2.19722462 : f32
      %parallel_loop3A_343 = vector.broadcast %parallel_loop3A_342 : f32 to vector<16xf32>
      %parallel_loop3A_344 = arith.cmpf oge, %parallel_loop3A_315, %parallel_loop3A_343 : vector<16xf32>
      %parallel_loop3A_345 = arith.constant 16 : i32
      %parallel_loop3A_346 = arith.constant 0 : i32
      %parallel_loop3A_347 = vector.broadcast %parallel_loop3A_345 : i32 to vector<16xi32>
      %parallel_loop3A_348 = vector.broadcast %parallel_loop3A_346 : i32 to vector<16xi32>
      %parallel_loop3A_349 = arith.select %parallel_loop3A_344, %parallel_loop3A_347, %parallel_loop3A_348 : vector<16xi1>, vector<16xi32>
      %parallel_loop3A_350 = arith.addi %parallel_loop3A_341, %parallel_loop3A_349 : vector<16xi32>
      %parallel_loop3A_351 = arith.constant 1 : i32
      %parallel_loop3A_352 = vector.broadcast %parallel_loop3A_351 : i32 to vector<16xi32>
      %parallel_loop3A_353 = arith.cmpi eq, %parallel_loop3A_313, %parallel_loop3A_352 : vector<16xi32>
      %parallel_loop3A_354 = arith.constant 0.000000e+00 : f32
      %parallel_loop3A_355 = vector.broadcast %parallel_loop3A_354 : f32 to vector<16xf32>
      %parallel_loop3A_356 = arith.cmpf oge, %parallel_loop3A_314, %parallel_loop3A_355 : vector<16xf32>
      %parallel_loop3A_357 = arith.xori %parallel_loop3A_353, %parallel_loop3A_356 : vector<16xi1>
      %parallel_loop3A_358 = arith.constant dense<true> : vector<16xi1>
      %parallel_loop3A_359 = arith.xori %parallel_loop3A_357, %parallel_loop3A_358 : vector<16xi1>
      %parallel_loop3A_360 = arith.addi %add3A_52, %parallel_loop3A_350 : vector<16xi32>
      %parallel_loop3A_361 = arith.subi %add3A_49, %parallel_loop3A_350 : vector<16xi32>
      %parallel_loop3A_362 = arith.select %parallel_loop3A_359, %parallel_loop3A_360, %parallel_loop3A_361 : vector<16xi1>, vector<16xi32>
      %parallel_loop3A_363 = arith.constant 0.000000e+00 : f32
      %parallel_loop3A_364 = vector.broadcast %parallel_loop3A_363 : f32 to vector<16xf32>
      %parallel_loop3A_365 = arith.maximumf %parallel_loop3A_314, %parallel_loop3A_364 : vector<16xf32>
      tpu.vector_store_idx %arg14[%parallel_loop3A_362], %parallel_loop3A_365 masked %parallel_loop3A_353 {add = true} : memref<160xf32, #tpu.memory_space<vmem>>[vector<16xi32>], vector<16xf32>, vector<16xi1>
      tpu.vector_store_idx %arg13[%parallel_loop3A_362], %broadcast_in_dim3A_54 {add = true} : memref<160xf32, #tpu.memory_space<vmem>>[vector<16xi32>], vector<16xf32>,
    } {sc.loop_unroll_factor = 3 : i64, sc.parallel_access}
    %dma_wait3A_236 = arith.constant 0 : i32
    %dma_wait3A_237 = tpu.memref_slice %arg7[%dma_wait3A_236] : memref<16000xf32, #tpu.memory_space<vmem>> -> memref<1864xf32, #tpu.memory_space<vmem>>
    %dma_wait3A_238 = tpu.memref_slice %arg2[%add3A_196] : memref<4000000xf32, #tpu.memory_space<hbm>> -> memref<1864xf32, #tpu.memory_space<hbm>>
    %dma_wait3A_239 = arith.constant 0 : i32
    %dma_wait3A_240 = tpu.memref_slice %arg7[%dma_wait3A_239] : memref<16000xf32, #tpu.memory_space<vmem>> -> memref<1864xf32, #tpu.memory_space<vmem>>
    %dma_wait3A_241 = tpu.memref_slice %arg2[%add3A_196] : memref<4000000xf32, #tpu.memory_space<hbm>> -> memref<1864xf32, #tpu.memory_space<hbm>>
    tpu.wait_dma2 semaphore(%arg15 : memref<!tpu.dma_semaphore, #tpu.memory_space<semaphore_mem>>) src(%dma_wait3A_241 : memref<1864xf32, #tpu.memory_space<hbm>>) dst(%dma_wait3A_240 : memref<1864xf32, #tpu.memory_space<vmem>>)
    %dma_wait3A_242 = arith.constant 0 : i32
    %dma_wait3A_243 = tpu.memref_slice %arg9[%dma_wait3A_242] : memref<16000xf32, #tpu.memory_space<vmem>> -> memref<1864xf32, #tpu.memory_space<vmem>>
    %dma_wait3A_244 = tpu.memref_slice %arg3[%add3A_196] : memref<4000000xf32, #tpu.memory_space<hbm>> -> memref<1864xf32, #tpu.memory_space<hbm>>
    %dma_wait3A_245 = arith.constant 0 : i32
    %dma_wait3A_246 = tpu.memref_slice %arg9[%dma_wait3A_245] : memref<16000xf32, #tpu.memory_space<vmem>> -> memref<1864xf32, #tpu.memory_space<vmem>>
    %dma_wait3A_247 = tpu.memref_slice %arg3[%add3A_196] : memref<4000000xf32, #tpu.memory_space<hbm>> -> memref<1864xf32, #tpu.memory_space<hbm>>
    tpu.wait_dma2 semaphore(%arg15 : memref<!tpu.dma_semaphore, #tpu.memory_space<semaphore_mem>>) src(%dma_wait3A_247 : memref<1864xf32, #tpu.memory_space<hbm>>) dst(%dma_wait3A_246 : memref<1864xf32, #tpu.memory_space<vmem>>)
    %dma_wait3A_248 = arith.constant 0 : i32
    %dma_wait3A_249 = tpu.memref_slice %arg11[%dma_wait3A_248] : memref<16000xi32, #tpu.memory_space<vmem>> -> memref<1864xi32, #tpu.memory_space<vmem>>
    %dma_wait3A_250 = tpu.memref_slice %arg4[%add3A_196] : memref<4000000xi32, #tpu.memory_space<hbm>> -> memref<1864xi32, #tpu.memory_space<hbm>>
    %dma_wait3A_251 = arith.constant 0 : i32
    %dma_wait3A_252 = tpu.memref_slice %arg11[%dma_wait3A_251] : memref<16000xi32, #tpu.memory_space<vmem>> -> memref<1864xi32, #tpu.memory_space<vmem>>
    %dma_wait3A_253 = tpu.memref_slice %arg4[%add3A_196] : memref<4000000xi32, #tpu.memory_space<hbm>> -> memref<1864xi32, #tpu.memory_space<hbm>>
    tpu.wait_dma2 semaphore(%arg15 : memref<!tpu.dma_semaphore, #tpu.memory_space<semaphore_mem>>) src(%dma_wait3A_253 : memref<1864xi32, #tpu.memory_space<hbm>>) dst(%dma_wait3A_252 : memref<1864xi32, #tpu.memory_space<vmem>>)
    %parallel_loop3A_254 = arith.constant 0 : i32
    %parallel_loop3A_255 = arith.constant 1856 : i32
    %parallel_loop3A_256 = arith.constant 16 : i32
    scf.for %parallel_loop3A_307 = %parallel_loop3A_254 to %parallel_loop3A_255 step %parallel_loop3A_256  : i32 {
      %parallel_loop3A_308 = arith.index_cast %parallel_loop3A_307 : i32 to index
      %parallel_loop3A_309 = tpu.vector_load %arg7[%parallel_loop3A_308] {strides = array<i32>} : memref<16000xf32, #tpu.memory_space<vmem>>, vector<16xf32>,
      %parallel_loop3A_310 = arith.index_cast %parallel_loop3A_307 : i32 to index
      %parallel_loop3A_311 = tpu.vector_load %arg9[%parallel_loop3A_310] {strides = array<i32>} : memref<16000xf32, #tpu.memory_space<vmem>>, vector<16xf32>,
      %parallel_loop3A_312 = arith.index_cast %parallel_loop3A_307 : i32 to index
      %parallel_loop3A_313 = tpu.vector_load %arg11[%parallel_loop3A_312] {strides = array<i32>} : memref<16000xi32, #tpu.memory_space<vmem>>, vector<16xi32>,
      %parallel_loop3A_314 = arith.subf %parallel_loop3A_311, %parallel_loop3A_309 : vector<16xf32>
      %parallel_loop3A_315 = math.absf %parallel_loop3A_314 : vector<16xf32>
      %parallel_loop3A_316 = arith.constant 0.405465096 : f32
      %parallel_loop3A_317 = vector.broadcast %parallel_loop3A_316 : f32 to vector<16xf32>
      %parallel_loop3A_318 = arith.cmpf oge, %parallel_loop3A_315, %parallel_loop3A_317 : vector<16xf32>
      %parallel_loop3A_319 = arith.constant 16 : i32
      %parallel_loop3A_320 = arith.constant 0 : i32
      %parallel_loop3A_321 = vector.broadcast %parallel_loop3A_319 : i32 to vector<16xi32>
      %parallel_loop3A_322 = vector.broadcast %parallel_loop3A_320 : i32 to vector<16xi32>
      %parallel_loop3A_323 = arith.select %parallel_loop3A_318, %parallel_loop3A_321, %parallel_loop3A_322 : vector<16xi1>, vector<16xi32>
      %parallel_loop3A_324 = arith.constant 0.847297847 : f32
      %parallel_loop3A_325 = vector.broadcast %parallel_loop3A_324 : f32 to vector<16xf32>
      %parallel_loop3A_326 = arith.cmpf oge, %parallel_loop3A_315, %parallel_loop3A_325 : vector<16xf32>
      %parallel_loop3A_327 = arith.constant 16 : i32
      %parallel_loop3A_328 = arith.constant 0 : i32
      %parallel_loop3A_329 = vector.broadcast %parallel_loop3A_327 : i32 to vector<16xi32>
      %parallel_loop3A_330 = vector.broadcast %parallel_loop3A_328 : i32 to vector<16xi32>
      %parallel_loop3A_331 = arith.select %parallel_loop3A_326, %parallel_loop3A_329, %parallel_loop3A_330 : vector<16xi1>, vector<16xi32>
      %parallel_loop3A_332 = arith.addi %parallel_loop3A_323, %parallel_loop3A_331 : vector<16xi32>
      %parallel_loop3A_333 = arith.constant 1.38629436 : f32
      %parallel_loop3A_334 = vector.broadcast %parallel_loop3A_333 : f32 to vector<16xf32>
      %parallel_loop3A_335 = arith.cmpf oge, %parallel_loop3A_315, %parallel_loop3A_334 : vector<16xf32>
      %parallel_loop3A_336 = arith.constant 16 : i32
      %parallel_loop3A_337 = arith.constant 0 : i32
      %parallel_loop3A_338 = vector.broadcast %parallel_loop3A_336 : i32 to vector<16xi32>
      %parallel_loop3A_339 = vector.broadcast %parallel_loop3A_337 : i32 to vector<16xi32>
      %parallel_loop3A_340 = arith.select %parallel_loop3A_335, %parallel_loop3A_338, %parallel_loop3A_339 : vector<16xi1>, vector<16xi32>
      %parallel_loop3A_341 = arith.addi %parallel_loop3A_332, %parallel_loop3A_340 : vector<16xi32>
      %parallel_loop3A_342 = arith.constant 2.19722462 : f32
      %parallel_loop3A_343 = vector.broadcast %parallel_loop3A_342 : f32 to vector<16xf32>
      %parallel_loop3A_344 = arith.cmpf oge, %parallel_loop3A_315, %parallel_loop3A_343 : vector<16xf32>
      %parallel_loop3A_345 = arith.constant 16 : i32
      %parallel_loop3A_346 = arith.constant 0 : i32
      %parallel_loop3A_347 = vector.broadcast %parallel_loop3A_345 : i32 to vector<16xi32>
      %parallel_loop3A_348 = vector.broadcast %parallel_loop3A_346 : i32 to vector<16xi32>
      %parallel_loop3A_349 = arith.select %parallel_loop3A_344, %parallel_loop3A_347, %parallel_loop3A_348 : vector<16xi1>, vector<16xi32>
      %parallel_loop3A_350 = arith.addi %parallel_loop3A_341, %parallel_loop3A_349 : vector<16xi32>
      %parallel_loop3A_351 = arith.constant 1 : i32
      %parallel_loop3A_352 = vector.broadcast %parallel_loop3A_351 : i32 to vector<16xi32>
      %parallel_loop3A_353 = arith.cmpi eq, %parallel_loop3A_313, %parallel_loop3A_352 : vector<16xi32>
      %parallel_loop3A_354 = arith.constant 0.000000e+00 : f32
      %parallel_loop3A_355 = vector.broadcast %parallel_loop3A_354 : f32 to vector<16xf32>
      %parallel_loop3A_356 = arith.cmpf oge, %parallel_loop3A_314, %parallel_loop3A_355 : vector<16xf32>
      %parallel_loop3A_357 = arith.xori %parallel_loop3A_353, %parallel_loop3A_356 : vector<16xi1>
      %parallel_loop3A_358 = arith.constant dense<true> : vector<16xi1>
      %parallel_loop3A_359 = arith.xori %parallel_loop3A_357, %parallel_loop3A_358 : vector<16xi1>
      %parallel_loop3A_360 = arith.addi %add3A_52, %parallel_loop3A_350 : vector<16xi32>
      %parallel_loop3A_361 = arith.subi %add3A_49, %parallel_loop3A_350 : vector<16xi32>
      %parallel_loop3A_362 = arith.select %parallel_loop3A_359, %parallel_loop3A_360, %parallel_loop3A_361 : vector<16xi1>, vector<16xi32>
      %parallel_loop3A_363 = arith.constant 0.000000e+00 : f32
      %parallel_loop3A_364 = vector.broadcast %parallel_loop3A_363 : f32 to vector<16xf32>
      %parallel_loop3A_365 = arith.maximumf %parallel_loop3A_314, %parallel_loop3A_364 : vector<16xf32>
      tpu.vector_store_idx %arg14[%parallel_loop3A_362], %parallel_loop3A_365 masked %parallel_loop3A_353 {add = true} : memref<160xf32, #tpu.memory_space<vmem>>[vector<16xi32>], vector<16xf32>, vector<16xi1>
      tpu.vector_store_idx %arg13[%parallel_loop3A_362], %broadcast_in_dim3A_54 {add = true} : memref<160xf32, #tpu.memory_space<vmem>>[vector<16xi32>], vector<16xf32>,
    } {sc.loop_unroll_factor = 3 : i64, sc.parallel_access}
    %get3A = arith.constant 1856 : index
    %get3A_257 = tpu.vector_load %arg7[%get3A] {strides = array<i32>} : memref<16000xf32, #tpu.memory_space<vmem>>, vector<16xf32>,
    %get3A_258 = arith.constant 1856 : index
    %get3A_259 = tpu.vector_load %arg9[%get3A_258] {strides = array<i32>} : memref<16000xf32, #tpu.memory_space<vmem>>, vector<16xf32>,
    %get3A_260 = arith.constant 1856 : index
    %get3A_261 = tpu.vector_load %arg11[%get3A_260] {strides = array<i32>} : memref<16000xi32, #tpu.memory_space<vmem>>, vector<16xi32>,
    %sub3A = arith.subf %get3A_259, %get3A_257 : vector<16xf32>
    %abs3A = math.absf %sub3A : vector<16xf32>
    %ge3A = arith.constant 0.405465096 : f32
    %ge3A_262 = vector.broadcast %ge3A : f32 to vector<16xf32>
    %ge3A_263 = arith.cmpf oge, %abs3A, %ge3A_262 : vector<16xf32>
    %jit3A = arith.constant 16 : i32
    %jit3A_264 = arith.constant 0 : i32
    %broadcast_in_dim3A_265 = vector.broadcast %jit3A : i32 to vector<16xi32>
    %broadcast_in_dim3A_266 = vector.broadcast %jit3A_264 : i32 to vector<16xi32>
    %select_n3A = arith.select %ge3A_263, %broadcast_in_dim3A_265, %broadcast_in_dim3A_266 : vector<16xi1>, vector<16xi32>
    %ge3A_267 = arith.constant 0.847297847 : f32
    %ge3A_268 = vector.broadcast %ge3A_267 : f32 to vector<16xf32>
    %ge3A_269 = arith.cmpf oge, %abs3A, %ge3A_268 : vector<16xf32>
    %jit3A_270 = arith.constant 16 : i32
    %jit3A_271 = arith.constant 0 : i32
    %broadcast_in_dim3A_272 = vector.broadcast %jit3A_270 : i32 to vector<16xi32>
    %broadcast_in_dim3A_273 = vector.broadcast %jit3A_271 : i32 to vector<16xi32>
    %select_n3A_274 = arith.select %ge3A_269, %broadcast_in_dim3A_272, %broadcast_in_dim3A_273 : vector<16xi1>, vector<16xi32>
    %add3A_275 = arith.addi %select_n3A, %select_n3A_274 : vector<16xi32>
    %ge3A_276 = arith.constant 1.38629436 : f32
    %ge3A_277 = vector.broadcast %ge3A_276 : f32 to vector<16xf32>
    %ge3A_278 = arith.cmpf oge, %abs3A, %ge3A_277 : vector<16xf32>
    %jit3A_279 = arith.constant 16 : i32
    %jit3A_280 = arith.constant 0 : i32
    %broadcast_in_dim3A_281 = vector.broadcast %jit3A_279 : i32 to vector<16xi32>
    %broadcast_in_dim3A_282 = vector.broadcast %jit3A_280 : i32 to vector<16xi32>
    %select_n3A_283 = arith.select %ge3A_278, %broadcast_in_dim3A_281, %broadcast_in_dim3A_282 : vector<16xi1>, vector<16xi32>
    %add3A_284 = arith.addi %add3A_275, %select_n3A_283 : vector<16xi32>
    %ge3A_285 = arith.constant 2.19722462 : f32
    %ge3A_286 = vector.broadcast %ge3A_285 : f32 to vector<16xf32>
    %ge3A_287 = arith.cmpf oge, %abs3A, %ge3A_286 : vector<16xf32>
    %jit3A_288 = arith.constant 16 : i32
    %jit3A_289 = arith.constant 0 : i32
    %broadcast_in_dim3A_290 = vector.broadcast %jit3A_288 : i32 to vector<16xi32>
    %broadcast_in_dim3A_291 = vector.broadcast %jit3A_289 : i32 to vector<16xi32>
    %select_n3A_292 = arith.select %ge3A_287, %broadcast_in_dim3A_290, %broadcast_in_dim3A_291 : vector<16xi1>, vector<16xi32>
    %add3A_293 = arith.addi %add3A_284, %select_n3A_292 : vector<16xi32>
    %eq3A = arith.constant 1 : i32
    %eq3A_294 = vector.broadcast %eq3A : i32 to vector<16xi32>
    %eq3A_295 = arith.cmpi eq, %get3A_261, %eq3A_294 : vector<16xi32>
    %ge3A_296 = arith.constant 0.000000e+00 : f32
    %ge3A_297 = vector.broadcast %ge3A_296 : f32 to vector<16xf32>
    %ge3A_298 = arith.cmpf oge, %sub3A, %ge3A_297 : vector<16xf32>
    %eq3A_299 = arith.xori %eq3A_295, %ge3A_298 : vector<16xi1>
    %eq3A_300 = arith.constant dense<true> : vector<16xi1>
    %eq3A_301 = arith.xori %eq3A_299, %eq3A_300 : vector<16xi1>
    %add3A_302 = arith.addi %add3A_52, %add3A_293 : vector<16xi32>
    %sub3A_303 = arith.subi %add3A_49, %add3A_293 : vector<16xi32>
    %select_n3A_304 = arith.select %eq3A_301, %add3A_302, %sub3A_303 : vector<16xi1>, vector<16xi32>
    %and3A = arith.andi %eq3A_295, %lt3A_46 : vector<16xi1>
    %max3A = arith.constant 0.000000e+00 : f32
    %max3A_305 = vector.broadcast %max3A : f32 to vector<16xf32>
    %max3A_306 = arith.maximumf %sub3A, %max3A_305 : vector<16xf32>
    tpu.vector_store_idx %arg14[%select_n3A_304], %max3A_306 masked %and3A {add = true} : memref<160xf32, #tpu.memory_space<vmem>>[vector<16xi32>], vector<16xf32>, vector<16xi1>
    tpu.vector_store_idx %arg13[%select_n3A_304], %broadcast_in_dim3A_54 masked %lt3A_46 {add = true} : memref<160xf32, #tpu.memory_space<vmem>>[vector<16xi32>], vector<16xf32>, vector<16xi1>
    "tpu.region"() ({
      %run_scoped3A = tpu.sem_alloc : memref<!tpu.dma_semaphore, #tpu.memory_space<semaphore_mem>>
      %dma_start3A_307 = arith.constant 0 : i32
      %dma_start3A_308 = tpu.memref_slice %arg5[%add3A, %dma_start3A_307] : memref<32x160xf32, #tpu.memory_space<hbm>> -> memref<1x160xf32, #tpu.memory_space<hbm>>
      %dma_start3A_309 = tpu.memref_squeeze %dma_start3A_308 : memref<1x160xf32, #tpu.memory_space<hbm>> -> memref<160xf32, #tpu.memory_space<hbm>>
      %dma_start3A_310 = arith.constant 0 : i32
      %dma_start3A_311 = tpu.memref_slice %arg5[%add3A, %dma_start3A_310] : memref<32x160xf32, #tpu.memory_space<hbm>> -> memref<1x160xf32, #tpu.memory_space<hbm>>
      %dma_start3A_312 = tpu.memref_squeeze %dma_start3A_311 : memref<1x160xf32, #tpu.memory_space<hbm>> -> memref<160xf32, #tpu.memory_space<hbm>>
      tpu.enqueue_dma source(%arg13 : memref<160xf32, #tpu.memory_space<vmem>>) target(%dma_start3A_312 : memref<160xf32, #tpu.memory_space<hbm>>) target_semaphore(%run_scoped3A : memref<!tpu.dma_semaphore, #tpu.memory_space<semaphore_mem>>)
      %dma_wait3A_313 = arith.constant 0 : i32
      %dma_wait3A_314 = tpu.memref_slice %arg5[%add3A, %dma_wait3A_313] : memref<32x160xf32, #tpu.memory_space<hbm>> -> memref<1x160xf32, #tpu.memory_space<hbm>>
      %dma_wait3A_315 = tpu.memref_squeeze %dma_wait3A_314 : memref<1x160xf32, #tpu.memory_space<hbm>> -> memref<160xf32, #tpu.memory_space<hbm>>
      %dma_wait3A_316 = arith.constant 0 : i32
      %dma_wait3A_317 = tpu.memref_slice %arg5[%add3A, %dma_wait3A_316] : memref<32x160xf32, #tpu.memory_space<hbm>> -> memref<1x160xf32, #tpu.memory_space<hbm>>
      %dma_wait3A_318 = tpu.memref_squeeze %dma_wait3A_317 : memref<1x160xf32, #tpu.memory_space<hbm>> -> memref<160xf32, #tpu.memory_space<hbm>>
      tpu.wait_dma2 semaphore(%run_scoped3A : memref<!tpu.dma_semaphore, #tpu.memory_space<semaphore_mem>>) src(%arg13 : memref<160xf32, #tpu.memory_space<vmem>>) dst(%dma_wait3A_318 : memref<160xf32, #tpu.memory_space<hbm>>)
      tpu.yield
    }) : () -> ()
    "tpu.region"() ({
      %run_scoped3A = tpu.sem_alloc : memref<!tpu.dma_semaphore, #tpu.memory_space<semaphore_mem>>
      %dma_start3A_307 = arith.constant 0 : i32
      %dma_start3A_308 = tpu.memref_slice %arg6[%add3A, %dma_start3A_307] : memref<32x160xf32, #tpu.memory_space<hbm>> -> memref<1x160xf32, #tpu.memory_space<hbm>>
      %dma_start3A_309 = tpu.memref_squeeze %dma_start3A_308 : memref<1x160xf32, #tpu.memory_space<hbm>> -> memref<160xf32, #tpu.memory_space<hbm>>
      %dma_start3A_310 = arith.constant 0 : i32
      %dma_start3A_311 = tpu.memref_slice %arg6[%add3A, %dma_start3A_310] : memref<32x160xf32, #tpu.memory_space<hbm>> -> memref<1x160xf32, #tpu.memory_space<hbm>>
      %dma_start3A_312 = tpu.memref_squeeze %dma_start3A_311 : memref<1x160xf32, #tpu.memory_space<hbm>> -> memref<160xf32, #tpu.memory_space<hbm>>
      tpu.enqueue_dma source(%arg14 : memref<160xf32, #tpu.memory_space<vmem>>) target(%dma_start3A_312 : memref<160xf32, #tpu.memory_space<hbm>>) target_semaphore(%run_scoped3A : memref<!tpu.dma_semaphore, #tpu.memory_space<semaphore_mem>>)
      %dma_wait3A_313 = arith.constant 0 : i32
      %dma_wait3A_314 = tpu.memref_slice %arg6[%add3A, %dma_wait3A_313] : memref<32x160xf32, #tpu.memory_space<hbm>> -> memref<1x160xf32, #tpu.memory_space<hbm>>
      %dma_wait3A_315 = tpu.memref_squeeze %dma_wait3A_314 : memref<1x160xf32, #tpu.memory_space<hbm>> -> memref<160xf32, #tpu.memory_space<hbm>>
      %dma_wait3A_316 = arith.constant 0 : i32
      %dma_wait3A_317 = tpu.memref_slice %arg6[%add3A, %dma_wait3A_316] : memref<32x160xf32, #tpu.memory_space<hbm>> -> memref<1x160xf32, #tpu.memory_space<hbm>>
      %dma_wait3A_318 = tpu.memref_squeeze %dma_wait3A_317 : memref<1x160xf32, #tpu.memory_space<hbm>> -> memref<160xf32, #tpu.memory_space<hbm>>
      tpu.wait_dma2 semaphore(%run_scoped3A : memref<!tpu.dma_semaphore, #tpu.memory_space<semaphore_mem>>) src(%arg14 : memref<160xf32, #tpu.memory_space<vmem>>) dst(%dma_wait3A_318 : memref<160xf32, #tpu.memory_space<hbm>>)
      tpu.yield
    }) : () -> ()
    return
  }
}

module attributes {stable_mosaic.version = 14 : i64} {
  func.func @_tc_body(%arg0: i32, %arg1: memref<672x128xf32, #tpu.memory_space<vmem>>, %arg2: memref<672x128xf32, #tpu.memory_space<vmem>>, %arg3: memref<672x128xi32, #tpu.memory_space<vmem>>, %arg4: memref<4x8x128xf32, #tpu.memory_space<vmem>>, %arg5: memref<5x8x128xf32, #tpu.memory_space<vmem>>, %arg6: memref<5x8x128xf32, #tpu.memory_space<vmem>>) attributes {dimension_semantics = [#tpu.dimension_semantics<arbitrary>], iteration_bounds = array<i64: 22>, scalar_prefetch = 0 : i64, scratch_operands = 0 : i64, tpu.core_type = #tpu.core_type<tc>, window_params = [{transform_indices = @transform_0, window_bounds = array<i64: 672, 128>}, {transform_indices = @transform_1, window_bounds = array<i64: 672, 128>}, {transform_indices = @transform_2, window_bounds = array<i64: 672, 128>}, {pipeline_mode = #tpu.pipeline_mode<synchronous>, transform_indices = @transform_3, window_bounds = array<i64: 4, 8, 128>}, {pipeline_mode = #tpu.pipeline_mode<synchronous>, transform_indices = @transform_4, window_bounds = array<i64: 5, 8, 128>}, {pipeline_mode = #tpu.pipeline_mode<synchronous>, transform_indices = @transform_5, window_bounds = array<i64: 5, 8, 128>}]} {
    %eq3A = arith.constant 0 : i32
    %eq3A_0 = arith.cmpi eq, %arg0, %eq3A : i32
    %convert_element_type3A = arith.extui %eq3A_0 : i1 to i32
    %cond3A = arith.constant 0 : i32
    %cond3A_1 = arith.cmpi ne, %convert_element_type3A, %cond3A : i32
    scf.if %cond3A_1 {
      %broadcast_in_dim3A_2595 = arith.constant 0.000000e+00 : f32
      %broadcast_in_dim3A_2596 = vector.broadcast %broadcast_in_dim3A_2595 : f32 to vector<4x8x128xf32>
      %swap3A_2597 = arith.constant 0 : index
      %swap3A_2598 = arith.constant 0 : index
      %swap3A_2599 = arith.constant 0 : index
      %swap3A_2600 = vector.load %arg4[%swap3A_2597, %swap3A_2598, %swap3A_2599] : memref<4x8x128xf32, #tpu.memory_space<vmem>>, vector<4x8x128xf32>
      tpu.vector_store %arg4[%swap3A_2597, %swap3A_2598, %swap3A_2599], %broadcast_in_dim3A_2596 {strides = array<i32>} : memref<4x8x128xf32, #tpu.memory_space<vmem>>, vector<4x8x128xf32>,
      %broadcast_in_dim3A_2601 = arith.constant 0.000000e+00 : f32
      %broadcast_in_dim3A_2602 = vector.broadcast %broadcast_in_dim3A_2601 : f32 to vector<5x8x128xf32>
      %swap3A_2603 = arith.constant 0 : index
      %swap3A_2604 = arith.constant 0 : index
      %swap3A_2605 = arith.constant 0 : index
      %swap3A_2606 = vector.load %arg5[%swap3A_2603, %swap3A_2604, %swap3A_2605] : memref<5x8x128xf32, #tpu.memory_space<vmem>>, vector<5x8x128xf32>
      tpu.vector_store %arg5[%swap3A_2603, %swap3A_2604, %swap3A_2605], %broadcast_in_dim3A_2602 {strides = array<i32>} : memref<5x8x128xf32, #tpu.memory_space<vmem>>, vector<5x8x128xf32>,
      %broadcast_in_dim3A_2607 = arith.constant 0.000000e+00 : f32
      %broadcast_in_dim3A_2608 = vector.broadcast %broadcast_in_dim3A_2607 : f32 to vector<5x8x128xf32>
      %swap3A_2609 = arith.constant 0 : index
      %swap3A_2610 = arith.constant 0 : index
      %swap3A_2611 = arith.constant 0 : index
      %swap3A_2612 = vector.load %arg6[%swap3A_2609, %swap3A_2610, %swap3A_2611] : memref<5x8x128xf32, #tpu.memory_space<vmem>>, vector<5x8x128xf32>
      tpu.vector_store %arg6[%swap3A_2609, %swap3A_2610, %swap3A_2611], %broadcast_in_dim3A_2608 {strides = array<i32>} : memref<5x8x128xf32, #tpu.memory_space<vmem>>, vector<5x8x128xf32>,
    } else {
    }
    %get3A = arith.constant 0 : index
    %get3A_2 = arith.constant 0 : index
    %get3A_3 = vector.load %arg2[%get3A, %get3A_2] : memref<672x128xf32, #tpu.memory_space<vmem>>, vector<672x128xf32>
    %get3A_4 = arith.constant 0 : index
    %get3A_5 = arith.constant 0 : index
    %get3A_6 = vector.load %arg1[%get3A_4, %get3A_5] : memref<672x128xf32, #tpu.memory_space<vmem>>, vector<672x128xf32>
    %sub3A = arith.subf %get3A_3, %get3A_6 : vector<672x128xf32>
    %abs3A = math.absf %sub3A : vector<672x128xf32>
    %get3A_7 = arith.constant 0 : index
    %get3A_8 = arith.constant 0 : index
    %get3A_9 = vector.load %arg3[%get3A_7, %get3A_8] : memref<672x128xi32, #tpu.memory_space<vmem>>, vector<672x128xi32>
    %eq3A_10 = arith.constant 1 : i32
    %eq3A_11 = vector.broadcast %eq3A_10 : i32 to vector<672x128xi32>
    %eq3A_12 = arith.cmpi eq, %get3A_9, %eq3A_11 : vector<672x128xi32>
    %ge3A = arith.constant 0.000000e+00 : f32
    %ge3A_13 = vector.broadcast %ge3A : f32 to vector<672x128xf32>
    %ge3A_14 = arith.cmpf oge, %sub3A, %ge3A_13 : vector<672x128xf32>
    %eq3A_15 = arith.xori %eq3A_12, %ge3A_14 : vector<672x128xi1>
    %eq3A_16 = arith.constant dense<true> : vector<672x128xi1>
    %eq3A_17 = arith.xori %eq3A_15, %eq3A_16 : vector<672x128xi1>
    %max3A = arith.constant 0.000000e+00 : f32
    %max3A_18 = vector.broadcast %max3A : f32 to vector<672x128xf32>
    %max3A_19 = arith.maximumf %sub3A, %max3A_18 : vector<672x128xf32>
    %jit3A = arith.constant 0.000000e+00 : f32
    %broadcast_in_dim3A = vector.broadcast %jit3A : f32 to vector<672x128xf32>
    %select_n3A = arith.select %eq3A_12, %max3A_19, %broadcast_in_dim3A : vector<672x128xi1>, vector<672x128xf32>
    %ge3A_20 = arith.constant 0.405465096 : f32
    %ge3A_21 = vector.broadcast %ge3A_20 : f32 to vector<672x128xf32>
    %ge3A_22 = arith.cmpf oge, %abs3A, %ge3A_21 : vector<672x128xf32>
    %ge3A_23 = arith.constant 0.847297847 : f32
    %ge3A_24 = vector.broadcast %ge3A_23 : f32 to vector<672x128xf32>
    %ge3A_25 = arith.cmpf oge, %abs3A, %ge3A_24 : vector<672x128xf32>
    %ge3A_26 = arith.constant 1.38629436 : f32
    %ge3A_27 = vector.broadcast %ge3A_26 : f32 to vector<672x128xf32>
    %ge3A_28 = arith.cmpf oge, %abs3A, %ge3A_27 : vector<672x128xf32>
    %ge3A_29 = arith.constant 2.19722462 : f32
    %ge3A_30 = vector.broadcast %ge3A_29 : f32 to vector<672x128xf32>
    %ge3A_31 = arith.cmpf oge, %abs3A, %ge3A_30 : vector<672x128xf32>
    %get3A_32 = arith.constant 0 : index
    %get3A_33 = arith.constant 0 : index
    %get3A_34 = arith.constant 0 : index
    %get3A_35 = vector.load %arg5[%get3A_32, %get3A_33, %get3A_34] : memref<5x8x128xf32, #tpu.memory_space<vmem>>, vector<1x8x128xf32>
    %get3A_36 = vector.shape_cast %get3A_35 : vector<1x8x128xf32> to vector<8x128xf32>
    %jit3A_37 = arith.constant 1.000000e+00 : f32
    %jit3A_38 = arith.constant 0.000000e+00 : f32
    %broadcast_in_dim3A_39 = vector.broadcast %jit3A_37 : f32 to vector<672x128xf32>
    %broadcast_in_dim3A_40 = vector.broadcast %jit3A_38 : f32 to vector<672x128xf32>
    %select_n3A_41 = arith.select %eq3A_17, %broadcast_in_dim3A_39, %broadcast_in_dim3A_40 : vector<672x128xi1>, vector<672x128xf32>
    %slice3A = vector.extract_strided_slice %select_n3A_41 {offsets = [0, 0], sizes = [8, 128], strides = [1, 1]} : vector<672x128xf32> to vector<8x128xf32>
    %slice3A_42 = vector.extract_strided_slice %select_n3A_41 {offsets = [8, 0], sizes = [8, 128], strides = [1, 1]} : vector<672x128xf32> to vector<8x128xf32>
    %add3A = arith.addf %slice3A, %slice3A_42 : vector<8x128xf32>
    %slice3A_43 = vector.extract_strided_slice %select_n3A_41 {offsets = [16, 0], sizes = [8, 128], strides = [1, 1]} : vector<672x128xf32> to vector<8x128xf32>
    %add3A_44 = arith.addf %add3A, %slice3A_43 : vector<8x128xf32>
    %slice3A_45 = vector.extract_strided_slice %select_n3A_41 {offsets = [24, 0], sizes = [8, 128], strides = [1, 1]} : vector<672x128xf32> to vector<8x128xf32>
    %add3A_46 = arith.addf %add3A_44, %slice3A_45 : vector<8x128xf32>
    %slice3A_47 = vector.extract_strided_slice %select_n3A_41 {offsets = [32, 0], sizes = [8, 128], strides = [1, 1]} : vector<672x128xf32> to vector<8x128xf32>
    %add3A_48 = arith.addf %add3A_46, %slice3A_47 : vector<8x128xf32>
    %slice3A_49 = vector.extract_strided_slice %select_n3A_41 {offsets = [40, 0], sizes = [8, 128], strides = [1, 1]} : vector<672x128xf32> to vector<8x128xf32>
    %add3A_50 = arith.addf %add3A_48, %slice3A_49 : vector<8x128xf32>
    %slice3A_51 = vector.extract_strided_slice %select_n3A_41 {offsets = [48, 0], sizes = [8, 128], strides = [1, 1]} : vector<672x128xf32> to vector<8x128xf32>
    %add3A_52 = arith.addf %add3A_50, %slice3A_51 : vector<8x128xf32>
    %slice3A_53 = vector.extract_strided_slice %select_n3A_41 {offsets = [56, 0], sizes = [8, 128], strides = [1, 1]} : vector<672x128xf32> to vector<8x128xf32>
    %add3A_54 = arith.addf %add3A_52, %slice3A_53 : vector<8x128xf32>
    %slice3A_55 = vector.extract_strided_slice %select_n3A_41 {offsets = [64, 0], sizes = [8, 128], strides = [1, 1]} : vector<672x128xf32> to vector<8x128xf32>
    %add3A_56 = arith.addf %add3A_54, %slice3A_55 : vector<8x128xf32>
    %slice3A_57 = vector.extract_strided_slice %select_n3A_41 {offsets = [72, 0], sizes = [8, 128], strides = [1, 1]} : vector<672x128xf32> to vector<8x128xf32>
    %add3A_58 = arith.addf %add3A_56, %slice3A_57 : vector<8x128xf32>
    %slice3A_59 = vector.extract_strided_slice %select_n3A_41 {offsets = [80, 0], sizes = [8, 128], strides = [1, 1]} : vector<672x128xf32> to vector<8x128xf32>
    %add3A_60 = arith.addf %add3A_58, %slice3A_59 : vector<8x128xf32>
    %slice3A_61 = vector.extract_strided_slice %select_n3A_41 {offsets = [88, 0], sizes = [8, 128], strides = [1, 1]} : vector<672x128xf32> to vector<8x128xf32>
    %add3A_62 = arith.addf %add3A_60, %slice3A_61 : vector<8x128xf32>
    %slice3A_63 = vector.extract_strided_slice %select_n3A_41 {offsets = [96, 0], sizes = [8, 128], strides = [1, 1]} : vector<672x128xf32> to vector<8x128xf32>
    %add3A_64 = arith.addf %add3A_62, %slice3A_63 : vector<8x128xf32>
    %slice3A_65 = vector.extract_strided_slice %select_n3A_41 {offsets = [104, 0], sizes = [8, 128], strides = [1, 1]} : vector<672x128xf32> to vector<8x128xf32>
    %add3A_66 = arith.addf %add3A_64, %slice3A_65 : vector<8x128xf32>
    %slice3A_67 = vector.extract_strided_slice %select_n3A_41 {offsets = [112, 0], sizes = [8, 128], strides = [1, 1]} : vector<672x128xf32> to vector<8x128xf32>
    %add3A_68 = arith.addf %add3A_66, %slice3A_67 : vector<8x128xf32>
    %slice3A_69 = vector.extract_strided_slice %select_n3A_41 {offsets = [120, 0], sizes = [8, 128], strides = [1, 1]} : vector<672x128xf32> to vector<8x128xf32>
    %add3A_70 = arith.addf %add3A_68, %slice3A_69 : vector<8x128xf32>
    %slice3A_71 = vector.extract_strided_slice %select_n3A_41 {offsets = [128, 0], sizes = [8, 128], strides = [1, 1]} : vector<672x128xf32> to vector<8x128xf32>
    %add3A_72 = arith.addf %add3A_70, %slice3A_71 : vector<8x128xf32>
    %slice3A_73 = vector.extract_strided_slice %select_n3A_41 {offsets = [136, 0], sizes = [8, 128], strides = [1, 1]} : vector<672x128xf32> to vector<8x128xf32>
    %add3A_74 = arith.addf %add3A_72, %slice3A_73 : vector<8x128xf32>
    %slice3A_75 = vector.extract_strided_slice %select_n3A_41 {offsets = [144, 0], sizes = [8, 128], strides = [1, 1]} : vector<672x128xf32> to vector<8x128xf32>
    %add3A_76 = arith.addf %add3A_74, %slice3A_75 : vector<8x128xf32>
    %slice3A_77 = vector.extract_strided_slice %select_n3A_41 {offsets = [152, 0], sizes = [8, 128], strides = [1, 1]} : vector<672x128xf32> to vector<8x128xf32>
    %add3A_78 = arith.addf %add3A_76, %slice3A_77 : vector<8x128xf32>
    %slice3A_79 = vector.extract_strided_slice %select_n3A_41 {offsets = [160, 0], sizes = [8, 128], strides = [1, 1]} : vector<672x128xf32> to vector<8x128xf32>
    %add3A_80 = arith.addf %add3A_78, %slice3A_79 : vector<8x128xf32>
    %slice3A_81 = vector.extract_strided_slice %select_n3A_41 {offsets = [168, 0], sizes = [8, 128], strides = [1, 1]} : vector<672x128xf32> to vector<8x128xf32>
    %add3A_82 = arith.addf %add3A_80, %slice3A_81 : vector<8x128xf32>
    %slice3A_83 = vector.extract_strided_slice %select_n3A_41 {offsets = [176, 0], sizes = [8, 128], strides = [1, 1]} : vector<672x128xf32> to vector<8x128xf32>
    %add3A_84 = arith.addf %add3A_82, %slice3A_83 : vector<8x128xf32>
    %slice3A_85 = vector.extract_strided_slice %select_n3A_41 {offsets = [184, 0], sizes = [8, 128], strides = [1, 1]} : vector<672x128xf32> to vector<8x128xf32>
    %add3A_86 = arith.addf %add3A_84, %slice3A_85 : vector<8x128xf32>
    %slice3A_87 = vector.extract_strided_slice %select_n3A_41 {offsets = [192, 0], sizes = [8, 128], strides = [1, 1]} : vector<672x128xf32> to vector<8x128xf32>
    %add3A_88 = arith.addf %add3A_86, %slice3A_87 : vector<8x128xf32>
    %slice3A_89 = vector.extract_strided_slice %select_n3A_41 {offsets = [200, 0], sizes = [8, 128], strides = [1, 1]} : vector<672x128xf32> to vector<8x128xf32>
    %add3A_90 = arith.addf %add3A_88, %slice3A_89 : vector<8x128xf32>
    %slice3A_91 = vector.extract_strided_slice %select_n3A_41 {offsets = [208, 0], sizes = [8, 128], strides = [1, 1]} : vector<672x128xf32> to vector<8x128xf32>
    %add3A_92 = arith.addf %add3A_90, %slice3A_91 : vector<8x128xf32>
    %slice3A_93 = vector.extract_strided_slice %select_n3A_41 {offsets = [216, 0], sizes = [8, 128], strides = [1, 1]} : vector<672x128xf32> to vector<8x128xf32>
    %add3A_94 = arith.addf %add3A_92, %slice3A_93 : vector<8x128xf32>
    %slice3A_95 = vector.extract_strided_slice %select_n3A_41 {offsets = [224, 0], sizes = [8, 128], strides = [1, 1]} : vector<672x128xf32> to vector<8x128xf32>
    %add3A_96 = arith.addf %add3A_94, %slice3A_95 : vector<8x128xf32>
    %slice3A_97 = vector.extract_strided_slice %select_n3A_41 {offsets = [232, 0], sizes = [8, 128], strides = [1, 1]} : vector<672x128xf32> to vector<8x128xf32>
    %add3A_98 = arith.addf %add3A_96, %slice3A_97 : vector<8x128xf32>
    %slice3A_99 = vector.extract_strided_slice %select_n3A_41 {offsets = [240, 0], sizes = [8, 128], strides = [1, 1]} : vector<672x128xf32> to vector<8x128xf32>
    %add3A_100 = arith.addf %add3A_98, %slice3A_99 : vector<8x128xf32>
    %slice3A_101 = vector.extract_strided_slice %select_n3A_41 {offsets = [248, 0], sizes = [8, 128], strides = [1, 1]} : vector<672x128xf32> to vector<8x128xf32>
    %add3A_102 = arith.addf %add3A_100, %slice3A_101 : vector<8x128xf32>
    %slice3A_103 = vector.extract_strided_slice %select_n3A_41 {offsets = [256, 0], sizes = [8, 128], strides = [1, 1]} : vector<672x128xf32> to vector<8x128xf32>
    %add3A_104 = arith.addf %add3A_102, %slice3A_103 : vector<8x128xf32>
    %slice3A_105 = vector.extract_strided_slice %select_n3A_41 {offsets = [264, 0], sizes = [8, 128], strides = [1, 1]} : vector<672x128xf32> to vector<8x128xf32>
    %add3A_106 = arith.addf %add3A_104, %slice3A_105 : vector<8x128xf32>
    %slice3A_107 = vector.extract_strided_slice %select_n3A_41 {offsets = [272, 0], sizes = [8, 128], strides = [1, 1]} : vector<672x128xf32> to vector<8x128xf32>
    %add3A_108 = arith.addf %add3A_106, %slice3A_107 : vector<8x128xf32>
    %slice3A_109 = vector.extract_strided_slice %select_n3A_41 {offsets = [280, 0], sizes = [8, 128], strides = [1, 1]} : vector<672x128xf32> to vector<8x128xf32>
    %add3A_110 = arith.addf %add3A_108, %slice3A_109 : vector<8x128xf32>
    %slice3A_111 = vector.extract_strided_slice %select_n3A_41 {offsets = [288, 0], sizes = [8, 128], strides = [1, 1]} : vector<672x128xf32> to vector<8x128xf32>
    %add3A_112 = arith.addf %add3A_110, %slice3A_111 : vector<8x128xf32>
    %slice3A_113 = vector.extract_strided_slice %select_n3A_41 {offsets = [296, 0], sizes = [8, 128], strides = [1, 1]} : vector<672x128xf32> to vector<8x128xf32>
    %add3A_114 = arith.addf %add3A_112, %slice3A_113 : vector<8x128xf32>
    %slice3A_115 = vector.extract_strided_slice %select_n3A_41 {offsets = [304, 0], sizes = [8, 128], strides = [1, 1]} : vector<672x128xf32> to vector<8x128xf32>
    %add3A_116 = arith.addf %add3A_114, %slice3A_115 : vector<8x128xf32>
    %slice3A_117 = vector.extract_strided_slice %select_n3A_41 {offsets = [312, 0], sizes = [8, 128], strides = [1, 1]} : vector<672x128xf32> to vector<8x128xf32>
    %add3A_118 = arith.addf %add3A_116, %slice3A_117 : vector<8x128xf32>
    %slice3A_119 = vector.extract_strided_slice %select_n3A_41 {offsets = [320, 0], sizes = [8, 128], strides = [1, 1]} : vector<672x128xf32> to vector<8x128xf32>
    %add3A_120 = arith.addf %add3A_118, %slice3A_119 : vector<8x128xf32>
    %slice3A_121 = vector.extract_strided_slice %select_n3A_41 {offsets = [328, 0], sizes = [8, 128], strides = [1, 1]} : vector<672x128xf32> to vector<8x128xf32>
    %add3A_122 = arith.addf %add3A_120, %slice3A_121 : vector<8x128xf32>
    %slice3A_123 = vector.extract_strided_slice %select_n3A_41 {offsets = [336, 0], sizes = [8, 128], strides = [1, 1]} : vector<672x128xf32> to vector<8x128xf32>
    %add3A_124 = arith.addf %add3A_122, %slice3A_123 : vector<8x128xf32>
    %slice3A_125 = vector.extract_strided_slice %select_n3A_41 {offsets = [344, 0], sizes = [8, 128], strides = [1, 1]} : vector<672x128xf32> to vector<8x128xf32>
    %add3A_126 = arith.addf %add3A_124, %slice3A_125 : vector<8x128xf32>
    %slice3A_127 = vector.extract_strided_slice %select_n3A_41 {offsets = [352, 0], sizes = [8, 128], strides = [1, 1]} : vector<672x128xf32> to vector<8x128xf32>
    %add3A_128 = arith.addf %add3A_126, %slice3A_127 : vector<8x128xf32>
    %slice3A_129 = vector.extract_strided_slice %select_n3A_41 {offsets = [360, 0], sizes = [8, 128], strides = [1, 1]} : vector<672x128xf32> to vector<8x128xf32>
    %add3A_130 = arith.addf %add3A_128, %slice3A_129 : vector<8x128xf32>
    %slice3A_131 = vector.extract_strided_slice %select_n3A_41 {offsets = [368, 0], sizes = [8, 128], strides = [1, 1]} : vector<672x128xf32> to vector<8x128xf32>
    %add3A_132 = arith.addf %add3A_130, %slice3A_131 : vector<8x128xf32>
    %slice3A_133 = vector.extract_strided_slice %select_n3A_41 {offsets = [376, 0], sizes = [8, 128], strides = [1, 1]} : vector<672x128xf32> to vector<8x128xf32>
    %add3A_134 = arith.addf %add3A_132, %slice3A_133 : vector<8x128xf32>
    %slice3A_135 = vector.extract_strided_slice %select_n3A_41 {offsets = [384, 0], sizes = [8, 128], strides = [1, 1]} : vector<672x128xf32> to vector<8x128xf32>
    %add3A_136 = arith.addf %add3A_134, %slice3A_135 : vector<8x128xf32>
    %slice3A_137 = vector.extract_strided_slice %select_n3A_41 {offsets = [392, 0], sizes = [8, 128], strides = [1, 1]} : vector<672x128xf32> to vector<8x128xf32>
    %add3A_138 = arith.addf %add3A_136, %slice3A_137 : vector<8x128xf32>
    %slice3A_139 = vector.extract_strided_slice %select_n3A_41 {offsets = [400, 0], sizes = [8, 128], strides = [1, 1]} : vector<672x128xf32> to vector<8x128xf32>
    %add3A_140 = arith.addf %add3A_138, %slice3A_139 : vector<8x128xf32>
    %slice3A_141 = vector.extract_strided_slice %select_n3A_41 {offsets = [408, 0], sizes = [8, 128], strides = [1, 1]} : vector<672x128xf32> to vector<8x128xf32>
    %add3A_142 = arith.addf %add3A_140, %slice3A_141 : vector<8x128xf32>
    %slice3A_143 = vector.extract_strided_slice %select_n3A_41 {offsets = [416, 0], sizes = [8, 128], strides = [1, 1]} : vector<672x128xf32> to vector<8x128xf32>
    %add3A_144 = arith.addf %add3A_142, %slice3A_143 : vector<8x128xf32>
    %slice3A_145 = vector.extract_strided_slice %select_n3A_41 {offsets = [424, 0], sizes = [8, 128], strides = [1, 1]} : vector<672x128xf32> to vector<8x128xf32>
    %add3A_146 = arith.addf %add3A_144, %slice3A_145 : vector<8x128xf32>
    %slice3A_147 = vector.extract_strided_slice %select_n3A_41 {offsets = [432, 0], sizes = [8, 128], strides = [1, 1]} : vector<672x128xf32> to vector<8x128xf32>
    %add3A_148 = arith.addf %add3A_146, %slice3A_147 : vector<8x128xf32>
    %slice3A_149 = vector.extract_strided_slice %select_n3A_41 {offsets = [440, 0], sizes = [8, 128], strides = [1, 1]} : vector<672x128xf32> to vector<8x128xf32>
    %add3A_150 = arith.addf %add3A_148, %slice3A_149 : vector<8x128xf32>
    %slice3A_151 = vector.extract_strided_slice %select_n3A_41 {offsets = [448, 0], sizes = [8, 128], strides = [1, 1]} : vector<672x128xf32> to vector<8x128xf32>
    %add3A_152 = arith.addf %add3A_150, %slice3A_151 : vector<8x128xf32>
    %slice3A_153 = vector.extract_strided_slice %select_n3A_41 {offsets = [456, 0], sizes = [8, 128], strides = [1, 1]} : vector<672x128xf32> to vector<8x128xf32>
    %add3A_154 = arith.addf %add3A_152, %slice3A_153 : vector<8x128xf32>
    %slice3A_155 = vector.extract_strided_slice %select_n3A_41 {offsets = [464, 0], sizes = [8, 128], strides = [1, 1]} : vector<672x128xf32> to vector<8x128xf32>
    %add3A_156 = arith.addf %add3A_154, %slice3A_155 : vector<8x128xf32>
    %slice3A_157 = vector.extract_strided_slice %select_n3A_41 {offsets = [472, 0], sizes = [8, 128], strides = [1, 1]} : vector<672x128xf32> to vector<8x128xf32>
    %add3A_158 = arith.addf %add3A_156, %slice3A_157 : vector<8x128xf32>
    %slice3A_159 = vector.extract_strided_slice %select_n3A_41 {offsets = [480, 0], sizes = [8, 128], strides = [1, 1]} : vector<672x128xf32> to vector<8x128xf32>
    %add3A_160 = arith.addf %add3A_158, %slice3A_159 : vector<8x128xf32>
    %slice3A_161 = vector.extract_strided_slice %select_n3A_41 {offsets = [488, 0], sizes = [8, 128], strides = [1, 1]} : vector<672x128xf32> to vector<8x128xf32>
    %add3A_162 = arith.addf %add3A_160, %slice3A_161 : vector<8x128xf32>
    %slice3A_163 = vector.extract_strided_slice %select_n3A_41 {offsets = [496, 0], sizes = [8, 128], strides = [1, 1]} : vector<672x128xf32> to vector<8x128xf32>
    %add3A_164 = arith.addf %add3A_162, %slice3A_163 : vector<8x128xf32>
    %slice3A_165 = vector.extract_strided_slice %select_n3A_41 {offsets = [504, 0], sizes = [8, 128], strides = [1, 1]} : vector<672x128xf32> to vector<8x128xf32>
    %add3A_166 = arith.addf %add3A_164, %slice3A_165 : vector<8x128xf32>
    %slice3A_167 = vector.extract_strided_slice %select_n3A_41 {offsets = [512, 0], sizes = [8, 128], strides = [1, 1]} : vector<672x128xf32> to vector<8x128xf32>
    %add3A_168 = arith.addf %add3A_166, %slice3A_167 : vector<8x128xf32>
    %slice3A_169 = vector.extract_strided_slice %select_n3A_41 {offsets = [520, 0], sizes = [8, 128], strides = [1, 1]} : vector<672x128xf32> to vector<8x128xf32>
    %add3A_170 = arith.addf %add3A_168, %slice3A_169 : vector<8x128xf32>
    %slice3A_171 = vector.extract_strided_slice %select_n3A_41 {offsets = [528, 0], sizes = [8, 128], strides = [1, 1]} : vector<672x128xf32> to vector<8x128xf32>
    %add3A_172 = arith.addf %add3A_170, %slice3A_171 : vector<8x128xf32>
    %slice3A_173 = vector.extract_strided_slice %select_n3A_41 {offsets = [536, 0], sizes = [8, 128], strides = [1, 1]} : vector<672x128xf32> to vector<8x128xf32>
    %add3A_174 = arith.addf %add3A_172, %slice3A_173 : vector<8x128xf32>
    %slice3A_175 = vector.extract_strided_slice %select_n3A_41 {offsets = [544, 0], sizes = [8, 128], strides = [1, 1]} : vector<672x128xf32> to vector<8x128xf32>
    %add3A_176 = arith.addf %add3A_174, %slice3A_175 : vector<8x128xf32>
    %slice3A_177 = vector.extract_strided_slice %select_n3A_41 {offsets = [552, 0], sizes = [8, 128], strides = [1, 1]} : vector<672x128xf32> to vector<8x128xf32>
    %add3A_178 = arith.addf %add3A_176, %slice3A_177 : vector<8x128xf32>
    %slice3A_179 = vector.extract_strided_slice %select_n3A_41 {offsets = [560, 0], sizes = [8, 128], strides = [1, 1]} : vector<672x128xf32> to vector<8x128xf32>
    %add3A_180 = arith.addf %add3A_178, %slice3A_179 : vector<8x128xf32>
    %slice3A_181 = vector.extract_strided_slice %select_n3A_41 {offsets = [568, 0], sizes = [8, 128], strides = [1, 1]} : vector<672x128xf32> to vector<8x128xf32>
    %add3A_182 = arith.addf %add3A_180, %slice3A_181 : vector<8x128xf32>
    %slice3A_183 = vector.extract_strided_slice %select_n3A_41 {offsets = [576, 0], sizes = [8, 128], strides = [1, 1]} : vector<672x128xf32> to vector<8x128xf32>
    %add3A_184 = arith.addf %add3A_182, %slice3A_183 : vector<8x128xf32>
    %slice3A_185 = vector.extract_strided_slice %select_n3A_41 {offsets = [584, 0], sizes = [8, 128], strides = [1, 1]} : vector<672x128xf32> to vector<8x128xf32>
    %add3A_186 = arith.addf %add3A_184, %slice3A_185 : vector<8x128xf32>
    %slice3A_187 = vector.extract_strided_slice %select_n3A_41 {offsets = [592, 0], sizes = [8, 128], strides = [1, 1]} : vector<672x128xf32> to vector<8x128xf32>
    %add3A_188 = arith.addf %add3A_186, %slice3A_187 : vector<8x128xf32>
    %slice3A_189 = vector.extract_strided_slice %select_n3A_41 {offsets = [600, 0], sizes = [8, 128], strides = [1, 1]} : vector<672x128xf32> to vector<8x128xf32>
    %add3A_190 = arith.addf %add3A_188, %slice3A_189 : vector<8x128xf32>
    %slice3A_191 = vector.extract_strided_slice %select_n3A_41 {offsets = [608, 0], sizes = [8, 128], strides = [1, 1]} : vector<672x128xf32> to vector<8x128xf32>
    %add3A_192 = arith.addf %add3A_190, %slice3A_191 : vector<8x128xf32>
    %slice3A_193 = vector.extract_strided_slice %select_n3A_41 {offsets = [616, 0], sizes = [8, 128], strides = [1, 1]} : vector<672x128xf32> to vector<8x128xf32>
    %add3A_194 = arith.addf %add3A_192, %slice3A_193 : vector<8x128xf32>
    %slice3A_195 = vector.extract_strided_slice %select_n3A_41 {offsets = [624, 0], sizes = [8, 128], strides = [1, 1]} : vector<672x128xf32> to vector<8x128xf32>
    %add3A_196 = arith.addf %add3A_194, %slice3A_195 : vector<8x128xf32>
    %slice3A_197 = vector.extract_strided_slice %select_n3A_41 {offsets = [632, 0], sizes = [8, 128], strides = [1, 1]} : vector<672x128xf32> to vector<8x128xf32>
    %add3A_198 = arith.addf %add3A_196, %slice3A_197 : vector<8x128xf32>
    %slice3A_199 = vector.extract_strided_slice %select_n3A_41 {offsets = [640, 0], sizes = [8, 128], strides = [1, 1]} : vector<672x128xf32> to vector<8x128xf32>
    %add3A_200 = arith.addf %add3A_198, %slice3A_199 : vector<8x128xf32>
    %slice3A_201 = vector.extract_strided_slice %select_n3A_41 {offsets = [648, 0], sizes = [8, 128], strides = [1, 1]} : vector<672x128xf32> to vector<8x128xf32>
    %add3A_202 = arith.addf %add3A_200, %slice3A_201 : vector<8x128xf32>
    %slice3A_203 = vector.extract_strided_slice %select_n3A_41 {offsets = [656, 0], sizes = [8, 128], strides = [1, 1]} : vector<672x128xf32> to vector<8x128xf32>
    %add3A_204 = arith.addf %add3A_202, %slice3A_203 : vector<8x128xf32>
    %slice3A_205 = vector.extract_strided_slice %select_n3A_41 {offsets = [664, 0], sizes = [8, 128], strides = [1, 1]} : vector<672x128xf32> to vector<8x128xf32>
    %add3A_206 = arith.addf %add3A_204, %slice3A_205 : vector<8x128xf32>
    %add3A_207 = arith.addf %get3A_36, %add3A_206 : vector<8x128xf32>
    %swap3A = arith.constant 0 : index
    %swap3A_208 = arith.constant 0 : index
    %swap3A_209 = arith.constant 0 : index
    %swap3A_210 = vector.load %arg5[%swap3A, %swap3A_208, %swap3A_209] : memref<5x8x128xf32, #tpu.memory_space<vmem>>, vector<1x8x128xf32>
    %swap3A_211 = vector.shape_cast %swap3A_210 : vector<1x8x128xf32> to vector<8x128xf32>
    %swap3A_212 = vector.shape_cast %add3A_207 : vector<8x128xf32> to vector<1x8x128xf32>
    tpu.vector_store %arg5[%swap3A, %swap3A_208, %swap3A_209], %swap3A_212 {strides = array<i32>} : memref<5x8x128xf32, #tpu.memory_space<vmem>>, vector<1x8x128xf32>,
    %get3A_213 = arith.constant 0 : index
    %get3A_214 = arith.constant 0 : index
    %get3A_215 = arith.constant 0 : index
    %get3A_216 = vector.load %arg6[%get3A_213, %get3A_214, %get3A_215] : memref<5x8x128xf32, #tpu.memory_space<vmem>>, vector<1x8x128xf32>
    %get3A_217 = vector.shape_cast %get3A_216 : vector<1x8x128xf32> to vector<8x128xf32>
    %slice3A_218 = vector.extract_strided_slice %select_n3A {offsets = [0, 0], sizes = [8, 128], strides = [1, 1]} : vector<672x128xf32> to vector<8x128xf32>
    %slice3A_219 = vector.extract_strided_slice %select_n3A {offsets = [8, 0], sizes = [8, 128], strides = [1, 1]} : vector<672x128xf32> to vector<8x128xf32>
    %add3A_220 = arith.addf %slice3A_218, %slice3A_219 : vector<8x128xf32>
    %slice3A_221 = vector.extract_strided_slice %select_n3A {offsets = [16, 0], sizes = [8, 128], strides = [1, 1]} : vector<672x128xf32> to vector<8x128xf32>
    %add3A_222 = arith.addf %add3A_220, %slice3A_221 : vector<8x128xf32>
    %slice3A_223 = vector.extract_strided_slice %select_n3A {offsets = [24, 0], sizes = [8, 128], strides = [1, 1]} : vector<672x128xf32> to vector<8x128xf32>
    %add3A_224 = arith.addf %add3A_222, %slice3A_223 : vector<8x128xf32>
    %slice3A_225 = vector.extract_strided_slice %select_n3A {offsets = [32, 0], sizes = [8, 128], strides = [1, 1]} : vector<672x128xf32> to vector<8x128xf32>
    %add3A_226 = arith.addf %add3A_224, %slice3A_225 : vector<8x128xf32>
    %slice3A_227 = vector.extract_strided_slice %select_n3A {offsets = [40, 0], sizes = [8, 128], strides = [1, 1]} : vector<672x128xf32> to vector<8x128xf32>
    %add3A_228 = arith.addf %add3A_226, %slice3A_227 : vector<8x128xf32>
    %slice3A_229 = vector.extract_strided_slice %select_n3A {offsets = [48, 0], sizes = [8, 128], strides = [1, 1]} : vector<672x128xf32> to vector<8x128xf32>
    %add3A_230 = arith.addf %add3A_228, %slice3A_229 : vector<8x128xf32>
    %slice3A_231 = vector.extract_strided_slice %select_n3A {offsets = [56, 0], sizes = [8, 128], strides = [1, 1]} : vector<672x128xf32> to vector<8x128xf32>
    %add3A_232 = arith.addf %add3A_230, %slice3A_231 : vector<8x128xf32>
    %slice3A_233 = vector.extract_strided_slice %select_n3A {offsets = [64, 0], sizes = [8, 128], strides = [1, 1]} : vector<672x128xf32> to vector<8x128xf32>
    %add3A_234 = arith.addf %add3A_232, %slice3A_233 : vector<8x128xf32>
    %slice3A_235 = vector.extract_strided_slice %select_n3A {offsets = [72, 0], sizes = [8, 128], strides = [1, 1]} : vector<672x128xf32> to vector<8x128xf32>
    %add3A_236 = arith.addf %add3A_234, %slice3A_235 : vector<8x128xf32>
    %slice3A_237 = vector.extract_strided_slice %select_n3A {offsets = [80, 0], sizes = [8, 128], strides = [1, 1]} : vector<672x128xf32> to vector<8x128xf32>
    %add3A_238 = arith.addf %add3A_236, %slice3A_237 : vector<8x128xf32>
    %slice3A_239 = vector.extract_strided_slice %select_n3A {offsets = [88, 0], sizes = [8, 128], strides = [1, 1]} : vector<672x128xf32> to vector<8x128xf32>
    %add3A_240 = arith.addf %add3A_238, %slice3A_239 : vector<8x128xf32>
    %slice3A_241 = vector.extract_strided_slice %select_n3A {offsets = [96, 0], sizes = [8, 128], strides = [1, 1]} : vector<672x128xf32> to vector<8x128xf32>
    %add3A_242 = arith.addf %add3A_240, %slice3A_241 : vector<8x128xf32>
    %slice3A_243 = vector.extract_strided_slice %select_n3A {offsets = [104, 0], sizes = [8, 128], strides = [1, 1]} : vector<672x128xf32> to vector<8x128xf32>
    %add3A_244 = arith.addf %add3A_242, %slice3A_243 : vector<8x128xf32>
    %slice3A_245 = vector.extract_strided_slice %select_n3A {offsets = [112, 0], sizes = [8, 128], strides = [1, 1]} : vector<672x128xf32> to vector<8x128xf32>
    %add3A_246 = arith.addf %add3A_244, %slice3A_245 : vector<8x128xf32>
    %slice3A_247 = vector.extract_strided_slice %select_n3A {offsets = [120, 0], sizes = [8, 128], strides = [1, 1]} : vector<672x128xf32> to vector<8x128xf32>
    %add3A_248 = arith.addf %add3A_246, %slice3A_247 : vector<8x128xf32>
    %slice3A_249 = vector.extract_strided_slice %select_n3A {offsets = [128, 0], sizes = [8, 128], strides = [1, 1]} : vector<672x128xf32> to vector<8x128xf32>
    %add3A_250 = arith.addf %add3A_248, %slice3A_249 : vector<8x128xf32>
    %slice3A_251 = vector.extract_strided_slice %select_n3A {offsets = [136, 0], sizes = [8, 128], strides = [1, 1]} : vector<672x128xf32> to vector<8x128xf32>
    %add3A_252 = arith.addf %add3A_250, %slice3A_251 : vector<8x128xf32>
    %slice3A_253 = vector.extract_strided_slice %select_n3A {offsets = [144, 0], sizes = [8, 128], strides = [1, 1]} : vector<672x128xf32> to vector<8x128xf32>
    %add3A_254 = arith.addf %add3A_252, %slice3A_253 : vector<8x128xf32>
    %slice3A_255 = vector.extract_strided_slice %select_n3A {offsets = [152, 0], sizes = [8, 128], strides = [1, 1]} : vector<672x128xf32> to vector<8x128xf32>
    %add3A_256 = arith.addf %add3A_254, %slice3A_255 : vector<8x128xf32>
    %slice3A_257 = vector.extract_strided_slice %select_n3A {offsets = [160, 0], sizes = [8, 128], strides = [1, 1]} : vector<672x128xf32> to vector<8x128xf32>
    %add3A_258 = arith.addf %add3A_256, %slice3A_257 : vector<8x128xf32>
    %slice3A_259 = vector.extract_strided_slice %select_n3A {offsets = [168, 0], sizes = [8, 128], strides = [1, 1]} : vector<672x128xf32> to vector<8x128xf32>
    %add3A_260 = arith.addf %add3A_258, %slice3A_259 : vector<8x128xf32>
    %slice3A_261 = vector.extract_strided_slice %select_n3A {offsets = [176, 0], sizes = [8, 128], strides = [1, 1]} : vector<672x128xf32> to vector<8x128xf32>
    %add3A_262 = arith.addf %add3A_260, %slice3A_261 : vector<8x128xf32>
    %slice3A_263 = vector.extract_strided_slice %select_n3A {offsets = [184, 0], sizes = [8, 128], strides = [1, 1]} : vector<672x128xf32> to vector<8x128xf32>
    %add3A_264 = arith.addf %add3A_262, %slice3A_263 : vector<8x128xf32>
    %slice3A_265 = vector.extract_strided_slice %select_n3A {offsets = [192, 0], sizes = [8, 128], strides = [1, 1]} : vector<672x128xf32> to vector<8x128xf32>
    %add3A_266 = arith.addf %add3A_264, %slice3A_265 : vector<8x128xf32>
    %slice3A_267 = vector.extract_strided_slice %select_n3A {offsets = [200, 0], sizes = [8, 128], strides = [1, 1]} : vector<672x128xf32> to vector<8x128xf32>
    %add3A_268 = arith.addf %add3A_266, %slice3A_267 : vector<8x128xf32>
    %slice3A_269 = vector.extract_strided_slice %select_n3A {offsets = [208, 0], sizes = [8, 128], strides = [1, 1]} : vector<672x128xf32> to vector<8x128xf32>
    %add3A_270 = arith.addf %add3A_268, %slice3A_269 : vector<8x128xf32>
    %slice3A_271 = vector.extract_strided_slice %select_n3A {offsets = [216, 0], sizes = [8, 128], strides = [1, 1]} : vector<672x128xf32> to vector<8x128xf32>
    %add3A_272 = arith.addf %add3A_270, %slice3A_271 : vector<8x128xf32>
    %slice3A_273 = vector.extract_strided_slice %select_n3A {offsets = [224, 0], sizes = [8, 128], strides = [1, 1]} : vector<672x128xf32> to vector<8x128xf32>
    %add3A_274 = arith.addf %add3A_272, %slice3A_273 : vector<8x128xf32>
    %slice3A_275 = vector.extract_strided_slice %select_n3A {offsets = [232, 0], sizes = [8, 128], strides = [1, 1]} : vector<672x128xf32> to vector<8x128xf32>
    %add3A_276 = arith.addf %add3A_274, %slice3A_275 : vector<8x128xf32>
    %slice3A_277 = vector.extract_strided_slice %select_n3A {offsets = [240, 0], sizes = [8, 128], strides = [1, 1]} : vector<672x128xf32> to vector<8x128xf32>
    %add3A_278 = arith.addf %add3A_276, %slice3A_277 : vector<8x128xf32>
    %slice3A_279 = vector.extract_strided_slice %select_n3A {offsets = [248, 0], sizes = [8, 128], strides = [1, 1]} : vector<672x128xf32> to vector<8x128xf32>
    %add3A_280 = arith.addf %add3A_278, %slice3A_279 : vector<8x128xf32>
    %slice3A_281 = vector.extract_strided_slice %select_n3A {offsets = [256, 0], sizes = [8, 128], strides = [1, 1]} : vector<672x128xf32> to vector<8x128xf32>
    %add3A_282 = arith.addf %add3A_280, %slice3A_281 : vector<8x128xf32>
    %slice3A_283 = vector.extract_strided_slice %select_n3A {offsets = [264, 0], sizes = [8, 128], strides = [1, 1]} : vector<672x128xf32> to vector<8x128xf32>
    %add3A_284 = arith.addf %add3A_282, %slice3A_283 : vector<8x128xf32>
    %slice3A_285 = vector.extract_strided_slice %select_n3A {offsets = [272, 0], sizes = [8, 128], strides = [1, 1]} : vector<672x128xf32> to vector<8x128xf32>
    %add3A_286 = arith.addf %add3A_284, %slice3A_285 : vector<8x128xf32>
    %slice3A_287 = vector.extract_strided_slice %select_n3A {offsets = [280, 0], sizes = [8, 128], strides = [1, 1]} : vector<672x128xf32> to vector<8x128xf32>
    %add3A_288 = arith.addf %add3A_286, %slice3A_287 : vector<8x128xf32>
    %slice3A_289 = vector.extract_strided_slice %select_n3A {offsets = [288, 0], sizes = [8, 128], strides = [1, 1]} : vector<672x128xf32> to vector<8x128xf32>
    %add3A_290 = arith.addf %add3A_288, %slice3A_289 : vector<8x128xf32>
    %slice3A_291 = vector.extract_strided_slice %select_n3A {offsets = [296, 0], sizes = [8, 128], strides = [1, 1]} : vector<672x128xf32> to vector<8x128xf32>
    %add3A_292 = arith.addf %add3A_290, %slice3A_291 : vector<8x128xf32>
    %slice3A_293 = vector.extract_strided_slice %select_n3A {offsets = [304, 0], sizes = [8, 128], strides = [1, 1]} : vector<672x128xf32> to vector<8x128xf32>
    %add3A_294 = arith.addf %add3A_292, %slice3A_293 : vector<8x128xf32>
    %slice3A_295 = vector.extract_strided_slice %select_n3A {offsets = [312, 0], sizes = [8, 128], strides = [1, 1]} : vector<672x128xf32> to vector<8x128xf32>
    %add3A_296 = arith.addf %add3A_294, %slice3A_295 : vector<8x128xf32>
    %slice3A_297 = vector.extract_strided_slice %select_n3A {offsets = [320, 0], sizes = [8, 128], strides = [1, 1]} : vector<672x128xf32> to vector<8x128xf32>
    %add3A_298 = arith.addf %add3A_296, %slice3A_297 : vector<8x128xf32>
    %slice3A_299 = vector.extract_strided_slice %select_n3A {offsets = [328, 0], sizes = [8, 128], strides = [1, 1]} : vector<672x128xf32> to vector<8x128xf32>
    %add3A_300 = arith.addf %add3A_298, %slice3A_299 : vector<8x128xf32>
    %slice3A_301 = vector.extract_strided_slice %select_n3A {offsets = [336, 0], sizes = [8, 128], strides = [1, 1]} : vector<672x128xf32> to vector<8x128xf32>
    %add3A_302 = arith.addf %add3A_300, %slice3A_301 : vector<8x128xf32>
    %slice3A_303 = vector.extract_strided_slice %select_n3A {offsets = [344, 0], sizes = [8, 128], strides = [1, 1]} : vector<672x128xf32> to vector<8x128xf32>
    %add3A_304 = arith.addf %add3A_302, %slice3A_303 : vector<8x128xf32>
    %slice3A_305 = vector.extract_strided_slice %select_n3A {offsets = [352, 0], sizes = [8, 128], strides = [1, 1]} : vector<672x128xf32> to vector<8x128xf32>
    %add3A_306 = arith.addf %add3A_304, %slice3A_305 : vector<8x128xf32>
    %slice3A_307 = vector.extract_strided_slice %select_n3A {offsets = [360, 0], sizes = [8, 128], strides = [1, 1]} : vector<672x128xf32> to vector<8x128xf32>
    %add3A_308 = arith.addf %add3A_306, %slice3A_307 : vector<8x128xf32>
    %slice3A_309 = vector.extract_strided_slice %select_n3A {offsets = [368, 0], sizes = [8, 128], strides = [1, 1]} : vector<672x128xf32> to vector<8x128xf32>
    %add3A_310 = arith.addf %add3A_308, %slice3A_309 : vector<8x128xf32>
    %slice3A_311 = vector.extract_strided_slice %select_n3A {offsets = [376, 0], sizes = [8, 128], strides = [1, 1]} : vector<672x128xf32> to vector<8x128xf32>
    %add3A_312 = arith.addf %add3A_310, %slice3A_311 : vector<8x128xf32>
    %slice3A_313 = vector.extract_strided_slice %select_n3A {offsets = [384, 0], sizes = [8, 128], strides = [1, 1]} : vector<672x128xf32> to vector<8x128xf32>
    %add3A_314 = arith.addf %add3A_312, %slice3A_313 : vector<8x128xf32>
    %slice3A_315 = vector.extract_strided_slice %select_n3A {offsets = [392, 0], sizes = [8, 128], strides = [1, 1]} : vector<672x128xf32> to vector<8x128xf32>
    %add3A_316 = arith.addf %add3A_314, %slice3A_315 : vector<8x128xf32>
    %slice3A_317 = vector.extract_strided_slice %select_n3A {offsets = [400, 0], sizes = [8, 128], strides = [1, 1]} : vector<672x128xf32> to vector<8x128xf32>
    %add3A_318 = arith.addf %add3A_316, %slice3A_317 : vector<8x128xf32>
    %slice3A_319 = vector.extract_strided_slice %select_n3A {offsets = [408, 0], sizes = [8, 128], strides = [1, 1]} : vector<672x128xf32> to vector<8x128xf32>
    %add3A_320 = arith.addf %add3A_318, %slice3A_319 : vector<8x128xf32>
    %slice3A_321 = vector.extract_strided_slice %select_n3A {offsets = [416, 0], sizes = [8, 128], strides = [1, 1]} : vector<672x128xf32> to vector<8x128xf32>
    %add3A_322 = arith.addf %add3A_320, %slice3A_321 : vector<8x128xf32>
    %slice3A_323 = vector.extract_strided_slice %select_n3A {offsets = [424, 0], sizes = [8, 128], strides = [1, 1]} : vector<672x128xf32> to vector<8x128xf32>
    %add3A_324 = arith.addf %add3A_322, %slice3A_323 : vector<8x128xf32>
    %slice3A_325 = vector.extract_strided_slice %select_n3A {offsets = [432, 0], sizes = [8, 128], strides = [1, 1]} : vector<672x128xf32> to vector<8x128xf32>
    %add3A_326 = arith.addf %add3A_324, %slice3A_325 : vector<8x128xf32>
    %slice3A_327 = vector.extract_strided_slice %select_n3A {offsets = [440, 0], sizes = [8, 128], strides = [1, 1]} : vector<672x128xf32> to vector<8x128xf32>
    %add3A_328 = arith.addf %add3A_326, %slice3A_327 : vector<8x128xf32>
    %slice3A_329 = vector.extract_strided_slice %select_n3A {offsets = [448, 0], sizes = [8, 128], strides = [1, 1]} : vector<672x128xf32> to vector<8x128xf32>
    %add3A_330 = arith.addf %add3A_328, %slice3A_329 : vector<8x128xf32>
    %slice3A_331 = vector.extract_strided_slice %select_n3A {offsets = [456, 0], sizes = [8, 128], strides = [1, 1]} : vector<672x128xf32> to vector<8x128xf32>
    %add3A_332 = arith.addf %add3A_330, %slice3A_331 : vector<8x128xf32>
    %slice3A_333 = vector.extract_strided_slice %select_n3A {offsets = [464, 0], sizes = [8, 128], strides = [1, 1]} : vector<672x128xf32> to vector<8x128xf32>
    %add3A_334 = arith.addf %add3A_332, %slice3A_333 : vector<8x128xf32>
    %slice3A_335 = vector.extract_strided_slice %select_n3A {offsets = [472, 0], sizes = [8, 128], strides = [1, 1]} : vector<672x128xf32> to vector<8x128xf32>
    %add3A_336 = arith.addf %add3A_334, %slice3A_335 : vector<8x128xf32>
    %slice3A_337 = vector.extract_strided_slice %select_n3A {offsets = [480, 0], sizes = [8, 128], strides = [1, 1]} : vector<672x128xf32> to vector<8x128xf32>
    %add3A_338 = arith.addf %add3A_336, %slice3A_337 : vector<8x128xf32>
    %slice3A_339 = vector.extract_strided_slice %select_n3A {offsets = [488, 0], sizes = [8, 128], strides = [1, 1]} : vector<672x128xf32> to vector<8x128xf32>
    %add3A_340 = arith.addf %add3A_338, %slice3A_339 : vector<8x128xf32>
    %slice3A_341 = vector.extract_strided_slice %select_n3A {offsets = [496, 0], sizes = [8, 128], strides = [1, 1]} : vector<672x128xf32> to vector<8x128xf32>
    %add3A_342 = arith.addf %add3A_340, %slice3A_341 : vector<8x128xf32>
    %slice3A_343 = vector.extract_strided_slice %select_n3A {offsets = [504, 0], sizes = [8, 128], strides = [1, 1]} : vector<672x128xf32> to vector<8x128xf32>
    %add3A_344 = arith.addf %add3A_342, %slice3A_343 : vector<8x128xf32>
    %slice3A_345 = vector.extract_strided_slice %select_n3A {offsets = [512, 0], sizes = [8, 128], strides = [1, 1]} : vector<672x128xf32> to vector<8x128xf32>
    %add3A_346 = arith.addf %add3A_344, %slice3A_345 : vector<8x128xf32>
    %slice3A_347 = vector.extract_strided_slice %select_n3A {offsets = [520, 0], sizes = [8, 128], strides = [1, 1]} : vector<672x128xf32> to vector<8x128xf32>
    %add3A_348 = arith.addf %add3A_346, %slice3A_347 : vector<8x128xf32>
    %slice3A_349 = vector.extract_strided_slice %select_n3A {offsets = [528, 0], sizes = [8, 128], strides = [1, 1]} : vector<672x128xf32> to vector<8x128xf32>
    %add3A_350 = arith.addf %add3A_348, %slice3A_349 : vector<8x128xf32>
    %slice3A_351 = vector.extract_strided_slice %select_n3A {offsets = [536, 0], sizes = [8, 128], strides = [1, 1]} : vector<672x128xf32> to vector<8x128xf32>
    %add3A_352 = arith.addf %add3A_350, %slice3A_351 : vector<8x128xf32>
    %slice3A_353 = vector.extract_strided_slice %select_n3A {offsets = [544, 0], sizes = [8, 128], strides = [1, 1]} : vector<672x128xf32> to vector<8x128xf32>
    %add3A_354 = arith.addf %add3A_352, %slice3A_353 : vector<8x128xf32>
    %slice3A_355 = vector.extract_strided_slice %select_n3A {offsets = [552, 0], sizes = [8, 128], strides = [1, 1]} : vector<672x128xf32> to vector<8x128xf32>
    %add3A_356 = arith.addf %add3A_354, %slice3A_355 : vector<8x128xf32>
    %slice3A_357 = vector.extract_strided_slice %select_n3A {offsets = [560, 0], sizes = [8, 128], strides = [1, 1]} : vector<672x128xf32> to vector<8x128xf32>
    %add3A_358 = arith.addf %add3A_356, %slice3A_357 : vector<8x128xf32>
    %slice3A_359 = vector.extract_strided_slice %select_n3A {offsets = [568, 0], sizes = [8, 128], strides = [1, 1]} : vector<672x128xf32> to vector<8x128xf32>
    %add3A_360 = arith.addf %add3A_358, %slice3A_359 : vector<8x128xf32>
    %slice3A_361 = vector.extract_strided_slice %select_n3A {offsets = [576, 0], sizes = [8, 128], strides = [1, 1]} : vector<672x128xf32> to vector<8x128xf32>
    %add3A_362 = arith.addf %add3A_360, %slice3A_361 : vector<8x128xf32>
    %slice3A_363 = vector.extract_strided_slice %select_n3A {offsets = [584, 0], sizes = [8, 128], strides = [1, 1]} : vector<672x128xf32> to vector<8x128xf32>
    %add3A_364 = arith.addf %add3A_362, %slice3A_363 : vector<8x128xf32>
    %slice3A_365 = vector.extract_strided_slice %select_n3A {offsets = [592, 0], sizes = [8, 128], strides = [1, 1]} : vector<672x128xf32> to vector<8x128xf32>
    %add3A_366 = arith.addf %add3A_364, %slice3A_365 : vector<8x128xf32>
    %slice3A_367 = vector.extract_strided_slice %select_n3A {offsets = [600, 0], sizes = [8, 128], strides = [1, 1]} : vector<672x128xf32> to vector<8x128xf32>
    %add3A_368 = arith.addf %add3A_366, %slice3A_367 : vector<8x128xf32>
    %slice3A_369 = vector.extract_strided_slice %select_n3A {offsets = [608, 0], sizes = [8, 128], strides = [1, 1]} : vector<672x128xf32> to vector<8x128xf32>
    %add3A_370 = arith.addf %add3A_368, %slice3A_369 : vector<8x128xf32>
    %slice3A_371 = vector.extract_strided_slice %select_n3A {offsets = [616, 0], sizes = [8, 128], strides = [1, 1]} : vector<672x128xf32> to vector<8x128xf32>
    %add3A_372 = arith.addf %add3A_370, %slice3A_371 : vector<8x128xf32>
    %slice3A_373 = vector.extract_strided_slice %select_n3A {offsets = [624, 0], sizes = [8, 128], strides = [1, 1]} : vector<672x128xf32> to vector<8x128xf32>
    %add3A_374 = arith.addf %add3A_372, %slice3A_373 : vector<8x128xf32>
    %slice3A_375 = vector.extract_strided_slice %select_n3A {offsets = [632, 0], sizes = [8, 128], strides = [1, 1]} : vector<672x128xf32> to vector<8x128xf32>
    %add3A_376 = arith.addf %add3A_374, %slice3A_375 : vector<8x128xf32>
    %slice3A_377 = vector.extract_strided_slice %select_n3A {offsets = [640, 0], sizes = [8, 128], strides = [1, 1]} : vector<672x128xf32> to vector<8x128xf32>
    %add3A_378 = arith.addf %add3A_376, %slice3A_377 : vector<8x128xf32>
    %slice3A_379 = vector.extract_strided_slice %select_n3A {offsets = [648, 0], sizes = [8, 128], strides = [1, 1]} : vector<672x128xf32> to vector<8x128xf32>
    %add3A_380 = arith.addf %add3A_378, %slice3A_379 : vector<8x128xf32>
    %slice3A_381 = vector.extract_strided_slice %select_n3A {offsets = [656, 0], sizes = [8, 128], strides = [1, 1]} : vector<672x128xf32> to vector<8x128xf32>
    %add3A_382 = arith.addf %add3A_380, %slice3A_381 : vector<8x128xf32>
    %slice3A_383 = vector.extract_strided_slice %select_n3A {offsets = [664, 0], sizes = [8, 128], strides = [1, 1]} : vector<672x128xf32> to vector<8x128xf32>
    %add3A_384 = arith.addf %add3A_382, %slice3A_383 : vector<8x128xf32>
    %add3A_385 = arith.addf %get3A_217, %add3A_384 : vector<8x128xf32>
    %swap3A_386 = arith.constant 0 : index
    %swap3A_387 = arith.constant 0 : index
    %swap3A_388 = arith.constant 0 : index
    %swap3A_389 = vector.load %arg6[%swap3A_386, %swap3A_387, %swap3A_388] : memref<5x8x128xf32, #tpu.memory_space<vmem>>, vector<1x8x128xf32>
    %swap3A_390 = vector.shape_cast %swap3A_389 : vector<1x8x128xf32> to vector<8x128xf32>
    %swap3A_391 = vector.shape_cast %add3A_385 : vector<8x128xf32> to vector<1x8x128xf32>
    tpu.vector_store %arg6[%swap3A_386, %swap3A_387, %swap3A_388], %swap3A_391 {strides = array<i32>} : memref<5x8x128xf32, #tpu.memory_space<vmem>>, vector<1x8x128xf32>,
    %get3A_392 = arith.constant 0 : index
    %get3A_393 = arith.constant 0 : index
    %get3A_394 = arith.constant 0 : index
    %get3A_395 = vector.load %arg4[%get3A_392, %get3A_393, %get3A_394] : memref<4x8x128xf32, #tpu.memory_space<vmem>>, vector<1x8x128xf32>
    %get3A_396 = vector.shape_cast %get3A_395 : vector<1x8x128xf32> to vector<8x128xf32>
    %jit3A_397 = arith.constant 1.000000e+00 : f32
    %jit3A_398 = arith.constant 0.000000e+00 : f32
    %broadcast_in_dim3A_399 = vector.broadcast %jit3A_397 : f32 to vector<672x128xf32>
    %broadcast_in_dim3A_400 = vector.broadcast %jit3A_398 : f32 to vector<672x128xf32>
    %select_n3A_401 = arith.select %ge3A_22, %broadcast_in_dim3A_399, %broadcast_in_dim3A_400 : vector<672x128xi1>, vector<672x128xf32>
    %slice3A_402 = vector.extract_strided_slice %select_n3A_401 {offsets = [0, 0], sizes = [8, 128], strides = [1, 1]} : vector<672x128xf32> to vector<8x128xf32>
    %slice3A_403 = vector.extract_strided_slice %select_n3A_401 {offsets = [8, 0], sizes = [8, 128], strides = [1, 1]} : vector<672x128xf32> to vector<8x128xf32>
    %add3A_404 = arith.addf %slice3A_402, %slice3A_403 : vector<8x128xf32>
    %slice3A_405 = vector.extract_strided_slice %select_n3A_401 {offsets = [16, 0], sizes = [8, 128], strides = [1, 1]} : vector<672x128xf32> to vector<8x128xf32>
    %add3A_406 = arith.addf %add3A_404, %slice3A_405 : vector<8x128xf32>
    %slice3A_407 = vector.extract_strided_slice %select_n3A_401 {offsets = [24, 0], sizes = [8, 128], strides = [1, 1]} : vector<672x128xf32> to vector<8x128xf32>
    %add3A_408 = arith.addf %add3A_406, %slice3A_407 : vector<8x128xf32>
    %slice3A_409 = vector.extract_strided_slice %select_n3A_401 {offsets = [32, 0], sizes = [8, 128], strides = [1, 1]} : vector<672x128xf32> to vector<8x128xf32>
    %add3A_410 = arith.addf %add3A_408, %slice3A_409 : vector<8x128xf32>
    %slice3A_411 = vector.extract_strided_slice %select_n3A_401 {offsets = [40, 0], sizes = [8, 128], strides = [1, 1]} : vector<672x128xf32> to vector<8x128xf32>
    %add3A_412 = arith.addf %add3A_410, %slice3A_411 : vector<8x128xf32>
    %slice3A_413 = vector.extract_strided_slice %select_n3A_401 {offsets = [48, 0], sizes = [8, 128], strides = [1, 1]} : vector<672x128xf32> to vector<8x128xf32>
    %add3A_414 = arith.addf %add3A_412, %slice3A_413 : vector<8x128xf32>
    %slice3A_415 = vector.extract_strided_slice %select_n3A_401 {offsets = [56, 0], sizes = [8, 128], strides = [1, 1]} : vector<672x128xf32> to vector<8x128xf32>
    %add3A_416 = arith.addf %add3A_414, %slice3A_415 : vector<8x128xf32>
    %slice3A_417 = vector.extract_strided_slice %select_n3A_401 {offsets = [64, 0], sizes = [8, 128], strides = [1, 1]} : vector<672x128xf32> to vector<8x128xf32>
    %add3A_418 = arith.addf %add3A_416, %slice3A_417 : vector<8x128xf32>
    %slice3A_419 = vector.extract_strided_slice %select_n3A_401 {offsets = [72, 0], sizes = [8, 128], strides = [1, 1]} : vector<672x128xf32> to vector<8x128xf32>
    %add3A_420 = arith.addf %add3A_418, %slice3A_419 : vector<8x128xf32>
    %slice3A_421 = vector.extract_strided_slice %select_n3A_401 {offsets = [80, 0], sizes = [8, 128], strides = [1, 1]} : vector<672x128xf32> to vector<8x128xf32>
    %add3A_422 = arith.addf %add3A_420, %slice3A_421 : vector<8x128xf32>
    %slice3A_423 = vector.extract_strided_slice %select_n3A_401 {offsets = [88, 0], sizes = [8, 128], strides = [1, 1]} : vector<672x128xf32> to vector<8x128xf32>
    %add3A_424 = arith.addf %add3A_422, %slice3A_423 : vector<8x128xf32>
    %slice3A_425 = vector.extract_strided_slice %select_n3A_401 {offsets = [96, 0], sizes = [8, 128], strides = [1, 1]} : vector<672x128xf32> to vector<8x128xf32>
    %add3A_426 = arith.addf %add3A_424, %slice3A_425 : vector<8x128xf32>
    %slice3A_427 = vector.extract_strided_slice %select_n3A_401 {offsets = [104, 0], sizes = [8, 128], strides = [1, 1]} : vector<672x128xf32> to vector<8x128xf32>
    %add3A_428 = arith.addf %add3A_426, %slice3A_427 : vector<8x128xf32>
    %slice3A_429 = vector.extract_strided_slice %select_n3A_401 {offsets = [112, 0], sizes = [8, 128], strides = [1, 1]} : vector<672x128xf32> to vector<8x128xf32>
    %add3A_430 = arith.addf %add3A_428, %slice3A_429 : vector<8x128xf32>
    %slice3A_431 = vector.extract_strided_slice %select_n3A_401 {offsets = [120, 0], sizes = [8, 128], strides = [1, 1]} : vector<672x128xf32> to vector<8x128xf32>
    %add3A_432 = arith.addf %add3A_430, %slice3A_431 : vector<8x128xf32>
    %slice3A_433 = vector.extract_strided_slice %select_n3A_401 {offsets = [128, 0], sizes = [8, 128], strides = [1, 1]} : vector<672x128xf32> to vector<8x128xf32>
    %add3A_434 = arith.addf %add3A_432, %slice3A_433 : vector<8x128xf32>
    %slice3A_435 = vector.extract_strided_slice %select_n3A_401 {offsets = [136, 0], sizes = [8, 128], strides = [1, 1]} : vector<672x128xf32> to vector<8x128xf32>
    %add3A_436 = arith.addf %add3A_434, %slice3A_435 : vector<8x128xf32>
    %slice3A_437 = vector.extract_strided_slice %select_n3A_401 {offsets = [144, 0], sizes = [8, 128], strides = [1, 1]} : vector<672x128xf32> to vector<8x128xf32>
    %add3A_438 = arith.addf %add3A_436, %slice3A_437 : vector<8x128xf32>
    %slice3A_439 = vector.extract_strided_slice %select_n3A_401 {offsets = [152, 0], sizes = [8, 128], strides = [1, 1]} : vector<672x128xf32> to vector<8x128xf32>
    %add3A_440 = arith.addf %add3A_438, %slice3A_439 : vector<8x128xf32>
    %slice3A_441 = vector.extract_strided_slice %select_n3A_401 {offsets = [160, 0], sizes = [8, 128], strides = [1, 1]} : vector<672x128xf32> to vector<8x128xf32>
    %add3A_442 = arith.addf %add3A_440, %slice3A_441 : vector<8x128xf32>
    %slice3A_443 = vector.extract_strided_slice %select_n3A_401 {offsets = [168, 0], sizes = [8, 128], strides = [1, 1]} : vector<672x128xf32> to vector<8x128xf32>
    %add3A_444 = arith.addf %add3A_442, %slice3A_443 : vector<8x128xf32>
    %slice3A_445 = vector.extract_strided_slice %select_n3A_401 {offsets = [176, 0], sizes = [8, 128], strides = [1, 1]} : vector<672x128xf32> to vector<8x128xf32>
    %add3A_446 = arith.addf %add3A_444, %slice3A_445 : vector<8x128xf32>
    %slice3A_447 = vector.extract_strided_slice %select_n3A_401 {offsets = [184, 0], sizes = [8, 128], strides = [1, 1]} : vector<672x128xf32> to vector<8x128xf32>
    %add3A_448 = arith.addf %add3A_446, %slice3A_447 : vector<8x128xf32>
    %slice3A_449 = vector.extract_strided_slice %select_n3A_401 {offsets = [192, 0], sizes = [8, 128], strides = [1, 1]} : vector<672x128xf32> to vector<8x128xf32>
    %add3A_450 = arith.addf %add3A_448, %slice3A_449 : vector<8x128xf32>
    %slice3A_451 = vector.extract_strided_slice %select_n3A_401 {offsets = [200, 0], sizes = [8, 128], strides = [1, 1]} : vector<672x128xf32> to vector<8x128xf32>
    %add3A_452 = arith.addf %add3A_450, %slice3A_451 : vector<8x128xf32>
    %slice3A_453 = vector.extract_strided_slice %select_n3A_401 {offsets = [208, 0], sizes = [8, 128], strides = [1, 1]} : vector<672x128xf32> to vector<8x128xf32>
    %add3A_454 = arith.addf %add3A_452, %slice3A_453 : vector<8x128xf32>
    %slice3A_455 = vector.extract_strided_slice %select_n3A_401 {offsets = [216, 0], sizes = [8, 128], strides = [1, 1]} : vector<672x128xf32> to vector<8x128xf32>
    %add3A_456 = arith.addf %add3A_454, %slice3A_455 : vector<8x128xf32>
    %slice3A_457 = vector.extract_strided_slice %select_n3A_401 {offsets = [224, 0], sizes = [8, 128], strides = [1, 1]} : vector<672x128xf32> to vector<8x128xf32>
    %add3A_458 = arith.addf %add3A_456, %slice3A_457 : vector<8x128xf32>
    %slice3A_459 = vector.extract_strided_slice %select_n3A_401 {offsets = [232, 0], sizes = [8, 128], strides = [1, 1]} : vector<672x128xf32> to vector<8x128xf32>
    %add3A_460 = arith.addf %add3A_458, %slice3A_459 : vector<8x128xf32>
    %slice3A_461 = vector.extract_strided_slice %select_n3A_401 {offsets = [240, 0], sizes = [8, 128], strides = [1, 1]} : vector<672x128xf32> to vector<8x128xf32>
    %add3A_462 = arith.addf %add3A_460, %slice3A_461 : vector<8x128xf32>
    %slice3A_463 = vector.extract_strided_slice %select_n3A_401 {offsets = [248, 0], sizes = [8, 128], strides = [1, 1]} : vector<672x128xf32> to vector<8x128xf32>
    %add3A_464 = arith.addf %add3A_462, %slice3A_463 : vector<8x128xf32>
    %slice3A_465 = vector.extract_strided_slice %select_n3A_401 {offsets = [256, 0], sizes = [8, 128], strides = [1, 1]} : vector<672x128xf32> to vector<8x128xf32>
    %add3A_466 = arith.addf %add3A_464, %slice3A_465 : vector<8x128xf32>
    %slice3A_467 = vector.extract_strided_slice %select_n3A_401 {offsets = [264, 0], sizes = [8, 128], strides = [1, 1]} : vector<672x128xf32> to vector<8x128xf32>
    %add3A_468 = arith.addf %add3A_466, %slice3A_467 : vector<8x128xf32>
    %slice3A_469 = vector.extract_strided_slice %select_n3A_401 {offsets = [272, 0], sizes = [8, 128], strides = [1, 1]} : vector<672x128xf32> to vector<8x128xf32>
    %add3A_470 = arith.addf %add3A_468, %slice3A_469 : vector<8x128xf32>
    %slice3A_471 = vector.extract_strided_slice %select_n3A_401 {offsets = [280, 0], sizes = [8, 128], strides = [1, 1]} : vector<672x128xf32> to vector<8x128xf32>
    %add3A_472 = arith.addf %add3A_470, %slice3A_471 : vector<8x128xf32>
    %slice3A_473 = vector.extract_strided_slice %select_n3A_401 {offsets = [288, 0], sizes = [8, 128], strides = [1, 1]} : vector<672x128xf32> to vector<8x128xf32>
    %add3A_474 = arith.addf %add3A_472, %slice3A_473 : vector<8x128xf32>
    %slice3A_475 = vector.extract_strided_slice %select_n3A_401 {offsets = [296, 0], sizes = [8, 128], strides = [1, 1]} : vector<672x128xf32> to vector<8x128xf32>
    %add3A_476 = arith.addf %add3A_474, %slice3A_475 : vector<8x128xf32>
    %slice3A_477 = vector.extract_strided_slice %select_n3A_401 {offsets = [304, 0], sizes = [8, 128], strides = [1, 1]} : vector<672x128xf32> to vector<8x128xf32>
    %add3A_478 = arith.addf %add3A_476, %slice3A_477 : vector<8x128xf32>
    %slice3A_479 = vector.extract_strided_slice %select_n3A_401 {offsets = [312, 0], sizes = [8, 128], strides = [1, 1]} : vector<672x128xf32> to vector<8x128xf32>
    %add3A_480 = arith.addf %add3A_478, %slice3A_479 : vector<8x128xf32>
    %slice3A_481 = vector.extract_strided_slice %select_n3A_401 {offsets = [320, 0], sizes = [8, 128], strides = [1, 1]} : vector<672x128xf32> to vector<8x128xf32>
    %add3A_482 = arith.addf %add3A_480, %slice3A_481 : vector<8x128xf32>
    %slice3A_483 = vector.extract_strided_slice %select_n3A_401 {offsets = [328, 0], sizes = [8, 128], strides = [1, 1]} : vector<672x128xf32> to vector<8x128xf32>
    %add3A_484 = arith.addf %add3A_482, %slice3A_483 : vector<8x128xf32>
    %slice3A_485 = vector.extract_strided_slice %select_n3A_401 {offsets = [336, 0], sizes = [8, 128], strides = [1, 1]} : vector<672x128xf32> to vector<8x128xf32>
    %add3A_486 = arith.addf %add3A_484, %slice3A_485 : vector<8x128xf32>
    %slice3A_487 = vector.extract_strided_slice %select_n3A_401 {offsets = [344, 0], sizes = [8, 128], strides = [1, 1]} : vector<672x128xf32> to vector<8x128xf32>
    %add3A_488 = arith.addf %add3A_486, %slice3A_487 : vector<8x128xf32>
    %slice3A_489 = vector.extract_strided_slice %select_n3A_401 {offsets = [352, 0], sizes = [8, 128], strides = [1, 1]} : vector<672x128xf32> to vector<8x128xf32>
    %add3A_490 = arith.addf %add3A_488, %slice3A_489 : vector<8x128xf32>
    %slice3A_491 = vector.extract_strided_slice %select_n3A_401 {offsets = [360, 0], sizes = [8, 128], strides = [1, 1]} : vector<672x128xf32> to vector<8x128xf32>
    %add3A_492 = arith.addf %add3A_490, %slice3A_491 : vector<8x128xf32>
    %slice3A_493 = vector.extract_strided_slice %select_n3A_401 {offsets = [368, 0], sizes = [8, 128], strides = [1, 1]} : vector<672x128xf32> to vector<8x128xf32>
    %add3A_494 = arith.addf %add3A_492, %slice3A_493 : vector<8x128xf32>
    %slice3A_495 = vector.extract_strided_slice %select_n3A_401 {offsets = [376, 0], sizes = [8, 128], strides = [1, 1]} : vector<672x128xf32> to vector<8x128xf32>
    %add3A_496 = arith.addf %add3A_494, %slice3A_495 : vector<8x128xf32>
    %slice3A_497 = vector.extract_strided_slice %select_n3A_401 {offsets = [384, 0], sizes = [8, 128], strides = [1, 1]} : vector<672x128xf32> to vector<8x128xf32>
    %add3A_498 = arith.addf %add3A_496, %slice3A_497 : vector<8x128xf32>
    %slice3A_499 = vector.extract_strided_slice %select_n3A_401 {offsets = [392, 0], sizes = [8, 128], strides = [1, 1]} : vector<672x128xf32> to vector<8x128xf32>
    %add3A_500 = arith.addf %add3A_498, %slice3A_499 : vector<8x128xf32>
    %slice3A_501 = vector.extract_strided_slice %select_n3A_401 {offsets = [400, 0], sizes = [8, 128], strides = [1, 1]} : vector<672x128xf32> to vector<8x128xf32>
    %add3A_502 = arith.addf %add3A_500, %slice3A_501 : vector<8x128xf32>
    %slice3A_503 = vector.extract_strided_slice %select_n3A_401 {offsets = [408, 0], sizes = [8, 128], strides = [1, 1]} : vector<672x128xf32> to vector<8x128xf32>
    %add3A_504 = arith.addf %add3A_502, %slice3A_503 : vector<8x128xf32>
    %slice3A_505 = vector.extract_strided_slice %select_n3A_401 {offsets = [416, 0], sizes = [8, 128], strides = [1, 1]} : vector<672x128xf32> to vector<8x128xf32>
    %add3A_506 = arith.addf %add3A_504, %slice3A_505 : vector<8x128xf32>
    %slice3A_507 = vector.extract_strided_slice %select_n3A_401 {offsets = [424, 0], sizes = [8, 128], strides = [1, 1]} : vector<672x128xf32> to vector<8x128xf32>
    %add3A_508 = arith.addf %add3A_506, %slice3A_507 : vector<8x128xf32>
    %slice3A_509 = vector.extract_strided_slice %select_n3A_401 {offsets = [432, 0], sizes = [8, 128], strides = [1, 1]} : vector<672x128xf32> to vector<8x128xf32>
    %add3A_510 = arith.addf %add3A_508, %slice3A_509 : vector<8x128xf32>
    %slice3A_511 = vector.extract_strided_slice %select_n3A_401 {offsets = [440, 0], sizes = [8, 128], strides = [1, 1]} : vector<672x128xf32> to vector<8x128xf32>
    %add3A_512 = arith.addf %add3A_510, %slice3A_511 : vector<8x128xf32>
    %slice3A_513 = vector.extract_strided_slice %select_n3A_401 {offsets = [448, 0], sizes = [8, 128], strides = [1, 1]} : vector<672x128xf32> to vector<8x128xf32>
    %add3A_514 = arith.addf %add3A_512, %slice3A_513 : vector<8x128xf32>
    %slice3A_515 = vector.extract_strided_slice %select_n3A_401 {offsets = [456, 0], sizes = [8, 128], strides = [1, 1]} : vector<672x128xf32> to vector<8x128xf32>
    %add3A_516 = arith.addf %add3A_514, %slice3A_515 : vector<8x128xf32>
    %slice3A_517 = vector.extract_strided_slice %select_n3A_401 {offsets = [464, 0], sizes = [8, 128], strides = [1, 1]} : vector<672x128xf32> to vector<8x128xf32>
    %add3A_518 = arith.addf %add3A_516, %slice3A_517 : vector<8x128xf32>
    %slice3A_519 = vector.extract_strided_slice %select_n3A_401 {offsets = [472, 0], sizes = [8, 128], strides = [1, 1]} : vector<672x128xf32> to vector<8x128xf32>
    %add3A_520 = arith.addf %add3A_518, %slice3A_519 : vector<8x128xf32>
    %slice3A_521 = vector.extract_strided_slice %select_n3A_401 {offsets = [480, 0], sizes = [8, 128], strides = [1, 1]} : vector<672x128xf32> to vector<8x128xf32>
    %add3A_522 = arith.addf %add3A_520, %slice3A_521 : vector<8x128xf32>
    %slice3A_523 = vector.extract_strided_slice %select_n3A_401 {offsets = [488, 0], sizes = [8, 128], strides = [1, 1]} : vector<672x128xf32> to vector<8x128xf32>
    %add3A_524 = arith.addf %add3A_522, %slice3A_523 : vector<8x128xf32>
    %slice3A_525 = vector.extract_strided_slice %select_n3A_401 {offsets = [496, 0], sizes = [8, 128], strides = [1, 1]} : vector<672x128xf32> to vector<8x128xf32>
    %add3A_526 = arith.addf %add3A_524, %slice3A_525 : vector<8x128xf32>
    %slice3A_527 = vector.extract_strided_slice %select_n3A_401 {offsets = [504, 0], sizes = [8, 128], strides = [1, 1]} : vector<672x128xf32> to vector<8x128xf32>
    %add3A_528 = arith.addf %add3A_526, %slice3A_527 : vector<8x128xf32>
    %slice3A_529 = vector.extract_strided_slice %select_n3A_401 {offsets = [512, 0], sizes = [8, 128], strides = [1, 1]} : vector<672x128xf32> to vector<8x128xf32>
    %add3A_530 = arith.addf %add3A_528, %slice3A_529 : vector<8x128xf32>
    %slice3A_531 = vector.extract_strided_slice %select_n3A_401 {offsets = [520, 0], sizes = [8, 128], strides = [1, 1]} : vector<672x128xf32> to vector<8x128xf32>
    %add3A_532 = arith.addf %add3A_530, %slice3A_531 : vector<8x128xf32>
    %slice3A_533 = vector.extract_strided_slice %select_n3A_401 {offsets = [528, 0], sizes = [8, 128], strides = [1, 1]} : vector<672x128xf32> to vector<8x128xf32>
    %add3A_534 = arith.addf %add3A_532, %slice3A_533 : vector<8x128xf32>
    %slice3A_535 = vector.extract_strided_slice %select_n3A_401 {offsets = [536, 0], sizes = [8, 128], strides = [1, 1]} : vector<672x128xf32> to vector<8x128xf32>
    %add3A_536 = arith.addf %add3A_534, %slice3A_535 : vector<8x128xf32>
    %slice3A_537 = vector.extract_strided_slice %select_n3A_401 {offsets = [544, 0], sizes = [8, 128], strides = [1, 1]} : vector<672x128xf32> to vector<8x128xf32>
    %add3A_538 = arith.addf %add3A_536, %slice3A_537 : vector<8x128xf32>
    %slice3A_539 = vector.extract_strided_slice %select_n3A_401 {offsets = [552, 0], sizes = [8, 128], strides = [1, 1]} : vector<672x128xf32> to vector<8x128xf32>
    %add3A_540 = arith.addf %add3A_538, %slice3A_539 : vector<8x128xf32>
    %slice3A_541 = vector.extract_strided_slice %select_n3A_401 {offsets = [560, 0], sizes = [8, 128], strides = [1, 1]} : vector<672x128xf32> to vector<8x128xf32>
    %add3A_542 = arith.addf %add3A_540, %slice3A_541 : vector<8x128xf32>
    %slice3A_543 = vector.extract_strided_slice %select_n3A_401 {offsets = [568, 0], sizes = [8, 128], strides = [1, 1]} : vector<672x128xf32> to vector<8x128xf32>
    %add3A_544 = arith.addf %add3A_542, %slice3A_543 : vector<8x128xf32>
    %slice3A_545 = vector.extract_strided_slice %select_n3A_401 {offsets = [576, 0], sizes = [8, 128], strides = [1, 1]} : vector<672x128xf32> to vector<8x128xf32>
    %add3A_546 = arith.addf %add3A_544, %slice3A_545 : vector<8x128xf32>
    %slice3A_547 = vector.extract_strided_slice %select_n3A_401 {offsets = [584, 0], sizes = [8, 128], strides = [1, 1]} : vector<672x128xf32> to vector<8x128xf32>
    %add3A_548 = arith.addf %add3A_546, %slice3A_547 : vector<8x128xf32>
    %slice3A_549 = vector.extract_strided_slice %select_n3A_401 {offsets = [592, 0], sizes = [8, 128], strides = [1, 1]} : vector<672x128xf32> to vector<8x128xf32>
    %add3A_550 = arith.addf %add3A_548, %slice3A_549 : vector<8x128xf32>
    %slice3A_551 = vector.extract_strided_slice %select_n3A_401 {offsets = [600, 0], sizes = [8, 128], strides = [1, 1]} : vector<672x128xf32> to vector<8x128xf32>
    %add3A_552 = arith.addf %add3A_550, %slice3A_551 : vector<8x128xf32>
    %slice3A_553 = vector.extract_strided_slice %select_n3A_401 {offsets = [608, 0], sizes = [8, 128], strides = [1, 1]} : vector<672x128xf32> to vector<8x128xf32>
    %add3A_554 = arith.addf %add3A_552, %slice3A_553 : vector<8x128xf32>
    %slice3A_555 = vector.extract_strided_slice %select_n3A_401 {offsets = [616, 0], sizes = [8, 128], strides = [1, 1]} : vector<672x128xf32> to vector<8x128xf32>
    %add3A_556 = arith.addf %add3A_554, %slice3A_555 : vector<8x128xf32>
    %slice3A_557 = vector.extract_strided_slice %select_n3A_401 {offsets = [624, 0], sizes = [8, 128], strides = [1, 1]} : vector<672x128xf32> to vector<8x128xf32>
    %add3A_558 = arith.addf %add3A_556, %slice3A_557 : vector<8x128xf32>
    %slice3A_559 = vector.extract_strided_slice %select_n3A_401 {offsets = [632, 0], sizes = [8, 128], strides = [1, 1]} : vector<672x128xf32> to vector<8x128xf32>
    %add3A_560 = arith.addf %add3A_558, %slice3A_559 : vector<8x128xf32>
    %slice3A_561 = vector.extract_strided_slice %select_n3A_401 {offsets = [640, 0], sizes = [8, 128], strides = [1, 1]} : vector<672x128xf32> to vector<8x128xf32>
    %add3A_562 = arith.addf %add3A_560, %slice3A_561 : vector<8x128xf32>
    %slice3A_563 = vector.extract_strided_slice %select_n3A_401 {offsets = [648, 0], sizes = [8, 128], strides = [1, 1]} : vector<672x128xf32> to vector<8x128xf32>
    %add3A_564 = arith.addf %add3A_562, %slice3A_563 : vector<8x128xf32>
    %slice3A_565 = vector.extract_strided_slice %select_n3A_401 {offsets = [656, 0], sizes = [8, 128], strides = [1, 1]} : vector<672x128xf32> to vector<8x128xf32>
    %add3A_566 = arith.addf %add3A_564, %slice3A_565 : vector<8x128xf32>
    %slice3A_567 = vector.extract_strided_slice %select_n3A_401 {offsets = [664, 0], sizes = [8, 128], strides = [1, 1]} : vector<672x128xf32> to vector<8x128xf32>
    %add3A_568 = arith.addf %add3A_566, %slice3A_567 : vector<8x128xf32>
    %add3A_569 = arith.addf %get3A_396, %add3A_568 : vector<8x128xf32>
    %swap3A_570 = arith.constant 0 : index
    %swap3A_571 = arith.constant 0 : index
    %swap3A_572 = arith.constant 0 : index
    %swap3A_573 = vector.load %arg4[%swap3A_570, %swap3A_571, %swap3A_572] : memref<4x8x128xf32, #tpu.memory_space<vmem>>, vector<1x8x128xf32>
    %swap3A_574 = vector.shape_cast %swap3A_573 : vector<1x8x128xf32> to vector<8x128xf32>
    %swap3A_575 = vector.shape_cast %add3A_569 : vector<8x128xf32> to vector<1x8x128xf32>
    tpu.vector_store %arg4[%swap3A_570, %swap3A_571, %swap3A_572], %swap3A_575 {strides = array<i32>} : memref<4x8x128xf32, #tpu.memory_space<vmem>>, vector<1x8x128xf32>,
    %get3A_576 = arith.constant 1 : index
    %get3A_577 = arith.constant 0 : index
    %get3A_578 = arith.constant 0 : index
    %get3A_579 = vector.load %arg5[%get3A_576, %get3A_577, %get3A_578] : memref<5x8x128xf32, #tpu.memory_space<vmem>>, vector<1x8x128xf32>
    %get3A_580 = vector.shape_cast %get3A_579 : vector<1x8x128xf32> to vector<8x128xf32>
    %and3A = arith.andi %ge3A_22, %eq3A_17 : vector<672x128xi1>
    %jit3A_581 = arith.constant 1.000000e+00 : f32
    %jit3A_582 = arith.constant 0.000000e+00 : f32
    %broadcast_in_dim3A_583 = vector.broadcast %jit3A_581 : f32 to vector<672x128xf32>
    %broadcast_in_dim3A_584 = vector.broadcast %jit3A_582 : f32 to vector<672x128xf32>
    %select_n3A_585 = arith.select %and3A, %broadcast_in_dim3A_583, %broadcast_in_dim3A_584 : vector<672x128xi1>, vector<672x128xf32>
    %slice3A_586 = vector.extract_strided_slice %select_n3A_585 {offsets = [0, 0], sizes = [8, 128], strides = [1, 1]} : vector<672x128xf32> to vector<8x128xf32>
    %slice3A_587 = vector.extract_strided_slice %select_n3A_585 {offsets = [8, 0], sizes = [8, 128], strides = [1, 1]} : vector<672x128xf32> to vector<8x128xf32>
    %add3A_588 = arith.addf %slice3A_586, %slice3A_587 : vector<8x128xf32>
    %slice3A_589 = vector.extract_strided_slice %select_n3A_585 {offsets = [16, 0], sizes = [8, 128], strides = [1, 1]} : vector<672x128xf32> to vector<8x128xf32>
    %add3A_590 = arith.addf %add3A_588, %slice3A_589 : vector<8x128xf32>
    %slice3A_591 = vector.extract_strided_slice %select_n3A_585 {offsets = [24, 0], sizes = [8, 128], strides = [1, 1]} : vector<672x128xf32> to vector<8x128xf32>
    %add3A_592 = arith.addf %add3A_590, %slice3A_591 : vector<8x128xf32>
    %slice3A_593 = vector.extract_strided_slice %select_n3A_585 {offsets = [32, 0], sizes = [8, 128], strides = [1, 1]} : vector<672x128xf32> to vector<8x128xf32>
    %add3A_594 = arith.addf %add3A_592, %slice3A_593 : vector<8x128xf32>
    %slice3A_595 = vector.extract_strided_slice %select_n3A_585 {offsets = [40, 0], sizes = [8, 128], strides = [1, 1]} : vector<672x128xf32> to vector<8x128xf32>
    %add3A_596 = arith.addf %add3A_594, %slice3A_595 : vector<8x128xf32>
    %slice3A_597 = vector.extract_strided_slice %select_n3A_585 {offsets = [48, 0], sizes = [8, 128], strides = [1, 1]} : vector<672x128xf32> to vector<8x128xf32>
    %add3A_598 = arith.addf %add3A_596, %slice3A_597 : vector<8x128xf32>
    %slice3A_599 = vector.extract_strided_slice %select_n3A_585 {offsets = [56, 0], sizes = [8, 128], strides = [1, 1]} : vector<672x128xf32> to vector<8x128xf32>
    %add3A_600 = arith.addf %add3A_598, %slice3A_599 : vector<8x128xf32>
    %slice3A_601 = vector.extract_strided_slice %select_n3A_585 {offsets = [64, 0], sizes = [8, 128], strides = [1, 1]} : vector<672x128xf32> to vector<8x128xf32>
    %add3A_602 = arith.addf %add3A_600, %slice3A_601 : vector<8x128xf32>
    %slice3A_603 = vector.extract_strided_slice %select_n3A_585 {offsets = [72, 0], sizes = [8, 128], strides = [1, 1]} : vector<672x128xf32> to vector<8x128xf32>
    %add3A_604 = arith.addf %add3A_602, %slice3A_603 : vector<8x128xf32>
    %slice3A_605 = vector.extract_strided_slice %select_n3A_585 {offsets = [80, 0], sizes = [8, 128], strides = [1, 1]} : vector<672x128xf32> to vector<8x128xf32>
    %add3A_606 = arith.addf %add3A_604, %slice3A_605 : vector<8x128xf32>
    %slice3A_607 = vector.extract_strided_slice %select_n3A_585 {offsets = [88, 0], sizes = [8, 128], strides = [1, 1]} : vector<672x128xf32> to vector<8x128xf32>
    %add3A_608 = arith.addf %add3A_606, %slice3A_607 : vector<8x128xf32>
    %slice3A_609 = vector.extract_strided_slice %select_n3A_585 {offsets = [96, 0], sizes = [8, 128], strides = [1, 1]} : vector<672x128xf32> to vector<8x128xf32>
    %add3A_610 = arith.addf %add3A_608, %slice3A_609 : vector<8x128xf32>
    %slice3A_611 = vector.extract_strided_slice %select_n3A_585 {offsets = [104, 0], sizes = [8, 128], strides = [1, 1]} : vector<672x128xf32> to vector<8x128xf32>
    %add3A_612 = arith.addf %add3A_610, %slice3A_611 : vector<8x128xf32>
    %slice3A_613 = vector.extract_strided_slice %select_n3A_585 {offsets = [112, 0], sizes = [8, 128], strides = [1, 1]} : vector<672x128xf32> to vector<8x128xf32>
    %add3A_614 = arith.addf %add3A_612, %slice3A_613 : vector<8x128xf32>
    %slice3A_615 = vector.extract_strided_slice %select_n3A_585 {offsets = [120, 0], sizes = [8, 128], strides = [1, 1]} : vector<672x128xf32> to vector<8x128xf32>
    %add3A_616 = arith.addf %add3A_614, %slice3A_615 : vector<8x128xf32>
    %slice3A_617 = vector.extract_strided_slice %select_n3A_585 {offsets = [128, 0], sizes = [8, 128], strides = [1, 1]} : vector<672x128xf32> to vector<8x128xf32>
    %add3A_618 = arith.addf %add3A_616, %slice3A_617 : vector<8x128xf32>
    %slice3A_619 = vector.extract_strided_slice %select_n3A_585 {offsets = [136, 0], sizes = [8, 128], strides = [1, 1]} : vector<672x128xf32> to vector<8x128xf32>
    %add3A_620 = arith.addf %add3A_618, %slice3A_619 : vector<8x128xf32>
    %slice3A_621 = vector.extract_strided_slice %select_n3A_585 {offsets = [144, 0], sizes = [8, 128], strides = [1, 1]} : vector<672x128xf32> to vector<8x128xf32>
    %add3A_622 = arith.addf %add3A_620, %slice3A_621 : vector<8x128xf32>
    %slice3A_623 = vector.extract_strided_slice %select_n3A_585 {offsets = [152, 0], sizes = [8, 128], strides = [1, 1]} : vector<672x128xf32> to vector<8x128xf32>
    %add3A_624 = arith.addf %add3A_622, %slice3A_623 : vector<8x128xf32>
    %slice3A_625 = vector.extract_strided_slice %select_n3A_585 {offsets = [160, 0], sizes = [8, 128], strides = [1, 1]} : vector<672x128xf32> to vector<8x128xf32>
    %add3A_626 = arith.addf %add3A_624, %slice3A_625 : vector<8x128xf32>
    %slice3A_627 = vector.extract_strided_slice %select_n3A_585 {offsets = [168, 0], sizes = [8, 128], strides = [1, 1]} : vector<672x128xf32> to vector<8x128xf32>
    %add3A_628 = arith.addf %add3A_626, %slice3A_627 : vector<8x128xf32>
    %slice3A_629 = vector.extract_strided_slice %select_n3A_585 {offsets = [176, 0], sizes = [8, 128], strides = [1, 1]} : vector<672x128xf32> to vector<8x128xf32>
    %add3A_630 = arith.addf %add3A_628, %slice3A_629 : vector<8x128xf32>
    %slice3A_631 = vector.extract_strided_slice %select_n3A_585 {offsets = [184, 0], sizes = [8, 128], strides = [1, 1]} : vector<672x128xf32> to vector<8x128xf32>
    %add3A_632 = arith.addf %add3A_630, %slice3A_631 : vector<8x128xf32>
    %slice3A_633 = vector.extract_strided_slice %select_n3A_585 {offsets = [192, 0], sizes = [8, 128], strides = [1, 1]} : vector<672x128xf32> to vector<8x128xf32>
    %add3A_634 = arith.addf %add3A_632, %slice3A_633 : vector<8x128xf32>
    %slice3A_635 = vector.extract_strided_slice %select_n3A_585 {offsets = [200, 0], sizes = [8, 128], strides = [1, 1]} : vector<672x128xf32> to vector<8x128xf32>
    %add3A_636 = arith.addf %add3A_634, %slice3A_635 : vector<8x128xf32>
    %slice3A_637 = vector.extract_strided_slice %select_n3A_585 {offsets = [208, 0], sizes = [8, 128], strides = [1, 1]} : vector<672x128xf32> to vector<8x128xf32>
    %add3A_638 = arith.addf %add3A_636, %slice3A_637 : vector<8x128xf32>
    %slice3A_639 = vector.extract_strided_slice %select_n3A_585 {offsets = [216, 0], sizes = [8, 128], strides = [1, 1]} : vector<672x128xf32> to vector<8x128xf32>
    %add3A_640 = arith.addf %add3A_638, %slice3A_639 : vector<8x128xf32>
    %slice3A_641 = vector.extract_strided_slice %select_n3A_585 {offsets = [224, 0], sizes = [8, 128], strides = [1, 1]} : vector<672x128xf32> to vector<8x128xf32>
    %add3A_642 = arith.addf %add3A_640, %slice3A_641 : vector<8x128xf32>
    %slice3A_643 = vector.extract_strided_slice %select_n3A_585 {offsets = [232, 0], sizes = [8, 128], strides = [1, 1]} : vector<672x128xf32> to vector<8x128xf32>
    %add3A_644 = arith.addf %add3A_642, %slice3A_643 : vector<8x128xf32>
    %slice3A_645 = vector.extract_strided_slice %select_n3A_585 {offsets = [240, 0], sizes = [8, 128], strides = [1, 1]} : vector<672x128xf32> to vector<8x128xf32>
    %add3A_646 = arith.addf %add3A_644, %slice3A_645 : vector<8x128xf32>
    %slice3A_647 = vector.extract_strided_slice %select_n3A_585 {offsets = [248, 0], sizes = [8, 128], strides = [1, 1]} : vector<672x128xf32> to vector<8x128xf32>
    %add3A_648 = arith.addf %add3A_646, %slice3A_647 : vector<8x128xf32>
    %slice3A_649 = vector.extract_strided_slice %select_n3A_585 {offsets = [256, 0], sizes = [8, 128], strides = [1, 1]} : vector<672x128xf32> to vector<8x128xf32>
    %add3A_650 = arith.addf %add3A_648, %slice3A_649 : vector<8x128xf32>
    %slice3A_651 = vector.extract_strided_slice %select_n3A_585 {offsets = [264, 0], sizes = [8, 128], strides = [1, 1]} : vector<672x128xf32> to vector<8x128xf32>
    %add3A_652 = arith.addf %add3A_650, %slice3A_651 : vector<8x128xf32>
    %slice3A_653 = vector.extract_strided_slice %select_n3A_585 {offsets = [272, 0], sizes = [8, 128], strides = [1, 1]} : vector<672x128xf32> to vector<8x128xf32>
    %add3A_654 = arith.addf %add3A_652, %slice3A_653 : vector<8x128xf32>
    %slice3A_655 = vector.extract_strided_slice %select_n3A_585 {offsets = [280, 0], sizes = [8, 128], strides = [1, 1]} : vector<672x128xf32> to vector<8x128xf32>
    %add3A_656 = arith.addf %add3A_654, %slice3A_655 : vector<8x128xf32>
    %slice3A_657 = vector.extract_strided_slice %select_n3A_585 {offsets = [288, 0], sizes = [8, 128], strides = [1, 1]} : vector<672x128xf32> to vector<8x128xf32>
    %add3A_658 = arith.addf %add3A_656, %slice3A_657 : vector<8x128xf32>
    %slice3A_659 = vector.extract_strided_slice %select_n3A_585 {offsets = [296, 0], sizes = [8, 128], strides = [1, 1]} : vector<672x128xf32> to vector<8x128xf32>
    %add3A_660 = arith.addf %add3A_658, %slice3A_659 : vector<8x128xf32>
    %slice3A_661 = vector.extract_strided_slice %select_n3A_585 {offsets = [304, 0], sizes = [8, 128], strides = [1, 1]} : vector<672x128xf32> to vector<8x128xf32>
    %add3A_662 = arith.addf %add3A_660, %slice3A_661 : vector<8x128xf32>
    %slice3A_663 = vector.extract_strided_slice %select_n3A_585 {offsets = [312, 0], sizes = [8, 128], strides = [1, 1]} : vector<672x128xf32> to vector<8x128xf32>
    %add3A_664 = arith.addf %add3A_662, %slice3A_663 : vector<8x128xf32>
    %slice3A_665 = vector.extract_strided_slice %select_n3A_585 {offsets = [320, 0], sizes = [8, 128], strides = [1, 1]} : vector<672x128xf32> to vector<8x128xf32>
    %add3A_666 = arith.addf %add3A_664, %slice3A_665 : vector<8x128xf32>
    %slice3A_667 = vector.extract_strided_slice %select_n3A_585 {offsets = [328, 0], sizes = [8, 128], strides = [1, 1]} : vector<672x128xf32> to vector<8x128xf32>
    %add3A_668 = arith.addf %add3A_666, %slice3A_667 : vector<8x128xf32>
    %slice3A_669 = vector.extract_strided_slice %select_n3A_585 {offsets = [336, 0], sizes = [8, 128], strides = [1, 1]} : vector<672x128xf32> to vector<8x128xf32>
    %add3A_670 = arith.addf %add3A_668, %slice3A_669 : vector<8x128xf32>
    %slice3A_671 = vector.extract_strided_slice %select_n3A_585 {offsets = [344, 0], sizes = [8, 128], strides = [1, 1]} : vector<672x128xf32> to vector<8x128xf32>
    %add3A_672 = arith.addf %add3A_670, %slice3A_671 : vector<8x128xf32>
    %slice3A_673 = vector.extract_strided_slice %select_n3A_585 {offsets = [352, 0], sizes = [8, 128], strides = [1, 1]} : vector<672x128xf32> to vector<8x128xf32>
    %add3A_674 = arith.addf %add3A_672, %slice3A_673 : vector<8x128xf32>
    %slice3A_675 = vector.extract_strided_slice %select_n3A_585 {offsets = [360, 0], sizes = [8, 128], strides = [1, 1]} : vector<672x128xf32> to vector<8x128xf32>
    %add3A_676 = arith.addf %add3A_674, %slice3A_675 : vector<8x128xf32>
    %slice3A_677 = vector.extract_strided_slice %select_n3A_585 {offsets = [368, 0], sizes = [8, 128], strides = [1, 1]} : vector<672x128xf32> to vector<8x128xf32>
    %add3A_678 = arith.addf %add3A_676, %slice3A_677 : vector<8x128xf32>
    %slice3A_679 = vector.extract_strided_slice %select_n3A_585 {offsets = [376, 0], sizes = [8, 128], strides = [1, 1]} : vector<672x128xf32> to vector<8x128xf32>
    %add3A_680 = arith.addf %add3A_678, %slice3A_679 : vector<8x128xf32>
    %slice3A_681 = vector.extract_strided_slice %select_n3A_585 {offsets = [384, 0], sizes = [8, 128], strides = [1, 1]} : vector<672x128xf32> to vector<8x128xf32>
    %add3A_682 = arith.addf %add3A_680, %slice3A_681 : vector<8x128xf32>
    %slice3A_683 = vector.extract_strided_slice %select_n3A_585 {offsets = [392, 0], sizes = [8, 128], strides = [1, 1]} : vector<672x128xf32> to vector<8x128xf32>
    %add3A_684 = arith.addf %add3A_682, %slice3A_683 : vector<8x128xf32>
    %slice3A_685 = vector.extract_strided_slice %select_n3A_585 {offsets = [400, 0], sizes = [8, 128], strides = [1, 1]} : vector<672x128xf32> to vector<8x128xf32>
    %add3A_686 = arith.addf %add3A_684, %slice3A_685 : vector<8x128xf32>
    %slice3A_687 = vector.extract_strided_slice %select_n3A_585 {offsets = [408, 0], sizes = [8, 128], strides = [1, 1]} : vector<672x128xf32> to vector<8x128xf32>
    %add3A_688 = arith.addf %add3A_686, %slice3A_687 : vector<8x128xf32>
    %slice3A_689 = vector.extract_strided_slice %select_n3A_585 {offsets = [416, 0], sizes = [8, 128], strides = [1, 1]} : vector<672x128xf32> to vector<8x128xf32>
    %add3A_690 = arith.addf %add3A_688, %slice3A_689 : vector<8x128xf32>
    %slice3A_691 = vector.extract_strided_slice %select_n3A_585 {offsets = [424, 0], sizes = [8, 128], strides = [1, 1]} : vector<672x128xf32> to vector<8x128xf32>
    %add3A_692 = arith.addf %add3A_690, %slice3A_691 : vector<8x128xf32>
    %slice3A_693 = vector.extract_strided_slice %select_n3A_585 {offsets = [432, 0], sizes = [8, 128], strides = [1, 1]} : vector<672x128xf32> to vector<8x128xf32>
    %add3A_694 = arith.addf %add3A_692, %slice3A_693 : vector<8x128xf32>
    %slice3A_695 = vector.extract_strided_slice %select_n3A_585 {offsets = [440, 0], sizes = [8, 128], strides = [1, 1]} : vector<672x128xf32> to vector<8x128xf32>
    %add3A_696 = arith.addf %add3A_694, %slice3A_695 : vector<8x128xf32>
    %slice3A_697 = vector.extract_strided_slice %select_n3A_585 {offsets = [448, 0], sizes = [8, 128], strides = [1, 1]} : vector<672x128xf32> to vector<8x128xf32>
    %add3A_698 = arith.addf %add3A_696, %slice3A_697 : vector<8x128xf32>
    %slice3A_699 = vector.extract_strided_slice %select_n3A_585 {offsets = [456, 0], sizes = [8, 128], strides = [1, 1]} : vector<672x128xf32> to vector<8x128xf32>
    %add3A_700 = arith.addf %add3A_698, %slice3A_699 : vector<8x128xf32>
    %slice3A_701 = vector.extract_strided_slice %select_n3A_585 {offsets = [464, 0], sizes = [8, 128], strides = [1, 1]} : vector<672x128xf32> to vector<8x128xf32>
    %add3A_702 = arith.addf %add3A_700, %slice3A_701 : vector<8x128xf32>
    %slice3A_703 = vector.extract_strided_slice %select_n3A_585 {offsets = [472, 0], sizes = [8, 128], strides = [1, 1]} : vector<672x128xf32> to vector<8x128xf32>
    %add3A_704 = arith.addf %add3A_702, %slice3A_703 : vector<8x128xf32>
    %slice3A_705 = vector.extract_strided_slice %select_n3A_585 {offsets = [480, 0], sizes = [8, 128], strides = [1, 1]} : vector<672x128xf32> to vector<8x128xf32>
    %add3A_706 = arith.addf %add3A_704, %slice3A_705 : vector<8x128xf32>
    %slice3A_707 = vector.extract_strided_slice %select_n3A_585 {offsets = [488, 0], sizes = [8, 128], strides = [1, 1]} : vector<672x128xf32> to vector<8x128xf32>
    %add3A_708 = arith.addf %add3A_706, %slice3A_707 : vector<8x128xf32>
    %slice3A_709 = vector.extract_strided_slice %select_n3A_585 {offsets = [496, 0], sizes = [8, 128], strides = [1, 1]} : vector<672x128xf32> to vector<8x128xf32>
    %add3A_710 = arith.addf %add3A_708, %slice3A_709 : vector<8x128xf32>
    %slice3A_711 = vector.extract_strided_slice %select_n3A_585 {offsets = [504, 0], sizes = [8, 128], strides = [1, 1]} : vector<672x128xf32> to vector<8x128xf32>
    %add3A_712 = arith.addf %add3A_710, %slice3A_711 : vector<8x128xf32>
    %slice3A_713 = vector.extract_strided_slice %select_n3A_585 {offsets = [512, 0], sizes = [8, 128], strides = [1, 1]} : vector<672x128xf32> to vector<8x128xf32>
    %add3A_714 = arith.addf %add3A_712, %slice3A_713 : vector<8x128xf32>
    %slice3A_715 = vector.extract_strided_slice %select_n3A_585 {offsets = [520, 0], sizes = [8, 128], strides = [1, 1]} : vector<672x128xf32> to vector<8x128xf32>
    %add3A_716 = arith.addf %add3A_714, %slice3A_715 : vector<8x128xf32>
    %slice3A_717 = vector.extract_strided_slice %select_n3A_585 {offsets = [528, 0], sizes = [8, 128], strides = [1, 1]} : vector<672x128xf32> to vector<8x128xf32>
    %add3A_718 = arith.addf %add3A_716, %slice3A_717 : vector<8x128xf32>
    %slice3A_719 = vector.extract_strided_slice %select_n3A_585 {offsets = [536, 0], sizes = [8, 128], strides = [1, 1]} : vector<672x128xf32> to vector<8x128xf32>
    %add3A_720 = arith.addf %add3A_718, %slice3A_719 : vector<8x128xf32>
    %slice3A_721 = vector.extract_strided_slice %select_n3A_585 {offsets = [544, 0], sizes = [8, 128], strides = [1, 1]} : vector<672x128xf32> to vector<8x128xf32>
    %add3A_722 = arith.addf %add3A_720, %slice3A_721 : vector<8x128xf32>
    %slice3A_723 = vector.extract_strided_slice %select_n3A_585 {offsets = [552, 0], sizes = [8, 128], strides = [1, 1]} : vector<672x128xf32> to vector<8x128xf32>
    %add3A_724 = arith.addf %add3A_722, %slice3A_723 : vector<8x128xf32>
    %slice3A_725 = vector.extract_strided_slice %select_n3A_585 {offsets = [560, 0], sizes = [8, 128], strides = [1, 1]} : vector<672x128xf32> to vector<8x128xf32>
    %add3A_726 = arith.addf %add3A_724, %slice3A_725 : vector<8x128xf32>
    %slice3A_727 = vector.extract_strided_slice %select_n3A_585 {offsets = [568, 0], sizes = [8, 128], strides = [1, 1]} : vector<672x128xf32> to vector<8x128xf32>
    %add3A_728 = arith.addf %add3A_726, %slice3A_727 : vector<8x128xf32>
    %slice3A_729 = vector.extract_strided_slice %select_n3A_585 {offsets = [576, 0], sizes = [8, 128], strides = [1, 1]} : vector<672x128xf32> to vector<8x128xf32>
    %add3A_730 = arith.addf %add3A_728, %slice3A_729 : vector<8x128xf32>
    %slice3A_731 = vector.extract_strided_slice %select_n3A_585 {offsets = [584, 0], sizes = [8, 128], strides = [1, 1]} : vector<672x128xf32> to vector<8x128xf32>
    %add3A_732 = arith.addf %add3A_730, %slice3A_731 : vector<8x128xf32>
    %slice3A_733 = vector.extract_strided_slice %select_n3A_585 {offsets = [592, 0], sizes = [8, 128], strides = [1, 1]} : vector<672x128xf32> to vector<8x128xf32>
    %add3A_734 = arith.addf %add3A_732, %slice3A_733 : vector<8x128xf32>
    %slice3A_735 = vector.extract_strided_slice %select_n3A_585 {offsets = [600, 0], sizes = [8, 128], strides = [1, 1]} : vector<672x128xf32> to vector<8x128xf32>
    %add3A_736 = arith.addf %add3A_734, %slice3A_735 : vector<8x128xf32>
    %slice3A_737 = vector.extract_strided_slice %select_n3A_585 {offsets = [608, 0], sizes = [8, 128], strides = [1, 1]} : vector<672x128xf32> to vector<8x128xf32>
    %add3A_738 = arith.addf %add3A_736, %slice3A_737 : vector<8x128xf32>
    %slice3A_739 = vector.extract_strided_slice %select_n3A_585 {offsets = [616, 0], sizes = [8, 128], strides = [1, 1]} : vector<672x128xf32> to vector<8x128xf32>
    %add3A_740 = arith.addf %add3A_738, %slice3A_739 : vector<8x128xf32>
    %slice3A_741 = vector.extract_strided_slice %select_n3A_585 {offsets = [624, 0], sizes = [8, 128], strides = [1, 1]} : vector<672x128xf32> to vector<8x128xf32>
    %add3A_742 = arith.addf %add3A_740, %slice3A_741 : vector<8x128xf32>
    %slice3A_743 = vector.extract_strided_slice %select_n3A_585 {offsets = [632, 0], sizes = [8, 128], strides = [1, 1]} : vector<672x128xf32> to vector<8x128xf32>
    %add3A_744 = arith.addf %add3A_742, %slice3A_743 : vector<8x128xf32>
    %slice3A_745 = vector.extract_strided_slice %select_n3A_585 {offsets = [640, 0], sizes = [8, 128], strides = [1, 1]} : vector<672x128xf32> to vector<8x128xf32>
    %add3A_746 = arith.addf %add3A_744, %slice3A_745 : vector<8x128xf32>
    %slice3A_747 = vector.extract_strided_slice %select_n3A_585 {offsets = [648, 0], sizes = [8, 128], strides = [1, 1]} : vector<672x128xf32> to vector<8x128xf32>
    %add3A_748 = arith.addf %add3A_746, %slice3A_747 : vector<8x128xf32>
    %slice3A_749 = vector.extract_strided_slice %select_n3A_585 {offsets = [656, 0], sizes = [8, 128], strides = [1, 1]} : vector<672x128xf32> to vector<8x128xf32>
    %add3A_750 = arith.addf %add3A_748, %slice3A_749 : vector<8x128xf32>
    %slice3A_751 = vector.extract_strided_slice %select_n3A_585 {offsets = [664, 0], sizes = [8, 128], strides = [1, 1]} : vector<672x128xf32> to vector<8x128xf32>
    %add3A_752 = arith.addf %add3A_750, %slice3A_751 : vector<8x128xf32>
    %add3A_753 = arith.addf %get3A_580, %add3A_752 : vector<8x128xf32>
    %swap3A_754 = arith.constant 1 : index
    %swap3A_755 = arith.constant 0 : index
    %swap3A_756 = arith.constant 0 : index
    %swap3A_757 = vector.load %arg5[%swap3A_754, %swap3A_755, %swap3A_756] : memref<5x8x128xf32, #tpu.memory_space<vmem>>, vector<1x8x128xf32>
    %swap3A_758 = vector.shape_cast %swap3A_757 : vector<1x8x128xf32> to vector<8x128xf32>
    %swap3A_759 = vector.shape_cast %add3A_753 : vector<8x128xf32> to vector<1x8x128xf32>
    tpu.vector_store %arg5[%swap3A_754, %swap3A_755, %swap3A_756], %swap3A_759 {strides = array<i32>} : memref<5x8x128xf32, #tpu.memory_space<vmem>>, vector<1x8x128xf32>,
    %get3A_760 = arith.constant 1 : index
    %get3A_761 = arith.constant 0 : index
    %get3A_762 = arith.constant 0 : index
    %get3A_763 = vector.load %arg6[%get3A_760, %get3A_761, %get3A_762] : memref<5x8x128xf32, #tpu.memory_space<vmem>>, vector<1x8x128xf32>
    %get3A_764 = vector.shape_cast %get3A_763 : vector<1x8x128xf32> to vector<8x128xf32>
    %jit3A_765 = arith.constant 0.000000e+00 : f32
    %broadcast_in_dim3A_766 = vector.broadcast %jit3A_765 : f32 to vector<672x128xf32>
    %select_n3A_767 = arith.select %ge3A_22, %select_n3A, %broadcast_in_dim3A_766 : vector<672x128xi1>, vector<672x128xf32>
    %slice3A_768 = vector.extract_strided_slice %select_n3A_767 {offsets = [0, 0], sizes = [8, 128], strides = [1, 1]} : vector<672x128xf32> to vector<8x128xf32>
    %slice3A_769 = vector.extract_strided_slice %select_n3A_767 {offsets = [8, 0], sizes = [8, 128], strides = [1, 1]} : vector<672x128xf32> to vector<8x128xf32>
    %add3A_770 = arith.addf %slice3A_768, %slice3A_769 : vector<8x128xf32>
    %slice3A_771 = vector.extract_strided_slice %select_n3A_767 {offsets = [16, 0], sizes = [8, 128], strides = [1, 1]} : vector<672x128xf32> to vector<8x128xf32>
    %add3A_772 = arith.addf %add3A_770, %slice3A_771 : vector<8x128xf32>
    %slice3A_773 = vector.extract_strided_slice %select_n3A_767 {offsets = [24, 0], sizes = [8, 128], strides = [1, 1]} : vector<672x128xf32> to vector<8x128xf32>
    %add3A_774 = arith.addf %add3A_772, %slice3A_773 : vector<8x128xf32>
    %slice3A_775 = vector.extract_strided_slice %select_n3A_767 {offsets = [32, 0], sizes = [8, 128], strides = [1, 1]} : vector<672x128xf32> to vector<8x128xf32>
    %add3A_776 = arith.addf %add3A_774, %slice3A_775 : vector<8x128xf32>
    %slice3A_777 = vector.extract_strided_slice %select_n3A_767 {offsets = [40, 0], sizes = [8, 128], strides = [1, 1]} : vector<672x128xf32> to vector<8x128xf32>
    %add3A_778 = arith.addf %add3A_776, %slice3A_777 : vector<8x128xf32>
    %slice3A_779 = vector.extract_strided_slice %select_n3A_767 {offsets = [48, 0], sizes = [8, 128], strides = [1, 1]} : vector<672x128xf32> to vector<8x128xf32>
    %add3A_780 = arith.addf %add3A_778, %slice3A_779 : vector<8x128xf32>
    %slice3A_781 = vector.extract_strided_slice %select_n3A_767 {offsets = [56, 0], sizes = [8, 128], strides = [1, 1]} : vector<672x128xf32> to vector<8x128xf32>
    %add3A_782 = arith.addf %add3A_780, %slice3A_781 : vector<8x128xf32>
    %slice3A_783 = vector.extract_strided_slice %select_n3A_767 {offsets = [64, 0], sizes = [8, 128], strides = [1, 1]} : vector<672x128xf32> to vector<8x128xf32>
    %add3A_784 = arith.addf %add3A_782, %slice3A_783 : vector<8x128xf32>
    %slice3A_785 = vector.extract_strided_slice %select_n3A_767 {offsets = [72, 0], sizes = [8, 128], strides = [1, 1]} : vector<672x128xf32> to vector<8x128xf32>
    %add3A_786 = arith.addf %add3A_784, %slice3A_785 : vector<8x128xf32>
    %slice3A_787 = vector.extract_strided_slice %select_n3A_767 {offsets = [80, 0], sizes = [8, 128], strides = [1, 1]} : vector<672x128xf32> to vector<8x128xf32>
    %add3A_788 = arith.addf %add3A_786, %slice3A_787 : vector<8x128xf32>
    %slice3A_789 = vector.extract_strided_slice %select_n3A_767 {offsets = [88, 0], sizes = [8, 128], strides = [1, 1]} : vector<672x128xf32> to vector<8x128xf32>
    %add3A_790 = arith.addf %add3A_788, %slice3A_789 : vector<8x128xf32>
    %slice3A_791 = vector.extract_strided_slice %select_n3A_767 {offsets = [96, 0], sizes = [8, 128], strides = [1, 1]} : vector<672x128xf32> to vector<8x128xf32>
    %add3A_792 = arith.addf %add3A_790, %slice3A_791 : vector<8x128xf32>
    %slice3A_793 = vector.extract_strided_slice %select_n3A_767 {offsets = [104, 0], sizes = [8, 128], strides = [1, 1]} : vector<672x128xf32> to vector<8x128xf32>
    %add3A_794 = arith.addf %add3A_792, %slice3A_793 : vector<8x128xf32>
    %slice3A_795 = vector.extract_strided_slice %select_n3A_767 {offsets = [112, 0], sizes = [8, 128], strides = [1, 1]} : vector<672x128xf32> to vector<8x128xf32>
    %add3A_796 = arith.addf %add3A_794, %slice3A_795 : vector<8x128xf32>
    %slice3A_797 = vector.extract_strided_slice %select_n3A_767 {offsets = [120, 0], sizes = [8, 128], strides = [1, 1]} : vector<672x128xf32> to vector<8x128xf32>
    %add3A_798 = arith.addf %add3A_796, %slice3A_797 : vector<8x128xf32>
    %slice3A_799 = vector.extract_strided_slice %select_n3A_767 {offsets = [128, 0], sizes = [8, 128], strides = [1, 1]} : vector<672x128xf32> to vector<8x128xf32>
    %add3A_800 = arith.addf %add3A_798, %slice3A_799 : vector<8x128xf32>
    %slice3A_801 = vector.extract_strided_slice %select_n3A_767 {offsets = [136, 0], sizes = [8, 128], strides = [1, 1]} : vector<672x128xf32> to vector<8x128xf32>
    %add3A_802 = arith.addf %add3A_800, %slice3A_801 : vector<8x128xf32>
    %slice3A_803 = vector.extract_strided_slice %select_n3A_767 {offsets = [144, 0], sizes = [8, 128], strides = [1, 1]} : vector<672x128xf32> to vector<8x128xf32>
    %add3A_804 = arith.addf %add3A_802, %slice3A_803 : vector<8x128xf32>
    %slice3A_805 = vector.extract_strided_slice %select_n3A_767 {offsets = [152, 0], sizes = [8, 128], strides = [1, 1]} : vector<672x128xf32> to vector<8x128xf32>
    %add3A_806 = arith.addf %add3A_804, %slice3A_805 : vector<8x128xf32>
    %slice3A_807 = vector.extract_strided_slice %select_n3A_767 {offsets = [160, 0], sizes = [8, 128], strides = [1, 1]} : vector<672x128xf32> to vector<8x128xf32>
    %add3A_808 = arith.addf %add3A_806, %slice3A_807 : vector<8x128xf32>
    %slice3A_809 = vector.extract_strided_slice %select_n3A_767 {offsets = [168, 0], sizes = [8, 128], strides = [1, 1]} : vector<672x128xf32> to vector<8x128xf32>
    %add3A_810 = arith.addf %add3A_808, %slice3A_809 : vector<8x128xf32>
    %slice3A_811 = vector.extract_strided_slice %select_n3A_767 {offsets = [176, 0], sizes = [8, 128], strides = [1, 1]} : vector<672x128xf32> to vector<8x128xf32>
    %add3A_812 = arith.addf %add3A_810, %slice3A_811 : vector<8x128xf32>
    %slice3A_813 = vector.extract_strided_slice %select_n3A_767 {offsets = [184, 0], sizes = [8, 128], strides = [1, 1]} : vector<672x128xf32> to vector<8x128xf32>
    %add3A_814 = arith.addf %add3A_812, %slice3A_813 : vector<8x128xf32>
    %slice3A_815 = vector.extract_strided_slice %select_n3A_767 {offsets = [192, 0], sizes = [8, 128], strides = [1, 1]} : vector<672x128xf32> to vector<8x128xf32>
    %add3A_816 = arith.addf %add3A_814, %slice3A_815 : vector<8x128xf32>
    %slice3A_817 = vector.extract_strided_slice %select_n3A_767 {offsets = [200, 0], sizes = [8, 128], strides = [1, 1]} : vector<672x128xf32> to vector<8x128xf32>
    %add3A_818 = arith.addf %add3A_816, %slice3A_817 : vector<8x128xf32>
    %slice3A_819 = vector.extract_strided_slice %select_n3A_767 {offsets = [208, 0], sizes = [8, 128], strides = [1, 1]} : vector<672x128xf32> to vector<8x128xf32>
    %add3A_820 = arith.addf %add3A_818, %slice3A_819 : vector<8x128xf32>
    %slice3A_821 = vector.extract_strided_slice %select_n3A_767 {offsets = [216, 0], sizes = [8, 128], strides = [1, 1]} : vector<672x128xf32> to vector<8x128xf32>
    %add3A_822 = arith.addf %add3A_820, %slice3A_821 : vector<8x128xf32>
    %slice3A_823 = vector.extract_strided_slice %select_n3A_767 {offsets = [224, 0], sizes = [8, 128], strides = [1, 1]} : vector<672x128xf32> to vector<8x128xf32>
    %add3A_824 = arith.addf %add3A_822, %slice3A_823 : vector<8x128xf32>
    %slice3A_825 = vector.extract_strided_slice %select_n3A_767 {offsets = [232, 0], sizes = [8, 128], strides = [1, 1]} : vector<672x128xf32> to vector<8x128xf32>
    %add3A_826 = arith.addf %add3A_824, %slice3A_825 : vector<8x128xf32>
    %slice3A_827 = vector.extract_strided_slice %select_n3A_767 {offsets = [240, 0], sizes = [8, 128], strides = [1, 1]} : vector<672x128xf32> to vector<8x128xf32>
    %add3A_828 = arith.addf %add3A_826, %slice3A_827 : vector<8x128xf32>
    %slice3A_829 = vector.extract_strided_slice %select_n3A_767 {offsets = [248, 0], sizes = [8, 128], strides = [1, 1]} : vector<672x128xf32> to vector<8x128xf32>
    %add3A_830 = arith.addf %add3A_828, %slice3A_829 : vector<8x128xf32>
    %slice3A_831 = vector.extract_strided_slice %select_n3A_767 {offsets = [256, 0], sizes = [8, 128], strides = [1, 1]} : vector<672x128xf32> to vector<8x128xf32>
    %add3A_832 = arith.addf %add3A_830, %slice3A_831 : vector<8x128xf32>
    %slice3A_833 = vector.extract_strided_slice %select_n3A_767 {offsets = [264, 0], sizes = [8, 128], strides = [1, 1]} : vector<672x128xf32> to vector<8x128xf32>
    %add3A_834 = arith.addf %add3A_832, %slice3A_833 : vector<8x128xf32>
    %slice3A_835 = vector.extract_strided_slice %select_n3A_767 {offsets = [272, 0], sizes = [8, 128], strides = [1, 1]} : vector<672x128xf32> to vector<8x128xf32>
    %add3A_836 = arith.addf %add3A_834, %slice3A_835 : vector<8x128xf32>
    %slice3A_837 = vector.extract_strided_slice %select_n3A_767 {offsets = [280, 0], sizes = [8, 128], strides = [1, 1]} : vector<672x128xf32> to vector<8x128xf32>
    %add3A_838 = arith.addf %add3A_836, %slice3A_837 : vector<8x128xf32>
    %slice3A_839 = vector.extract_strided_slice %select_n3A_767 {offsets = [288, 0], sizes = [8, 128], strides = [1, 1]} : vector<672x128xf32> to vector<8x128xf32>
    %add3A_840 = arith.addf %add3A_838, %slice3A_839 : vector<8x128xf32>
    %slice3A_841 = vector.extract_strided_slice %select_n3A_767 {offsets = [296, 0], sizes = [8, 128], strides = [1, 1]} : vector<672x128xf32> to vector<8x128xf32>
    %add3A_842 = arith.addf %add3A_840, %slice3A_841 : vector<8x128xf32>
    %slice3A_843 = vector.extract_strided_slice %select_n3A_767 {offsets = [304, 0], sizes = [8, 128], strides = [1, 1]} : vector<672x128xf32> to vector<8x128xf32>
    %add3A_844 = arith.addf %add3A_842, %slice3A_843 : vector<8x128xf32>
    %slice3A_845 = vector.extract_strided_slice %select_n3A_767 {offsets = [312, 0], sizes = [8, 128], strides = [1, 1]} : vector<672x128xf32> to vector<8x128xf32>
    %add3A_846 = arith.addf %add3A_844, %slice3A_845 : vector<8x128xf32>
    %slice3A_847 = vector.extract_strided_slice %select_n3A_767 {offsets = [320, 0], sizes = [8, 128], strides = [1, 1]} : vector<672x128xf32> to vector<8x128xf32>
    %add3A_848 = arith.addf %add3A_846, %slice3A_847 : vector<8x128xf32>
    %slice3A_849 = vector.extract_strided_slice %select_n3A_767 {offsets = [328, 0], sizes = [8, 128], strides = [1, 1]} : vector<672x128xf32> to vector<8x128xf32>
    %add3A_850 = arith.addf %add3A_848, %slice3A_849 : vector<8x128xf32>
    %slice3A_851 = vector.extract_strided_slice %select_n3A_767 {offsets = [336, 0], sizes = [8, 128], strides = [1, 1]} : vector<672x128xf32> to vector<8x128xf32>
    %add3A_852 = arith.addf %add3A_850, %slice3A_851 : vector<8x128xf32>
    %slice3A_853 = vector.extract_strided_slice %select_n3A_767 {offsets = [344, 0], sizes = [8, 128], strides = [1, 1]} : vector<672x128xf32> to vector<8x128xf32>
    %add3A_854 = arith.addf %add3A_852, %slice3A_853 : vector<8x128xf32>
    %slice3A_855 = vector.extract_strided_slice %select_n3A_767 {offsets = [352, 0], sizes = [8, 128], strides = [1, 1]} : vector<672x128xf32> to vector<8x128xf32>
    %add3A_856 = arith.addf %add3A_854, %slice3A_855 : vector<8x128xf32>
    %slice3A_857 = vector.extract_strided_slice %select_n3A_767 {offsets = [360, 0], sizes = [8, 128], strides = [1, 1]} : vector<672x128xf32> to vector<8x128xf32>
    %add3A_858 = arith.addf %add3A_856, %slice3A_857 : vector<8x128xf32>
    %slice3A_859 = vector.extract_strided_slice %select_n3A_767 {offsets = [368, 0], sizes = [8, 128], strides = [1, 1]} : vector<672x128xf32> to vector<8x128xf32>
    %add3A_860 = arith.addf %add3A_858, %slice3A_859 : vector<8x128xf32>
    %slice3A_861 = vector.extract_strided_slice %select_n3A_767 {offsets = [376, 0], sizes = [8, 128], strides = [1, 1]} : vector<672x128xf32> to vector<8x128xf32>
    %add3A_862 = arith.addf %add3A_860, %slice3A_861 : vector<8x128xf32>
    %slice3A_863 = vector.extract_strided_slice %select_n3A_767 {offsets = [384, 0], sizes = [8, 128], strides = [1, 1]} : vector<672x128xf32> to vector<8x128xf32>
    %add3A_864 = arith.addf %add3A_862, %slice3A_863 : vector<8x128xf32>
    %slice3A_865 = vector.extract_strided_slice %select_n3A_767 {offsets = [392, 0], sizes = [8, 128], strides = [1, 1]} : vector<672x128xf32> to vector<8x128xf32>
    %add3A_866 = arith.addf %add3A_864, %slice3A_865 : vector<8x128xf32>
    %slice3A_867 = vector.extract_strided_slice %select_n3A_767 {offsets = [400, 0], sizes = [8, 128], strides = [1, 1]} : vector<672x128xf32> to vector<8x128xf32>
    %add3A_868 = arith.addf %add3A_866, %slice3A_867 : vector<8x128xf32>
    %slice3A_869 = vector.extract_strided_slice %select_n3A_767 {offsets = [408, 0], sizes = [8, 128], strides = [1, 1]} : vector<672x128xf32> to vector<8x128xf32>
    %add3A_870 = arith.addf %add3A_868, %slice3A_869 : vector<8x128xf32>
    %slice3A_871 = vector.extract_strided_slice %select_n3A_767 {offsets = [416, 0], sizes = [8, 128], strides = [1, 1]} : vector<672x128xf32> to vector<8x128xf32>
    %add3A_872 = arith.addf %add3A_870, %slice3A_871 : vector<8x128xf32>
    %slice3A_873 = vector.extract_strided_slice %select_n3A_767 {offsets = [424, 0], sizes = [8, 128], strides = [1, 1]} : vector<672x128xf32> to vector<8x128xf32>
    %add3A_874 = arith.addf %add3A_872, %slice3A_873 : vector<8x128xf32>
    %slice3A_875 = vector.extract_strided_slice %select_n3A_767 {offsets = [432, 0], sizes = [8, 128], strides = [1, 1]} : vector<672x128xf32> to vector<8x128xf32>
    %add3A_876 = arith.addf %add3A_874, %slice3A_875 : vector<8x128xf32>
    %slice3A_877 = vector.extract_strided_slice %select_n3A_767 {offsets = [440, 0], sizes = [8, 128], strides = [1, 1]} : vector<672x128xf32> to vector<8x128xf32>
    %add3A_878 = arith.addf %add3A_876, %slice3A_877 : vector<8x128xf32>
    %slice3A_879 = vector.extract_strided_slice %select_n3A_767 {offsets = [448, 0], sizes = [8, 128], strides = [1, 1]} : vector<672x128xf32> to vector<8x128xf32>
    %add3A_880 = arith.addf %add3A_878, %slice3A_879 : vector<8x128xf32>
    %slice3A_881 = vector.extract_strided_slice %select_n3A_767 {offsets = [456, 0], sizes = [8, 128], strides = [1, 1]} : vector<672x128xf32> to vector<8x128xf32>
    %add3A_882 = arith.addf %add3A_880, %slice3A_881 : vector<8x128xf32>
    %slice3A_883 = vector.extract_strided_slice %select_n3A_767 {offsets = [464, 0], sizes = [8, 128], strides = [1, 1]} : vector<672x128xf32> to vector<8x128xf32>
    %add3A_884 = arith.addf %add3A_882, %slice3A_883 : vector<8x128xf32>
    %slice3A_885 = vector.extract_strided_slice %select_n3A_767 {offsets = [472, 0], sizes = [8, 128], strides = [1, 1]} : vector<672x128xf32> to vector<8x128xf32>
    %add3A_886 = arith.addf %add3A_884, %slice3A_885 : vector<8x128xf32>
    %slice3A_887 = vector.extract_strided_slice %select_n3A_767 {offsets = [480, 0], sizes = [8, 128], strides = [1, 1]} : vector<672x128xf32> to vector<8x128xf32>
    %add3A_888 = arith.addf %add3A_886, %slice3A_887 : vector<8x128xf32>
    %slice3A_889 = vector.extract_strided_slice %select_n3A_767 {offsets = [488, 0], sizes = [8, 128], strides = [1, 1]} : vector<672x128xf32> to vector<8x128xf32>
    %add3A_890 = arith.addf %add3A_888, %slice3A_889 : vector<8x128xf32>
    %slice3A_891 = vector.extract_strided_slice %select_n3A_767 {offsets = [496, 0], sizes = [8, 128], strides = [1, 1]} : vector<672x128xf32> to vector<8x128xf32>
    %add3A_892 = arith.addf %add3A_890, %slice3A_891 : vector<8x128xf32>
    %slice3A_893 = vector.extract_strided_slice %select_n3A_767 {offsets = [504, 0], sizes = [8, 128], strides = [1, 1]} : vector<672x128xf32> to vector<8x128xf32>
    %add3A_894 = arith.addf %add3A_892, %slice3A_893 : vector<8x128xf32>
    %slice3A_895 = vector.extract_strided_slice %select_n3A_767 {offsets = [512, 0], sizes = [8, 128], strides = [1, 1]} : vector<672x128xf32> to vector<8x128xf32>
    %add3A_896 = arith.addf %add3A_894, %slice3A_895 : vector<8x128xf32>
    %slice3A_897 = vector.extract_strided_slice %select_n3A_767 {offsets = [520, 0], sizes = [8, 128], strides = [1, 1]} : vector<672x128xf32> to vector<8x128xf32>
    %add3A_898 = arith.addf %add3A_896, %slice3A_897 : vector<8x128xf32>
    %slice3A_899 = vector.extract_strided_slice %select_n3A_767 {offsets = [528, 0], sizes = [8, 128], strides = [1, 1]} : vector<672x128xf32> to vector<8x128xf32>
    %add3A_900 = arith.addf %add3A_898, %slice3A_899 : vector<8x128xf32>
    %slice3A_901 = vector.extract_strided_slice %select_n3A_767 {offsets = [536, 0], sizes = [8, 128], strides = [1, 1]} : vector<672x128xf32> to vector<8x128xf32>
    %add3A_902 = arith.addf %add3A_900, %slice3A_901 : vector<8x128xf32>
    %slice3A_903 = vector.extract_strided_slice %select_n3A_767 {offsets = [544, 0], sizes = [8, 128], strides = [1, 1]} : vector<672x128xf32> to vector<8x128xf32>
    %add3A_904 = arith.addf %add3A_902, %slice3A_903 : vector<8x128xf32>
    %slice3A_905 = vector.extract_strided_slice %select_n3A_767 {offsets = [552, 0], sizes = [8, 128], strides = [1, 1]} : vector<672x128xf32> to vector<8x128xf32>
    %add3A_906 = arith.addf %add3A_904, %slice3A_905 : vector<8x128xf32>
    %slice3A_907 = vector.extract_strided_slice %select_n3A_767 {offsets = [560, 0], sizes = [8, 128], strides = [1, 1]} : vector<672x128xf32> to vector<8x128xf32>
    %add3A_908 = arith.addf %add3A_906, %slice3A_907 : vector<8x128xf32>
    %slice3A_909 = vector.extract_strided_slice %select_n3A_767 {offsets = [568, 0], sizes = [8, 128], strides = [1, 1]} : vector<672x128xf32> to vector<8x128xf32>
    %add3A_910 = arith.addf %add3A_908, %slice3A_909 : vector<8x128xf32>
    %slice3A_911 = vector.extract_strided_slice %select_n3A_767 {offsets = [576, 0], sizes = [8, 128], strides = [1, 1]} : vector<672x128xf32> to vector<8x128xf32>
    %add3A_912 = arith.addf %add3A_910, %slice3A_911 : vector<8x128xf32>
    %slice3A_913 = vector.extract_strided_slice %select_n3A_767 {offsets = [584, 0], sizes = [8, 128], strides = [1, 1]} : vector<672x128xf32> to vector<8x128xf32>
    %add3A_914 = arith.addf %add3A_912, %slice3A_913 : vector<8x128xf32>
    %slice3A_915 = vector.extract_strided_slice %select_n3A_767 {offsets = [592, 0], sizes = [8, 128], strides = [1, 1]} : vector<672x128xf32> to vector<8x128xf32>
    %add3A_916 = arith.addf %add3A_914, %slice3A_915 : vector<8x128xf32>
    %slice3A_917 = vector.extract_strided_slice %select_n3A_767 {offsets = [600, 0], sizes = [8, 128], strides = [1, 1]} : vector<672x128xf32> to vector<8x128xf32>
    %add3A_918 = arith.addf %add3A_916, %slice3A_917 : vector<8x128xf32>
    %slice3A_919 = vector.extract_strided_slice %select_n3A_767 {offsets = [608, 0], sizes = [8, 128], strides = [1, 1]} : vector<672x128xf32> to vector<8x128xf32>
    %add3A_920 = arith.addf %add3A_918, %slice3A_919 : vector<8x128xf32>
    %slice3A_921 = vector.extract_strided_slice %select_n3A_767 {offsets = [616, 0], sizes = [8, 128], strides = [1, 1]} : vector<672x128xf32> to vector<8x128xf32>
    %add3A_922 = arith.addf %add3A_920, %slice3A_921 : vector<8x128xf32>
    %slice3A_923 = vector.extract_strided_slice %select_n3A_767 {offsets = [624, 0], sizes = [8, 128], strides = [1, 1]} : vector<672x128xf32> to vector<8x128xf32>
    %add3A_924 = arith.addf %add3A_922, %slice3A_923 : vector<8x128xf32>
    %slice3A_925 = vector.extract_strided_slice %select_n3A_767 {offsets = [632, 0], sizes = [8, 128], strides = [1, 1]} : vector<672x128xf32> to vector<8x128xf32>
    %add3A_926 = arith.addf %add3A_924, %slice3A_925 : vector<8x128xf32>
    %slice3A_927 = vector.extract_strided_slice %select_n3A_767 {offsets = [640, 0], sizes = [8, 128], strides = [1, 1]} : vector<672x128xf32> to vector<8x128xf32>
    %add3A_928 = arith.addf %add3A_926, %slice3A_927 : vector<8x128xf32>
    %slice3A_929 = vector.extract_strided_slice %select_n3A_767 {offsets = [648, 0], sizes = [8, 128], strides = [1, 1]} : vector<672x128xf32> to vector<8x128xf32>
    %add3A_930 = arith.addf %add3A_928, %slice3A_929 : vector<8x128xf32>
    %slice3A_931 = vector.extract_strided_slice %select_n3A_767 {offsets = [656, 0], sizes = [8, 128], strides = [1, 1]} : vector<672x128xf32> to vector<8x128xf32>
    %add3A_932 = arith.addf %add3A_930, %slice3A_931 : vector<8x128xf32>
    %slice3A_933 = vector.extract_strided_slice %select_n3A_767 {offsets = [664, 0], sizes = [8, 128], strides = [1, 1]} : vector<672x128xf32> to vector<8x128xf32>
    %add3A_934 = arith.addf %add3A_932, %slice3A_933 : vector<8x128xf32>
    %add3A_935 = arith.addf %get3A_764, %add3A_934 : vector<8x128xf32>
    %swap3A_936 = arith.constant 1 : index
    %swap3A_937 = arith.constant 0 : index
    %swap3A_938 = arith.constant 0 : index
    %swap3A_939 = vector.load %arg6[%swap3A_936, %swap3A_937, %swap3A_938] : memref<5x8x128xf32, #tpu.memory_space<vmem>>, vector<1x8x128xf32>
    %swap3A_940 = vector.shape_cast %swap3A_939 : vector<1x8x128xf32> to vector<8x128xf32>
    %swap3A_941 = vector.shape_cast %add3A_935 : vector<8x128xf32> to vector<1x8x128xf32>
    tpu.vector_store %arg6[%swap3A_936, %swap3A_937, %swap3A_938], %swap3A_941 {strides = array<i32>} : memref<5x8x128xf32, #tpu.memory_space<vmem>>, vector<1x8x128xf32>,
    %get3A_942 = arith.constant 1 : index
    %get3A_943 = arith.constant 0 : index
    %get3A_944 = arith.constant 0 : index
    %get3A_945 = vector.load %arg4[%get3A_942, %get3A_943, %get3A_944] : memref<4x8x128xf32, #tpu.memory_space<vmem>>, vector<1x8x128xf32>
    %get3A_946 = vector.shape_cast %get3A_945 : vector<1x8x128xf32> to vector<8x128xf32>
    %jit3A_947 = arith.constant 1.000000e+00 : f32
    %jit3A_948 = arith.constant 0.000000e+00 : f32
    %broadcast_in_dim3A_949 = vector.broadcast %jit3A_947 : f32 to vector<672x128xf32>
    %broadcast_in_dim3A_950 = vector.broadcast %jit3A_948 : f32 to vector<672x128xf32>
    %select_n3A_951 = arith.select %ge3A_25, %broadcast_in_dim3A_949, %broadcast_in_dim3A_950 : vector<672x128xi1>, vector<672x128xf32>
    %slice3A_952 = vector.extract_strided_slice %select_n3A_951 {offsets = [0, 0], sizes = [8, 128], strides = [1, 1]} : vector<672x128xf32> to vector<8x128xf32>
    %slice3A_953 = vector.extract_strided_slice %select_n3A_951 {offsets = [8, 0], sizes = [8, 128], strides = [1, 1]} : vector<672x128xf32> to vector<8x128xf32>
    %add3A_954 = arith.addf %slice3A_952, %slice3A_953 : vector<8x128xf32>
    %slice3A_955 = vector.extract_strided_slice %select_n3A_951 {offsets = [16, 0], sizes = [8, 128], strides = [1, 1]} : vector<672x128xf32> to vector<8x128xf32>
    %add3A_956 = arith.addf %add3A_954, %slice3A_955 : vector<8x128xf32>
    %slice3A_957 = vector.extract_strided_slice %select_n3A_951 {offsets = [24, 0], sizes = [8, 128], strides = [1, 1]} : vector<672x128xf32> to vector<8x128xf32>
    %add3A_958 = arith.addf %add3A_956, %slice3A_957 : vector<8x128xf32>
    %slice3A_959 = vector.extract_strided_slice %select_n3A_951 {offsets = [32, 0], sizes = [8, 128], strides = [1, 1]} : vector<672x128xf32> to vector<8x128xf32>
    %add3A_960 = arith.addf %add3A_958, %slice3A_959 : vector<8x128xf32>
    %slice3A_961 = vector.extract_strided_slice %select_n3A_951 {offsets = [40, 0], sizes = [8, 128], strides = [1, 1]} : vector<672x128xf32> to vector<8x128xf32>
    %add3A_962 = arith.addf %add3A_960, %slice3A_961 : vector<8x128xf32>
    %slice3A_963 = vector.extract_strided_slice %select_n3A_951 {offsets = [48, 0], sizes = [8, 128], strides = [1, 1]} : vector<672x128xf32> to vector<8x128xf32>
    %add3A_964 = arith.addf %add3A_962, %slice3A_963 : vector<8x128xf32>
    %slice3A_965 = vector.extract_strided_slice %select_n3A_951 {offsets = [56, 0], sizes = [8, 128], strides = [1, 1]} : vector<672x128xf32> to vector<8x128xf32>
    %add3A_966 = arith.addf %add3A_964, %slice3A_965 : vector<8x128xf32>
    %slice3A_967 = vector.extract_strided_slice %select_n3A_951 {offsets = [64, 0], sizes = [8, 128], strides = [1, 1]} : vector<672x128xf32> to vector<8x128xf32>
    %add3A_968 = arith.addf %add3A_966, %slice3A_967 : vector<8x128xf32>
    %slice3A_969 = vector.extract_strided_slice %select_n3A_951 {offsets = [72, 0], sizes = [8, 128], strides = [1, 1]} : vector<672x128xf32> to vector<8x128xf32>
    %add3A_970 = arith.addf %add3A_968, %slice3A_969 : vector<8x128xf32>
    %slice3A_971 = vector.extract_strided_slice %select_n3A_951 {offsets = [80, 0], sizes = [8, 128], strides = [1, 1]} : vector<672x128xf32> to vector<8x128xf32>
    %add3A_972 = arith.addf %add3A_970, %slice3A_971 : vector<8x128xf32>
    %slice3A_973 = vector.extract_strided_slice %select_n3A_951 {offsets = [88, 0], sizes = [8, 128], strides = [1, 1]} : vector<672x128xf32> to vector<8x128xf32>
    %add3A_974 = arith.addf %add3A_972, %slice3A_973 : vector<8x128xf32>
    %slice3A_975 = vector.extract_strided_slice %select_n3A_951 {offsets = [96, 0], sizes = [8, 128], strides = [1, 1]} : vector<672x128xf32> to vector<8x128xf32>
    %add3A_976 = arith.addf %add3A_974, %slice3A_975 : vector<8x128xf32>
    %slice3A_977 = vector.extract_strided_slice %select_n3A_951 {offsets = [104, 0], sizes = [8, 128], strides = [1, 1]} : vector<672x128xf32> to vector<8x128xf32>
    %add3A_978 = arith.addf %add3A_976, %slice3A_977 : vector<8x128xf32>
    %slice3A_979 = vector.extract_strided_slice %select_n3A_951 {offsets = [112, 0], sizes = [8, 128], strides = [1, 1]} : vector<672x128xf32> to vector<8x128xf32>
    %add3A_980 = arith.addf %add3A_978, %slice3A_979 : vector<8x128xf32>
    %slice3A_981 = vector.extract_strided_slice %select_n3A_951 {offsets = [120, 0], sizes = [8, 128], strides = [1, 1]} : vector<672x128xf32> to vector<8x128xf32>
    %add3A_982 = arith.addf %add3A_980, %slice3A_981 : vector<8x128xf32>
    %slice3A_983 = vector.extract_strided_slice %select_n3A_951 {offsets = [128, 0], sizes = [8, 128], strides = [1, 1]} : vector<672x128xf32> to vector<8x128xf32>
    %add3A_984 = arith.addf %add3A_982, %slice3A_983 : vector<8x128xf32>
    %slice3A_985 = vector.extract_strided_slice %select_n3A_951 {offsets = [136, 0], sizes = [8, 128], strides = [1, 1]} : vector<672x128xf32> to vector<8x128xf32>
    %add3A_986 = arith.addf %add3A_984, %slice3A_985 : vector<8x128xf32>
    %slice3A_987 = vector.extract_strided_slice %select_n3A_951 {offsets = [144, 0], sizes = [8, 128], strides = [1, 1]} : vector<672x128xf32> to vector<8x128xf32>
    %add3A_988 = arith.addf %add3A_986, %slice3A_987 : vector<8x128xf32>
    %slice3A_989 = vector.extract_strided_slice %select_n3A_951 {offsets = [152, 0], sizes = [8, 128], strides = [1, 1]} : vector<672x128xf32> to vector<8x128xf32>
    %add3A_990 = arith.addf %add3A_988, %slice3A_989 : vector<8x128xf32>
    %slice3A_991 = vector.extract_strided_slice %select_n3A_951 {offsets = [160, 0], sizes = [8, 128], strides = [1, 1]} : vector<672x128xf32> to vector<8x128xf32>
    %add3A_992 = arith.addf %add3A_990, %slice3A_991 : vector<8x128xf32>
    %slice3A_993 = vector.extract_strided_slice %select_n3A_951 {offsets = [168, 0], sizes = [8, 128], strides = [1, 1]} : vector<672x128xf32> to vector<8x128xf32>
    %add3A_994 = arith.addf %add3A_992, %slice3A_993 : vector<8x128xf32>
    %slice3A_995 = vector.extract_strided_slice %select_n3A_951 {offsets = [176, 0], sizes = [8, 128], strides = [1, 1]} : vector<672x128xf32> to vector<8x128xf32>
    %add3A_996 = arith.addf %add3A_994, %slice3A_995 : vector<8x128xf32>
    %slice3A_997 = vector.extract_strided_slice %select_n3A_951 {offsets = [184, 0], sizes = [8, 128], strides = [1, 1]} : vector<672x128xf32> to vector<8x128xf32>
    %add3A_998 = arith.addf %add3A_996, %slice3A_997 : vector<8x128xf32>
    %slice3A_999 = vector.extract_strided_slice %select_n3A_951 {offsets = [192, 0], sizes = [8, 128], strides = [1, 1]} : vector<672x128xf32> to vector<8x128xf32>
    %add3A_1000 = arith.addf %add3A_998, %slice3A_999 : vector<8x128xf32>
    %slice3A_1001 = vector.extract_strided_slice %select_n3A_951 {offsets = [200, 0], sizes = [8, 128], strides = [1, 1]} : vector<672x128xf32> to vector<8x128xf32>
    %add3A_1002 = arith.addf %add3A_1000, %slice3A_1001 : vector<8x128xf32>
    %slice3A_1003 = vector.extract_strided_slice %select_n3A_951 {offsets = [208, 0], sizes = [8, 128], strides = [1, 1]} : vector<672x128xf32> to vector<8x128xf32>
    %add3A_1004 = arith.addf %add3A_1002, %slice3A_1003 : vector<8x128xf32>
    %slice3A_1005 = vector.extract_strided_slice %select_n3A_951 {offsets = [216, 0], sizes = [8, 128], strides = [1, 1]} : vector<672x128xf32> to vector<8x128xf32>
    %add3A_1006 = arith.addf %add3A_1004, %slice3A_1005 : vector<8x128xf32>
    %slice3A_1007 = vector.extract_strided_slice %select_n3A_951 {offsets = [224, 0], sizes = [8, 128], strides = [1, 1]} : vector<672x128xf32> to vector<8x128xf32>
    %add3A_1008 = arith.addf %add3A_1006, %slice3A_1007 : vector<8x128xf32>
    %slice3A_1009 = vector.extract_strided_slice %select_n3A_951 {offsets = [232, 0], sizes = [8, 128], strides = [1, 1]} : vector<672x128xf32> to vector<8x128xf32>
    %add3A_1010 = arith.addf %add3A_1008, %slice3A_1009 : vector<8x128xf32>
    %slice3A_1011 = vector.extract_strided_slice %select_n3A_951 {offsets = [240, 0], sizes = [8, 128], strides = [1, 1]} : vector<672x128xf32> to vector<8x128xf32>
    %add3A_1012 = arith.addf %add3A_1010, %slice3A_1011 : vector<8x128xf32>
    %slice3A_1013 = vector.extract_strided_slice %select_n3A_951 {offsets = [248, 0], sizes = [8, 128], strides = [1, 1]} : vector<672x128xf32> to vector<8x128xf32>
    %add3A_1014 = arith.addf %add3A_1012, %slice3A_1013 : vector<8x128xf32>
    %slice3A_1015 = vector.extract_strided_slice %select_n3A_951 {offsets = [256, 0], sizes = [8, 128], strides = [1, 1]} : vector<672x128xf32> to vector<8x128xf32>
    %add3A_1016 = arith.addf %add3A_1014, %slice3A_1015 : vector<8x128xf32>
    %slice3A_1017 = vector.extract_strided_slice %select_n3A_951 {offsets = [264, 0], sizes = [8, 128], strides = [1, 1]} : vector<672x128xf32> to vector<8x128xf32>
    %add3A_1018 = arith.addf %add3A_1016, %slice3A_1017 : vector<8x128xf32>
    %slice3A_1019 = vector.extract_strided_slice %select_n3A_951 {offsets = [272, 0], sizes = [8, 128], strides = [1, 1]} : vector<672x128xf32> to vector<8x128xf32>
    %add3A_1020 = arith.addf %add3A_1018, %slice3A_1019 : vector<8x128xf32>
    %slice3A_1021 = vector.extract_strided_slice %select_n3A_951 {offsets = [280, 0], sizes = [8, 128], strides = [1, 1]} : vector<672x128xf32> to vector<8x128xf32>
    %add3A_1022 = arith.addf %add3A_1020, %slice3A_1021 : vector<8x128xf32>
    %slice3A_1023 = vector.extract_strided_slice %select_n3A_951 {offsets = [288, 0], sizes = [8, 128], strides = [1, 1]} : vector<672x128xf32> to vector<8x128xf32>
    %add3A_1024 = arith.addf %add3A_1022, %slice3A_1023 : vector<8x128xf32>
    %slice3A_1025 = vector.extract_strided_slice %select_n3A_951 {offsets = [296, 0], sizes = [8, 128], strides = [1, 1]} : vector<672x128xf32> to vector<8x128xf32>
    %add3A_1026 = arith.addf %add3A_1024, %slice3A_1025 : vector<8x128xf32>
    %slice3A_1027 = vector.extract_strided_slice %select_n3A_951 {offsets = [304, 0], sizes = [8, 128], strides = [1, 1]} : vector<672x128xf32> to vector<8x128xf32>
    %add3A_1028 = arith.addf %add3A_1026, %slice3A_1027 : vector<8x128xf32>
    %slice3A_1029 = vector.extract_strided_slice %select_n3A_951 {offsets = [312, 0], sizes = [8, 128], strides = [1, 1]} : vector<672x128xf32> to vector<8x128xf32>
    %add3A_1030 = arith.addf %add3A_1028, %slice3A_1029 : vector<8x128xf32>
    %slice3A_1031 = vector.extract_strided_slice %select_n3A_951 {offsets = [320, 0], sizes = [8, 128], strides = [1, 1]} : vector<672x128xf32> to vector<8x128xf32>
    %add3A_1032 = arith.addf %add3A_1030, %slice3A_1031 : vector<8x128xf32>
    %slice3A_1033 = vector.extract_strided_slice %select_n3A_951 {offsets = [328, 0], sizes = [8, 128], strides = [1, 1]} : vector<672x128xf32> to vector<8x128xf32>
    %add3A_1034 = arith.addf %add3A_1032, %slice3A_1033 : vector<8x128xf32>
    %slice3A_1035 = vector.extract_strided_slice %select_n3A_951 {offsets = [336, 0], sizes = [8, 128], strides = [1, 1]} : vector<672x128xf32> to vector<8x128xf32>
    %add3A_1036 = arith.addf %add3A_1034, %slice3A_1035 : vector<8x128xf32>
    %slice3A_1037 = vector.extract_strided_slice %select_n3A_951 {offsets = [344, 0], sizes = [8, 128], strides = [1, 1]} : vector<672x128xf32> to vector<8x128xf32>
    %add3A_1038 = arith.addf %add3A_1036, %slice3A_1037 : vector<8x128xf32>
    %slice3A_1039 = vector.extract_strided_slice %select_n3A_951 {offsets = [352, 0], sizes = [8, 128], strides = [1, 1]} : vector<672x128xf32> to vector<8x128xf32>
    %add3A_1040 = arith.addf %add3A_1038, %slice3A_1039 : vector<8x128xf32>
    %slice3A_1041 = vector.extract_strided_slice %select_n3A_951 {offsets = [360, 0], sizes = [8, 128], strides = [1, 1]} : vector<672x128xf32> to vector<8x128xf32>
    %add3A_1042 = arith.addf %add3A_1040, %slice3A_1041 : vector<8x128xf32>
    %slice3A_1043 = vector.extract_strided_slice %select_n3A_951 {offsets = [368, 0], sizes = [8, 128], strides = [1, 1]} : vector<672x128xf32> to vector<8x128xf32>
    %add3A_1044 = arith.addf %add3A_1042, %slice3A_1043 : vector<8x128xf32>
    %slice3A_1045 = vector.extract_strided_slice %select_n3A_951 {offsets = [376, 0], sizes = [8, 128], strides = [1, 1]} : vector<672x128xf32> to vector<8x128xf32>
    %add3A_1046 = arith.addf %add3A_1044, %slice3A_1045 : vector<8x128xf32>
    %slice3A_1047 = vector.extract_strided_slice %select_n3A_951 {offsets = [384, 0], sizes = [8, 128], strides = [1, 1]} : vector<672x128xf32> to vector<8x128xf32>
    %add3A_1048 = arith.addf %add3A_1046, %slice3A_1047 : vector<8x128xf32>
    %slice3A_1049 = vector.extract_strided_slice %select_n3A_951 {offsets = [392, 0], sizes = [8, 128], strides = [1, 1]} : vector<672x128xf32> to vector<8x128xf32>
    %add3A_1050 = arith.addf %add3A_1048, %slice3A_1049 : vector<8x128xf32>
    %slice3A_1051 = vector.extract_strided_slice %select_n3A_951 {offsets = [400, 0], sizes = [8, 128], strides = [1, 1]} : vector<672x128xf32> to vector<8x128xf32>
    %add3A_1052 = arith.addf %add3A_1050, %slice3A_1051 : vector<8x128xf32>
    %slice3A_1053 = vector.extract_strided_slice %select_n3A_951 {offsets = [408, 0], sizes = [8, 128], strides = [1, 1]} : vector<672x128xf32> to vector<8x128xf32>
    %add3A_1054 = arith.addf %add3A_1052, %slice3A_1053 : vector<8x128xf32>
    %slice3A_1055 = vector.extract_strided_slice %select_n3A_951 {offsets = [416, 0], sizes = [8, 128], strides = [1, 1]} : vector<672x128xf32> to vector<8x128xf32>
    %add3A_1056 = arith.addf %add3A_1054, %slice3A_1055 : vector<8x128xf32>
    %slice3A_1057 = vector.extract_strided_slice %select_n3A_951 {offsets = [424, 0], sizes = [8, 128], strides = [1, 1]} : vector<672x128xf32> to vector<8x128xf32>
    %add3A_1058 = arith.addf %add3A_1056, %slice3A_1057 : vector<8x128xf32>
    %slice3A_1059 = vector.extract_strided_slice %select_n3A_951 {offsets = [432, 0], sizes = [8, 128], strides = [1, 1]} : vector<672x128xf32> to vector<8x128xf32>
    %add3A_1060 = arith.addf %add3A_1058, %slice3A_1059 : vector<8x128xf32>
    %slice3A_1061 = vector.extract_strided_slice %select_n3A_951 {offsets = [440, 0], sizes = [8, 128], strides = [1, 1]} : vector<672x128xf32> to vector<8x128xf32>
    %add3A_1062 = arith.addf %add3A_1060, %slice3A_1061 : vector<8x128xf32>
    %slice3A_1063 = vector.extract_strided_slice %select_n3A_951 {offsets = [448, 0], sizes = [8, 128], strides = [1, 1]} : vector<672x128xf32> to vector<8x128xf32>
    %add3A_1064 = arith.addf %add3A_1062, %slice3A_1063 : vector<8x128xf32>
    %slice3A_1065 = vector.extract_strided_slice %select_n3A_951 {offsets = [456, 0], sizes = [8, 128], strides = [1, 1]} : vector<672x128xf32> to vector<8x128xf32>
    %add3A_1066 = arith.addf %add3A_1064, %slice3A_1065 : vector<8x128xf32>
    %slice3A_1067 = vector.extract_strided_slice %select_n3A_951 {offsets = [464, 0], sizes = [8, 128], strides = [1, 1]} : vector<672x128xf32> to vector<8x128xf32>
    %add3A_1068 = arith.addf %add3A_1066, %slice3A_1067 : vector<8x128xf32>
    %slice3A_1069 = vector.extract_strided_slice %select_n3A_951 {offsets = [472, 0], sizes = [8, 128], strides = [1, 1]} : vector<672x128xf32> to vector<8x128xf32>
    %add3A_1070 = arith.addf %add3A_1068, %slice3A_1069 : vector<8x128xf32>
    %slice3A_1071 = vector.extract_strided_slice %select_n3A_951 {offsets = [480, 0], sizes = [8, 128], strides = [1, 1]} : vector<672x128xf32> to vector<8x128xf32>
    %add3A_1072 = arith.addf %add3A_1070, %slice3A_1071 : vector<8x128xf32>
    %slice3A_1073 = vector.extract_strided_slice %select_n3A_951 {offsets = [488, 0], sizes = [8, 128], strides = [1, 1]} : vector<672x128xf32> to vector<8x128xf32>
    %add3A_1074 = arith.addf %add3A_1072, %slice3A_1073 : vector<8x128xf32>
    %slice3A_1075 = vector.extract_strided_slice %select_n3A_951 {offsets = [496, 0], sizes = [8, 128], strides = [1, 1]} : vector<672x128xf32> to vector<8x128xf32>
    %add3A_1076 = arith.addf %add3A_1074, %slice3A_1075 : vector<8x128xf32>
    %slice3A_1077 = vector.extract_strided_slice %select_n3A_951 {offsets = [504, 0], sizes = [8, 128], strides = [1, 1]} : vector<672x128xf32> to vector<8x128xf32>
    %add3A_1078 = arith.addf %add3A_1076, %slice3A_1077 : vector<8x128xf32>
    %slice3A_1079 = vector.extract_strided_slice %select_n3A_951 {offsets = [512, 0], sizes = [8, 128], strides = [1, 1]} : vector<672x128xf32> to vector<8x128xf32>
    %add3A_1080 = arith.addf %add3A_1078, %slice3A_1079 : vector<8x128xf32>
    %slice3A_1081 = vector.extract_strided_slice %select_n3A_951 {offsets = [520, 0], sizes = [8, 128], strides = [1, 1]} : vector<672x128xf32> to vector<8x128xf32>
    %add3A_1082 = arith.addf %add3A_1080, %slice3A_1081 : vector<8x128xf32>
    %slice3A_1083 = vector.extract_strided_slice %select_n3A_951 {offsets = [528, 0], sizes = [8, 128], strides = [1, 1]} : vector<672x128xf32> to vector<8x128xf32>
    %add3A_1084 = arith.addf %add3A_1082, %slice3A_1083 : vector<8x128xf32>
    %slice3A_1085 = vector.extract_strided_slice %select_n3A_951 {offsets = [536, 0], sizes = [8, 128], strides = [1, 1]} : vector<672x128xf32> to vector<8x128xf32>
    %add3A_1086 = arith.addf %add3A_1084, %slice3A_1085 : vector<8x128xf32>
    %slice3A_1087 = vector.extract_strided_slice %select_n3A_951 {offsets = [544, 0], sizes = [8, 128], strides = [1, 1]} : vector<672x128xf32> to vector<8x128xf32>
    %add3A_1088 = arith.addf %add3A_1086, %slice3A_1087 : vector<8x128xf32>
    %slice3A_1089 = vector.extract_strided_slice %select_n3A_951 {offsets = [552, 0], sizes = [8, 128], strides = [1, 1]} : vector<672x128xf32> to vector<8x128xf32>
    %add3A_1090 = arith.addf %add3A_1088, %slice3A_1089 : vector<8x128xf32>
    %slice3A_1091 = vector.extract_strided_slice %select_n3A_951 {offsets = [560, 0], sizes = [8, 128], strides = [1, 1]} : vector<672x128xf32> to vector<8x128xf32>
    %add3A_1092 = arith.addf %add3A_1090, %slice3A_1091 : vector<8x128xf32>
    %slice3A_1093 = vector.extract_strided_slice %select_n3A_951 {offsets = [568, 0], sizes = [8, 128], strides = [1, 1]} : vector<672x128xf32> to vector<8x128xf32>
    %add3A_1094 = arith.addf %add3A_1092, %slice3A_1093 : vector<8x128xf32>
    %slice3A_1095 = vector.extract_strided_slice %select_n3A_951 {offsets = [576, 0], sizes = [8, 128], strides = [1, 1]} : vector<672x128xf32> to vector<8x128xf32>
    %add3A_1096 = arith.addf %add3A_1094, %slice3A_1095 : vector<8x128xf32>
    %slice3A_1097 = vector.extract_strided_slice %select_n3A_951 {offsets = [584, 0], sizes = [8, 128], strides = [1, 1]} : vector<672x128xf32> to vector<8x128xf32>
    %add3A_1098 = arith.addf %add3A_1096, %slice3A_1097 : vector<8x128xf32>
    %slice3A_1099 = vector.extract_strided_slice %select_n3A_951 {offsets = [592, 0], sizes = [8, 128], strides = [1, 1]} : vector<672x128xf32> to vector<8x128xf32>
    %add3A_1100 = arith.addf %add3A_1098, %slice3A_1099 : vector<8x128xf32>
    %slice3A_1101 = vector.extract_strided_slice %select_n3A_951 {offsets = [600, 0], sizes = [8, 128], strides = [1, 1]} : vector<672x128xf32> to vector<8x128xf32>
    %add3A_1102 = arith.addf %add3A_1100, %slice3A_1101 : vector<8x128xf32>
    %slice3A_1103 = vector.extract_strided_slice %select_n3A_951 {offsets = [608, 0], sizes = [8, 128], strides = [1, 1]} : vector<672x128xf32> to vector<8x128xf32>
    %add3A_1104 = arith.addf %add3A_1102, %slice3A_1103 : vector<8x128xf32>
    %slice3A_1105 = vector.extract_strided_slice %select_n3A_951 {offsets = [616, 0], sizes = [8, 128], strides = [1, 1]} : vector<672x128xf32> to vector<8x128xf32>
    %add3A_1106 = arith.addf %add3A_1104, %slice3A_1105 : vector<8x128xf32>
    %slice3A_1107 = vector.extract_strided_slice %select_n3A_951 {offsets = [624, 0], sizes = [8, 128], strides = [1, 1]} : vector<672x128xf32> to vector<8x128xf32>
    %add3A_1108 = arith.addf %add3A_1106, %slice3A_1107 : vector<8x128xf32>
    %slice3A_1109 = vector.extract_strided_slice %select_n3A_951 {offsets = [632, 0], sizes = [8, 128], strides = [1, 1]} : vector<672x128xf32> to vector<8x128xf32>
    %add3A_1110 = arith.addf %add3A_1108, %slice3A_1109 : vector<8x128xf32>
    %slice3A_1111 = vector.extract_strided_slice %select_n3A_951 {offsets = [640, 0], sizes = [8, 128], strides = [1, 1]} : vector<672x128xf32> to vector<8x128xf32>
    %add3A_1112 = arith.addf %add3A_1110, %slice3A_1111 : vector<8x128xf32>
    %slice3A_1113 = vector.extract_strided_slice %select_n3A_951 {offsets = [648, 0], sizes = [8, 128], strides = [1, 1]} : vector<672x128xf32> to vector<8x128xf32>
    %add3A_1114 = arith.addf %add3A_1112, %slice3A_1113 : vector<8x128xf32>
    %slice3A_1115 = vector.extract_strided_slice %select_n3A_951 {offsets = [656, 0], sizes = [8, 128], strides = [1, 1]} : vector<672x128xf32> to vector<8x128xf32>
    %add3A_1116 = arith.addf %add3A_1114, %slice3A_1115 : vector<8x128xf32>
    %slice3A_1117 = vector.extract_strided_slice %select_n3A_951 {offsets = [664, 0], sizes = [8, 128], strides = [1, 1]} : vector<672x128xf32> to vector<8x128xf32>
    %add3A_1118 = arith.addf %add3A_1116, %slice3A_1117 : vector<8x128xf32>
    %add3A_1119 = arith.addf %get3A_946, %add3A_1118 : vector<8x128xf32>
    %swap3A_1120 = arith.constant 1 : index
    %swap3A_1121 = arith.constant 0 : index
    %swap3A_1122 = arith.constant 0 : index
    %swap3A_1123 = vector.load %arg4[%swap3A_1120, %swap3A_1121, %swap3A_1122] : memref<4x8x128xf32, #tpu.memory_space<vmem>>, vector<1x8x128xf32>
    %swap3A_1124 = vector.shape_cast %swap3A_1123 : vector<1x8x128xf32> to vector<8x128xf32>
    %swap3A_1125 = vector.shape_cast %add3A_1119 : vector<8x128xf32> to vector<1x8x128xf32>
    tpu.vector_store %arg4[%swap3A_1120, %swap3A_1121, %swap3A_1122], %swap3A_1125 {strides = array<i32>} : memref<4x8x128xf32, #tpu.memory_space<vmem>>, vector<1x8x128xf32>,
    %get3A_1126 = arith.constant 2 : index
    %get3A_1127 = arith.constant 0 : index
    %get3A_1128 = arith.constant 0 : index
    %get3A_1129 = vector.load %arg5[%get3A_1126, %get3A_1127, %get3A_1128] : memref<5x8x128xf32, #tpu.memory_space<vmem>>, vector<1x8x128xf32>
    %get3A_1130 = vector.shape_cast %get3A_1129 : vector<1x8x128xf32> to vector<8x128xf32>
    %and3A_1131 = arith.andi %ge3A_25, %eq3A_17 : vector<672x128xi1>
    %jit3A_1132 = arith.constant 1.000000e+00 : f32
    %jit3A_1133 = arith.constant 0.000000e+00 : f32
    %broadcast_in_dim3A_1134 = vector.broadcast %jit3A_1132 : f32 to vector<672x128xf32>
    %broadcast_in_dim3A_1135 = vector.broadcast %jit3A_1133 : f32 to vector<672x128xf32>
    %select_n3A_1136 = arith.select %and3A_1131, %broadcast_in_dim3A_1134, %broadcast_in_dim3A_1135 : vector<672x128xi1>, vector<672x128xf32>
    %slice3A_1137 = vector.extract_strided_slice %select_n3A_1136 {offsets = [0, 0], sizes = [8, 128], strides = [1, 1]} : vector<672x128xf32> to vector<8x128xf32>
    %slice3A_1138 = vector.extract_strided_slice %select_n3A_1136 {offsets = [8, 0], sizes = [8, 128], strides = [1, 1]} : vector<672x128xf32> to vector<8x128xf32>
    %add3A_1139 = arith.addf %slice3A_1137, %slice3A_1138 : vector<8x128xf32>
    %slice3A_1140 = vector.extract_strided_slice %select_n3A_1136 {offsets = [16, 0], sizes = [8, 128], strides = [1, 1]} : vector<672x128xf32> to vector<8x128xf32>
    %add3A_1141 = arith.addf %add3A_1139, %slice3A_1140 : vector<8x128xf32>
    %slice3A_1142 = vector.extract_strided_slice %select_n3A_1136 {offsets = [24, 0], sizes = [8, 128], strides = [1, 1]} : vector<672x128xf32> to vector<8x128xf32>
    %add3A_1143 = arith.addf %add3A_1141, %slice3A_1142 : vector<8x128xf32>
    %slice3A_1144 = vector.extract_strided_slice %select_n3A_1136 {offsets = [32, 0], sizes = [8, 128], strides = [1, 1]} : vector<672x128xf32> to vector<8x128xf32>
    %add3A_1145 = arith.addf %add3A_1143, %slice3A_1144 : vector<8x128xf32>
    %slice3A_1146 = vector.extract_strided_slice %select_n3A_1136 {offsets = [40, 0], sizes = [8, 128], strides = [1, 1]} : vector<672x128xf32> to vector<8x128xf32>
    %add3A_1147 = arith.addf %add3A_1145, %slice3A_1146 : vector<8x128xf32>
    %slice3A_1148 = vector.extract_strided_slice %select_n3A_1136 {offsets = [48, 0], sizes = [8, 128], strides = [1, 1]} : vector<672x128xf32> to vector<8x128xf32>
    %add3A_1149 = arith.addf %add3A_1147, %slice3A_1148 : vector<8x128xf32>
    %slice3A_1150 = vector.extract_strided_slice %select_n3A_1136 {offsets = [56, 0], sizes = [8, 128], strides = [1, 1]} : vector<672x128xf32> to vector<8x128xf32>
    %add3A_1151 = arith.addf %add3A_1149, %slice3A_1150 : vector<8x128xf32>
    %slice3A_1152 = vector.extract_strided_slice %select_n3A_1136 {offsets = [64, 0], sizes = [8, 128], strides = [1, 1]} : vector<672x128xf32> to vector<8x128xf32>
    %add3A_1153 = arith.addf %add3A_1151, %slice3A_1152 : vector<8x128xf32>
    %slice3A_1154 = vector.extract_strided_slice %select_n3A_1136 {offsets = [72, 0], sizes = [8, 128], strides = [1, 1]} : vector<672x128xf32> to vector<8x128xf32>
    %add3A_1155 = arith.addf %add3A_1153, %slice3A_1154 : vector<8x128xf32>
    %slice3A_1156 = vector.extract_strided_slice %select_n3A_1136 {offsets = [80, 0], sizes = [8, 128], strides = [1, 1]} : vector<672x128xf32> to vector<8x128xf32>
    %add3A_1157 = arith.addf %add3A_1155, %slice3A_1156 : vector<8x128xf32>
    %slice3A_1158 = vector.extract_strided_slice %select_n3A_1136 {offsets = [88, 0], sizes = [8, 128], strides = [1, 1]} : vector<672x128xf32> to vector<8x128xf32>
    %add3A_1159 = arith.addf %add3A_1157, %slice3A_1158 : vector<8x128xf32>
    %slice3A_1160 = vector.extract_strided_slice %select_n3A_1136 {offsets = [96, 0], sizes = [8, 128], strides = [1, 1]} : vector<672x128xf32> to vector<8x128xf32>
    %add3A_1161 = arith.addf %add3A_1159, %slice3A_1160 : vector<8x128xf32>
    %slice3A_1162 = vector.extract_strided_slice %select_n3A_1136 {offsets = [104, 0], sizes = [8, 128], strides = [1, 1]} : vector<672x128xf32> to vector<8x128xf32>
    %add3A_1163 = arith.addf %add3A_1161, %slice3A_1162 : vector<8x128xf32>
    %slice3A_1164 = vector.extract_strided_slice %select_n3A_1136 {offsets = [112, 0], sizes = [8, 128], strides = [1, 1]} : vector<672x128xf32> to vector<8x128xf32>
    %add3A_1165 = arith.addf %add3A_1163, %slice3A_1164 : vector<8x128xf32>
    %slice3A_1166 = vector.extract_strided_slice %select_n3A_1136 {offsets = [120, 0], sizes = [8, 128], strides = [1, 1]} : vector<672x128xf32> to vector<8x128xf32>
    %add3A_1167 = arith.addf %add3A_1165, %slice3A_1166 : vector<8x128xf32>
    %slice3A_1168 = vector.extract_strided_slice %select_n3A_1136 {offsets = [128, 0], sizes = [8, 128], strides = [1, 1]} : vector<672x128xf32> to vector<8x128xf32>
    %add3A_1169 = arith.addf %add3A_1167, %slice3A_1168 : vector<8x128xf32>
    %slice3A_1170 = vector.extract_strided_slice %select_n3A_1136 {offsets = [136, 0], sizes = [8, 128], strides = [1, 1]} : vector<672x128xf32> to vector<8x128xf32>
    %add3A_1171 = arith.addf %add3A_1169, %slice3A_1170 : vector<8x128xf32>
    %slice3A_1172 = vector.extract_strided_slice %select_n3A_1136 {offsets = [144, 0], sizes = [8, 128], strides = [1, 1]} : vector<672x128xf32> to vector<8x128xf32>
    %add3A_1173 = arith.addf %add3A_1171, %slice3A_1172 : vector<8x128xf32>
    %slice3A_1174 = vector.extract_strided_slice %select_n3A_1136 {offsets = [152, 0], sizes = [8, 128], strides = [1, 1]} : vector<672x128xf32> to vector<8x128xf32>
    %add3A_1175 = arith.addf %add3A_1173, %slice3A_1174 : vector<8x128xf32>
    %slice3A_1176 = vector.extract_strided_slice %select_n3A_1136 {offsets = [160, 0], sizes = [8, 128], strides = [1, 1]} : vector<672x128xf32> to vector<8x128xf32>
    %add3A_1177 = arith.addf %add3A_1175, %slice3A_1176 : vector<8x128xf32>
    %slice3A_1178 = vector.extract_strided_slice %select_n3A_1136 {offsets = [168, 0], sizes = [8, 128], strides = [1, 1]} : vector<672x128xf32> to vector<8x128xf32>
    %add3A_1179 = arith.addf %add3A_1177, %slice3A_1178 : vector<8x128xf32>
    %slice3A_1180 = vector.extract_strided_slice %select_n3A_1136 {offsets = [176, 0], sizes = [8, 128], strides = [1, 1]} : vector<672x128xf32> to vector<8x128xf32>
    %add3A_1181 = arith.addf %add3A_1179, %slice3A_1180 : vector<8x128xf32>
    %slice3A_1182 = vector.extract_strided_slice %select_n3A_1136 {offsets = [184, 0], sizes = [8, 128], strides = [1, 1]} : vector<672x128xf32> to vector<8x128xf32>
    %add3A_1183 = arith.addf %add3A_1181, %slice3A_1182 : vector<8x128xf32>
    %slice3A_1184 = vector.extract_strided_slice %select_n3A_1136 {offsets = [192, 0], sizes = [8, 128], strides = [1, 1]} : vector<672x128xf32> to vector<8x128xf32>
    %add3A_1185 = arith.addf %add3A_1183, %slice3A_1184 : vector<8x128xf32>
    %slice3A_1186 = vector.extract_strided_slice %select_n3A_1136 {offsets = [200, 0], sizes = [8, 128], strides = [1, 1]} : vector<672x128xf32> to vector<8x128xf32>
    %add3A_1187 = arith.addf %add3A_1185, %slice3A_1186 : vector<8x128xf32>
    %slice3A_1188 = vector.extract_strided_slice %select_n3A_1136 {offsets = [208, 0], sizes = [8, 128], strides = [1, 1]} : vector<672x128xf32> to vector<8x128xf32>
    %add3A_1189 = arith.addf %add3A_1187, %slice3A_1188 : vector<8x128xf32>
    %slice3A_1190 = vector.extract_strided_slice %select_n3A_1136 {offsets = [216, 0], sizes = [8, 128], strides = [1, 1]} : vector<672x128xf32> to vector<8x128xf32>
    %add3A_1191 = arith.addf %add3A_1189, %slice3A_1190 : vector<8x128xf32>
    %slice3A_1192 = vector.extract_strided_slice %select_n3A_1136 {offsets = [224, 0], sizes = [8, 128], strides = [1, 1]} : vector<672x128xf32> to vector<8x128xf32>
    %add3A_1193 = arith.addf %add3A_1191, %slice3A_1192 : vector<8x128xf32>
    %slice3A_1194 = vector.extract_strided_slice %select_n3A_1136 {offsets = [232, 0], sizes = [8, 128], strides = [1, 1]} : vector<672x128xf32> to vector<8x128xf32>
    %add3A_1195 = arith.addf %add3A_1193, %slice3A_1194 : vector<8x128xf32>
    %slice3A_1196 = vector.extract_strided_slice %select_n3A_1136 {offsets = [240, 0], sizes = [8, 128], strides = [1, 1]} : vector<672x128xf32> to vector<8x128xf32>
    %add3A_1197 = arith.addf %add3A_1195, %slice3A_1196 : vector<8x128xf32>
    %slice3A_1198 = vector.extract_strided_slice %select_n3A_1136 {offsets = [248, 0], sizes = [8, 128], strides = [1, 1]} : vector<672x128xf32> to vector<8x128xf32>
    %add3A_1199 = arith.addf %add3A_1197, %slice3A_1198 : vector<8x128xf32>
    %slice3A_1200 = vector.extract_strided_slice %select_n3A_1136 {offsets = [256, 0], sizes = [8, 128], strides = [1, 1]} : vector<672x128xf32> to vector<8x128xf32>
    %add3A_1201 = arith.addf %add3A_1199, %slice3A_1200 : vector<8x128xf32>
    %slice3A_1202 = vector.extract_strided_slice %select_n3A_1136 {offsets = [264, 0], sizes = [8, 128], strides = [1, 1]} : vector<672x128xf32> to vector<8x128xf32>
    %add3A_1203 = arith.addf %add3A_1201, %slice3A_1202 : vector<8x128xf32>
    %slice3A_1204 = vector.extract_strided_slice %select_n3A_1136 {offsets = [272, 0], sizes = [8, 128], strides = [1, 1]} : vector<672x128xf32> to vector<8x128xf32>
    %add3A_1205 = arith.addf %add3A_1203, %slice3A_1204 : vector<8x128xf32>
    %slice3A_1206 = vector.extract_strided_slice %select_n3A_1136 {offsets = [280, 0], sizes = [8, 128], strides = [1, 1]} : vector<672x128xf32> to vector<8x128xf32>
    %add3A_1207 = arith.addf %add3A_1205, %slice3A_1206 : vector<8x128xf32>
    %slice3A_1208 = vector.extract_strided_slice %select_n3A_1136 {offsets = [288, 0], sizes = [8, 128], strides = [1, 1]} : vector<672x128xf32> to vector<8x128xf32>
    %add3A_1209 = arith.addf %add3A_1207, %slice3A_1208 : vector<8x128xf32>
    %slice3A_1210 = vector.extract_strided_slice %select_n3A_1136 {offsets = [296, 0], sizes = [8, 128], strides = [1, 1]} : vector<672x128xf32> to vector<8x128xf32>
    %add3A_1211 = arith.addf %add3A_1209, %slice3A_1210 : vector<8x128xf32>
    %slice3A_1212 = vector.extract_strided_slice %select_n3A_1136 {offsets = [304, 0], sizes = [8, 128], strides = [1, 1]} : vector<672x128xf32> to vector<8x128xf32>
    %add3A_1213 = arith.addf %add3A_1211, %slice3A_1212 : vector<8x128xf32>
    %slice3A_1214 = vector.extract_strided_slice %select_n3A_1136 {offsets = [312, 0], sizes = [8, 128], strides = [1, 1]} : vector<672x128xf32> to vector<8x128xf32>
    %add3A_1215 = arith.addf %add3A_1213, %slice3A_1214 : vector<8x128xf32>
    %slice3A_1216 = vector.extract_strided_slice %select_n3A_1136 {offsets = [320, 0], sizes = [8, 128], strides = [1, 1]} : vector<672x128xf32> to vector<8x128xf32>
    %add3A_1217 = arith.addf %add3A_1215, %slice3A_1216 : vector<8x128xf32>
    %slice3A_1218 = vector.extract_strided_slice %select_n3A_1136 {offsets = [328, 0], sizes = [8, 128], strides = [1, 1]} : vector<672x128xf32> to vector<8x128xf32>
    %add3A_1219 = arith.addf %add3A_1217, %slice3A_1218 : vector<8x128xf32>
    %slice3A_1220 = vector.extract_strided_slice %select_n3A_1136 {offsets = [336, 0], sizes = [8, 128], strides = [1, 1]} : vector<672x128xf32> to vector<8x128xf32>
    %add3A_1221 = arith.addf %add3A_1219, %slice3A_1220 : vector<8x128xf32>
    %slice3A_1222 = vector.extract_strided_slice %select_n3A_1136 {offsets = [344, 0], sizes = [8, 128], strides = [1, 1]} : vector<672x128xf32> to vector<8x128xf32>
    %add3A_1223 = arith.addf %add3A_1221, %slice3A_1222 : vector<8x128xf32>
    %slice3A_1224 = vector.extract_strided_slice %select_n3A_1136 {offsets = [352, 0], sizes = [8, 128], strides = [1, 1]} : vector<672x128xf32> to vector<8x128xf32>
    %add3A_1225 = arith.addf %add3A_1223, %slice3A_1224 : vector<8x128xf32>
    %slice3A_1226 = vector.extract_strided_slice %select_n3A_1136 {offsets = [360, 0], sizes = [8, 128], strides = [1, 1]} : vector<672x128xf32> to vector<8x128xf32>
    %add3A_1227 = arith.addf %add3A_1225, %slice3A_1226 : vector<8x128xf32>
    %slice3A_1228 = vector.extract_strided_slice %select_n3A_1136 {offsets = [368, 0], sizes = [8, 128], strides = [1, 1]} : vector<672x128xf32> to vector<8x128xf32>
    %add3A_1229 = arith.addf %add3A_1227, %slice3A_1228 : vector<8x128xf32>
    %slice3A_1230 = vector.extract_strided_slice %select_n3A_1136 {offsets = [376, 0], sizes = [8, 128], strides = [1, 1]} : vector<672x128xf32> to vector<8x128xf32>
    %add3A_1231 = arith.addf %add3A_1229, %slice3A_1230 : vector<8x128xf32>
    %slice3A_1232 = vector.extract_strided_slice %select_n3A_1136 {offsets = [384, 0], sizes = [8, 128], strides = [1, 1]} : vector<672x128xf32> to vector<8x128xf32>
    %add3A_1233 = arith.addf %add3A_1231, %slice3A_1232 : vector<8x128xf32>
    %slice3A_1234 = vector.extract_strided_slice %select_n3A_1136 {offsets = [392, 0], sizes = [8, 128], strides = [1, 1]} : vector<672x128xf32> to vector<8x128xf32>
    %add3A_1235 = arith.addf %add3A_1233, %slice3A_1234 : vector<8x128xf32>
    %slice3A_1236 = vector.extract_strided_slice %select_n3A_1136 {offsets = [400, 0], sizes = [8, 128], strides = [1, 1]} : vector<672x128xf32> to vector<8x128xf32>
    %add3A_1237 = arith.addf %add3A_1235, %slice3A_1236 : vector<8x128xf32>
    %slice3A_1238 = vector.extract_strided_slice %select_n3A_1136 {offsets = [408, 0], sizes = [8, 128], strides = [1, 1]} : vector<672x128xf32> to vector<8x128xf32>
    %add3A_1239 = arith.addf %add3A_1237, %slice3A_1238 : vector<8x128xf32>
    %slice3A_1240 = vector.extract_strided_slice %select_n3A_1136 {offsets = [416, 0], sizes = [8, 128], strides = [1, 1]} : vector<672x128xf32> to vector<8x128xf32>
    %add3A_1241 = arith.addf %add3A_1239, %slice3A_1240 : vector<8x128xf32>
    %slice3A_1242 = vector.extract_strided_slice %select_n3A_1136 {offsets = [424, 0], sizes = [8, 128], strides = [1, 1]} : vector<672x128xf32> to vector<8x128xf32>
    %add3A_1243 = arith.addf %add3A_1241, %slice3A_1242 : vector<8x128xf32>
    %slice3A_1244 = vector.extract_strided_slice %select_n3A_1136 {offsets = [432, 0], sizes = [8, 128], strides = [1, 1]} : vector<672x128xf32> to vector<8x128xf32>
    %add3A_1245 = arith.addf %add3A_1243, %slice3A_1244 : vector<8x128xf32>
    %slice3A_1246 = vector.extract_strided_slice %select_n3A_1136 {offsets = [440, 0], sizes = [8, 128], strides = [1, 1]} : vector<672x128xf32> to vector<8x128xf32>
    %add3A_1247 = arith.addf %add3A_1245, %slice3A_1246 : vector<8x128xf32>
    %slice3A_1248 = vector.extract_strided_slice %select_n3A_1136 {offsets = [448, 0], sizes = [8, 128], strides = [1, 1]} : vector<672x128xf32> to vector<8x128xf32>
    %add3A_1249 = arith.addf %add3A_1247, %slice3A_1248 : vector<8x128xf32>
    %slice3A_1250 = vector.extract_strided_slice %select_n3A_1136 {offsets = [456, 0], sizes = [8, 128], strides = [1, 1]} : vector<672x128xf32> to vector<8x128xf32>
    %add3A_1251 = arith.addf %add3A_1249, %slice3A_1250 : vector<8x128xf32>
    %slice3A_1252 = vector.extract_strided_slice %select_n3A_1136 {offsets = [464, 0], sizes = [8, 128], strides = [1, 1]} : vector<672x128xf32> to vector<8x128xf32>
    %add3A_1253 = arith.addf %add3A_1251, %slice3A_1252 : vector<8x128xf32>
    %slice3A_1254 = vector.extract_strided_slice %select_n3A_1136 {offsets = [472, 0], sizes = [8, 128], strides = [1, 1]} : vector<672x128xf32> to vector<8x128xf32>
    %add3A_1255 = arith.addf %add3A_1253, %slice3A_1254 : vector<8x128xf32>
    %slice3A_1256 = vector.extract_strided_slice %select_n3A_1136 {offsets = [480, 0], sizes = [8, 128], strides = [1, 1]} : vector<672x128xf32> to vector<8x128xf32>
    %add3A_1257 = arith.addf %add3A_1255, %slice3A_1256 : vector<8x128xf32>
    %slice3A_1258 = vector.extract_strided_slice %select_n3A_1136 {offsets = [488, 0], sizes = [8, 128], strides = [1, 1]} : vector<672x128xf32> to vector<8x128xf32>
    %add3A_1259 = arith.addf %add3A_1257, %slice3A_1258 : vector<8x128xf32>
    %slice3A_1260 = vector.extract_strided_slice %select_n3A_1136 {offsets = [496, 0], sizes = [8, 128], strides = [1, 1]} : vector<672x128xf32> to vector<8x128xf32>
    %add3A_1261 = arith.addf %add3A_1259, %slice3A_1260 : vector<8x128xf32>
    %slice3A_1262 = vector.extract_strided_slice %select_n3A_1136 {offsets = [504, 0], sizes = [8, 128], strides = [1, 1]} : vector<672x128xf32> to vector<8x128xf32>
    %add3A_1263 = arith.addf %add3A_1261, %slice3A_1262 : vector<8x128xf32>
    %slice3A_1264 = vector.extract_strided_slice %select_n3A_1136 {offsets = [512, 0], sizes = [8, 128], strides = [1, 1]} : vector<672x128xf32> to vector<8x128xf32>
    %add3A_1265 = arith.addf %add3A_1263, %slice3A_1264 : vector<8x128xf32>
    %slice3A_1266 = vector.extract_strided_slice %select_n3A_1136 {offsets = [520, 0], sizes = [8, 128], strides = [1, 1]} : vector<672x128xf32> to vector<8x128xf32>
    %add3A_1267 = arith.addf %add3A_1265, %slice3A_1266 : vector<8x128xf32>
    %slice3A_1268 = vector.extract_strided_slice %select_n3A_1136 {offsets = [528, 0], sizes = [8, 128], strides = [1, 1]} : vector<672x128xf32> to vector<8x128xf32>
    %add3A_1269 = arith.addf %add3A_1267, %slice3A_1268 : vector<8x128xf32>
    %slice3A_1270 = vector.extract_strided_slice %select_n3A_1136 {offsets = [536, 0], sizes = [8, 128], strides = [1, 1]} : vector<672x128xf32> to vector<8x128xf32>
    %add3A_1271 = arith.addf %add3A_1269, %slice3A_1270 : vector<8x128xf32>
    %slice3A_1272 = vector.extract_strided_slice %select_n3A_1136 {offsets = [544, 0], sizes = [8, 128], strides = [1, 1]} : vector<672x128xf32> to vector<8x128xf32>
    %add3A_1273 = arith.addf %add3A_1271, %slice3A_1272 : vector<8x128xf32>
    %slice3A_1274 = vector.extract_strided_slice %select_n3A_1136 {offsets = [552, 0], sizes = [8, 128], strides = [1, 1]} : vector<672x128xf32> to vector<8x128xf32>
    %add3A_1275 = arith.addf %add3A_1273, %slice3A_1274 : vector<8x128xf32>
    %slice3A_1276 = vector.extract_strided_slice %select_n3A_1136 {offsets = [560, 0], sizes = [8, 128], strides = [1, 1]} : vector<672x128xf32> to vector<8x128xf32>
    %add3A_1277 = arith.addf %add3A_1275, %slice3A_1276 : vector<8x128xf32>
    %slice3A_1278 = vector.extract_strided_slice %select_n3A_1136 {offsets = [568, 0], sizes = [8, 128], strides = [1, 1]} : vector<672x128xf32> to vector<8x128xf32>
    %add3A_1279 = arith.addf %add3A_1277, %slice3A_1278 : vector<8x128xf32>
    %slice3A_1280 = vector.extract_strided_slice %select_n3A_1136 {offsets = [576, 0], sizes = [8, 128], strides = [1, 1]} : vector<672x128xf32> to vector<8x128xf32>
    %add3A_1281 = arith.addf %add3A_1279, %slice3A_1280 : vector<8x128xf32>
    %slice3A_1282 = vector.extract_strided_slice %select_n3A_1136 {offsets = [584, 0], sizes = [8, 128], strides = [1, 1]} : vector<672x128xf32> to vector<8x128xf32>
    %add3A_1283 = arith.addf %add3A_1281, %slice3A_1282 : vector<8x128xf32>
    %slice3A_1284 = vector.extract_strided_slice %select_n3A_1136 {offsets = [592, 0], sizes = [8, 128], strides = [1, 1]} : vector<672x128xf32> to vector<8x128xf32>
    %add3A_1285 = arith.addf %add3A_1283, %slice3A_1284 : vector<8x128xf32>
    %slice3A_1286 = vector.extract_strided_slice %select_n3A_1136 {offsets = [600, 0], sizes = [8, 128], strides = [1, 1]} : vector<672x128xf32> to vector<8x128xf32>
    %add3A_1287 = arith.addf %add3A_1285, %slice3A_1286 : vector<8x128xf32>
    %slice3A_1288 = vector.extract_strided_slice %select_n3A_1136 {offsets = [608, 0], sizes = [8, 128], strides = [1, 1]} : vector<672x128xf32> to vector<8x128xf32>
    %add3A_1289 = arith.addf %add3A_1287, %slice3A_1288 : vector<8x128xf32>
    %slice3A_1290 = vector.extract_strided_slice %select_n3A_1136 {offsets = [616, 0], sizes = [8, 128], strides = [1, 1]} : vector<672x128xf32> to vector<8x128xf32>
    %add3A_1291 = arith.addf %add3A_1289, %slice3A_1290 : vector<8x128xf32>
    %slice3A_1292 = vector.extract_strided_slice %select_n3A_1136 {offsets = [624, 0], sizes = [8, 128], strides = [1, 1]} : vector<672x128xf32> to vector<8x128xf32>
    %add3A_1293 = arith.addf %add3A_1291, %slice3A_1292 : vector<8x128xf32>
    %slice3A_1294 = vector.extract_strided_slice %select_n3A_1136 {offsets = [632, 0], sizes = [8, 128], strides = [1, 1]} : vector<672x128xf32> to vector<8x128xf32>
    %add3A_1295 = arith.addf %add3A_1293, %slice3A_1294 : vector<8x128xf32>
    %slice3A_1296 = vector.extract_strided_slice %select_n3A_1136 {offsets = [640, 0], sizes = [8, 128], strides = [1, 1]} : vector<672x128xf32> to vector<8x128xf32>
    %add3A_1297 = arith.addf %add3A_1295, %slice3A_1296 : vector<8x128xf32>
    %slice3A_1298 = vector.extract_strided_slice %select_n3A_1136 {offsets = [648, 0], sizes = [8, 128], strides = [1, 1]} : vector<672x128xf32> to vector<8x128xf32>
    %add3A_1299 = arith.addf %add3A_1297, %slice3A_1298 : vector<8x128xf32>
    %slice3A_1300 = vector.extract_strided_slice %select_n3A_1136 {offsets = [656, 0], sizes = [8, 128], strides = [1, 1]} : vector<672x128xf32> to vector<8x128xf32>
    %add3A_1301 = arith.addf %add3A_1299, %slice3A_1300 : vector<8x128xf32>
    %slice3A_1302 = vector.extract_strided_slice %select_n3A_1136 {offsets = [664, 0], sizes = [8, 128], strides = [1, 1]} : vector<672x128xf32> to vector<8x128xf32>
    %add3A_1303 = arith.addf %add3A_1301, %slice3A_1302 : vector<8x128xf32>
    %add3A_1304 = arith.addf %get3A_1130, %add3A_1303 : vector<8x128xf32>
    %swap3A_1305 = arith.constant 2 : index
    %swap3A_1306 = arith.constant 0 : index
    %swap3A_1307 = arith.constant 0 : index
    %swap3A_1308 = vector.load %arg5[%swap3A_1305, %swap3A_1306, %swap3A_1307] : memref<5x8x128xf32, #tpu.memory_space<vmem>>, vector<1x8x128xf32>
    %swap3A_1309 = vector.shape_cast %swap3A_1308 : vector<1x8x128xf32> to vector<8x128xf32>
    %swap3A_1310 = vector.shape_cast %add3A_1304 : vector<8x128xf32> to vector<1x8x128xf32>
    tpu.vector_store %arg5[%swap3A_1305, %swap3A_1306, %swap3A_1307], %swap3A_1310 {strides = array<i32>} : memref<5x8x128xf32, #tpu.memory_space<vmem>>, vector<1x8x128xf32>,
    %get3A_1311 = arith.constant 2 : index
    %get3A_1312 = arith.constant 0 : index
    %get3A_1313 = arith.constant 0 : index
    %get3A_1314 = vector.load %arg6[%get3A_1311, %get3A_1312, %get3A_1313] : memref<5x8x128xf32, #tpu.memory_space<vmem>>, vector<1x8x128xf32>
    %get3A_1315 = vector.shape_cast %get3A_1314 : vector<1x8x128xf32> to vector<8x128xf32>
    %jit3A_1316 = arith.constant 0.000000e+00 : f32
    %broadcast_in_dim3A_1317 = vector.broadcast %jit3A_1316 : f32 to vector<672x128xf32>
    %select_n3A_1318 = arith.select %ge3A_25, %select_n3A, %broadcast_in_dim3A_1317 : vector<672x128xi1>, vector<672x128xf32>
    %slice3A_1319 = vector.extract_strided_slice %select_n3A_1318 {offsets = [0, 0], sizes = [8, 128], strides = [1, 1]} : vector<672x128xf32> to vector<8x128xf32>
    %slice3A_1320 = vector.extract_strided_slice %select_n3A_1318 {offsets = [8, 0], sizes = [8, 128], strides = [1, 1]} : vector<672x128xf32> to vector<8x128xf32>
    %add3A_1321 = arith.addf %slice3A_1319, %slice3A_1320 : vector<8x128xf32>
    %slice3A_1322 = vector.extract_strided_slice %select_n3A_1318 {offsets = [16, 0], sizes = [8, 128], strides = [1, 1]} : vector<672x128xf32> to vector<8x128xf32>
    %add3A_1323 = arith.addf %add3A_1321, %slice3A_1322 : vector<8x128xf32>
    %slice3A_1324 = vector.extract_strided_slice %select_n3A_1318 {offsets = [24, 0], sizes = [8, 128], strides = [1, 1]} : vector<672x128xf32> to vector<8x128xf32>
    %add3A_1325 = arith.addf %add3A_1323, %slice3A_1324 : vector<8x128xf32>
    %slice3A_1326 = vector.extract_strided_slice %select_n3A_1318 {offsets = [32, 0], sizes = [8, 128], strides = [1, 1]} : vector<672x128xf32> to vector<8x128xf32>
    %add3A_1327 = arith.addf %add3A_1325, %slice3A_1326 : vector<8x128xf32>
    %slice3A_1328 = vector.extract_strided_slice %select_n3A_1318 {offsets = [40, 0], sizes = [8, 128], strides = [1, 1]} : vector<672x128xf32> to vector<8x128xf32>
    %add3A_1329 = arith.addf %add3A_1327, %slice3A_1328 : vector<8x128xf32>
    %slice3A_1330 = vector.extract_strided_slice %select_n3A_1318 {offsets = [48, 0], sizes = [8, 128], strides = [1, 1]} : vector<672x128xf32> to vector<8x128xf32>
    %add3A_1331 = arith.addf %add3A_1329, %slice3A_1330 : vector<8x128xf32>
    %slice3A_1332 = vector.extract_strided_slice %select_n3A_1318 {offsets = [56, 0], sizes = [8, 128], strides = [1, 1]} : vector<672x128xf32> to vector<8x128xf32>
    %add3A_1333 = arith.addf %add3A_1331, %slice3A_1332 : vector<8x128xf32>
    %slice3A_1334 = vector.extract_strided_slice %select_n3A_1318 {offsets = [64, 0], sizes = [8, 128], strides = [1, 1]} : vector<672x128xf32> to vector<8x128xf32>
    %add3A_1335 = arith.addf %add3A_1333, %slice3A_1334 : vector<8x128xf32>
    %slice3A_1336 = vector.extract_strided_slice %select_n3A_1318 {offsets = [72, 0], sizes = [8, 128], strides = [1, 1]} : vector<672x128xf32> to vector<8x128xf32>
    %add3A_1337 = arith.addf %add3A_1335, %slice3A_1336 : vector<8x128xf32>
    %slice3A_1338 = vector.extract_strided_slice %select_n3A_1318 {offsets = [80, 0], sizes = [8, 128], strides = [1, 1]} : vector<672x128xf32> to vector<8x128xf32>
    %add3A_1339 = arith.addf %add3A_1337, %slice3A_1338 : vector<8x128xf32>
    %slice3A_1340 = vector.extract_strided_slice %select_n3A_1318 {offsets = [88, 0], sizes = [8, 128], strides = [1, 1]} : vector<672x128xf32> to vector<8x128xf32>
    %add3A_1341 = arith.addf %add3A_1339, %slice3A_1340 : vector<8x128xf32>
    %slice3A_1342 = vector.extract_strided_slice %select_n3A_1318 {offsets = [96, 0], sizes = [8, 128], strides = [1, 1]} : vector<672x128xf32> to vector<8x128xf32>
    %add3A_1343 = arith.addf %add3A_1341, %slice3A_1342 : vector<8x128xf32>
    %slice3A_1344 = vector.extract_strided_slice %select_n3A_1318 {offsets = [104, 0], sizes = [8, 128], strides = [1, 1]} : vector<672x128xf32> to vector<8x128xf32>
    %add3A_1345 = arith.addf %add3A_1343, %slice3A_1344 : vector<8x128xf32>
    %slice3A_1346 = vector.extract_strided_slice %select_n3A_1318 {offsets = [112, 0], sizes = [8, 128], strides = [1, 1]} : vector<672x128xf32> to vector<8x128xf32>
    %add3A_1347 = arith.addf %add3A_1345, %slice3A_1346 : vector<8x128xf32>
    %slice3A_1348 = vector.extract_strided_slice %select_n3A_1318 {offsets = [120, 0], sizes = [8, 128], strides = [1, 1]} : vector<672x128xf32> to vector<8x128xf32>
    %add3A_1349 = arith.addf %add3A_1347, %slice3A_1348 : vector<8x128xf32>
    %slice3A_1350 = vector.extract_strided_slice %select_n3A_1318 {offsets = [128, 0], sizes = [8, 128], strides = [1, 1]} : vector<672x128xf32> to vector<8x128xf32>
    %add3A_1351 = arith.addf %add3A_1349, %slice3A_1350 : vector<8x128xf32>
    %slice3A_1352 = vector.extract_strided_slice %select_n3A_1318 {offsets = [136, 0], sizes = [8, 128], strides = [1, 1]} : vector<672x128xf32> to vector<8x128xf32>
    %add3A_1353 = arith.addf %add3A_1351, %slice3A_1352 : vector<8x128xf32>
    %slice3A_1354 = vector.extract_strided_slice %select_n3A_1318 {offsets = [144, 0], sizes = [8, 128], strides = [1, 1]} : vector<672x128xf32> to vector<8x128xf32>
    %add3A_1355 = arith.addf %add3A_1353, %slice3A_1354 : vector<8x128xf32>
    %slice3A_1356 = vector.extract_strided_slice %select_n3A_1318 {offsets = [152, 0], sizes = [8, 128], strides = [1, 1]} : vector<672x128xf32> to vector<8x128xf32>
    %add3A_1357 = arith.addf %add3A_1355, %slice3A_1356 : vector<8x128xf32>
    %slice3A_1358 = vector.extract_strided_slice %select_n3A_1318 {offsets = [160, 0], sizes = [8, 128], strides = [1, 1]} : vector<672x128xf32> to vector<8x128xf32>
    %add3A_1359 = arith.addf %add3A_1357, %slice3A_1358 : vector<8x128xf32>
    %slice3A_1360 = vector.extract_strided_slice %select_n3A_1318 {offsets = [168, 0], sizes = [8, 128], strides = [1, 1]} : vector<672x128xf32> to vector<8x128xf32>
    %add3A_1361 = arith.addf %add3A_1359, %slice3A_1360 : vector<8x128xf32>
    %slice3A_1362 = vector.extract_strided_slice %select_n3A_1318 {offsets = [176, 0], sizes = [8, 128], strides = [1, 1]} : vector<672x128xf32> to vector<8x128xf32>
    %add3A_1363 = arith.addf %add3A_1361, %slice3A_1362 : vector<8x128xf32>
    %slice3A_1364 = vector.extract_strided_slice %select_n3A_1318 {offsets = [184, 0], sizes = [8, 128], strides = [1, 1]} : vector<672x128xf32> to vector<8x128xf32>
    %add3A_1365 = arith.addf %add3A_1363, %slice3A_1364 : vector<8x128xf32>
    %slice3A_1366 = vector.extract_strided_slice %select_n3A_1318 {offsets = [192, 0], sizes = [8, 128], strides = [1, 1]} : vector<672x128xf32> to vector<8x128xf32>
    %add3A_1367 = arith.addf %add3A_1365, %slice3A_1366 : vector<8x128xf32>
    %slice3A_1368 = vector.extract_strided_slice %select_n3A_1318 {offsets = [200, 0], sizes = [8, 128], strides = [1, 1]} : vector<672x128xf32> to vector<8x128xf32>
    %add3A_1369 = arith.addf %add3A_1367, %slice3A_1368 : vector<8x128xf32>
    %slice3A_1370 = vector.extract_strided_slice %select_n3A_1318 {offsets = [208, 0], sizes = [8, 128], strides = [1, 1]} : vector<672x128xf32> to vector<8x128xf32>
    %add3A_1371 = arith.addf %add3A_1369, %slice3A_1370 : vector<8x128xf32>
    %slice3A_1372 = vector.extract_strided_slice %select_n3A_1318 {offsets = [216, 0], sizes = [8, 128], strides = [1, 1]} : vector<672x128xf32> to vector<8x128xf32>
    %add3A_1373 = arith.addf %add3A_1371, %slice3A_1372 : vector<8x128xf32>
    %slice3A_1374 = vector.extract_strided_slice %select_n3A_1318 {offsets = [224, 0], sizes = [8, 128], strides = [1, 1]} : vector<672x128xf32> to vector<8x128xf32>
    %add3A_1375 = arith.addf %add3A_1373, %slice3A_1374 : vector<8x128xf32>
    %slice3A_1376 = vector.extract_strided_slice %select_n3A_1318 {offsets = [232, 0], sizes = [8, 128], strides = [1, 1]} : vector<672x128xf32> to vector<8x128xf32>
    %add3A_1377 = arith.addf %add3A_1375, %slice3A_1376 : vector<8x128xf32>
    %slice3A_1378 = vector.extract_strided_slice %select_n3A_1318 {offsets = [240, 0], sizes = [8, 128], strides = [1, 1]} : vector<672x128xf32> to vector<8x128xf32>
    %add3A_1379 = arith.addf %add3A_1377, %slice3A_1378 : vector<8x128xf32>
    %slice3A_1380 = vector.extract_strided_slice %select_n3A_1318 {offsets = [248, 0], sizes = [8, 128], strides = [1, 1]} : vector<672x128xf32> to vector<8x128xf32>
    %add3A_1381 = arith.addf %add3A_1379, %slice3A_1380 : vector<8x128xf32>
    %slice3A_1382 = vector.extract_strided_slice %select_n3A_1318 {offsets = [256, 0], sizes = [8, 128], strides = [1, 1]} : vector<672x128xf32> to vector<8x128xf32>
    %add3A_1383 = arith.addf %add3A_1381, %slice3A_1382 : vector<8x128xf32>
    %slice3A_1384 = vector.extract_strided_slice %select_n3A_1318 {offsets = [264, 0], sizes = [8, 128], strides = [1, 1]} : vector<672x128xf32> to vector<8x128xf32>
    %add3A_1385 = arith.addf %add3A_1383, %slice3A_1384 : vector<8x128xf32>
    %slice3A_1386 = vector.extract_strided_slice %select_n3A_1318 {offsets = [272, 0], sizes = [8, 128], strides = [1, 1]} : vector<672x128xf32> to vector<8x128xf32>
    %add3A_1387 = arith.addf %add3A_1385, %slice3A_1386 : vector<8x128xf32>
    %slice3A_1388 = vector.extract_strided_slice %select_n3A_1318 {offsets = [280, 0], sizes = [8, 128], strides = [1, 1]} : vector<672x128xf32> to vector<8x128xf32>
    %add3A_1389 = arith.addf %add3A_1387, %slice3A_1388 : vector<8x128xf32>
    %slice3A_1390 = vector.extract_strided_slice %select_n3A_1318 {offsets = [288, 0], sizes = [8, 128], strides = [1, 1]} : vector<672x128xf32> to vector<8x128xf32>
    %add3A_1391 = arith.addf %add3A_1389, %slice3A_1390 : vector<8x128xf32>
    %slice3A_1392 = vector.extract_strided_slice %select_n3A_1318 {offsets = [296, 0], sizes = [8, 128], strides = [1, 1]} : vector<672x128xf32> to vector<8x128xf32>
    %add3A_1393 = arith.addf %add3A_1391, %slice3A_1392 : vector<8x128xf32>
    %slice3A_1394 = vector.extract_strided_slice %select_n3A_1318 {offsets = [304, 0], sizes = [8, 128], strides = [1, 1]} : vector<672x128xf32> to vector<8x128xf32>
    %add3A_1395 = arith.addf %add3A_1393, %slice3A_1394 : vector<8x128xf32>
    %slice3A_1396 = vector.extract_strided_slice %select_n3A_1318 {offsets = [312, 0], sizes = [8, 128], strides = [1, 1]} : vector<672x128xf32> to vector<8x128xf32>
    %add3A_1397 = arith.addf %add3A_1395, %slice3A_1396 : vector<8x128xf32>
    %slice3A_1398 = vector.extract_strided_slice %select_n3A_1318 {offsets = [320, 0], sizes = [8, 128], strides = [1, 1]} : vector<672x128xf32> to vector<8x128xf32>
    %add3A_1399 = arith.addf %add3A_1397, %slice3A_1398 : vector<8x128xf32>
    %slice3A_1400 = vector.extract_strided_slice %select_n3A_1318 {offsets = [328, 0], sizes = [8, 128], strides = [1, 1]} : vector<672x128xf32> to vector<8x128xf32>
    %add3A_1401 = arith.addf %add3A_1399, %slice3A_1400 : vector<8x128xf32>
    %slice3A_1402 = vector.extract_strided_slice %select_n3A_1318 {offsets = [336, 0], sizes = [8, 128], strides = [1, 1]} : vector<672x128xf32> to vector<8x128xf32>
    %add3A_1403 = arith.addf %add3A_1401, %slice3A_1402 : vector<8x128xf32>
    %slice3A_1404 = vector.extract_strided_slice %select_n3A_1318 {offsets = [344, 0], sizes = [8, 128], strides = [1, 1]} : vector<672x128xf32> to vector<8x128xf32>
    %add3A_1405 = arith.addf %add3A_1403, %slice3A_1404 : vector<8x128xf32>
    %slice3A_1406 = vector.extract_strided_slice %select_n3A_1318 {offsets = [352, 0], sizes = [8, 128], strides = [1, 1]} : vector<672x128xf32> to vector<8x128xf32>
    %add3A_1407 = arith.addf %add3A_1405, %slice3A_1406 : vector<8x128xf32>
    %slice3A_1408 = vector.extract_strided_slice %select_n3A_1318 {offsets = [360, 0], sizes = [8, 128], strides = [1, 1]} : vector<672x128xf32> to vector<8x128xf32>
    %add3A_1409 = arith.addf %add3A_1407, %slice3A_1408 : vector<8x128xf32>
    %slice3A_1410 = vector.extract_strided_slice %select_n3A_1318 {offsets = [368, 0], sizes = [8, 128], strides = [1, 1]} : vector<672x128xf32> to vector<8x128xf32>
    %add3A_1411 = arith.addf %add3A_1409, %slice3A_1410 : vector<8x128xf32>
    %slice3A_1412 = vector.extract_strided_slice %select_n3A_1318 {offsets = [376, 0], sizes = [8, 128], strides = [1, 1]} : vector<672x128xf32> to vector<8x128xf32>
    %add3A_1413 = arith.addf %add3A_1411, %slice3A_1412 : vector<8x128xf32>
    %slice3A_1414 = vector.extract_strided_slice %select_n3A_1318 {offsets = [384, 0], sizes = [8, 128], strides = [1, 1]} : vector<672x128xf32> to vector<8x128xf32>
    %add3A_1415 = arith.addf %add3A_1413, %slice3A_1414 : vector<8x128xf32>
    %slice3A_1416 = vector.extract_strided_slice %select_n3A_1318 {offsets = [392, 0], sizes = [8, 128], strides = [1, 1]} : vector<672x128xf32> to vector<8x128xf32>
    %add3A_1417 = arith.addf %add3A_1415, %slice3A_1416 : vector<8x128xf32>
    %slice3A_1418 = vector.extract_strided_slice %select_n3A_1318 {offsets = [400, 0], sizes = [8, 128], strides = [1, 1]} : vector<672x128xf32> to vector<8x128xf32>
    %add3A_1419 = arith.addf %add3A_1417, %slice3A_1418 : vector<8x128xf32>
    %slice3A_1420 = vector.extract_strided_slice %select_n3A_1318 {offsets = [408, 0], sizes = [8, 128], strides = [1, 1]} : vector<672x128xf32> to vector<8x128xf32>
    %add3A_1421 = arith.addf %add3A_1419, %slice3A_1420 : vector<8x128xf32>
    %slice3A_1422 = vector.extract_strided_slice %select_n3A_1318 {offsets = [416, 0], sizes = [8, 128], strides = [1, 1]} : vector<672x128xf32> to vector<8x128xf32>
    %add3A_1423 = arith.addf %add3A_1421, %slice3A_1422 : vector<8x128xf32>
    %slice3A_1424 = vector.extract_strided_slice %select_n3A_1318 {offsets = [424, 0], sizes = [8, 128], strides = [1, 1]} : vector<672x128xf32> to vector<8x128xf32>
    %add3A_1425 = arith.addf %add3A_1423, %slice3A_1424 : vector<8x128xf32>
    %slice3A_1426 = vector.extract_strided_slice %select_n3A_1318 {offsets = [432, 0], sizes = [8, 128], strides = [1, 1]} : vector<672x128xf32> to vector<8x128xf32>
    %add3A_1427 = arith.addf %add3A_1425, %slice3A_1426 : vector<8x128xf32>
    %slice3A_1428 = vector.extract_strided_slice %select_n3A_1318 {offsets = [440, 0], sizes = [8, 128], strides = [1, 1]} : vector<672x128xf32> to vector<8x128xf32>
    %add3A_1429 = arith.addf %add3A_1427, %slice3A_1428 : vector<8x128xf32>
    %slice3A_1430 = vector.extract_strided_slice %select_n3A_1318 {offsets = [448, 0], sizes = [8, 128], strides = [1, 1]} : vector<672x128xf32> to vector<8x128xf32>
    %add3A_1431 = arith.addf %add3A_1429, %slice3A_1430 : vector<8x128xf32>
    %slice3A_1432 = vector.extract_strided_slice %select_n3A_1318 {offsets = [456, 0], sizes = [8, 128], strides = [1, 1]} : vector<672x128xf32> to vector<8x128xf32>
    %add3A_1433 = arith.addf %add3A_1431, %slice3A_1432 : vector<8x128xf32>
    %slice3A_1434 = vector.extract_strided_slice %select_n3A_1318 {offsets = [464, 0], sizes = [8, 128], strides = [1, 1]} : vector<672x128xf32> to vector<8x128xf32>
    %add3A_1435 = arith.addf %add3A_1433, %slice3A_1434 : vector<8x128xf32>
    %slice3A_1436 = vector.extract_strided_slice %select_n3A_1318 {offsets = [472, 0], sizes = [8, 128], strides = [1, 1]} : vector<672x128xf32> to vector<8x128xf32>
    %add3A_1437 = arith.addf %add3A_1435, %slice3A_1436 : vector<8x128xf32>
    %slice3A_1438 = vector.extract_strided_slice %select_n3A_1318 {offsets = [480, 0], sizes = [8, 128], strides = [1, 1]} : vector<672x128xf32> to vector<8x128xf32>
    %add3A_1439 = arith.addf %add3A_1437, %slice3A_1438 : vector<8x128xf32>
    %slice3A_1440 = vector.extract_strided_slice %select_n3A_1318 {offsets = [488, 0], sizes = [8, 128], strides = [1, 1]} : vector<672x128xf32> to vector<8x128xf32>
    %add3A_1441 = arith.addf %add3A_1439, %slice3A_1440 : vector<8x128xf32>
    %slice3A_1442 = vector.extract_strided_slice %select_n3A_1318 {offsets = [496, 0], sizes = [8, 128], strides = [1, 1]} : vector<672x128xf32> to vector<8x128xf32>
    %add3A_1443 = arith.addf %add3A_1441, %slice3A_1442 : vector<8x128xf32>
    %slice3A_1444 = vector.extract_strided_slice %select_n3A_1318 {offsets = [504, 0], sizes = [8, 128], strides = [1, 1]} : vector<672x128xf32> to vector<8x128xf32>
    %add3A_1445 = arith.addf %add3A_1443, %slice3A_1444 : vector<8x128xf32>
    %slice3A_1446 = vector.extract_strided_slice %select_n3A_1318 {offsets = [512, 0], sizes = [8, 128], strides = [1, 1]} : vector<672x128xf32> to vector<8x128xf32>
    %add3A_1447 = arith.addf %add3A_1445, %slice3A_1446 : vector<8x128xf32>
    %slice3A_1448 = vector.extract_strided_slice %select_n3A_1318 {offsets = [520, 0], sizes = [8, 128], strides = [1, 1]} : vector<672x128xf32> to vector<8x128xf32>
    %add3A_1449 = arith.addf %add3A_1447, %slice3A_1448 : vector<8x128xf32>
    %slice3A_1450 = vector.extract_strided_slice %select_n3A_1318 {offsets = [528, 0], sizes = [8, 128], strides = [1, 1]} : vector<672x128xf32> to vector<8x128xf32>
    %add3A_1451 = arith.addf %add3A_1449, %slice3A_1450 : vector<8x128xf32>
    %slice3A_1452 = vector.extract_strided_slice %select_n3A_1318 {offsets = [536, 0], sizes = [8, 128], strides = [1, 1]} : vector<672x128xf32> to vector<8x128xf32>
    %add3A_1453 = arith.addf %add3A_1451, %slice3A_1452 : vector<8x128xf32>
    %slice3A_1454 = vector.extract_strided_slice %select_n3A_1318 {offsets = [544, 0], sizes = [8, 128], strides = [1, 1]} : vector<672x128xf32> to vector<8x128xf32>
    %add3A_1455 = arith.addf %add3A_1453, %slice3A_1454 : vector<8x128xf32>
    %slice3A_1456 = vector.extract_strided_slice %select_n3A_1318 {offsets = [552, 0], sizes = [8, 128], strides = [1, 1]} : vector<672x128xf32> to vector<8x128xf32>
    %add3A_1457 = arith.addf %add3A_1455, %slice3A_1456 : vector<8x128xf32>
    %slice3A_1458 = vector.extract_strided_slice %select_n3A_1318 {offsets = [560, 0], sizes = [8, 128], strides = [1, 1]} : vector<672x128xf32> to vector<8x128xf32>
    %add3A_1459 = arith.addf %add3A_1457, %slice3A_1458 : vector<8x128xf32>
    %slice3A_1460 = vector.extract_strided_slice %select_n3A_1318 {offsets = [568, 0], sizes = [8, 128], strides = [1, 1]} : vector<672x128xf32> to vector<8x128xf32>
    %add3A_1461 = arith.addf %add3A_1459, %slice3A_1460 : vector<8x128xf32>
    %slice3A_1462 = vector.extract_strided_slice %select_n3A_1318 {offsets = [576, 0], sizes = [8, 128], strides = [1, 1]} : vector<672x128xf32> to vector<8x128xf32>
    %add3A_1463 = arith.addf %add3A_1461, %slice3A_1462 : vector<8x128xf32>
    %slice3A_1464 = vector.extract_strided_slice %select_n3A_1318 {offsets = [584, 0], sizes = [8, 128], strides = [1, 1]} : vector<672x128xf32> to vector<8x128xf32>
    %add3A_1465 = arith.addf %add3A_1463, %slice3A_1464 : vector<8x128xf32>
    %slice3A_1466 = vector.extract_strided_slice %select_n3A_1318 {offsets = [592, 0], sizes = [8, 128], strides = [1, 1]} : vector<672x128xf32> to vector<8x128xf32>
    %add3A_1467 = arith.addf %add3A_1465, %slice3A_1466 : vector<8x128xf32>
    %slice3A_1468 = vector.extract_strided_slice %select_n3A_1318 {offsets = [600, 0], sizes = [8, 128], strides = [1, 1]} : vector<672x128xf32> to vector<8x128xf32>
    %add3A_1469 = arith.addf %add3A_1467, %slice3A_1468 : vector<8x128xf32>
    %slice3A_1470 = vector.extract_strided_slice %select_n3A_1318 {offsets = [608, 0], sizes = [8, 128], strides = [1, 1]} : vector<672x128xf32> to vector<8x128xf32>
    %add3A_1471 = arith.addf %add3A_1469, %slice3A_1470 : vector<8x128xf32>
    %slice3A_1472 = vector.extract_strided_slice %select_n3A_1318 {offsets = [616, 0], sizes = [8, 128], strides = [1, 1]} : vector<672x128xf32> to vector<8x128xf32>
    %add3A_1473 = arith.addf %add3A_1471, %slice3A_1472 : vector<8x128xf32>
    %slice3A_1474 = vector.extract_strided_slice %select_n3A_1318 {offsets = [624, 0], sizes = [8, 128], strides = [1, 1]} : vector<672x128xf32> to vector<8x128xf32>
    %add3A_1475 = arith.addf %add3A_1473, %slice3A_1474 : vector<8x128xf32>
    %slice3A_1476 = vector.extract_strided_slice %select_n3A_1318 {offsets = [632, 0], sizes = [8, 128], strides = [1, 1]} : vector<672x128xf32> to vector<8x128xf32>
    %add3A_1477 = arith.addf %add3A_1475, %slice3A_1476 : vector<8x128xf32>
    %slice3A_1478 = vector.extract_strided_slice %select_n3A_1318 {offsets = [640, 0], sizes = [8, 128], strides = [1, 1]} : vector<672x128xf32> to vector<8x128xf32>
    %add3A_1479 = arith.addf %add3A_1477, %slice3A_1478 : vector<8x128xf32>
    %slice3A_1480 = vector.extract_strided_slice %select_n3A_1318 {offsets = [648, 0], sizes = [8, 128], strides = [1, 1]} : vector<672x128xf32> to vector<8x128xf32>
    %add3A_1481 = arith.addf %add3A_1479, %slice3A_1480 : vector<8x128xf32>
    %slice3A_1482 = vector.extract_strided_slice %select_n3A_1318 {offsets = [656, 0], sizes = [8, 128], strides = [1, 1]} : vector<672x128xf32> to vector<8x128xf32>
    %add3A_1483 = arith.addf %add3A_1481, %slice3A_1482 : vector<8x128xf32>
    %slice3A_1484 = vector.extract_strided_slice %select_n3A_1318 {offsets = [664, 0], sizes = [8, 128], strides = [1, 1]} : vector<672x128xf32> to vector<8x128xf32>
    %add3A_1485 = arith.addf %add3A_1483, %slice3A_1484 : vector<8x128xf32>
    %add3A_1486 = arith.addf %get3A_1315, %add3A_1485 : vector<8x128xf32>
    %swap3A_1487 = arith.constant 2 : index
    %swap3A_1488 = arith.constant 0 : index
    %swap3A_1489 = arith.constant 0 : index
    %swap3A_1490 = vector.load %arg6[%swap3A_1487, %swap3A_1488, %swap3A_1489] : memref<5x8x128xf32, #tpu.memory_space<vmem>>, vector<1x8x128xf32>
    %swap3A_1491 = vector.shape_cast %swap3A_1490 : vector<1x8x128xf32> to vector<8x128xf32>
    %swap3A_1492 = vector.shape_cast %add3A_1486 : vector<8x128xf32> to vector<1x8x128xf32>
    tpu.vector_store %arg6[%swap3A_1487, %swap3A_1488, %swap3A_1489], %swap3A_1492 {strides = array<i32>} : memref<5x8x128xf32, #tpu.memory_space<vmem>>, vector<1x8x128xf32>,
    %get3A_1493 = arith.constant 2 : index
    %get3A_1494 = arith.constant 0 : index
    %get3A_1495 = arith.constant 0 : index
    %get3A_1496 = vector.load %arg4[%get3A_1493, %get3A_1494, %get3A_1495] : memref<4x8x128xf32, #tpu.memory_space<vmem>>, vector<1x8x128xf32>
    %get3A_1497 = vector.shape_cast %get3A_1496 : vector<1x8x128xf32> to vector<8x128xf32>
    %jit3A_1498 = arith.constant 1.000000e+00 : f32
    %jit3A_1499 = arith.constant 0.000000e+00 : f32
    %broadcast_in_dim3A_1500 = vector.broadcast %jit3A_1498 : f32 to vector<672x128xf32>
    %broadcast_in_dim3A_1501 = vector.broadcast %jit3A_1499 : f32 to vector<672x128xf32>
    %select_n3A_1502 = arith.select %ge3A_28, %broadcast_in_dim3A_1500, %broadcast_in_dim3A_1501 : vector<672x128xi1>, vector<672x128xf32>
    %slice3A_1503 = vector.extract_strided_slice %select_n3A_1502 {offsets = [0, 0], sizes = [8, 128], strides = [1, 1]} : vector<672x128xf32> to vector<8x128xf32>
    %slice3A_1504 = vector.extract_strided_slice %select_n3A_1502 {offsets = [8, 0], sizes = [8, 128], strides = [1, 1]} : vector<672x128xf32> to vector<8x128xf32>
    %add3A_1505 = arith.addf %slice3A_1503, %slice3A_1504 : vector<8x128xf32>
    %slice3A_1506 = vector.extract_strided_slice %select_n3A_1502 {offsets = [16, 0], sizes = [8, 128], strides = [1, 1]} : vector<672x128xf32> to vector<8x128xf32>
    %add3A_1507 = arith.addf %add3A_1505, %slice3A_1506 : vector<8x128xf32>
    %slice3A_1508 = vector.extract_strided_slice %select_n3A_1502 {offsets = [24, 0], sizes = [8, 128], strides = [1, 1]} : vector<672x128xf32> to vector<8x128xf32>
    %add3A_1509 = arith.addf %add3A_1507, %slice3A_1508 : vector<8x128xf32>
    %slice3A_1510 = vector.extract_strided_slice %select_n3A_1502 {offsets = [32, 0], sizes = [8, 128], strides = [1, 1]} : vector<672x128xf32> to vector<8x128xf32>
    %add3A_1511 = arith.addf %add3A_1509, %slice3A_1510 : vector<8x128xf32>
    %slice3A_1512 = vector.extract_strided_slice %select_n3A_1502 {offsets = [40, 0], sizes = [8, 128], strides = [1, 1]} : vector<672x128xf32> to vector<8x128xf32>
    %add3A_1513 = arith.addf %add3A_1511, %slice3A_1512 : vector<8x128xf32>
    %slice3A_1514 = vector.extract_strided_slice %select_n3A_1502 {offsets = [48, 0], sizes = [8, 128], strides = [1, 1]} : vector<672x128xf32> to vector<8x128xf32>
    %add3A_1515 = arith.addf %add3A_1513, %slice3A_1514 : vector<8x128xf32>
    %slice3A_1516 = vector.extract_strided_slice %select_n3A_1502 {offsets = [56, 0], sizes = [8, 128], strides = [1, 1]} : vector<672x128xf32> to vector<8x128xf32>
    %add3A_1517 = arith.addf %add3A_1515, %slice3A_1516 : vector<8x128xf32>
    %slice3A_1518 = vector.extract_strided_slice %select_n3A_1502 {offsets = [64, 0], sizes = [8, 128], strides = [1, 1]} : vector<672x128xf32> to vector<8x128xf32>
    %add3A_1519 = arith.addf %add3A_1517, %slice3A_1518 : vector<8x128xf32>
    %slice3A_1520 = vector.extract_strided_slice %select_n3A_1502 {offsets = [72, 0], sizes = [8, 128], strides = [1, 1]} : vector<672x128xf32> to vector<8x128xf32>
    %add3A_1521 = arith.addf %add3A_1519, %slice3A_1520 : vector<8x128xf32>
    %slice3A_1522 = vector.extract_strided_slice %select_n3A_1502 {offsets = [80, 0], sizes = [8, 128], strides = [1, 1]} : vector<672x128xf32> to vector<8x128xf32>
    %add3A_1523 = arith.addf %add3A_1521, %slice3A_1522 : vector<8x128xf32>
    %slice3A_1524 = vector.extract_strided_slice %select_n3A_1502 {offsets = [88, 0], sizes = [8, 128], strides = [1, 1]} : vector<672x128xf32> to vector<8x128xf32>
    %add3A_1525 = arith.addf %add3A_1523, %slice3A_1524 : vector<8x128xf32>
    %slice3A_1526 = vector.extract_strided_slice %select_n3A_1502 {offsets = [96, 0], sizes = [8, 128], strides = [1, 1]} : vector<672x128xf32> to vector<8x128xf32>
    %add3A_1527 = arith.addf %add3A_1525, %slice3A_1526 : vector<8x128xf32>
    %slice3A_1528 = vector.extract_strided_slice %select_n3A_1502 {offsets = [104, 0], sizes = [8, 128], strides = [1, 1]} : vector<672x128xf32> to vector<8x128xf32>
    %add3A_1529 = arith.addf %add3A_1527, %slice3A_1528 : vector<8x128xf32>
    %slice3A_1530 = vector.extract_strided_slice %select_n3A_1502 {offsets = [112, 0], sizes = [8, 128], strides = [1, 1]} : vector<672x128xf32> to vector<8x128xf32>
    %add3A_1531 = arith.addf %add3A_1529, %slice3A_1530 : vector<8x128xf32>
    %slice3A_1532 = vector.extract_strided_slice %select_n3A_1502 {offsets = [120, 0], sizes = [8, 128], strides = [1, 1]} : vector<672x128xf32> to vector<8x128xf32>
    %add3A_1533 = arith.addf %add3A_1531, %slice3A_1532 : vector<8x128xf32>
    %slice3A_1534 = vector.extract_strided_slice %select_n3A_1502 {offsets = [128, 0], sizes = [8, 128], strides = [1, 1]} : vector<672x128xf32> to vector<8x128xf32>
    %add3A_1535 = arith.addf %add3A_1533, %slice3A_1534 : vector<8x128xf32>
    %slice3A_1536 = vector.extract_strided_slice %select_n3A_1502 {offsets = [136, 0], sizes = [8, 128], strides = [1, 1]} : vector<672x128xf32> to vector<8x128xf32>
    %add3A_1537 = arith.addf %add3A_1535, %slice3A_1536 : vector<8x128xf32>
    %slice3A_1538 = vector.extract_strided_slice %select_n3A_1502 {offsets = [144, 0], sizes = [8, 128], strides = [1, 1]} : vector<672x128xf32> to vector<8x128xf32>
    %add3A_1539 = arith.addf %add3A_1537, %slice3A_1538 : vector<8x128xf32>
    %slice3A_1540 = vector.extract_strided_slice %select_n3A_1502 {offsets = [152, 0], sizes = [8, 128], strides = [1, 1]} : vector<672x128xf32> to vector<8x128xf32>
    %add3A_1541 = arith.addf %add3A_1539, %slice3A_1540 : vector<8x128xf32>
    %slice3A_1542 = vector.extract_strided_slice %select_n3A_1502 {offsets = [160, 0], sizes = [8, 128], strides = [1, 1]} : vector<672x128xf32> to vector<8x128xf32>
    %add3A_1543 = arith.addf %add3A_1541, %slice3A_1542 : vector<8x128xf32>
    %slice3A_1544 = vector.extract_strided_slice %select_n3A_1502 {offsets = [168, 0], sizes = [8, 128], strides = [1, 1]} : vector<672x128xf32> to vector<8x128xf32>
    %add3A_1545 = arith.addf %add3A_1543, %slice3A_1544 : vector<8x128xf32>
    %slice3A_1546 = vector.extract_strided_slice %select_n3A_1502 {offsets = [176, 0], sizes = [8, 128], strides = [1, 1]} : vector<672x128xf32> to vector<8x128xf32>
    %add3A_1547 = arith.addf %add3A_1545, %slice3A_1546 : vector<8x128xf32>
    %slice3A_1548 = vector.extract_strided_slice %select_n3A_1502 {offsets = [184, 0], sizes = [8, 128], strides = [1, 1]} : vector<672x128xf32> to vector<8x128xf32>
    %add3A_1549 = arith.addf %add3A_1547, %slice3A_1548 : vector<8x128xf32>
    %slice3A_1550 = vector.extract_strided_slice %select_n3A_1502 {offsets = [192, 0], sizes = [8, 128], strides = [1, 1]} : vector<672x128xf32> to vector<8x128xf32>
    %add3A_1551 = arith.addf %add3A_1549, %slice3A_1550 : vector<8x128xf32>
    %slice3A_1552 = vector.extract_strided_slice %select_n3A_1502 {offsets = [200, 0], sizes = [8, 128], strides = [1, 1]} : vector<672x128xf32> to vector<8x128xf32>
    %add3A_1553 = arith.addf %add3A_1551, %slice3A_1552 : vector<8x128xf32>
    %slice3A_1554 = vector.extract_strided_slice %select_n3A_1502 {offsets = [208, 0], sizes = [8, 128], strides = [1, 1]} : vector<672x128xf32> to vector<8x128xf32>
    %add3A_1555 = arith.addf %add3A_1553, %slice3A_1554 : vector<8x128xf32>
    %slice3A_1556 = vector.extract_strided_slice %select_n3A_1502 {offsets = [216, 0], sizes = [8, 128], strides = [1, 1]} : vector<672x128xf32> to vector<8x128xf32>
    %add3A_1557 = arith.addf %add3A_1555, %slice3A_1556 : vector<8x128xf32>
    %slice3A_1558 = vector.extract_strided_slice %select_n3A_1502 {offsets = [224, 0], sizes = [8, 128], strides = [1, 1]} : vector<672x128xf32> to vector<8x128xf32>
    %add3A_1559 = arith.addf %add3A_1557, %slice3A_1558 : vector<8x128xf32>
    %slice3A_1560 = vector.extract_strided_slice %select_n3A_1502 {offsets = [232, 0], sizes = [8, 128], strides = [1, 1]} : vector<672x128xf32> to vector<8x128xf32>
    %add3A_1561 = arith.addf %add3A_1559, %slice3A_1560 : vector<8x128xf32>
    %slice3A_1562 = vector.extract_strided_slice %select_n3A_1502 {offsets = [240, 0], sizes = [8, 128], strides = [1, 1]} : vector<672x128xf32> to vector<8x128xf32>
    %add3A_1563 = arith.addf %add3A_1561, %slice3A_1562 : vector<8x128xf32>
    %slice3A_1564 = vector.extract_strided_slice %select_n3A_1502 {offsets = [248, 0], sizes = [8, 128], strides = [1, 1]} : vector<672x128xf32> to vector<8x128xf32>
    %add3A_1565 = arith.addf %add3A_1563, %slice3A_1564 : vector<8x128xf32>
    %slice3A_1566 = vector.extract_strided_slice %select_n3A_1502 {offsets = [256, 0], sizes = [8, 128], strides = [1, 1]} : vector<672x128xf32> to vector<8x128xf32>
    %add3A_1567 = arith.addf %add3A_1565, %slice3A_1566 : vector<8x128xf32>
    %slice3A_1568 = vector.extract_strided_slice %select_n3A_1502 {offsets = [264, 0], sizes = [8, 128], strides = [1, 1]} : vector<672x128xf32> to vector<8x128xf32>
    %add3A_1569 = arith.addf %add3A_1567, %slice3A_1568 : vector<8x128xf32>
    %slice3A_1570 = vector.extract_strided_slice %select_n3A_1502 {offsets = [272, 0], sizes = [8, 128], strides = [1, 1]} : vector<672x128xf32> to vector<8x128xf32>
    %add3A_1571 = arith.addf %add3A_1569, %slice3A_1570 : vector<8x128xf32>
    %slice3A_1572 = vector.extract_strided_slice %select_n3A_1502 {offsets = [280, 0], sizes = [8, 128], strides = [1, 1]} : vector<672x128xf32> to vector<8x128xf32>
    %add3A_1573 = arith.addf %add3A_1571, %slice3A_1572 : vector<8x128xf32>
    %slice3A_1574 = vector.extract_strided_slice %select_n3A_1502 {offsets = [288, 0], sizes = [8, 128], strides = [1, 1]} : vector<672x128xf32> to vector<8x128xf32>
    %add3A_1575 = arith.addf %add3A_1573, %slice3A_1574 : vector<8x128xf32>
    %slice3A_1576 = vector.extract_strided_slice %select_n3A_1502 {offsets = [296, 0], sizes = [8, 128], strides = [1, 1]} : vector<672x128xf32> to vector<8x128xf32>
    %add3A_1577 = arith.addf %add3A_1575, %slice3A_1576 : vector<8x128xf32>
    %slice3A_1578 = vector.extract_strided_slice %select_n3A_1502 {offsets = [304, 0], sizes = [8, 128], strides = [1, 1]} : vector<672x128xf32> to vector<8x128xf32>
    %add3A_1579 = arith.addf %add3A_1577, %slice3A_1578 : vector<8x128xf32>
    %slice3A_1580 = vector.extract_strided_slice %select_n3A_1502 {offsets = [312, 0], sizes = [8, 128], strides = [1, 1]} : vector<672x128xf32> to vector<8x128xf32>
    %add3A_1581 = arith.addf %add3A_1579, %slice3A_1580 : vector<8x128xf32>
    %slice3A_1582 = vector.extract_strided_slice %select_n3A_1502 {offsets = [320, 0], sizes = [8, 128], strides = [1, 1]} : vector<672x128xf32> to vector<8x128xf32>
    %add3A_1583 = arith.addf %add3A_1581, %slice3A_1582 : vector<8x128xf32>
    %slice3A_1584 = vector.extract_strided_slice %select_n3A_1502 {offsets = [328, 0], sizes = [8, 128], strides = [1, 1]} : vector<672x128xf32> to vector<8x128xf32>
    %add3A_1585 = arith.addf %add3A_1583, %slice3A_1584 : vector<8x128xf32>
    %slice3A_1586 = vector.extract_strided_slice %select_n3A_1502 {offsets = [336, 0], sizes = [8, 128], strides = [1, 1]} : vector<672x128xf32> to vector<8x128xf32>
    %add3A_1587 = arith.addf %add3A_1585, %slice3A_1586 : vector<8x128xf32>
    %slice3A_1588 = vector.extract_strided_slice %select_n3A_1502 {offsets = [344, 0], sizes = [8, 128], strides = [1, 1]} : vector<672x128xf32> to vector<8x128xf32>
    %add3A_1589 = arith.addf %add3A_1587, %slice3A_1588 : vector<8x128xf32>
    %slice3A_1590 = vector.extract_strided_slice %select_n3A_1502 {offsets = [352, 0], sizes = [8, 128], strides = [1, 1]} : vector<672x128xf32> to vector<8x128xf32>
    %add3A_1591 = arith.addf %add3A_1589, %slice3A_1590 : vector<8x128xf32>
    %slice3A_1592 = vector.extract_strided_slice %select_n3A_1502 {offsets = [360, 0], sizes = [8, 128], strides = [1, 1]} : vector<672x128xf32> to vector<8x128xf32>
    %add3A_1593 = arith.addf %add3A_1591, %slice3A_1592 : vector<8x128xf32>
    %slice3A_1594 = vector.extract_strided_slice %select_n3A_1502 {offsets = [368, 0], sizes = [8, 128], strides = [1, 1]} : vector<672x128xf32> to vector<8x128xf32>
    %add3A_1595 = arith.addf %add3A_1593, %slice3A_1594 : vector<8x128xf32>
    %slice3A_1596 = vector.extract_strided_slice %select_n3A_1502 {offsets = [376, 0], sizes = [8, 128], strides = [1, 1]} : vector<672x128xf32> to vector<8x128xf32>
    %add3A_1597 = arith.addf %add3A_1595, %slice3A_1596 : vector<8x128xf32>
    %slice3A_1598 = vector.extract_strided_slice %select_n3A_1502 {offsets = [384, 0], sizes = [8, 128], strides = [1, 1]} : vector<672x128xf32> to vector<8x128xf32>
    %add3A_1599 = arith.addf %add3A_1597, %slice3A_1598 : vector<8x128xf32>
    %slice3A_1600 = vector.extract_strided_slice %select_n3A_1502 {offsets = [392, 0], sizes = [8, 128], strides = [1, 1]} : vector<672x128xf32> to vector<8x128xf32>
    %add3A_1601 = arith.addf %add3A_1599, %slice3A_1600 : vector<8x128xf32>
    %slice3A_1602 = vector.extract_strided_slice %select_n3A_1502 {offsets = [400, 0], sizes = [8, 128], strides = [1, 1]} : vector<672x128xf32> to vector<8x128xf32>
    %add3A_1603 = arith.addf %add3A_1601, %slice3A_1602 : vector<8x128xf32>
    %slice3A_1604 = vector.extract_strided_slice %select_n3A_1502 {offsets = [408, 0], sizes = [8, 128], strides = [1, 1]} : vector<672x128xf32> to vector<8x128xf32>
    %add3A_1605 = arith.addf %add3A_1603, %slice3A_1604 : vector<8x128xf32>
    %slice3A_1606 = vector.extract_strided_slice %select_n3A_1502 {offsets = [416, 0], sizes = [8, 128], strides = [1, 1]} : vector<672x128xf32> to vector<8x128xf32>
    %add3A_1607 = arith.addf %add3A_1605, %slice3A_1606 : vector<8x128xf32>
    %slice3A_1608 = vector.extract_strided_slice %select_n3A_1502 {offsets = [424, 0], sizes = [8, 128], strides = [1, 1]} : vector<672x128xf32> to vector<8x128xf32>
    %add3A_1609 = arith.addf %add3A_1607, %slice3A_1608 : vector<8x128xf32>
    %slice3A_1610 = vector.extract_strided_slice %select_n3A_1502 {offsets = [432, 0], sizes = [8, 128], strides = [1, 1]} : vector<672x128xf32> to vector<8x128xf32>
    %add3A_1611 = arith.addf %add3A_1609, %slice3A_1610 : vector<8x128xf32>
    %slice3A_1612 = vector.extract_strided_slice %select_n3A_1502 {offsets = [440, 0], sizes = [8, 128], strides = [1, 1]} : vector<672x128xf32> to vector<8x128xf32>
    %add3A_1613 = arith.addf %add3A_1611, %slice3A_1612 : vector<8x128xf32>
    %slice3A_1614 = vector.extract_strided_slice %select_n3A_1502 {offsets = [448, 0], sizes = [8, 128], strides = [1, 1]} : vector<672x128xf32> to vector<8x128xf32>
    %add3A_1615 = arith.addf %add3A_1613, %slice3A_1614 : vector<8x128xf32>
    %slice3A_1616 = vector.extract_strided_slice %select_n3A_1502 {offsets = [456, 0], sizes = [8, 128], strides = [1, 1]} : vector<672x128xf32> to vector<8x128xf32>
    %add3A_1617 = arith.addf %add3A_1615, %slice3A_1616 : vector<8x128xf32>
    %slice3A_1618 = vector.extract_strided_slice %select_n3A_1502 {offsets = [464, 0], sizes = [8, 128], strides = [1, 1]} : vector<672x128xf32> to vector<8x128xf32>
    %add3A_1619 = arith.addf %add3A_1617, %slice3A_1618 : vector<8x128xf32>
    %slice3A_1620 = vector.extract_strided_slice %select_n3A_1502 {offsets = [472, 0], sizes = [8, 128], strides = [1, 1]} : vector<672x128xf32> to vector<8x128xf32>
    %add3A_1621 = arith.addf %add3A_1619, %slice3A_1620 : vector<8x128xf32>
    %slice3A_1622 = vector.extract_strided_slice %select_n3A_1502 {offsets = [480, 0], sizes = [8, 128], strides = [1, 1]} : vector<672x128xf32> to vector<8x128xf32>
    %add3A_1623 = arith.addf %add3A_1621, %slice3A_1622 : vector<8x128xf32>
    %slice3A_1624 = vector.extract_strided_slice %select_n3A_1502 {offsets = [488, 0], sizes = [8, 128], strides = [1, 1]} : vector<672x128xf32> to vector<8x128xf32>
    %add3A_1625 = arith.addf %add3A_1623, %slice3A_1624 : vector<8x128xf32>
    %slice3A_1626 = vector.extract_strided_slice %select_n3A_1502 {offsets = [496, 0], sizes = [8, 128], strides = [1, 1]} : vector<672x128xf32> to vector<8x128xf32>
    %add3A_1627 = arith.addf %add3A_1625, %slice3A_1626 : vector<8x128xf32>
    %slice3A_1628 = vector.extract_strided_slice %select_n3A_1502 {offsets = [504, 0], sizes = [8, 128], strides = [1, 1]} : vector<672x128xf32> to vector<8x128xf32>
    %add3A_1629 = arith.addf %add3A_1627, %slice3A_1628 : vector<8x128xf32>
    %slice3A_1630 = vector.extract_strided_slice %select_n3A_1502 {offsets = [512, 0], sizes = [8, 128], strides = [1, 1]} : vector<672x128xf32> to vector<8x128xf32>
    %add3A_1631 = arith.addf %add3A_1629, %slice3A_1630 : vector<8x128xf32>
    %slice3A_1632 = vector.extract_strided_slice %select_n3A_1502 {offsets = [520, 0], sizes = [8, 128], strides = [1, 1]} : vector<672x128xf32> to vector<8x128xf32>
    %add3A_1633 = arith.addf %add3A_1631, %slice3A_1632 : vector<8x128xf32>
    %slice3A_1634 = vector.extract_strided_slice %select_n3A_1502 {offsets = [528, 0], sizes = [8, 128], strides = [1, 1]} : vector<672x128xf32> to vector<8x128xf32>
    %add3A_1635 = arith.addf %add3A_1633, %slice3A_1634 : vector<8x128xf32>
    %slice3A_1636 = vector.extract_strided_slice %select_n3A_1502 {offsets = [536, 0], sizes = [8, 128], strides = [1, 1]} : vector<672x128xf32> to vector<8x128xf32>
    %add3A_1637 = arith.addf %add3A_1635, %slice3A_1636 : vector<8x128xf32>
    %slice3A_1638 = vector.extract_strided_slice %select_n3A_1502 {offsets = [544, 0], sizes = [8, 128], strides = [1, 1]} : vector<672x128xf32> to vector<8x128xf32>
    %add3A_1639 = arith.addf %add3A_1637, %slice3A_1638 : vector<8x128xf32>
    %slice3A_1640 = vector.extract_strided_slice %select_n3A_1502 {offsets = [552, 0], sizes = [8, 128], strides = [1, 1]} : vector<672x128xf32> to vector<8x128xf32>
    %add3A_1641 = arith.addf %add3A_1639, %slice3A_1640 : vector<8x128xf32>
    %slice3A_1642 = vector.extract_strided_slice %select_n3A_1502 {offsets = [560, 0], sizes = [8, 128], strides = [1, 1]} : vector<672x128xf32> to vector<8x128xf32>
    %add3A_1643 = arith.addf %add3A_1641, %slice3A_1642 : vector<8x128xf32>
    %slice3A_1644 = vector.extract_strided_slice %select_n3A_1502 {offsets = [568, 0], sizes = [8, 128], strides = [1, 1]} : vector<672x128xf32> to vector<8x128xf32>
    %add3A_1645 = arith.addf %add3A_1643, %slice3A_1644 : vector<8x128xf32>
    %slice3A_1646 = vector.extract_strided_slice %select_n3A_1502 {offsets = [576, 0], sizes = [8, 128], strides = [1, 1]} : vector<672x128xf32> to vector<8x128xf32>
    %add3A_1647 = arith.addf %add3A_1645, %slice3A_1646 : vector<8x128xf32>
    %slice3A_1648 = vector.extract_strided_slice %select_n3A_1502 {offsets = [584, 0], sizes = [8, 128], strides = [1, 1]} : vector<672x128xf32> to vector<8x128xf32>
    %add3A_1649 = arith.addf %add3A_1647, %slice3A_1648 : vector<8x128xf32>
    %slice3A_1650 = vector.extract_strided_slice %select_n3A_1502 {offsets = [592, 0], sizes = [8, 128], strides = [1, 1]} : vector<672x128xf32> to vector<8x128xf32>
    %add3A_1651 = arith.addf %add3A_1649, %slice3A_1650 : vector<8x128xf32>
    %slice3A_1652 = vector.extract_strided_slice %select_n3A_1502 {offsets = [600, 0], sizes = [8, 128], strides = [1, 1]} : vector<672x128xf32> to vector<8x128xf32>
    %add3A_1653 = arith.addf %add3A_1651, %slice3A_1652 : vector<8x128xf32>
    %slice3A_1654 = vector.extract_strided_slice %select_n3A_1502 {offsets = [608, 0], sizes = [8, 128], strides = [1, 1]} : vector<672x128xf32> to vector<8x128xf32>
    %add3A_1655 = arith.addf %add3A_1653, %slice3A_1654 : vector<8x128xf32>
    %slice3A_1656 = vector.extract_strided_slice %select_n3A_1502 {offsets = [616, 0], sizes = [8, 128], strides = [1, 1]} : vector<672x128xf32> to vector<8x128xf32>
    %add3A_1657 = arith.addf %add3A_1655, %slice3A_1656 : vector<8x128xf32>
    %slice3A_1658 = vector.extract_strided_slice %select_n3A_1502 {offsets = [624, 0], sizes = [8, 128], strides = [1, 1]} : vector<672x128xf32> to vector<8x128xf32>
    %add3A_1659 = arith.addf %add3A_1657, %slice3A_1658 : vector<8x128xf32>
    %slice3A_1660 = vector.extract_strided_slice %select_n3A_1502 {offsets = [632, 0], sizes = [8, 128], strides = [1, 1]} : vector<672x128xf32> to vector<8x128xf32>
    %add3A_1661 = arith.addf %add3A_1659, %slice3A_1660 : vector<8x128xf32>
    %slice3A_1662 = vector.extract_strided_slice %select_n3A_1502 {offsets = [640, 0], sizes = [8, 128], strides = [1, 1]} : vector<672x128xf32> to vector<8x128xf32>
    %add3A_1663 = arith.addf %add3A_1661, %slice3A_1662 : vector<8x128xf32>
    %slice3A_1664 = vector.extract_strided_slice %select_n3A_1502 {offsets = [648, 0], sizes = [8, 128], strides = [1, 1]} : vector<672x128xf32> to vector<8x128xf32>
    %add3A_1665 = arith.addf %add3A_1663, %slice3A_1664 : vector<8x128xf32>
    %slice3A_1666 = vector.extract_strided_slice %select_n3A_1502 {offsets = [656, 0], sizes = [8, 128], strides = [1, 1]} : vector<672x128xf32> to vector<8x128xf32>
    %add3A_1667 = arith.addf %add3A_1665, %slice3A_1666 : vector<8x128xf32>
    %slice3A_1668 = vector.extract_strided_slice %select_n3A_1502 {offsets = [664, 0], sizes = [8, 128], strides = [1, 1]} : vector<672x128xf32> to vector<8x128xf32>
    %add3A_1669 = arith.addf %add3A_1667, %slice3A_1668 : vector<8x128xf32>
    %add3A_1670 = arith.addf %get3A_1497, %add3A_1669 : vector<8x128xf32>
    %swap3A_1671 = arith.constant 2 : index
    %swap3A_1672 = arith.constant 0 : index
    %swap3A_1673 = arith.constant 0 : index
    %swap3A_1674 = vector.load %arg4[%swap3A_1671, %swap3A_1672, %swap3A_1673] : memref<4x8x128xf32, #tpu.memory_space<vmem>>, vector<1x8x128xf32>
    %swap3A_1675 = vector.shape_cast %swap3A_1674 : vector<1x8x128xf32> to vector<8x128xf32>
    %swap3A_1676 = vector.shape_cast %add3A_1670 : vector<8x128xf32> to vector<1x8x128xf32>
    tpu.vector_store %arg4[%swap3A_1671, %swap3A_1672, %swap3A_1673], %swap3A_1676 {strides = array<i32>} : memref<4x8x128xf32, #tpu.memory_space<vmem>>, vector<1x8x128xf32>,
    %get3A_1677 = arith.constant 3 : index
    %get3A_1678 = arith.constant 0 : index
    %get3A_1679 = arith.constant 0 : index
    %get3A_1680 = vector.load %arg5[%get3A_1677, %get3A_1678, %get3A_1679] : memref<5x8x128xf32, #tpu.memory_space<vmem>>, vector<1x8x128xf32>
    %get3A_1681 = vector.shape_cast %get3A_1680 : vector<1x8x128xf32> to vector<8x128xf32>
    %and3A_1682 = arith.andi %ge3A_28, %eq3A_17 : vector<672x128xi1>
    %jit3A_1683 = arith.constant 1.000000e+00 : f32
    %jit3A_1684 = arith.constant 0.000000e+00 : f32
    %broadcast_in_dim3A_1685 = vector.broadcast %jit3A_1683 : f32 to vector<672x128xf32>
    %broadcast_in_dim3A_1686 = vector.broadcast %jit3A_1684 : f32 to vector<672x128xf32>
    %select_n3A_1687 = arith.select %and3A_1682, %broadcast_in_dim3A_1685, %broadcast_in_dim3A_1686 : vector<672x128xi1>, vector<672x128xf32>
    %slice3A_1688 = vector.extract_strided_slice %select_n3A_1687 {offsets = [0, 0], sizes = [8, 128], strides = [1, 1]} : vector<672x128xf32> to vector<8x128xf32>
    %slice3A_1689 = vector.extract_strided_slice %select_n3A_1687 {offsets = [8, 0], sizes = [8, 128], strides = [1, 1]} : vector<672x128xf32> to vector<8x128xf32>
    %add3A_1690 = arith.addf %slice3A_1688, %slice3A_1689 : vector<8x128xf32>
    %slice3A_1691 = vector.extract_strided_slice %select_n3A_1687 {offsets = [16, 0], sizes = [8, 128], strides = [1, 1]} : vector<672x128xf32> to vector<8x128xf32>
    %add3A_1692 = arith.addf %add3A_1690, %slice3A_1691 : vector<8x128xf32>
    %slice3A_1693 = vector.extract_strided_slice %select_n3A_1687 {offsets = [24, 0], sizes = [8, 128], strides = [1, 1]} : vector<672x128xf32> to vector<8x128xf32>
    %add3A_1694 = arith.addf %add3A_1692, %slice3A_1693 : vector<8x128xf32>
    %slice3A_1695 = vector.extract_strided_slice %select_n3A_1687 {offsets = [32, 0], sizes = [8, 128], strides = [1, 1]} : vector<672x128xf32> to vector<8x128xf32>
    %add3A_1696 = arith.addf %add3A_1694, %slice3A_1695 : vector<8x128xf32>
    %slice3A_1697 = vector.extract_strided_slice %select_n3A_1687 {offsets = [40, 0], sizes = [8, 128], strides = [1, 1]} : vector<672x128xf32> to vector<8x128xf32>
    %add3A_1698 = arith.addf %add3A_1696, %slice3A_1697 : vector<8x128xf32>
    %slice3A_1699 = vector.extract_strided_slice %select_n3A_1687 {offsets = [48, 0], sizes = [8, 128], strides = [1, 1]} : vector<672x128xf32> to vector<8x128xf32>
    %add3A_1700 = arith.addf %add3A_1698, %slice3A_1699 : vector<8x128xf32>
    %slice3A_1701 = vector.extract_strided_slice %select_n3A_1687 {offsets = [56, 0], sizes = [8, 128], strides = [1, 1]} : vector<672x128xf32> to vector<8x128xf32>
    %add3A_1702 = arith.addf %add3A_1700, %slice3A_1701 : vector<8x128xf32>
    %slice3A_1703 = vector.extract_strided_slice %select_n3A_1687 {offsets = [64, 0], sizes = [8, 128], strides = [1, 1]} : vector<672x128xf32> to vector<8x128xf32>
    %add3A_1704 = arith.addf %add3A_1702, %slice3A_1703 : vector<8x128xf32>
    %slice3A_1705 = vector.extract_strided_slice %select_n3A_1687 {offsets = [72, 0], sizes = [8, 128], strides = [1, 1]} : vector<672x128xf32> to vector<8x128xf32>
    %add3A_1706 = arith.addf %add3A_1704, %slice3A_1705 : vector<8x128xf32>
    %slice3A_1707 = vector.extract_strided_slice %select_n3A_1687 {offsets = [80, 0], sizes = [8, 128], strides = [1, 1]} : vector<672x128xf32> to vector<8x128xf32>
    %add3A_1708 = arith.addf %add3A_1706, %slice3A_1707 : vector<8x128xf32>
    %slice3A_1709 = vector.extract_strided_slice %select_n3A_1687 {offsets = [88, 0], sizes = [8, 128], strides = [1, 1]} : vector<672x128xf32> to vector<8x128xf32>
    %add3A_1710 = arith.addf %add3A_1708, %slice3A_1709 : vector<8x128xf32>
    %slice3A_1711 = vector.extract_strided_slice %select_n3A_1687 {offsets = [96, 0], sizes = [8, 128], strides = [1, 1]} : vector<672x128xf32> to vector<8x128xf32>
    %add3A_1712 = arith.addf %add3A_1710, %slice3A_1711 : vector<8x128xf32>
    %slice3A_1713 = vector.extract_strided_slice %select_n3A_1687 {offsets = [104, 0], sizes = [8, 128], strides = [1, 1]} : vector<672x128xf32> to vector<8x128xf32>
    %add3A_1714 = arith.addf %add3A_1712, %slice3A_1713 : vector<8x128xf32>
    %slice3A_1715 = vector.extract_strided_slice %select_n3A_1687 {offsets = [112, 0], sizes = [8, 128], strides = [1, 1]} : vector<672x128xf32> to vector<8x128xf32>
    %add3A_1716 = arith.addf %add3A_1714, %slice3A_1715 : vector<8x128xf32>
    %slice3A_1717 = vector.extract_strided_slice %select_n3A_1687 {offsets = [120, 0], sizes = [8, 128], strides = [1, 1]} : vector<672x128xf32> to vector<8x128xf32>
    %add3A_1718 = arith.addf %add3A_1716, %slice3A_1717 : vector<8x128xf32>
    %slice3A_1719 = vector.extract_strided_slice %select_n3A_1687 {offsets = [128, 0], sizes = [8, 128], strides = [1, 1]} : vector<672x128xf32> to vector<8x128xf32>
    %add3A_1720 = arith.addf %add3A_1718, %slice3A_1719 : vector<8x128xf32>
    %slice3A_1721 = vector.extract_strided_slice %select_n3A_1687 {offsets = [136, 0], sizes = [8, 128], strides = [1, 1]} : vector<672x128xf32> to vector<8x128xf32>
    %add3A_1722 = arith.addf %add3A_1720, %slice3A_1721 : vector<8x128xf32>
    %slice3A_1723 = vector.extract_strided_slice %select_n3A_1687 {offsets = [144, 0], sizes = [8, 128], strides = [1, 1]} : vector<672x128xf32> to vector<8x128xf32>
    %add3A_1724 = arith.addf %add3A_1722, %slice3A_1723 : vector<8x128xf32>
    %slice3A_1725 = vector.extract_strided_slice %select_n3A_1687 {offsets = [152, 0], sizes = [8, 128], strides = [1, 1]} : vector<672x128xf32> to vector<8x128xf32>
    %add3A_1726 = arith.addf %add3A_1724, %slice3A_1725 : vector<8x128xf32>
    %slice3A_1727 = vector.extract_strided_slice %select_n3A_1687 {offsets = [160, 0], sizes = [8, 128], strides = [1, 1]} : vector<672x128xf32> to vector<8x128xf32>
    %add3A_1728 = arith.addf %add3A_1726, %slice3A_1727 : vector<8x128xf32>
    %slice3A_1729 = vector.extract_strided_slice %select_n3A_1687 {offsets = [168, 0], sizes = [8, 128], strides = [1, 1]} : vector<672x128xf32> to vector<8x128xf32>
    %add3A_1730 = arith.addf %add3A_1728, %slice3A_1729 : vector<8x128xf32>
    %slice3A_1731 = vector.extract_strided_slice %select_n3A_1687 {offsets = [176, 0], sizes = [8, 128], strides = [1, 1]} : vector<672x128xf32> to vector<8x128xf32>
    %add3A_1732 = arith.addf %add3A_1730, %slice3A_1731 : vector<8x128xf32>
    %slice3A_1733 = vector.extract_strided_slice %select_n3A_1687 {offsets = [184, 0], sizes = [8, 128], strides = [1, 1]} : vector<672x128xf32> to vector<8x128xf32>
    %add3A_1734 = arith.addf %add3A_1732, %slice3A_1733 : vector<8x128xf32>
    %slice3A_1735 = vector.extract_strided_slice %select_n3A_1687 {offsets = [192, 0], sizes = [8, 128], strides = [1, 1]} : vector<672x128xf32> to vector<8x128xf32>
    %add3A_1736 = arith.addf %add3A_1734, %slice3A_1735 : vector<8x128xf32>
    %slice3A_1737 = vector.extract_strided_slice %select_n3A_1687 {offsets = [200, 0], sizes = [8, 128], strides = [1, 1]} : vector<672x128xf32> to vector<8x128xf32>
    %add3A_1738 = arith.addf %add3A_1736, %slice3A_1737 : vector<8x128xf32>
    %slice3A_1739 = vector.extract_strided_slice %select_n3A_1687 {offsets = [208, 0], sizes = [8, 128], strides = [1, 1]} : vector<672x128xf32> to vector<8x128xf32>
    %add3A_1740 = arith.addf %add3A_1738, %slice3A_1739 : vector<8x128xf32>
    %slice3A_1741 = vector.extract_strided_slice %select_n3A_1687 {offsets = [216, 0], sizes = [8, 128], strides = [1, 1]} : vector<672x128xf32> to vector<8x128xf32>
    %add3A_1742 = arith.addf %add3A_1740, %slice3A_1741 : vector<8x128xf32>
    %slice3A_1743 = vector.extract_strided_slice %select_n3A_1687 {offsets = [224, 0], sizes = [8, 128], strides = [1, 1]} : vector<672x128xf32> to vector<8x128xf32>
    %add3A_1744 = arith.addf %add3A_1742, %slice3A_1743 : vector<8x128xf32>
    %slice3A_1745 = vector.extract_strided_slice %select_n3A_1687 {offsets = [232, 0], sizes = [8, 128], strides = [1, 1]} : vector<672x128xf32> to vector<8x128xf32>
    %add3A_1746 = arith.addf %add3A_1744, %slice3A_1745 : vector<8x128xf32>
    %slice3A_1747 = vector.extract_strided_slice %select_n3A_1687 {offsets = [240, 0], sizes = [8, 128], strides = [1, 1]} : vector<672x128xf32> to vector<8x128xf32>
    %add3A_1748 = arith.addf %add3A_1746, %slice3A_1747 : vector<8x128xf32>
    %slice3A_1749 = vector.extract_strided_slice %select_n3A_1687 {offsets = [248, 0], sizes = [8, 128], strides = [1, 1]} : vector<672x128xf32> to vector<8x128xf32>
    %add3A_1750 = arith.addf %add3A_1748, %slice3A_1749 : vector<8x128xf32>
    %slice3A_1751 = vector.extract_strided_slice %select_n3A_1687 {offsets = [256, 0], sizes = [8, 128], strides = [1, 1]} : vector<672x128xf32> to vector<8x128xf32>
    %add3A_1752 = arith.addf %add3A_1750, %slice3A_1751 : vector<8x128xf32>
    %slice3A_1753 = vector.extract_strided_slice %select_n3A_1687 {offsets = [264, 0], sizes = [8, 128], strides = [1, 1]} : vector<672x128xf32> to vector<8x128xf32>
    %add3A_1754 = arith.addf %add3A_1752, %slice3A_1753 : vector<8x128xf32>
    %slice3A_1755 = vector.extract_strided_slice %select_n3A_1687 {offsets = [272, 0], sizes = [8, 128], strides = [1, 1]} : vector<672x128xf32> to vector<8x128xf32>
    %add3A_1756 = arith.addf %add3A_1754, %slice3A_1755 : vector<8x128xf32>
    %slice3A_1757 = vector.extract_strided_slice %select_n3A_1687 {offsets = [280, 0], sizes = [8, 128], strides = [1, 1]} : vector<672x128xf32> to vector<8x128xf32>
    %add3A_1758 = arith.addf %add3A_1756, %slice3A_1757 : vector<8x128xf32>
    %slice3A_1759 = vector.extract_strided_slice %select_n3A_1687 {offsets = [288, 0], sizes = [8, 128], strides = [1, 1]} : vector<672x128xf32> to vector<8x128xf32>
    %add3A_1760 = arith.addf %add3A_1758, %slice3A_1759 : vector<8x128xf32>
    %slice3A_1761 = vector.extract_strided_slice %select_n3A_1687 {offsets = [296, 0], sizes = [8, 128], strides = [1, 1]} : vector<672x128xf32> to vector<8x128xf32>
    %add3A_1762 = arith.addf %add3A_1760, %slice3A_1761 : vector<8x128xf32>
    %slice3A_1763 = vector.extract_strided_slice %select_n3A_1687 {offsets = [304, 0], sizes = [8, 128], strides = [1, 1]} : vector<672x128xf32> to vector<8x128xf32>
    %add3A_1764 = arith.addf %add3A_1762, %slice3A_1763 : vector<8x128xf32>
    %slice3A_1765 = vector.extract_strided_slice %select_n3A_1687 {offsets = [312, 0], sizes = [8, 128], strides = [1, 1]} : vector<672x128xf32> to vector<8x128xf32>
    %add3A_1766 = arith.addf %add3A_1764, %slice3A_1765 : vector<8x128xf32>
    %slice3A_1767 = vector.extract_strided_slice %select_n3A_1687 {offsets = [320, 0], sizes = [8, 128], strides = [1, 1]} : vector<672x128xf32> to vector<8x128xf32>
    %add3A_1768 = arith.addf %add3A_1766, %slice3A_1767 : vector<8x128xf32>
    %slice3A_1769 = vector.extract_strided_slice %select_n3A_1687 {offsets = [328, 0], sizes = [8, 128], strides = [1, 1]} : vector<672x128xf32> to vector<8x128xf32>
    %add3A_1770 = arith.addf %add3A_1768, %slice3A_1769 : vector<8x128xf32>
    %slice3A_1771 = vector.extract_strided_slice %select_n3A_1687 {offsets = [336, 0], sizes = [8, 128], strides = [1, 1]} : vector<672x128xf32> to vector<8x128xf32>
    %add3A_1772 = arith.addf %add3A_1770, %slice3A_1771 : vector<8x128xf32>
    %slice3A_1773 = vector.extract_strided_slice %select_n3A_1687 {offsets = [344, 0], sizes = [8, 128], strides = [1, 1]} : vector<672x128xf32> to vector<8x128xf32>
    %add3A_1774 = arith.addf %add3A_1772, %slice3A_1773 : vector<8x128xf32>
    %slice3A_1775 = vector.extract_strided_slice %select_n3A_1687 {offsets = [352, 0], sizes = [8, 128], strides = [1, 1]} : vector<672x128xf32> to vector<8x128xf32>
    %add3A_1776 = arith.addf %add3A_1774, %slice3A_1775 : vector<8x128xf32>
    %slice3A_1777 = vector.extract_strided_slice %select_n3A_1687 {offsets = [360, 0], sizes = [8, 128], strides = [1, 1]} : vector<672x128xf32> to vector<8x128xf32>
    %add3A_1778 = arith.addf %add3A_1776, %slice3A_1777 : vector<8x128xf32>
    %slice3A_1779 = vector.extract_strided_slice %select_n3A_1687 {offsets = [368, 0], sizes = [8, 128], strides = [1, 1]} : vector<672x128xf32> to vector<8x128xf32>
    %add3A_1780 = arith.addf %add3A_1778, %slice3A_1779 : vector<8x128xf32>
    %slice3A_1781 = vector.extract_strided_slice %select_n3A_1687 {offsets = [376, 0], sizes = [8, 128], strides = [1, 1]} : vector<672x128xf32> to vector<8x128xf32>
    %add3A_1782 = arith.addf %add3A_1780, %slice3A_1781 : vector<8x128xf32>
    %slice3A_1783 = vector.extract_strided_slice %select_n3A_1687 {offsets = [384, 0], sizes = [8, 128], strides = [1, 1]} : vector<672x128xf32> to vector<8x128xf32>
    %add3A_1784 = arith.addf %add3A_1782, %slice3A_1783 : vector<8x128xf32>
    %slice3A_1785 = vector.extract_strided_slice %select_n3A_1687 {offsets = [392, 0], sizes = [8, 128], strides = [1, 1]} : vector<672x128xf32> to vector<8x128xf32>
    %add3A_1786 = arith.addf %add3A_1784, %slice3A_1785 : vector<8x128xf32>
    %slice3A_1787 = vector.extract_strided_slice %select_n3A_1687 {offsets = [400, 0], sizes = [8, 128], strides = [1, 1]} : vector<672x128xf32> to vector<8x128xf32>
    %add3A_1788 = arith.addf %add3A_1786, %slice3A_1787 : vector<8x128xf32>
    %slice3A_1789 = vector.extract_strided_slice %select_n3A_1687 {offsets = [408, 0], sizes = [8, 128], strides = [1, 1]} : vector<672x128xf32> to vector<8x128xf32>
    %add3A_1790 = arith.addf %add3A_1788, %slice3A_1789 : vector<8x128xf32>
    %slice3A_1791 = vector.extract_strided_slice %select_n3A_1687 {offsets = [416, 0], sizes = [8, 128], strides = [1, 1]} : vector<672x128xf32> to vector<8x128xf32>
    %add3A_1792 = arith.addf %add3A_1790, %slice3A_1791 : vector<8x128xf32>
    %slice3A_1793 = vector.extract_strided_slice %select_n3A_1687 {offsets = [424, 0], sizes = [8, 128], strides = [1, 1]} : vector<672x128xf32> to vector<8x128xf32>
    %add3A_1794 = arith.addf %add3A_1792, %slice3A_1793 : vector<8x128xf32>
    %slice3A_1795 = vector.extract_strided_slice %select_n3A_1687 {offsets = [432, 0], sizes = [8, 128], strides = [1, 1]} : vector<672x128xf32> to vector<8x128xf32>
    %add3A_1796 = arith.addf %add3A_1794, %slice3A_1795 : vector<8x128xf32>
    %slice3A_1797 = vector.extract_strided_slice %select_n3A_1687 {offsets = [440, 0], sizes = [8, 128], strides = [1, 1]} : vector<672x128xf32> to vector<8x128xf32>
    %add3A_1798 = arith.addf %add3A_1796, %slice3A_1797 : vector<8x128xf32>
    %slice3A_1799 = vector.extract_strided_slice %select_n3A_1687 {offsets = [448, 0], sizes = [8, 128], strides = [1, 1]} : vector<672x128xf32> to vector<8x128xf32>
    %add3A_1800 = arith.addf %add3A_1798, %slice3A_1799 : vector<8x128xf32>
    %slice3A_1801 = vector.extract_strided_slice %select_n3A_1687 {offsets = [456, 0], sizes = [8, 128], strides = [1, 1]} : vector<672x128xf32> to vector<8x128xf32>
    %add3A_1802 = arith.addf %add3A_1800, %slice3A_1801 : vector<8x128xf32>
    %slice3A_1803 = vector.extract_strided_slice %select_n3A_1687 {offsets = [464, 0], sizes = [8, 128], strides = [1, 1]} : vector<672x128xf32> to vector<8x128xf32>
    %add3A_1804 = arith.addf %add3A_1802, %slice3A_1803 : vector<8x128xf32>
    %slice3A_1805 = vector.extract_strided_slice %select_n3A_1687 {offsets = [472, 0], sizes = [8, 128], strides = [1, 1]} : vector<672x128xf32> to vector<8x128xf32>
    %add3A_1806 = arith.addf %add3A_1804, %slice3A_1805 : vector<8x128xf32>
    %slice3A_1807 = vector.extract_strided_slice %select_n3A_1687 {offsets = [480, 0], sizes = [8, 128], strides = [1, 1]} : vector<672x128xf32> to vector<8x128xf32>
    %add3A_1808 = arith.addf %add3A_1806, %slice3A_1807 : vector<8x128xf32>
    %slice3A_1809 = vector.extract_strided_slice %select_n3A_1687 {offsets = [488, 0], sizes = [8, 128], strides = [1, 1]} : vector<672x128xf32> to vector<8x128xf32>
    %add3A_1810 = arith.addf %add3A_1808, %slice3A_1809 : vector<8x128xf32>
    %slice3A_1811 = vector.extract_strided_slice %select_n3A_1687 {offsets = [496, 0], sizes = [8, 128], strides = [1, 1]} : vector<672x128xf32> to vector<8x128xf32>
    %add3A_1812 = arith.addf %add3A_1810, %slice3A_1811 : vector<8x128xf32>
    %slice3A_1813 = vector.extract_strided_slice %select_n3A_1687 {offsets = [504, 0], sizes = [8, 128], strides = [1, 1]} : vector<672x128xf32> to vector<8x128xf32>
    %add3A_1814 = arith.addf %add3A_1812, %slice3A_1813 : vector<8x128xf32>
    %slice3A_1815 = vector.extract_strided_slice %select_n3A_1687 {offsets = [512, 0], sizes = [8, 128], strides = [1, 1]} : vector<672x128xf32> to vector<8x128xf32>
    %add3A_1816 = arith.addf %add3A_1814, %slice3A_1815 : vector<8x128xf32>
    %slice3A_1817 = vector.extract_strided_slice %select_n3A_1687 {offsets = [520, 0], sizes = [8, 128], strides = [1, 1]} : vector<672x128xf32> to vector<8x128xf32>
    %add3A_1818 = arith.addf %add3A_1816, %slice3A_1817 : vector<8x128xf32>
    %slice3A_1819 = vector.extract_strided_slice %select_n3A_1687 {offsets = [528, 0], sizes = [8, 128], strides = [1, 1]} : vector<672x128xf32> to vector<8x128xf32>
    %add3A_1820 = arith.addf %add3A_1818, %slice3A_1819 : vector<8x128xf32>
    %slice3A_1821 = vector.extract_strided_slice %select_n3A_1687 {offsets = [536, 0], sizes = [8, 128], strides = [1, 1]} : vector<672x128xf32> to vector<8x128xf32>
    %add3A_1822 = arith.addf %add3A_1820, %slice3A_1821 : vector<8x128xf32>
    %slice3A_1823 = vector.extract_strided_slice %select_n3A_1687 {offsets = [544, 0], sizes = [8, 128], strides = [1, 1]} : vector<672x128xf32> to vector<8x128xf32>
    %add3A_1824 = arith.addf %add3A_1822, %slice3A_1823 : vector<8x128xf32>
    %slice3A_1825 = vector.extract_strided_slice %select_n3A_1687 {offsets = [552, 0], sizes = [8, 128], strides = [1, 1]} : vector<672x128xf32> to vector<8x128xf32>
    %add3A_1826 = arith.addf %add3A_1824, %slice3A_1825 : vector<8x128xf32>
    %slice3A_1827 = vector.extract_strided_slice %select_n3A_1687 {offsets = [560, 0], sizes = [8, 128], strides = [1, 1]} : vector<672x128xf32> to vector<8x128xf32>
    %add3A_1828 = arith.addf %add3A_1826, %slice3A_1827 : vector<8x128xf32>
    %slice3A_1829 = vector.extract_strided_slice %select_n3A_1687 {offsets = [568, 0], sizes = [8, 128], strides = [1, 1]} : vector<672x128xf32> to vector<8x128xf32>
    %add3A_1830 = arith.addf %add3A_1828, %slice3A_1829 : vector<8x128xf32>
    %slice3A_1831 = vector.extract_strided_slice %select_n3A_1687 {offsets = [576, 0], sizes = [8, 128], strides = [1, 1]} : vector<672x128xf32> to vector<8x128xf32>
    %add3A_1832 = arith.addf %add3A_1830, %slice3A_1831 : vector<8x128xf32>
    %slice3A_1833 = vector.extract_strided_slice %select_n3A_1687 {offsets = [584, 0], sizes = [8, 128], strides = [1, 1]} : vector<672x128xf32> to vector<8x128xf32>
    %add3A_1834 = arith.addf %add3A_1832, %slice3A_1833 : vector<8x128xf32>
    %slice3A_1835 = vector.extract_strided_slice %select_n3A_1687 {offsets = [592, 0], sizes = [8, 128], strides = [1, 1]} : vector<672x128xf32> to vector<8x128xf32>
    %add3A_1836 = arith.addf %add3A_1834, %slice3A_1835 : vector<8x128xf32>
    %slice3A_1837 = vector.extract_strided_slice %select_n3A_1687 {offsets = [600, 0], sizes = [8, 128], strides = [1, 1]} : vector<672x128xf32> to vector<8x128xf32>
    %add3A_1838 = arith.addf %add3A_1836, %slice3A_1837 : vector<8x128xf32>
    %slice3A_1839 = vector.extract_strided_slice %select_n3A_1687 {offsets = [608, 0], sizes = [8, 128], strides = [1, 1]} : vector<672x128xf32> to vector<8x128xf32>
    %add3A_1840 = arith.addf %add3A_1838, %slice3A_1839 : vector<8x128xf32>
    %slice3A_1841 = vector.extract_strided_slice %select_n3A_1687 {offsets = [616, 0], sizes = [8, 128], strides = [1, 1]} : vector<672x128xf32> to vector<8x128xf32>
    %add3A_1842 = arith.addf %add3A_1840, %slice3A_1841 : vector<8x128xf32>
    %slice3A_1843 = vector.extract_strided_slice %select_n3A_1687 {offsets = [624, 0], sizes = [8, 128], strides = [1, 1]} : vector<672x128xf32> to vector<8x128xf32>
    %add3A_1844 = arith.addf %add3A_1842, %slice3A_1843 : vector<8x128xf32>
    %slice3A_1845 = vector.extract_strided_slice %select_n3A_1687 {offsets = [632, 0], sizes = [8, 128], strides = [1, 1]} : vector<672x128xf32> to vector<8x128xf32>
    %add3A_1846 = arith.addf %add3A_1844, %slice3A_1845 : vector<8x128xf32>
    %slice3A_1847 = vector.extract_strided_slice %select_n3A_1687 {offsets = [640, 0], sizes = [8, 128], strides = [1, 1]} : vector<672x128xf32> to vector<8x128xf32>
    %add3A_1848 = arith.addf %add3A_1846, %slice3A_1847 : vector<8x128xf32>
    %slice3A_1849 = vector.extract_strided_slice %select_n3A_1687 {offsets = [648, 0], sizes = [8, 128], strides = [1, 1]} : vector<672x128xf32> to vector<8x128xf32>
    %add3A_1850 = arith.addf %add3A_1848, %slice3A_1849 : vector<8x128xf32>
    %slice3A_1851 = vector.extract_strided_slice %select_n3A_1687 {offsets = [656, 0], sizes = [8, 128], strides = [1, 1]} : vector<672x128xf32> to vector<8x128xf32>
    %add3A_1852 = arith.addf %add3A_1850, %slice3A_1851 : vector<8x128xf32>
    %slice3A_1853 = vector.extract_strided_slice %select_n3A_1687 {offsets = [664, 0], sizes = [8, 128], strides = [1, 1]} : vector<672x128xf32> to vector<8x128xf32>
    %add3A_1854 = arith.addf %add3A_1852, %slice3A_1853 : vector<8x128xf32>
    %add3A_1855 = arith.addf %get3A_1681, %add3A_1854 : vector<8x128xf32>
    %swap3A_1856 = arith.constant 3 : index
    %swap3A_1857 = arith.constant 0 : index
    %swap3A_1858 = arith.constant 0 : index
    %swap3A_1859 = vector.load %arg5[%swap3A_1856, %swap3A_1857, %swap3A_1858] : memref<5x8x128xf32, #tpu.memory_space<vmem>>, vector<1x8x128xf32>
    %swap3A_1860 = vector.shape_cast %swap3A_1859 : vector<1x8x128xf32> to vector<8x128xf32>
    %swap3A_1861 = vector.shape_cast %add3A_1855 : vector<8x128xf32> to vector<1x8x128xf32>
    tpu.vector_store %arg5[%swap3A_1856, %swap3A_1857, %swap3A_1858], %swap3A_1861 {strides = array<i32>} : memref<5x8x128xf32, #tpu.memory_space<vmem>>, vector<1x8x128xf32>,
    %get3A_1862 = arith.constant 3 : index
    %get3A_1863 = arith.constant 0 : index
    %get3A_1864 = arith.constant 0 : index
    %get3A_1865 = vector.load %arg6[%get3A_1862, %get3A_1863, %get3A_1864] : memref<5x8x128xf32, #tpu.memory_space<vmem>>, vector<1x8x128xf32>
    %get3A_1866 = vector.shape_cast %get3A_1865 : vector<1x8x128xf32> to vector<8x128xf32>
    %jit3A_1867 = arith.constant 0.000000e+00 : f32
    %broadcast_in_dim3A_1868 = vector.broadcast %jit3A_1867 : f32 to vector<672x128xf32>
    %select_n3A_1869 = arith.select %ge3A_28, %select_n3A, %broadcast_in_dim3A_1868 : vector<672x128xi1>, vector<672x128xf32>
    %slice3A_1870 = vector.extract_strided_slice %select_n3A_1869 {offsets = [0, 0], sizes = [8, 128], strides = [1, 1]} : vector<672x128xf32> to vector<8x128xf32>
    %slice3A_1871 = vector.extract_strided_slice %select_n3A_1869 {offsets = [8, 0], sizes = [8, 128], strides = [1, 1]} : vector<672x128xf32> to vector<8x128xf32>
    %add3A_1872 = arith.addf %slice3A_1870, %slice3A_1871 : vector<8x128xf32>
    %slice3A_1873 = vector.extract_strided_slice %select_n3A_1869 {offsets = [16, 0], sizes = [8, 128], strides = [1, 1]} : vector<672x128xf32> to vector<8x128xf32>
    %add3A_1874 = arith.addf %add3A_1872, %slice3A_1873 : vector<8x128xf32>
    %slice3A_1875 = vector.extract_strided_slice %select_n3A_1869 {offsets = [24, 0], sizes = [8, 128], strides = [1, 1]} : vector<672x128xf32> to vector<8x128xf32>
    %add3A_1876 = arith.addf %add3A_1874, %slice3A_1875 : vector<8x128xf32>
    %slice3A_1877 = vector.extract_strided_slice %select_n3A_1869 {offsets = [32, 0], sizes = [8, 128], strides = [1, 1]} : vector<672x128xf32> to vector<8x128xf32>
    %add3A_1878 = arith.addf %add3A_1876, %slice3A_1877 : vector<8x128xf32>
    %slice3A_1879 = vector.extract_strided_slice %select_n3A_1869 {offsets = [40, 0], sizes = [8, 128], strides = [1, 1]} : vector<672x128xf32> to vector<8x128xf32>
    %add3A_1880 = arith.addf %add3A_1878, %slice3A_1879 : vector<8x128xf32>
    %slice3A_1881 = vector.extract_strided_slice %select_n3A_1869 {offsets = [48, 0], sizes = [8, 128], strides = [1, 1]} : vector<672x128xf32> to vector<8x128xf32>
    %add3A_1882 = arith.addf %add3A_1880, %slice3A_1881 : vector<8x128xf32>
    %slice3A_1883 = vector.extract_strided_slice %select_n3A_1869 {offsets = [56, 0], sizes = [8, 128], strides = [1, 1]} : vector<672x128xf32> to vector<8x128xf32>
    %add3A_1884 = arith.addf %add3A_1882, %slice3A_1883 : vector<8x128xf32>
    %slice3A_1885 = vector.extract_strided_slice %select_n3A_1869 {offsets = [64, 0], sizes = [8, 128], strides = [1, 1]} : vector<672x128xf32> to vector<8x128xf32>
    %add3A_1886 = arith.addf %add3A_1884, %slice3A_1885 : vector<8x128xf32>
    %slice3A_1887 = vector.extract_strided_slice %select_n3A_1869 {offsets = [72, 0], sizes = [8, 128], strides = [1, 1]} : vector<672x128xf32> to vector<8x128xf32>
    %add3A_1888 = arith.addf %add3A_1886, %slice3A_1887 : vector<8x128xf32>
    %slice3A_1889 = vector.extract_strided_slice %select_n3A_1869 {offsets = [80, 0], sizes = [8, 128], strides = [1, 1]} : vector<672x128xf32> to vector<8x128xf32>
    %add3A_1890 = arith.addf %add3A_1888, %slice3A_1889 : vector<8x128xf32>
    %slice3A_1891 = vector.extract_strided_slice %select_n3A_1869 {offsets = [88, 0], sizes = [8, 128], strides = [1, 1]} : vector<672x128xf32> to vector<8x128xf32>
    %add3A_1892 = arith.addf %add3A_1890, %slice3A_1891 : vector<8x128xf32>
    %slice3A_1893 = vector.extract_strided_slice %select_n3A_1869 {offsets = [96, 0], sizes = [8, 128], strides = [1, 1]} : vector<672x128xf32> to vector<8x128xf32>
    %add3A_1894 = arith.addf %add3A_1892, %slice3A_1893 : vector<8x128xf32>
    %slice3A_1895 = vector.extract_strided_slice %select_n3A_1869 {offsets = [104, 0], sizes = [8, 128], strides = [1, 1]} : vector<672x128xf32> to vector<8x128xf32>
    %add3A_1896 = arith.addf %add3A_1894, %slice3A_1895 : vector<8x128xf32>
    %slice3A_1897 = vector.extract_strided_slice %select_n3A_1869 {offsets = [112, 0], sizes = [8, 128], strides = [1, 1]} : vector<672x128xf32> to vector<8x128xf32>
    %add3A_1898 = arith.addf %add3A_1896, %slice3A_1897 : vector<8x128xf32>
    %slice3A_1899 = vector.extract_strided_slice %select_n3A_1869 {offsets = [120, 0], sizes = [8, 128], strides = [1, 1]} : vector<672x128xf32> to vector<8x128xf32>
    %add3A_1900 = arith.addf %add3A_1898, %slice3A_1899 : vector<8x128xf32>
    %slice3A_1901 = vector.extract_strided_slice %select_n3A_1869 {offsets = [128, 0], sizes = [8, 128], strides = [1, 1]} : vector<672x128xf32> to vector<8x128xf32>
    %add3A_1902 = arith.addf %add3A_1900, %slice3A_1901 : vector<8x128xf32>
    %slice3A_1903 = vector.extract_strided_slice %select_n3A_1869 {offsets = [136, 0], sizes = [8, 128], strides = [1, 1]} : vector<672x128xf32> to vector<8x128xf32>
    %add3A_1904 = arith.addf %add3A_1902, %slice3A_1903 : vector<8x128xf32>
    %slice3A_1905 = vector.extract_strided_slice %select_n3A_1869 {offsets = [144, 0], sizes = [8, 128], strides = [1, 1]} : vector<672x128xf32> to vector<8x128xf32>
    %add3A_1906 = arith.addf %add3A_1904, %slice3A_1905 : vector<8x128xf32>
    %slice3A_1907 = vector.extract_strided_slice %select_n3A_1869 {offsets = [152, 0], sizes = [8, 128], strides = [1, 1]} : vector<672x128xf32> to vector<8x128xf32>
    %add3A_1908 = arith.addf %add3A_1906, %slice3A_1907 : vector<8x128xf32>
    %slice3A_1909 = vector.extract_strided_slice %select_n3A_1869 {offsets = [160, 0], sizes = [8, 128], strides = [1, 1]} : vector<672x128xf32> to vector<8x128xf32>
    %add3A_1910 = arith.addf %add3A_1908, %slice3A_1909 : vector<8x128xf32>
    %slice3A_1911 = vector.extract_strided_slice %select_n3A_1869 {offsets = [168, 0], sizes = [8, 128], strides = [1, 1]} : vector<672x128xf32> to vector<8x128xf32>
    %add3A_1912 = arith.addf %add3A_1910, %slice3A_1911 : vector<8x128xf32>
    %slice3A_1913 = vector.extract_strided_slice %select_n3A_1869 {offsets = [176, 0], sizes = [8, 128], strides = [1, 1]} : vector<672x128xf32> to vector<8x128xf32>
    %add3A_1914 = arith.addf %add3A_1912, %slice3A_1913 : vector<8x128xf32>
    %slice3A_1915 = vector.extract_strided_slice %select_n3A_1869 {offsets = [184, 0], sizes = [8, 128], strides = [1, 1]} : vector<672x128xf32> to vector<8x128xf32>
    %add3A_1916 = arith.addf %add3A_1914, %slice3A_1915 : vector<8x128xf32>
    %slice3A_1917 = vector.extract_strided_slice %select_n3A_1869 {offsets = [192, 0], sizes = [8, 128], strides = [1, 1]} : vector<672x128xf32> to vector<8x128xf32>
    %add3A_1918 = arith.addf %add3A_1916, %slice3A_1917 : vector<8x128xf32>
    %slice3A_1919 = vector.extract_strided_slice %select_n3A_1869 {offsets = [200, 0], sizes = [8, 128], strides = [1, 1]} : vector<672x128xf32> to vector<8x128xf32>
    %add3A_1920 = arith.addf %add3A_1918, %slice3A_1919 : vector<8x128xf32>
    %slice3A_1921 = vector.extract_strided_slice %select_n3A_1869 {offsets = [208, 0], sizes = [8, 128], strides = [1, 1]} : vector<672x128xf32> to vector<8x128xf32>
    %add3A_1922 = arith.addf %add3A_1920, %slice3A_1921 : vector<8x128xf32>
    %slice3A_1923 = vector.extract_strided_slice %select_n3A_1869 {offsets = [216, 0], sizes = [8, 128], strides = [1, 1]} : vector<672x128xf32> to vector<8x128xf32>
    %add3A_1924 = arith.addf %add3A_1922, %slice3A_1923 : vector<8x128xf32>
    %slice3A_1925 = vector.extract_strided_slice %select_n3A_1869 {offsets = [224, 0], sizes = [8, 128], strides = [1, 1]} : vector<672x128xf32> to vector<8x128xf32>
    %add3A_1926 = arith.addf %add3A_1924, %slice3A_1925 : vector<8x128xf32>
    %slice3A_1927 = vector.extract_strided_slice %select_n3A_1869 {offsets = [232, 0], sizes = [8, 128], strides = [1, 1]} : vector<672x128xf32> to vector<8x128xf32>
    %add3A_1928 = arith.addf %add3A_1926, %slice3A_1927 : vector<8x128xf32>
    %slice3A_1929 = vector.extract_strided_slice %select_n3A_1869 {offsets = [240, 0], sizes = [8, 128], strides = [1, 1]} : vector<672x128xf32> to vector<8x128xf32>
    %add3A_1930 = arith.addf %add3A_1928, %slice3A_1929 : vector<8x128xf32>
    %slice3A_1931 = vector.extract_strided_slice %select_n3A_1869 {offsets = [248, 0], sizes = [8, 128], strides = [1, 1]} : vector<672x128xf32> to vector<8x128xf32>
    %add3A_1932 = arith.addf %add3A_1930, %slice3A_1931 : vector<8x128xf32>
    %slice3A_1933 = vector.extract_strided_slice %select_n3A_1869 {offsets = [256, 0], sizes = [8, 128], strides = [1, 1]} : vector<672x128xf32> to vector<8x128xf32>
    %add3A_1934 = arith.addf %add3A_1932, %slice3A_1933 : vector<8x128xf32>
    %slice3A_1935 = vector.extract_strided_slice %select_n3A_1869 {offsets = [264, 0], sizes = [8, 128], strides = [1, 1]} : vector<672x128xf32> to vector<8x128xf32>
    %add3A_1936 = arith.addf %add3A_1934, %slice3A_1935 : vector<8x128xf32>
    %slice3A_1937 = vector.extract_strided_slice %select_n3A_1869 {offsets = [272, 0], sizes = [8, 128], strides = [1, 1]} : vector<672x128xf32> to vector<8x128xf32>
    %add3A_1938 = arith.addf %add3A_1936, %slice3A_1937 : vector<8x128xf32>
    %slice3A_1939 = vector.extract_strided_slice %select_n3A_1869 {offsets = [280, 0], sizes = [8, 128], strides = [1, 1]} : vector<672x128xf32> to vector<8x128xf32>
    %add3A_1940 = arith.addf %add3A_1938, %slice3A_1939 : vector<8x128xf32>
    %slice3A_1941 = vector.extract_strided_slice %select_n3A_1869 {offsets = [288, 0], sizes = [8, 128], strides = [1, 1]} : vector<672x128xf32> to vector<8x128xf32>
    %add3A_1942 = arith.addf %add3A_1940, %slice3A_1941 : vector<8x128xf32>
    %slice3A_1943 = vector.extract_strided_slice %select_n3A_1869 {offsets = [296, 0], sizes = [8, 128], strides = [1, 1]} : vector<672x128xf32> to vector<8x128xf32>
    %add3A_1944 = arith.addf %add3A_1942, %slice3A_1943 : vector<8x128xf32>
    %slice3A_1945 = vector.extract_strided_slice %select_n3A_1869 {offsets = [304, 0], sizes = [8, 128], strides = [1, 1]} : vector<672x128xf32> to vector<8x128xf32>
    %add3A_1946 = arith.addf %add3A_1944, %slice3A_1945 : vector<8x128xf32>
    %slice3A_1947 = vector.extract_strided_slice %select_n3A_1869 {offsets = [312, 0], sizes = [8, 128], strides = [1, 1]} : vector<672x128xf32> to vector<8x128xf32>
    %add3A_1948 = arith.addf %add3A_1946, %slice3A_1947 : vector<8x128xf32>
    %slice3A_1949 = vector.extract_strided_slice %select_n3A_1869 {offsets = [320, 0], sizes = [8, 128], strides = [1, 1]} : vector<672x128xf32> to vector<8x128xf32>
    %add3A_1950 = arith.addf %add3A_1948, %slice3A_1949 : vector<8x128xf32>
    %slice3A_1951 = vector.extract_strided_slice %select_n3A_1869 {offsets = [328, 0], sizes = [8, 128], strides = [1, 1]} : vector<672x128xf32> to vector<8x128xf32>
    %add3A_1952 = arith.addf %add3A_1950, %slice3A_1951 : vector<8x128xf32>
    %slice3A_1953 = vector.extract_strided_slice %select_n3A_1869 {offsets = [336, 0], sizes = [8, 128], strides = [1, 1]} : vector<672x128xf32> to vector<8x128xf32>
    %add3A_1954 = arith.addf %add3A_1952, %slice3A_1953 : vector<8x128xf32>
    %slice3A_1955 = vector.extract_strided_slice %select_n3A_1869 {offsets = [344, 0], sizes = [8, 128], strides = [1, 1]} : vector<672x128xf32> to vector<8x128xf32>
    %add3A_1956 = arith.addf %add3A_1954, %slice3A_1955 : vector<8x128xf32>
    %slice3A_1957 = vector.extract_strided_slice %select_n3A_1869 {offsets = [352, 0], sizes = [8, 128], strides = [1, 1]} : vector<672x128xf32> to vector<8x128xf32>
    %add3A_1958 = arith.addf %add3A_1956, %slice3A_1957 : vector<8x128xf32>
    %slice3A_1959 = vector.extract_strided_slice %select_n3A_1869 {offsets = [360, 0], sizes = [8, 128], strides = [1, 1]} : vector<672x128xf32> to vector<8x128xf32>
    %add3A_1960 = arith.addf %add3A_1958, %slice3A_1959 : vector<8x128xf32>
    %slice3A_1961 = vector.extract_strided_slice %select_n3A_1869 {offsets = [368, 0], sizes = [8, 128], strides = [1, 1]} : vector<672x128xf32> to vector<8x128xf32>
    %add3A_1962 = arith.addf %add3A_1960, %slice3A_1961 : vector<8x128xf32>
    %slice3A_1963 = vector.extract_strided_slice %select_n3A_1869 {offsets = [376, 0], sizes = [8, 128], strides = [1, 1]} : vector<672x128xf32> to vector<8x128xf32>
    %add3A_1964 = arith.addf %add3A_1962, %slice3A_1963 : vector<8x128xf32>
    %slice3A_1965 = vector.extract_strided_slice %select_n3A_1869 {offsets = [384, 0], sizes = [8, 128], strides = [1, 1]} : vector<672x128xf32> to vector<8x128xf32>
    %add3A_1966 = arith.addf %add3A_1964, %slice3A_1965 : vector<8x128xf32>
    %slice3A_1967 = vector.extract_strided_slice %select_n3A_1869 {offsets = [392, 0], sizes = [8, 128], strides = [1, 1]} : vector<672x128xf32> to vector<8x128xf32>
    %add3A_1968 = arith.addf %add3A_1966, %slice3A_1967 : vector<8x128xf32>
    %slice3A_1969 = vector.extract_strided_slice %select_n3A_1869 {offsets = [400, 0], sizes = [8, 128], strides = [1, 1]} : vector<672x128xf32> to vector<8x128xf32>
    %add3A_1970 = arith.addf %add3A_1968, %slice3A_1969 : vector<8x128xf32>
    %slice3A_1971 = vector.extract_strided_slice %select_n3A_1869 {offsets = [408, 0], sizes = [8, 128], strides = [1, 1]} : vector<672x128xf32> to vector<8x128xf32>
    %add3A_1972 = arith.addf %add3A_1970, %slice3A_1971 : vector<8x128xf32>
    %slice3A_1973 = vector.extract_strided_slice %select_n3A_1869 {offsets = [416, 0], sizes = [8, 128], strides = [1, 1]} : vector<672x128xf32> to vector<8x128xf32>
    %add3A_1974 = arith.addf %add3A_1972, %slice3A_1973 : vector<8x128xf32>
    %slice3A_1975 = vector.extract_strided_slice %select_n3A_1869 {offsets = [424, 0], sizes = [8, 128], strides = [1, 1]} : vector<672x128xf32> to vector<8x128xf32>
    %add3A_1976 = arith.addf %add3A_1974, %slice3A_1975 : vector<8x128xf32>
    %slice3A_1977 = vector.extract_strided_slice %select_n3A_1869 {offsets = [432, 0], sizes = [8, 128], strides = [1, 1]} : vector<672x128xf32> to vector<8x128xf32>
    %add3A_1978 = arith.addf %add3A_1976, %slice3A_1977 : vector<8x128xf32>
    %slice3A_1979 = vector.extract_strided_slice %select_n3A_1869 {offsets = [440, 0], sizes = [8, 128], strides = [1, 1]} : vector<672x128xf32> to vector<8x128xf32>
    %add3A_1980 = arith.addf %add3A_1978, %slice3A_1979 : vector<8x128xf32>
    %slice3A_1981 = vector.extract_strided_slice %select_n3A_1869 {offsets = [448, 0], sizes = [8, 128], strides = [1, 1]} : vector<672x128xf32> to vector<8x128xf32>
    %add3A_1982 = arith.addf %add3A_1980, %slice3A_1981 : vector<8x128xf32>
    %slice3A_1983 = vector.extract_strided_slice %select_n3A_1869 {offsets = [456, 0], sizes = [8, 128], strides = [1, 1]} : vector<672x128xf32> to vector<8x128xf32>
    %add3A_1984 = arith.addf %add3A_1982, %slice3A_1983 : vector<8x128xf32>
    %slice3A_1985 = vector.extract_strided_slice %select_n3A_1869 {offsets = [464, 0], sizes = [8, 128], strides = [1, 1]} : vector<672x128xf32> to vector<8x128xf32>
    %add3A_1986 = arith.addf %add3A_1984, %slice3A_1985 : vector<8x128xf32>
    %slice3A_1987 = vector.extract_strided_slice %select_n3A_1869 {offsets = [472, 0], sizes = [8, 128], strides = [1, 1]} : vector<672x128xf32> to vector<8x128xf32>
    %add3A_1988 = arith.addf %add3A_1986, %slice3A_1987 : vector<8x128xf32>
    %slice3A_1989 = vector.extract_strided_slice %select_n3A_1869 {offsets = [480, 0], sizes = [8, 128], strides = [1, 1]} : vector<672x128xf32> to vector<8x128xf32>
    %add3A_1990 = arith.addf %add3A_1988, %slice3A_1989 : vector<8x128xf32>
    %slice3A_1991 = vector.extract_strided_slice %select_n3A_1869 {offsets = [488, 0], sizes = [8, 128], strides = [1, 1]} : vector<672x128xf32> to vector<8x128xf32>
    %add3A_1992 = arith.addf %add3A_1990, %slice3A_1991 : vector<8x128xf32>
    %slice3A_1993 = vector.extract_strided_slice %select_n3A_1869 {offsets = [496, 0], sizes = [8, 128], strides = [1, 1]} : vector<672x128xf32> to vector<8x128xf32>
    %add3A_1994 = arith.addf %add3A_1992, %slice3A_1993 : vector<8x128xf32>
    %slice3A_1995 = vector.extract_strided_slice %select_n3A_1869 {offsets = [504, 0], sizes = [8, 128], strides = [1, 1]} : vector<672x128xf32> to vector<8x128xf32>
    %add3A_1996 = arith.addf %add3A_1994, %slice3A_1995 : vector<8x128xf32>
    %slice3A_1997 = vector.extract_strided_slice %select_n3A_1869 {offsets = [512, 0], sizes = [8, 128], strides = [1, 1]} : vector<672x128xf32> to vector<8x128xf32>
    %add3A_1998 = arith.addf %add3A_1996, %slice3A_1997 : vector<8x128xf32>
    %slice3A_1999 = vector.extract_strided_slice %select_n3A_1869 {offsets = [520, 0], sizes = [8, 128], strides = [1, 1]} : vector<672x128xf32> to vector<8x128xf32>
    %add3A_2000 = arith.addf %add3A_1998, %slice3A_1999 : vector<8x128xf32>
    %slice3A_2001 = vector.extract_strided_slice %select_n3A_1869 {offsets = [528, 0], sizes = [8, 128], strides = [1, 1]} : vector<672x128xf32> to vector<8x128xf32>
    %add3A_2002 = arith.addf %add3A_2000, %slice3A_2001 : vector<8x128xf32>
    %slice3A_2003 = vector.extract_strided_slice %select_n3A_1869 {offsets = [536, 0], sizes = [8, 128], strides = [1, 1]} : vector<672x128xf32> to vector<8x128xf32>
    %add3A_2004 = arith.addf %add3A_2002, %slice3A_2003 : vector<8x128xf32>
    %slice3A_2005 = vector.extract_strided_slice %select_n3A_1869 {offsets = [544, 0], sizes = [8, 128], strides = [1, 1]} : vector<672x128xf32> to vector<8x128xf32>
    %add3A_2006 = arith.addf %add3A_2004, %slice3A_2005 : vector<8x128xf32>
    %slice3A_2007 = vector.extract_strided_slice %select_n3A_1869 {offsets = [552, 0], sizes = [8, 128], strides = [1, 1]} : vector<672x128xf32> to vector<8x128xf32>
    %add3A_2008 = arith.addf %add3A_2006, %slice3A_2007 : vector<8x128xf32>
    %slice3A_2009 = vector.extract_strided_slice %select_n3A_1869 {offsets = [560, 0], sizes = [8, 128], strides = [1, 1]} : vector<672x128xf32> to vector<8x128xf32>
    %add3A_2010 = arith.addf %add3A_2008, %slice3A_2009 : vector<8x128xf32>
    %slice3A_2011 = vector.extract_strided_slice %select_n3A_1869 {offsets = [568, 0], sizes = [8, 128], strides = [1, 1]} : vector<672x128xf32> to vector<8x128xf32>
    %add3A_2012 = arith.addf %add3A_2010, %slice3A_2011 : vector<8x128xf32>
    %slice3A_2013 = vector.extract_strided_slice %select_n3A_1869 {offsets = [576, 0], sizes = [8, 128], strides = [1, 1]} : vector<672x128xf32> to vector<8x128xf32>
    %add3A_2014 = arith.addf %add3A_2012, %slice3A_2013 : vector<8x128xf32>
    %slice3A_2015 = vector.extract_strided_slice %select_n3A_1869 {offsets = [584, 0], sizes = [8, 128], strides = [1, 1]} : vector<672x128xf32> to vector<8x128xf32>
    %add3A_2016 = arith.addf %add3A_2014, %slice3A_2015 : vector<8x128xf32>
    %slice3A_2017 = vector.extract_strided_slice %select_n3A_1869 {offsets = [592, 0], sizes = [8, 128], strides = [1, 1]} : vector<672x128xf32> to vector<8x128xf32>
    %add3A_2018 = arith.addf %add3A_2016, %slice3A_2017 : vector<8x128xf32>
    %slice3A_2019 = vector.extract_strided_slice %select_n3A_1869 {offsets = [600, 0], sizes = [8, 128], strides = [1, 1]} : vector<672x128xf32> to vector<8x128xf32>
    %add3A_2020 = arith.addf %add3A_2018, %slice3A_2019 : vector<8x128xf32>
    %slice3A_2021 = vector.extract_strided_slice %select_n3A_1869 {offsets = [608, 0], sizes = [8, 128], strides = [1, 1]} : vector<672x128xf32> to vector<8x128xf32>
    %add3A_2022 = arith.addf %add3A_2020, %slice3A_2021 : vector<8x128xf32>
    %slice3A_2023 = vector.extract_strided_slice %select_n3A_1869 {offsets = [616, 0], sizes = [8, 128], strides = [1, 1]} : vector<672x128xf32> to vector<8x128xf32>
    %add3A_2024 = arith.addf %add3A_2022, %slice3A_2023 : vector<8x128xf32>
    %slice3A_2025 = vector.extract_strided_slice %select_n3A_1869 {offsets = [624, 0], sizes = [8, 128], strides = [1, 1]} : vector<672x128xf32> to vector<8x128xf32>
    %add3A_2026 = arith.addf %add3A_2024, %slice3A_2025 : vector<8x128xf32>
    %slice3A_2027 = vector.extract_strided_slice %select_n3A_1869 {offsets = [632, 0], sizes = [8, 128], strides = [1, 1]} : vector<672x128xf32> to vector<8x128xf32>
    %add3A_2028 = arith.addf %add3A_2026, %slice3A_2027 : vector<8x128xf32>
    %slice3A_2029 = vector.extract_strided_slice %select_n3A_1869 {offsets = [640, 0], sizes = [8, 128], strides = [1, 1]} : vector<672x128xf32> to vector<8x128xf32>
    %add3A_2030 = arith.addf %add3A_2028, %slice3A_2029 : vector<8x128xf32>
    %slice3A_2031 = vector.extract_strided_slice %select_n3A_1869 {offsets = [648, 0], sizes = [8, 128], strides = [1, 1]} : vector<672x128xf32> to vector<8x128xf32>
    %add3A_2032 = arith.addf %add3A_2030, %slice3A_2031 : vector<8x128xf32>
    %slice3A_2033 = vector.extract_strided_slice %select_n3A_1869 {offsets = [656, 0], sizes = [8, 128], strides = [1, 1]} : vector<672x128xf32> to vector<8x128xf32>
    %add3A_2034 = arith.addf %add3A_2032, %slice3A_2033 : vector<8x128xf32>
    %slice3A_2035 = vector.extract_strided_slice %select_n3A_1869 {offsets = [664, 0], sizes = [8, 128], strides = [1, 1]} : vector<672x128xf32> to vector<8x128xf32>
    %add3A_2036 = arith.addf %add3A_2034, %slice3A_2035 : vector<8x128xf32>
    %add3A_2037 = arith.addf %get3A_1866, %add3A_2036 : vector<8x128xf32>
    %swap3A_2038 = arith.constant 3 : index
    %swap3A_2039 = arith.constant 0 : index
    %swap3A_2040 = arith.constant 0 : index
    %swap3A_2041 = vector.load %arg6[%swap3A_2038, %swap3A_2039, %swap3A_2040] : memref<5x8x128xf32, #tpu.memory_space<vmem>>, vector<1x8x128xf32>
    %swap3A_2042 = vector.shape_cast %swap3A_2041 : vector<1x8x128xf32> to vector<8x128xf32>
    %swap3A_2043 = vector.shape_cast %add3A_2037 : vector<8x128xf32> to vector<1x8x128xf32>
    tpu.vector_store %arg6[%swap3A_2038, %swap3A_2039, %swap3A_2040], %swap3A_2043 {strides = array<i32>} : memref<5x8x128xf32, #tpu.memory_space<vmem>>, vector<1x8x128xf32>,
    %get3A_2044 = arith.constant 3 : index
    %get3A_2045 = arith.constant 0 : index
    %get3A_2046 = arith.constant 0 : index
    %get3A_2047 = vector.load %arg4[%get3A_2044, %get3A_2045, %get3A_2046] : memref<4x8x128xf32, #tpu.memory_space<vmem>>, vector<1x8x128xf32>
    %get3A_2048 = vector.shape_cast %get3A_2047 : vector<1x8x128xf32> to vector<8x128xf32>
    %jit3A_2049 = arith.constant 1.000000e+00 : f32
    %jit3A_2050 = arith.constant 0.000000e+00 : f32
    %broadcast_in_dim3A_2051 = vector.broadcast %jit3A_2049 : f32 to vector<672x128xf32>
    %broadcast_in_dim3A_2052 = vector.broadcast %jit3A_2050 : f32 to vector<672x128xf32>
    %select_n3A_2053 = arith.select %ge3A_31, %broadcast_in_dim3A_2051, %broadcast_in_dim3A_2052 : vector<672x128xi1>, vector<672x128xf32>
    %slice3A_2054 = vector.extract_strided_slice %select_n3A_2053 {offsets = [0, 0], sizes = [8, 128], strides = [1, 1]} : vector<672x128xf32> to vector<8x128xf32>
    %slice3A_2055 = vector.extract_strided_slice %select_n3A_2053 {offsets = [8, 0], sizes = [8, 128], strides = [1, 1]} : vector<672x128xf32> to vector<8x128xf32>
    %add3A_2056 = arith.addf %slice3A_2054, %slice3A_2055 : vector<8x128xf32>
    %slice3A_2057 = vector.extract_strided_slice %select_n3A_2053 {offsets = [16, 0], sizes = [8, 128], strides = [1, 1]} : vector<672x128xf32> to vector<8x128xf32>
    %add3A_2058 = arith.addf %add3A_2056, %slice3A_2057 : vector<8x128xf32>
    %slice3A_2059 = vector.extract_strided_slice %select_n3A_2053 {offsets = [24, 0], sizes = [8, 128], strides = [1, 1]} : vector<672x128xf32> to vector<8x128xf32>
    %add3A_2060 = arith.addf %add3A_2058, %slice3A_2059 : vector<8x128xf32>
    %slice3A_2061 = vector.extract_strided_slice %select_n3A_2053 {offsets = [32, 0], sizes = [8, 128], strides = [1, 1]} : vector<672x128xf32> to vector<8x128xf32>
    %add3A_2062 = arith.addf %add3A_2060, %slice3A_2061 : vector<8x128xf32>
    %slice3A_2063 = vector.extract_strided_slice %select_n3A_2053 {offsets = [40, 0], sizes = [8, 128], strides = [1, 1]} : vector<672x128xf32> to vector<8x128xf32>
    %add3A_2064 = arith.addf %add3A_2062, %slice3A_2063 : vector<8x128xf32>
    %slice3A_2065 = vector.extract_strided_slice %select_n3A_2053 {offsets = [48, 0], sizes = [8, 128], strides = [1, 1]} : vector<672x128xf32> to vector<8x128xf32>
    %add3A_2066 = arith.addf %add3A_2064, %slice3A_2065 : vector<8x128xf32>
    %slice3A_2067 = vector.extract_strided_slice %select_n3A_2053 {offsets = [56, 0], sizes = [8, 128], strides = [1, 1]} : vector<672x128xf32> to vector<8x128xf32>
    %add3A_2068 = arith.addf %add3A_2066, %slice3A_2067 : vector<8x128xf32>
    %slice3A_2069 = vector.extract_strided_slice %select_n3A_2053 {offsets = [64, 0], sizes = [8, 128], strides = [1, 1]} : vector<672x128xf32> to vector<8x128xf32>
    %add3A_2070 = arith.addf %add3A_2068, %slice3A_2069 : vector<8x128xf32>
    %slice3A_2071 = vector.extract_strided_slice %select_n3A_2053 {offsets = [72, 0], sizes = [8, 128], strides = [1, 1]} : vector<672x128xf32> to vector<8x128xf32>
    %add3A_2072 = arith.addf %add3A_2070, %slice3A_2071 : vector<8x128xf32>
    %slice3A_2073 = vector.extract_strided_slice %select_n3A_2053 {offsets = [80, 0], sizes = [8, 128], strides = [1, 1]} : vector<672x128xf32> to vector<8x128xf32>
    %add3A_2074 = arith.addf %add3A_2072, %slice3A_2073 : vector<8x128xf32>
    %slice3A_2075 = vector.extract_strided_slice %select_n3A_2053 {offsets = [88, 0], sizes = [8, 128], strides = [1, 1]} : vector<672x128xf32> to vector<8x128xf32>
    %add3A_2076 = arith.addf %add3A_2074, %slice3A_2075 : vector<8x128xf32>
    %slice3A_2077 = vector.extract_strided_slice %select_n3A_2053 {offsets = [96, 0], sizes = [8, 128], strides = [1, 1]} : vector<672x128xf32> to vector<8x128xf32>
    %add3A_2078 = arith.addf %add3A_2076, %slice3A_2077 : vector<8x128xf32>
    %slice3A_2079 = vector.extract_strided_slice %select_n3A_2053 {offsets = [104, 0], sizes = [8, 128], strides = [1, 1]} : vector<672x128xf32> to vector<8x128xf32>
    %add3A_2080 = arith.addf %add3A_2078, %slice3A_2079 : vector<8x128xf32>
    %slice3A_2081 = vector.extract_strided_slice %select_n3A_2053 {offsets = [112, 0], sizes = [8, 128], strides = [1, 1]} : vector<672x128xf32> to vector<8x128xf32>
    %add3A_2082 = arith.addf %add3A_2080, %slice3A_2081 : vector<8x128xf32>
    %slice3A_2083 = vector.extract_strided_slice %select_n3A_2053 {offsets = [120, 0], sizes = [8, 128], strides = [1, 1]} : vector<672x128xf32> to vector<8x128xf32>
    %add3A_2084 = arith.addf %add3A_2082, %slice3A_2083 : vector<8x128xf32>
    %slice3A_2085 = vector.extract_strided_slice %select_n3A_2053 {offsets = [128, 0], sizes = [8, 128], strides = [1, 1]} : vector<672x128xf32> to vector<8x128xf32>
    %add3A_2086 = arith.addf %add3A_2084, %slice3A_2085 : vector<8x128xf32>
    %slice3A_2087 = vector.extract_strided_slice %select_n3A_2053 {offsets = [136, 0], sizes = [8, 128], strides = [1, 1]} : vector<672x128xf32> to vector<8x128xf32>
    %add3A_2088 = arith.addf %add3A_2086, %slice3A_2087 : vector<8x128xf32>
    %slice3A_2089 = vector.extract_strided_slice %select_n3A_2053 {offsets = [144, 0], sizes = [8, 128], strides = [1, 1]} : vector<672x128xf32> to vector<8x128xf32>
    %add3A_2090 = arith.addf %add3A_2088, %slice3A_2089 : vector<8x128xf32>
    %slice3A_2091 = vector.extract_strided_slice %select_n3A_2053 {offsets = [152, 0], sizes = [8, 128], strides = [1, 1]} : vector<672x128xf32> to vector<8x128xf32>
    %add3A_2092 = arith.addf %add3A_2090, %slice3A_2091 : vector<8x128xf32>
    %slice3A_2093 = vector.extract_strided_slice %select_n3A_2053 {offsets = [160, 0], sizes = [8, 128], strides = [1, 1]} : vector<672x128xf32> to vector<8x128xf32>
    %add3A_2094 = arith.addf %add3A_2092, %slice3A_2093 : vector<8x128xf32>
    %slice3A_2095 = vector.extract_strided_slice %select_n3A_2053 {offsets = [168, 0], sizes = [8, 128], strides = [1, 1]} : vector<672x128xf32> to vector<8x128xf32>
    %add3A_2096 = arith.addf %add3A_2094, %slice3A_2095 : vector<8x128xf32>
    %slice3A_2097 = vector.extract_strided_slice %select_n3A_2053 {offsets = [176, 0], sizes = [8, 128], strides = [1, 1]} : vector<672x128xf32> to vector<8x128xf32>
    %add3A_2098 = arith.addf %add3A_2096, %slice3A_2097 : vector<8x128xf32>
    %slice3A_2099 = vector.extract_strided_slice %select_n3A_2053 {offsets = [184, 0], sizes = [8, 128], strides = [1, 1]} : vector<672x128xf32> to vector<8x128xf32>
    %add3A_2100 = arith.addf %add3A_2098, %slice3A_2099 : vector<8x128xf32>
    %slice3A_2101 = vector.extract_strided_slice %select_n3A_2053 {offsets = [192, 0], sizes = [8, 128], strides = [1, 1]} : vector<672x128xf32> to vector<8x128xf32>
    %add3A_2102 = arith.addf %add3A_2100, %slice3A_2101 : vector<8x128xf32>
    %slice3A_2103 = vector.extract_strided_slice %select_n3A_2053 {offsets = [200, 0], sizes = [8, 128], strides = [1, 1]} : vector<672x128xf32> to vector<8x128xf32>
    %add3A_2104 = arith.addf %add3A_2102, %slice3A_2103 : vector<8x128xf32>
    %slice3A_2105 = vector.extract_strided_slice %select_n3A_2053 {offsets = [208, 0], sizes = [8, 128], strides = [1, 1]} : vector<672x128xf32> to vector<8x128xf32>
    %add3A_2106 = arith.addf %add3A_2104, %slice3A_2105 : vector<8x128xf32>
    %slice3A_2107 = vector.extract_strided_slice %select_n3A_2053 {offsets = [216, 0], sizes = [8, 128], strides = [1, 1]} : vector<672x128xf32> to vector<8x128xf32>
    %add3A_2108 = arith.addf %add3A_2106, %slice3A_2107 : vector<8x128xf32>
    %slice3A_2109 = vector.extract_strided_slice %select_n3A_2053 {offsets = [224, 0], sizes = [8, 128], strides = [1, 1]} : vector<672x128xf32> to vector<8x128xf32>
    %add3A_2110 = arith.addf %add3A_2108, %slice3A_2109 : vector<8x128xf32>
    %slice3A_2111 = vector.extract_strided_slice %select_n3A_2053 {offsets = [232, 0], sizes = [8, 128], strides = [1, 1]} : vector<672x128xf32> to vector<8x128xf32>
    %add3A_2112 = arith.addf %add3A_2110, %slice3A_2111 : vector<8x128xf32>
    %slice3A_2113 = vector.extract_strided_slice %select_n3A_2053 {offsets = [240, 0], sizes = [8, 128], strides = [1, 1]} : vector<672x128xf32> to vector<8x128xf32>
    %add3A_2114 = arith.addf %add3A_2112, %slice3A_2113 : vector<8x128xf32>
    %slice3A_2115 = vector.extract_strided_slice %select_n3A_2053 {offsets = [248, 0], sizes = [8, 128], strides = [1, 1]} : vector<672x128xf32> to vector<8x128xf32>
    %add3A_2116 = arith.addf %add3A_2114, %slice3A_2115 : vector<8x128xf32>
    %slice3A_2117 = vector.extract_strided_slice %select_n3A_2053 {offsets = [256, 0], sizes = [8, 128], strides = [1, 1]} : vector<672x128xf32> to vector<8x128xf32>
    %add3A_2118 = arith.addf %add3A_2116, %slice3A_2117 : vector<8x128xf32>
    %slice3A_2119 = vector.extract_strided_slice %select_n3A_2053 {offsets = [264, 0], sizes = [8, 128], strides = [1, 1]} : vector<672x128xf32> to vector<8x128xf32>
    %add3A_2120 = arith.addf %add3A_2118, %slice3A_2119 : vector<8x128xf32>
    %slice3A_2121 = vector.extract_strided_slice %select_n3A_2053 {offsets = [272, 0], sizes = [8, 128], strides = [1, 1]} : vector<672x128xf32> to vector<8x128xf32>
    %add3A_2122 = arith.addf %add3A_2120, %slice3A_2121 : vector<8x128xf32>
    %slice3A_2123 = vector.extract_strided_slice %select_n3A_2053 {offsets = [280, 0], sizes = [8, 128], strides = [1, 1]} : vector<672x128xf32> to vector<8x128xf32>
    %add3A_2124 = arith.addf %add3A_2122, %slice3A_2123 : vector<8x128xf32>
    %slice3A_2125 = vector.extract_strided_slice %select_n3A_2053 {offsets = [288, 0], sizes = [8, 128], strides = [1, 1]} : vector<672x128xf32> to vector<8x128xf32>
    %add3A_2126 = arith.addf %add3A_2124, %slice3A_2125 : vector<8x128xf32>
    %slice3A_2127 = vector.extract_strided_slice %select_n3A_2053 {offsets = [296, 0], sizes = [8, 128], strides = [1, 1]} : vector<672x128xf32> to vector<8x128xf32>
    %add3A_2128 = arith.addf %add3A_2126, %slice3A_2127 : vector<8x128xf32>
    %slice3A_2129 = vector.extract_strided_slice %select_n3A_2053 {offsets = [304, 0], sizes = [8, 128], strides = [1, 1]} : vector<672x128xf32> to vector<8x128xf32>
    %add3A_2130 = arith.addf %add3A_2128, %slice3A_2129 : vector<8x128xf32>
    %slice3A_2131 = vector.extract_strided_slice %select_n3A_2053 {offsets = [312, 0], sizes = [8, 128], strides = [1, 1]} : vector<672x128xf32> to vector<8x128xf32>
    %add3A_2132 = arith.addf %add3A_2130, %slice3A_2131 : vector<8x128xf32>
    %slice3A_2133 = vector.extract_strided_slice %select_n3A_2053 {offsets = [320, 0], sizes = [8, 128], strides = [1, 1]} : vector<672x128xf32> to vector<8x128xf32>
    %add3A_2134 = arith.addf %add3A_2132, %slice3A_2133 : vector<8x128xf32>
    %slice3A_2135 = vector.extract_strided_slice %select_n3A_2053 {offsets = [328, 0], sizes = [8, 128], strides = [1, 1]} : vector<672x128xf32> to vector<8x128xf32>
    %add3A_2136 = arith.addf %add3A_2134, %slice3A_2135 : vector<8x128xf32>
    %slice3A_2137 = vector.extract_strided_slice %select_n3A_2053 {offsets = [336, 0], sizes = [8, 128], strides = [1, 1]} : vector<672x128xf32> to vector<8x128xf32>
    %add3A_2138 = arith.addf %add3A_2136, %slice3A_2137 : vector<8x128xf32>
    %slice3A_2139 = vector.extract_strided_slice %select_n3A_2053 {offsets = [344, 0], sizes = [8, 128], strides = [1, 1]} : vector<672x128xf32> to vector<8x128xf32>
    %add3A_2140 = arith.addf %add3A_2138, %slice3A_2139 : vector<8x128xf32>
    %slice3A_2141 = vector.extract_strided_slice %select_n3A_2053 {offsets = [352, 0], sizes = [8, 128], strides = [1, 1]} : vector<672x128xf32> to vector<8x128xf32>
    %add3A_2142 = arith.addf %add3A_2140, %slice3A_2141 : vector<8x128xf32>
    %slice3A_2143 = vector.extract_strided_slice %select_n3A_2053 {offsets = [360, 0], sizes = [8, 128], strides = [1, 1]} : vector<672x128xf32> to vector<8x128xf32>
    %add3A_2144 = arith.addf %add3A_2142, %slice3A_2143 : vector<8x128xf32>
    %slice3A_2145 = vector.extract_strided_slice %select_n3A_2053 {offsets = [368, 0], sizes = [8, 128], strides = [1, 1]} : vector<672x128xf32> to vector<8x128xf32>
    %add3A_2146 = arith.addf %add3A_2144, %slice3A_2145 : vector<8x128xf32>
    %slice3A_2147 = vector.extract_strided_slice %select_n3A_2053 {offsets = [376, 0], sizes = [8, 128], strides = [1, 1]} : vector<672x128xf32> to vector<8x128xf32>
    %add3A_2148 = arith.addf %add3A_2146, %slice3A_2147 : vector<8x128xf32>
    %slice3A_2149 = vector.extract_strided_slice %select_n3A_2053 {offsets = [384, 0], sizes = [8, 128], strides = [1, 1]} : vector<672x128xf32> to vector<8x128xf32>
    %add3A_2150 = arith.addf %add3A_2148, %slice3A_2149 : vector<8x128xf32>
    %slice3A_2151 = vector.extract_strided_slice %select_n3A_2053 {offsets = [392, 0], sizes = [8, 128], strides = [1, 1]} : vector<672x128xf32> to vector<8x128xf32>
    %add3A_2152 = arith.addf %add3A_2150, %slice3A_2151 : vector<8x128xf32>
    %slice3A_2153 = vector.extract_strided_slice %select_n3A_2053 {offsets = [400, 0], sizes = [8, 128], strides = [1, 1]} : vector<672x128xf32> to vector<8x128xf32>
    %add3A_2154 = arith.addf %add3A_2152, %slice3A_2153 : vector<8x128xf32>
    %slice3A_2155 = vector.extract_strided_slice %select_n3A_2053 {offsets = [408, 0], sizes = [8, 128], strides = [1, 1]} : vector<672x128xf32> to vector<8x128xf32>
    %add3A_2156 = arith.addf %add3A_2154, %slice3A_2155 : vector<8x128xf32>
    %slice3A_2157 = vector.extract_strided_slice %select_n3A_2053 {offsets = [416, 0], sizes = [8, 128], strides = [1, 1]} : vector<672x128xf32> to vector<8x128xf32>
    %add3A_2158 = arith.addf %add3A_2156, %slice3A_2157 : vector<8x128xf32>
    %slice3A_2159 = vector.extract_strided_slice %select_n3A_2053 {offsets = [424, 0], sizes = [8, 128], strides = [1, 1]} : vector<672x128xf32> to vector<8x128xf32>
    %add3A_2160 = arith.addf %add3A_2158, %slice3A_2159 : vector<8x128xf32>
    %slice3A_2161 = vector.extract_strided_slice %select_n3A_2053 {offsets = [432, 0], sizes = [8, 128], strides = [1, 1]} : vector<672x128xf32> to vector<8x128xf32>
    %add3A_2162 = arith.addf %add3A_2160, %slice3A_2161 : vector<8x128xf32>
    %slice3A_2163 = vector.extract_strided_slice %select_n3A_2053 {offsets = [440, 0], sizes = [8, 128], strides = [1, 1]} : vector<672x128xf32> to vector<8x128xf32>
    %add3A_2164 = arith.addf %add3A_2162, %slice3A_2163 : vector<8x128xf32>
    %slice3A_2165 = vector.extract_strided_slice %select_n3A_2053 {offsets = [448, 0], sizes = [8, 128], strides = [1, 1]} : vector<672x128xf32> to vector<8x128xf32>
    %add3A_2166 = arith.addf %add3A_2164, %slice3A_2165 : vector<8x128xf32>
    %slice3A_2167 = vector.extract_strided_slice %select_n3A_2053 {offsets = [456, 0], sizes = [8, 128], strides = [1, 1]} : vector<672x128xf32> to vector<8x128xf32>
    %add3A_2168 = arith.addf %add3A_2166, %slice3A_2167 : vector<8x128xf32>
    %slice3A_2169 = vector.extract_strided_slice %select_n3A_2053 {offsets = [464, 0], sizes = [8, 128], strides = [1, 1]} : vector<672x128xf32> to vector<8x128xf32>
    %add3A_2170 = arith.addf %add3A_2168, %slice3A_2169 : vector<8x128xf32>
    %slice3A_2171 = vector.extract_strided_slice %select_n3A_2053 {offsets = [472, 0], sizes = [8, 128], strides = [1, 1]} : vector<672x128xf32> to vector<8x128xf32>
    %add3A_2172 = arith.addf %add3A_2170, %slice3A_2171 : vector<8x128xf32>
    %slice3A_2173 = vector.extract_strided_slice %select_n3A_2053 {offsets = [480, 0], sizes = [8, 128], strides = [1, 1]} : vector<672x128xf32> to vector<8x128xf32>
    %add3A_2174 = arith.addf %add3A_2172, %slice3A_2173 : vector<8x128xf32>
    %slice3A_2175 = vector.extract_strided_slice %select_n3A_2053 {offsets = [488, 0], sizes = [8, 128], strides = [1, 1]} : vector<672x128xf32> to vector<8x128xf32>
    %add3A_2176 = arith.addf %add3A_2174, %slice3A_2175 : vector<8x128xf32>
    %slice3A_2177 = vector.extract_strided_slice %select_n3A_2053 {offsets = [496, 0], sizes = [8, 128], strides = [1, 1]} : vector<672x128xf32> to vector<8x128xf32>
    %add3A_2178 = arith.addf %add3A_2176, %slice3A_2177 : vector<8x128xf32>
    %slice3A_2179 = vector.extract_strided_slice %select_n3A_2053 {offsets = [504, 0], sizes = [8, 128], strides = [1, 1]} : vector<672x128xf32> to vector<8x128xf32>
    %add3A_2180 = arith.addf %add3A_2178, %slice3A_2179 : vector<8x128xf32>
    %slice3A_2181 = vector.extract_strided_slice %select_n3A_2053 {offsets = [512, 0], sizes = [8, 128], strides = [1, 1]} : vector<672x128xf32> to vector<8x128xf32>
    %add3A_2182 = arith.addf %add3A_2180, %slice3A_2181 : vector<8x128xf32>
    %slice3A_2183 = vector.extract_strided_slice %select_n3A_2053 {offsets = [520, 0], sizes = [8, 128], strides = [1, 1]} : vector<672x128xf32> to vector<8x128xf32>
    %add3A_2184 = arith.addf %add3A_2182, %slice3A_2183 : vector<8x128xf32>
    %slice3A_2185 = vector.extract_strided_slice %select_n3A_2053 {offsets = [528, 0], sizes = [8, 128], strides = [1, 1]} : vector<672x128xf32> to vector<8x128xf32>
    %add3A_2186 = arith.addf %add3A_2184, %slice3A_2185 : vector<8x128xf32>
    %slice3A_2187 = vector.extract_strided_slice %select_n3A_2053 {offsets = [536, 0], sizes = [8, 128], strides = [1, 1]} : vector<672x128xf32> to vector<8x128xf32>
    %add3A_2188 = arith.addf %add3A_2186, %slice3A_2187 : vector<8x128xf32>
    %slice3A_2189 = vector.extract_strided_slice %select_n3A_2053 {offsets = [544, 0], sizes = [8, 128], strides = [1, 1]} : vector<672x128xf32> to vector<8x128xf32>
    %add3A_2190 = arith.addf %add3A_2188, %slice3A_2189 : vector<8x128xf32>
    %slice3A_2191 = vector.extract_strided_slice %select_n3A_2053 {offsets = [552, 0], sizes = [8, 128], strides = [1, 1]} : vector<672x128xf32> to vector<8x128xf32>
    %add3A_2192 = arith.addf %add3A_2190, %slice3A_2191 : vector<8x128xf32>
    %slice3A_2193 = vector.extract_strided_slice %select_n3A_2053 {offsets = [560, 0], sizes = [8, 128], strides = [1, 1]} : vector<672x128xf32> to vector<8x128xf32>
    %add3A_2194 = arith.addf %add3A_2192, %slice3A_2193 : vector<8x128xf32>
    %slice3A_2195 = vector.extract_strided_slice %select_n3A_2053 {offsets = [568, 0], sizes = [8, 128], strides = [1, 1]} : vector<672x128xf32> to vector<8x128xf32>
    %add3A_2196 = arith.addf %add3A_2194, %slice3A_2195 : vector<8x128xf32>
    %slice3A_2197 = vector.extract_strided_slice %select_n3A_2053 {offsets = [576, 0], sizes = [8, 128], strides = [1, 1]} : vector<672x128xf32> to vector<8x128xf32>
    %add3A_2198 = arith.addf %add3A_2196, %slice3A_2197 : vector<8x128xf32>
    %slice3A_2199 = vector.extract_strided_slice %select_n3A_2053 {offsets = [584, 0], sizes = [8, 128], strides = [1, 1]} : vector<672x128xf32> to vector<8x128xf32>
    %add3A_2200 = arith.addf %add3A_2198, %slice3A_2199 : vector<8x128xf32>
    %slice3A_2201 = vector.extract_strided_slice %select_n3A_2053 {offsets = [592, 0], sizes = [8, 128], strides = [1, 1]} : vector<672x128xf32> to vector<8x128xf32>
    %add3A_2202 = arith.addf %add3A_2200, %slice3A_2201 : vector<8x128xf32>
    %slice3A_2203 = vector.extract_strided_slice %select_n3A_2053 {offsets = [600, 0], sizes = [8, 128], strides = [1, 1]} : vector<672x128xf32> to vector<8x128xf32>
    %add3A_2204 = arith.addf %add3A_2202, %slice3A_2203 : vector<8x128xf32>
    %slice3A_2205 = vector.extract_strided_slice %select_n3A_2053 {offsets = [608, 0], sizes = [8, 128], strides = [1, 1]} : vector<672x128xf32> to vector<8x128xf32>
    %add3A_2206 = arith.addf %add3A_2204, %slice3A_2205 : vector<8x128xf32>
    %slice3A_2207 = vector.extract_strided_slice %select_n3A_2053 {offsets = [616, 0], sizes = [8, 128], strides = [1, 1]} : vector<672x128xf32> to vector<8x128xf32>
    %add3A_2208 = arith.addf %add3A_2206, %slice3A_2207 : vector<8x128xf32>
    %slice3A_2209 = vector.extract_strided_slice %select_n3A_2053 {offsets = [624, 0], sizes = [8, 128], strides = [1, 1]} : vector<672x128xf32> to vector<8x128xf32>
    %add3A_2210 = arith.addf %add3A_2208, %slice3A_2209 : vector<8x128xf32>
    %slice3A_2211 = vector.extract_strided_slice %select_n3A_2053 {offsets = [632, 0], sizes = [8, 128], strides = [1, 1]} : vector<672x128xf32> to vector<8x128xf32>
    %add3A_2212 = arith.addf %add3A_2210, %slice3A_2211 : vector<8x128xf32>
    %slice3A_2213 = vector.extract_strided_slice %select_n3A_2053 {offsets = [640, 0], sizes = [8, 128], strides = [1, 1]} : vector<672x128xf32> to vector<8x128xf32>
    %add3A_2214 = arith.addf %add3A_2212, %slice3A_2213 : vector<8x128xf32>
    %slice3A_2215 = vector.extract_strided_slice %select_n3A_2053 {offsets = [648, 0], sizes = [8, 128], strides = [1, 1]} : vector<672x128xf32> to vector<8x128xf32>
    %add3A_2216 = arith.addf %add3A_2214, %slice3A_2215 : vector<8x128xf32>
    %slice3A_2217 = vector.extract_strided_slice %select_n3A_2053 {offsets = [656, 0], sizes = [8, 128], strides = [1, 1]} : vector<672x128xf32> to vector<8x128xf32>
    %add3A_2218 = arith.addf %add3A_2216, %slice3A_2217 : vector<8x128xf32>
    %slice3A_2219 = vector.extract_strided_slice %select_n3A_2053 {offsets = [664, 0], sizes = [8, 128], strides = [1, 1]} : vector<672x128xf32> to vector<8x128xf32>
    %add3A_2220 = arith.addf %add3A_2218, %slice3A_2219 : vector<8x128xf32>
    %add3A_2221 = arith.addf %get3A_2048, %add3A_2220 : vector<8x128xf32>
    %swap3A_2222 = arith.constant 3 : index
    %swap3A_2223 = arith.constant 0 : index
    %swap3A_2224 = arith.constant 0 : index
    %swap3A_2225 = vector.load %arg4[%swap3A_2222, %swap3A_2223, %swap3A_2224] : memref<4x8x128xf32, #tpu.memory_space<vmem>>, vector<1x8x128xf32>
    %swap3A_2226 = vector.shape_cast %swap3A_2225 : vector<1x8x128xf32> to vector<8x128xf32>
    %swap3A_2227 = vector.shape_cast %add3A_2221 : vector<8x128xf32> to vector<1x8x128xf32>
    tpu.vector_store %arg4[%swap3A_2222, %swap3A_2223, %swap3A_2224], %swap3A_2227 {strides = array<i32>} : memref<4x8x128xf32, #tpu.memory_space<vmem>>, vector<1x8x128xf32>,
    %get3A_2228 = arith.constant 4 : index
    %get3A_2229 = arith.constant 0 : index
    %get3A_2230 = arith.constant 0 : index
    %get3A_2231 = vector.load %arg5[%get3A_2228, %get3A_2229, %get3A_2230] : memref<5x8x128xf32, #tpu.memory_space<vmem>>, vector<1x8x128xf32>
    %get3A_2232 = vector.shape_cast %get3A_2231 : vector<1x8x128xf32> to vector<8x128xf32>
    %and3A_2233 = arith.andi %ge3A_31, %eq3A_17 : vector<672x128xi1>
    %jit3A_2234 = arith.constant 1.000000e+00 : f32
    %jit3A_2235 = arith.constant 0.000000e+00 : f32
    %broadcast_in_dim3A_2236 = vector.broadcast %jit3A_2234 : f32 to vector<672x128xf32>
    %broadcast_in_dim3A_2237 = vector.broadcast %jit3A_2235 : f32 to vector<672x128xf32>
    %select_n3A_2238 = arith.select %and3A_2233, %broadcast_in_dim3A_2236, %broadcast_in_dim3A_2237 : vector<672x128xi1>, vector<672x128xf32>
    %slice3A_2239 = vector.extract_strided_slice %select_n3A_2238 {offsets = [0, 0], sizes = [8, 128], strides = [1, 1]} : vector<672x128xf32> to vector<8x128xf32>
    %slice3A_2240 = vector.extract_strided_slice %select_n3A_2238 {offsets = [8, 0], sizes = [8, 128], strides = [1, 1]} : vector<672x128xf32> to vector<8x128xf32>
    %add3A_2241 = arith.addf %slice3A_2239, %slice3A_2240 : vector<8x128xf32>
    %slice3A_2242 = vector.extract_strided_slice %select_n3A_2238 {offsets = [16, 0], sizes = [8, 128], strides = [1, 1]} : vector<672x128xf32> to vector<8x128xf32>
    %add3A_2243 = arith.addf %add3A_2241, %slice3A_2242 : vector<8x128xf32>
    %slice3A_2244 = vector.extract_strided_slice %select_n3A_2238 {offsets = [24, 0], sizes = [8, 128], strides = [1, 1]} : vector<672x128xf32> to vector<8x128xf32>
    %add3A_2245 = arith.addf %add3A_2243, %slice3A_2244 : vector<8x128xf32>
    %slice3A_2246 = vector.extract_strided_slice %select_n3A_2238 {offsets = [32, 0], sizes = [8, 128], strides = [1, 1]} : vector<672x128xf32> to vector<8x128xf32>
    %add3A_2247 = arith.addf %add3A_2245, %slice3A_2246 : vector<8x128xf32>
    %slice3A_2248 = vector.extract_strided_slice %select_n3A_2238 {offsets = [40, 0], sizes = [8, 128], strides = [1, 1]} : vector<672x128xf32> to vector<8x128xf32>
    %add3A_2249 = arith.addf %add3A_2247, %slice3A_2248 : vector<8x128xf32>
    %slice3A_2250 = vector.extract_strided_slice %select_n3A_2238 {offsets = [48, 0], sizes = [8, 128], strides = [1, 1]} : vector<672x128xf32> to vector<8x128xf32>
    %add3A_2251 = arith.addf %add3A_2249, %slice3A_2250 : vector<8x128xf32>
    %slice3A_2252 = vector.extract_strided_slice %select_n3A_2238 {offsets = [56, 0], sizes = [8, 128], strides = [1, 1]} : vector<672x128xf32> to vector<8x128xf32>
    %add3A_2253 = arith.addf %add3A_2251, %slice3A_2252 : vector<8x128xf32>
    %slice3A_2254 = vector.extract_strided_slice %select_n3A_2238 {offsets = [64, 0], sizes = [8, 128], strides = [1, 1]} : vector<672x128xf32> to vector<8x128xf32>
    %add3A_2255 = arith.addf %add3A_2253, %slice3A_2254 : vector<8x128xf32>
    %slice3A_2256 = vector.extract_strided_slice %select_n3A_2238 {offsets = [72, 0], sizes = [8, 128], strides = [1, 1]} : vector<672x128xf32> to vector<8x128xf32>
    %add3A_2257 = arith.addf %add3A_2255, %slice3A_2256 : vector<8x128xf32>
    %slice3A_2258 = vector.extract_strided_slice %select_n3A_2238 {offsets = [80, 0], sizes = [8, 128], strides = [1, 1]} : vector<672x128xf32> to vector<8x128xf32>
    %add3A_2259 = arith.addf %add3A_2257, %slice3A_2258 : vector<8x128xf32>
    %slice3A_2260 = vector.extract_strided_slice %select_n3A_2238 {offsets = [88, 0], sizes = [8, 128], strides = [1, 1]} : vector<672x128xf32> to vector<8x128xf32>
    %add3A_2261 = arith.addf %add3A_2259, %slice3A_2260 : vector<8x128xf32>
    %slice3A_2262 = vector.extract_strided_slice %select_n3A_2238 {offsets = [96, 0], sizes = [8, 128], strides = [1, 1]} : vector<672x128xf32> to vector<8x128xf32>
    %add3A_2263 = arith.addf %add3A_2261, %slice3A_2262 : vector<8x128xf32>
    %slice3A_2264 = vector.extract_strided_slice %select_n3A_2238 {offsets = [104, 0], sizes = [8, 128], strides = [1, 1]} : vector<672x128xf32> to vector<8x128xf32>
    %add3A_2265 = arith.addf %add3A_2263, %slice3A_2264 : vector<8x128xf32>
    %slice3A_2266 = vector.extract_strided_slice %select_n3A_2238 {offsets = [112, 0], sizes = [8, 128], strides = [1, 1]} : vector<672x128xf32> to vector<8x128xf32>
    %add3A_2267 = arith.addf %add3A_2265, %slice3A_2266 : vector<8x128xf32>
    %slice3A_2268 = vector.extract_strided_slice %select_n3A_2238 {offsets = [120, 0], sizes = [8, 128], strides = [1, 1]} : vector<672x128xf32> to vector<8x128xf32>
    %add3A_2269 = arith.addf %add3A_2267, %slice3A_2268 : vector<8x128xf32>
    %slice3A_2270 = vector.extract_strided_slice %select_n3A_2238 {offsets = [128, 0], sizes = [8, 128], strides = [1, 1]} : vector<672x128xf32> to vector<8x128xf32>
    %add3A_2271 = arith.addf %add3A_2269, %slice3A_2270 : vector<8x128xf32>
    %slice3A_2272 = vector.extract_strided_slice %select_n3A_2238 {offsets = [136, 0], sizes = [8, 128], strides = [1, 1]} : vector<672x128xf32> to vector<8x128xf32>
    %add3A_2273 = arith.addf %add3A_2271, %slice3A_2272 : vector<8x128xf32>
    %slice3A_2274 = vector.extract_strided_slice %select_n3A_2238 {offsets = [144, 0], sizes = [8, 128], strides = [1, 1]} : vector<672x128xf32> to vector<8x128xf32>
    %add3A_2275 = arith.addf %add3A_2273, %slice3A_2274 : vector<8x128xf32>
    %slice3A_2276 = vector.extract_strided_slice %select_n3A_2238 {offsets = [152, 0], sizes = [8, 128], strides = [1, 1]} : vector<672x128xf32> to vector<8x128xf32>
    %add3A_2277 = arith.addf %add3A_2275, %slice3A_2276 : vector<8x128xf32>
    %slice3A_2278 = vector.extract_strided_slice %select_n3A_2238 {offsets = [160, 0], sizes = [8, 128], strides = [1, 1]} : vector<672x128xf32> to vector<8x128xf32>
    %add3A_2279 = arith.addf %add3A_2277, %slice3A_2278 : vector<8x128xf32>
    %slice3A_2280 = vector.extract_strided_slice %select_n3A_2238 {offsets = [168, 0], sizes = [8, 128], strides = [1, 1]} : vector<672x128xf32> to vector<8x128xf32>
    %add3A_2281 = arith.addf %add3A_2279, %slice3A_2280 : vector<8x128xf32>
    %slice3A_2282 = vector.extract_strided_slice %select_n3A_2238 {offsets = [176, 0], sizes = [8, 128], strides = [1, 1]} : vector<672x128xf32> to vector<8x128xf32>
    %add3A_2283 = arith.addf %add3A_2281, %slice3A_2282 : vector<8x128xf32>
    %slice3A_2284 = vector.extract_strided_slice %select_n3A_2238 {offsets = [184, 0], sizes = [8, 128], strides = [1, 1]} : vector<672x128xf32> to vector<8x128xf32>
    %add3A_2285 = arith.addf %add3A_2283, %slice3A_2284 : vector<8x128xf32>
    %slice3A_2286 = vector.extract_strided_slice %select_n3A_2238 {offsets = [192, 0], sizes = [8, 128], strides = [1, 1]} : vector<672x128xf32> to vector<8x128xf32>
    %add3A_2287 = arith.addf %add3A_2285, %slice3A_2286 : vector<8x128xf32>
    %slice3A_2288 = vector.extract_strided_slice %select_n3A_2238 {offsets = [200, 0], sizes = [8, 128], strides = [1, 1]} : vector<672x128xf32> to vector<8x128xf32>
    %add3A_2289 = arith.addf %add3A_2287, %slice3A_2288 : vector<8x128xf32>
    %slice3A_2290 = vector.extract_strided_slice %select_n3A_2238 {offsets = [208, 0], sizes = [8, 128], strides = [1, 1]} : vector<672x128xf32> to vector<8x128xf32>
    %add3A_2291 = arith.addf %add3A_2289, %slice3A_2290 : vector<8x128xf32>
    %slice3A_2292 = vector.extract_strided_slice %select_n3A_2238 {offsets = [216, 0], sizes = [8, 128], strides = [1, 1]} : vector<672x128xf32> to vector<8x128xf32>
    %add3A_2293 = arith.addf %add3A_2291, %slice3A_2292 : vector<8x128xf32>
    %slice3A_2294 = vector.extract_strided_slice %select_n3A_2238 {offsets = [224, 0], sizes = [8, 128], strides = [1, 1]} : vector<672x128xf32> to vector<8x128xf32>
    %add3A_2295 = arith.addf %add3A_2293, %slice3A_2294 : vector<8x128xf32>
    %slice3A_2296 = vector.extract_strided_slice %select_n3A_2238 {offsets = [232, 0], sizes = [8, 128], strides = [1, 1]} : vector<672x128xf32> to vector<8x128xf32>
    %add3A_2297 = arith.addf %add3A_2295, %slice3A_2296 : vector<8x128xf32>
    %slice3A_2298 = vector.extract_strided_slice %select_n3A_2238 {offsets = [240, 0], sizes = [8, 128], strides = [1, 1]} : vector<672x128xf32> to vector<8x128xf32>
    %add3A_2299 = arith.addf %add3A_2297, %slice3A_2298 : vector<8x128xf32>
    %slice3A_2300 = vector.extract_strided_slice %select_n3A_2238 {offsets = [248, 0], sizes = [8, 128], strides = [1, 1]} : vector<672x128xf32> to vector<8x128xf32>
    %add3A_2301 = arith.addf %add3A_2299, %slice3A_2300 : vector<8x128xf32>
    %slice3A_2302 = vector.extract_strided_slice %select_n3A_2238 {offsets = [256, 0], sizes = [8, 128], strides = [1, 1]} : vector<672x128xf32> to vector<8x128xf32>
    %add3A_2303 = arith.addf %add3A_2301, %slice3A_2302 : vector<8x128xf32>
    %slice3A_2304 = vector.extract_strided_slice %select_n3A_2238 {offsets = [264, 0], sizes = [8, 128], strides = [1, 1]} : vector<672x128xf32> to vector<8x128xf32>
    %add3A_2305 = arith.addf %add3A_2303, %slice3A_2304 : vector<8x128xf32>
    %slice3A_2306 = vector.extract_strided_slice %select_n3A_2238 {offsets = [272, 0], sizes = [8, 128], strides = [1, 1]} : vector<672x128xf32> to vector<8x128xf32>
    %add3A_2307 = arith.addf %add3A_2305, %slice3A_2306 : vector<8x128xf32>
    %slice3A_2308 = vector.extract_strided_slice %select_n3A_2238 {offsets = [280, 0], sizes = [8, 128], strides = [1, 1]} : vector<672x128xf32> to vector<8x128xf32>
    %add3A_2309 = arith.addf %add3A_2307, %slice3A_2308 : vector<8x128xf32>
    %slice3A_2310 = vector.extract_strided_slice %select_n3A_2238 {offsets = [288, 0], sizes = [8, 128], strides = [1, 1]} : vector<672x128xf32> to vector<8x128xf32>
    %add3A_2311 = arith.addf %add3A_2309, %slice3A_2310 : vector<8x128xf32>
    %slice3A_2312 = vector.extract_strided_slice %select_n3A_2238 {offsets = [296, 0], sizes = [8, 128], strides = [1, 1]} : vector<672x128xf32> to vector<8x128xf32>
    %add3A_2313 = arith.addf %add3A_2311, %slice3A_2312 : vector<8x128xf32>
    %slice3A_2314 = vector.extract_strided_slice %select_n3A_2238 {offsets = [304, 0], sizes = [8, 128], strides = [1, 1]} : vector<672x128xf32> to vector<8x128xf32>
    %add3A_2315 = arith.addf %add3A_2313, %slice3A_2314 : vector<8x128xf32>
    %slice3A_2316 = vector.extract_strided_slice %select_n3A_2238 {offsets = [312, 0], sizes = [8, 128], strides = [1, 1]} : vector<672x128xf32> to vector<8x128xf32>
    %add3A_2317 = arith.addf %add3A_2315, %slice3A_2316 : vector<8x128xf32>
    %slice3A_2318 = vector.extract_strided_slice %select_n3A_2238 {offsets = [320, 0], sizes = [8, 128], strides = [1, 1]} : vector<672x128xf32> to vector<8x128xf32>
    %add3A_2319 = arith.addf %add3A_2317, %slice3A_2318 : vector<8x128xf32>
    %slice3A_2320 = vector.extract_strided_slice %select_n3A_2238 {offsets = [328, 0], sizes = [8, 128], strides = [1, 1]} : vector<672x128xf32> to vector<8x128xf32>
    %add3A_2321 = arith.addf %add3A_2319, %slice3A_2320 : vector<8x128xf32>
    %slice3A_2322 = vector.extract_strided_slice %select_n3A_2238 {offsets = [336, 0], sizes = [8, 128], strides = [1, 1]} : vector<672x128xf32> to vector<8x128xf32>
    %add3A_2323 = arith.addf %add3A_2321, %slice3A_2322 : vector<8x128xf32>
    %slice3A_2324 = vector.extract_strided_slice %select_n3A_2238 {offsets = [344, 0], sizes = [8, 128], strides = [1, 1]} : vector<672x128xf32> to vector<8x128xf32>
    %add3A_2325 = arith.addf %add3A_2323, %slice3A_2324 : vector<8x128xf32>
    %slice3A_2326 = vector.extract_strided_slice %select_n3A_2238 {offsets = [352, 0], sizes = [8, 128], strides = [1, 1]} : vector<672x128xf32> to vector<8x128xf32>
    %add3A_2327 = arith.addf %add3A_2325, %slice3A_2326 : vector<8x128xf32>
    %slice3A_2328 = vector.extract_strided_slice %select_n3A_2238 {offsets = [360, 0], sizes = [8, 128], strides = [1, 1]} : vector<672x128xf32> to vector<8x128xf32>
    %add3A_2329 = arith.addf %add3A_2327, %slice3A_2328 : vector<8x128xf32>
    %slice3A_2330 = vector.extract_strided_slice %select_n3A_2238 {offsets = [368, 0], sizes = [8, 128], strides = [1, 1]} : vector<672x128xf32> to vector<8x128xf32>
    %add3A_2331 = arith.addf %add3A_2329, %slice3A_2330 : vector<8x128xf32>
    %slice3A_2332 = vector.extract_strided_slice %select_n3A_2238 {offsets = [376, 0], sizes = [8, 128], strides = [1, 1]} : vector<672x128xf32> to vector<8x128xf32>
    %add3A_2333 = arith.addf %add3A_2331, %slice3A_2332 : vector<8x128xf32>
    %slice3A_2334 = vector.extract_strided_slice %select_n3A_2238 {offsets = [384, 0], sizes = [8, 128], strides = [1, 1]} : vector<672x128xf32> to vector<8x128xf32>
    %add3A_2335 = arith.addf %add3A_2333, %slice3A_2334 : vector<8x128xf32>
    %slice3A_2336 = vector.extract_strided_slice %select_n3A_2238 {offsets = [392, 0], sizes = [8, 128], strides = [1, 1]} : vector<672x128xf32> to vector<8x128xf32>
    %add3A_2337 = arith.addf %add3A_2335, %slice3A_2336 : vector<8x128xf32>
    %slice3A_2338 = vector.extract_strided_slice %select_n3A_2238 {offsets = [400, 0], sizes = [8, 128], strides = [1, 1]} : vector<672x128xf32> to vector<8x128xf32>
    %add3A_2339 = arith.addf %add3A_2337, %slice3A_2338 : vector<8x128xf32>
    %slice3A_2340 = vector.extract_strided_slice %select_n3A_2238 {offsets = [408, 0], sizes = [8, 128], strides = [1, 1]} : vector<672x128xf32> to vector<8x128xf32>
    %add3A_2341 = arith.addf %add3A_2339, %slice3A_2340 : vector<8x128xf32>
    %slice3A_2342 = vector.extract_strided_slice %select_n3A_2238 {offsets = [416, 0], sizes = [8, 128], strides = [1, 1]} : vector<672x128xf32> to vector<8x128xf32>
    %add3A_2343 = arith.addf %add3A_2341, %slice3A_2342 : vector<8x128xf32>
    %slice3A_2344 = vector.extract_strided_slice %select_n3A_2238 {offsets = [424, 0], sizes = [8, 128], strides = [1, 1]} : vector<672x128xf32> to vector<8x128xf32>
    %add3A_2345 = arith.addf %add3A_2343, %slice3A_2344 : vector<8x128xf32>
    %slice3A_2346 = vector.extract_strided_slice %select_n3A_2238 {offsets = [432, 0], sizes = [8, 128], strides = [1, 1]} : vector<672x128xf32> to vector<8x128xf32>
    %add3A_2347 = arith.addf %add3A_2345, %slice3A_2346 : vector<8x128xf32>
    %slice3A_2348 = vector.extract_strided_slice %select_n3A_2238 {offsets = [440, 0], sizes = [8, 128], strides = [1, 1]} : vector<672x128xf32> to vector<8x128xf32>
    %add3A_2349 = arith.addf %add3A_2347, %slice3A_2348 : vector<8x128xf32>
    %slice3A_2350 = vector.extract_strided_slice %select_n3A_2238 {offsets = [448, 0], sizes = [8, 128], strides = [1, 1]} : vector<672x128xf32> to vector<8x128xf32>
    %add3A_2351 = arith.addf %add3A_2349, %slice3A_2350 : vector<8x128xf32>
    %slice3A_2352 = vector.extract_strided_slice %select_n3A_2238 {offsets = [456, 0], sizes = [8, 128], strides = [1, 1]} : vector<672x128xf32> to vector<8x128xf32>
    %add3A_2353 = arith.addf %add3A_2351, %slice3A_2352 : vector<8x128xf32>
    %slice3A_2354 = vector.extract_strided_slice %select_n3A_2238 {offsets = [464, 0], sizes = [8, 128], strides = [1, 1]} : vector<672x128xf32> to vector<8x128xf32>
    %add3A_2355 = arith.addf %add3A_2353, %slice3A_2354 : vector<8x128xf32>
    %slice3A_2356 = vector.extract_strided_slice %select_n3A_2238 {offsets = [472, 0], sizes = [8, 128], strides = [1, 1]} : vector<672x128xf32> to vector<8x128xf32>
    %add3A_2357 = arith.addf %add3A_2355, %slice3A_2356 : vector<8x128xf32>
    %slice3A_2358 = vector.extract_strided_slice %select_n3A_2238 {offsets = [480, 0], sizes = [8, 128], strides = [1, 1]} : vector<672x128xf32> to vector<8x128xf32>
    %add3A_2359 = arith.addf %add3A_2357, %slice3A_2358 : vector<8x128xf32>
    %slice3A_2360 = vector.extract_strided_slice %select_n3A_2238 {offsets = [488, 0], sizes = [8, 128], strides = [1, 1]} : vector<672x128xf32> to vector<8x128xf32>
    %add3A_2361 = arith.addf %add3A_2359, %slice3A_2360 : vector<8x128xf32>
    %slice3A_2362 = vector.extract_strided_slice %select_n3A_2238 {offsets = [496, 0], sizes = [8, 128], strides = [1, 1]} : vector<672x128xf32> to vector<8x128xf32>
    %add3A_2363 = arith.addf %add3A_2361, %slice3A_2362 : vector<8x128xf32>
    %slice3A_2364 = vector.extract_strided_slice %select_n3A_2238 {offsets = [504, 0], sizes = [8, 128], strides = [1, 1]} : vector<672x128xf32> to vector<8x128xf32>
    %add3A_2365 = arith.addf %add3A_2363, %slice3A_2364 : vector<8x128xf32>
    %slice3A_2366 = vector.extract_strided_slice %select_n3A_2238 {offsets = [512, 0], sizes = [8, 128], strides = [1, 1]} : vector<672x128xf32> to vector<8x128xf32>
    %add3A_2367 = arith.addf %add3A_2365, %slice3A_2366 : vector<8x128xf32>
    %slice3A_2368 = vector.extract_strided_slice %select_n3A_2238 {offsets = [520, 0], sizes = [8, 128], strides = [1, 1]} : vector<672x128xf32> to vector<8x128xf32>
    %add3A_2369 = arith.addf %add3A_2367, %slice3A_2368 : vector<8x128xf32>
    %slice3A_2370 = vector.extract_strided_slice %select_n3A_2238 {offsets = [528, 0], sizes = [8, 128], strides = [1, 1]} : vector<672x128xf32> to vector<8x128xf32>
    %add3A_2371 = arith.addf %add3A_2369, %slice3A_2370 : vector<8x128xf32>
    %slice3A_2372 = vector.extract_strided_slice %select_n3A_2238 {offsets = [536, 0], sizes = [8, 128], strides = [1, 1]} : vector<672x128xf32> to vector<8x128xf32>
    %add3A_2373 = arith.addf %add3A_2371, %slice3A_2372 : vector<8x128xf32>
    %slice3A_2374 = vector.extract_strided_slice %select_n3A_2238 {offsets = [544, 0], sizes = [8, 128], strides = [1, 1]} : vector<672x128xf32> to vector<8x128xf32>
    %add3A_2375 = arith.addf %add3A_2373, %slice3A_2374 : vector<8x128xf32>
    %slice3A_2376 = vector.extract_strided_slice %select_n3A_2238 {offsets = [552, 0], sizes = [8, 128], strides = [1, 1]} : vector<672x128xf32> to vector<8x128xf32>
    %add3A_2377 = arith.addf %add3A_2375, %slice3A_2376 : vector<8x128xf32>
    %slice3A_2378 = vector.extract_strided_slice %select_n3A_2238 {offsets = [560, 0], sizes = [8, 128], strides = [1, 1]} : vector<672x128xf32> to vector<8x128xf32>
    %add3A_2379 = arith.addf %add3A_2377, %slice3A_2378 : vector<8x128xf32>
    %slice3A_2380 = vector.extract_strided_slice %select_n3A_2238 {offsets = [568, 0], sizes = [8, 128], strides = [1, 1]} : vector<672x128xf32> to vector<8x128xf32>
    %add3A_2381 = arith.addf %add3A_2379, %slice3A_2380 : vector<8x128xf32>
    %slice3A_2382 = vector.extract_strided_slice %select_n3A_2238 {offsets = [576, 0], sizes = [8, 128], strides = [1, 1]} : vector<672x128xf32> to vector<8x128xf32>
    %add3A_2383 = arith.addf %add3A_2381, %slice3A_2382 : vector<8x128xf32>
    %slice3A_2384 = vector.extract_strided_slice %select_n3A_2238 {offsets = [584, 0], sizes = [8, 128], strides = [1, 1]} : vector<672x128xf32> to vector<8x128xf32>
    %add3A_2385 = arith.addf %add3A_2383, %slice3A_2384 : vector<8x128xf32>
    %slice3A_2386 = vector.extract_strided_slice %select_n3A_2238 {offsets = [592, 0], sizes = [8, 128], strides = [1, 1]} : vector<672x128xf32> to vector<8x128xf32>
    %add3A_2387 = arith.addf %add3A_2385, %slice3A_2386 : vector<8x128xf32>
    %slice3A_2388 = vector.extract_strided_slice %select_n3A_2238 {offsets = [600, 0], sizes = [8, 128], strides = [1, 1]} : vector<672x128xf32> to vector<8x128xf32>
    %add3A_2389 = arith.addf %add3A_2387, %slice3A_2388 : vector<8x128xf32>
    %slice3A_2390 = vector.extract_strided_slice %select_n3A_2238 {offsets = [608, 0], sizes = [8, 128], strides = [1, 1]} : vector<672x128xf32> to vector<8x128xf32>
    %add3A_2391 = arith.addf %add3A_2389, %slice3A_2390 : vector<8x128xf32>
    %slice3A_2392 = vector.extract_strided_slice %select_n3A_2238 {offsets = [616, 0], sizes = [8, 128], strides = [1, 1]} : vector<672x128xf32> to vector<8x128xf32>
    %add3A_2393 = arith.addf %add3A_2391, %slice3A_2392 : vector<8x128xf32>
    %slice3A_2394 = vector.extract_strided_slice %select_n3A_2238 {offsets = [624, 0], sizes = [8, 128], strides = [1, 1]} : vector<672x128xf32> to vector<8x128xf32>
    %add3A_2395 = arith.addf %add3A_2393, %slice3A_2394 : vector<8x128xf32>
    %slice3A_2396 = vector.extract_strided_slice %select_n3A_2238 {offsets = [632, 0], sizes = [8, 128], strides = [1, 1]} : vector<672x128xf32> to vector<8x128xf32>
    %add3A_2397 = arith.addf %add3A_2395, %slice3A_2396 : vector<8x128xf32>
    %slice3A_2398 = vector.extract_strided_slice %select_n3A_2238 {offsets = [640, 0], sizes = [8, 128], strides = [1, 1]} : vector<672x128xf32> to vector<8x128xf32>
    %add3A_2399 = arith.addf %add3A_2397, %slice3A_2398 : vector<8x128xf32>
    %slice3A_2400 = vector.extract_strided_slice %select_n3A_2238 {offsets = [648, 0], sizes = [8, 128], strides = [1, 1]} : vector<672x128xf32> to vector<8x128xf32>
    %add3A_2401 = arith.addf %add3A_2399, %slice3A_2400 : vector<8x128xf32>
    %slice3A_2402 = vector.extract_strided_slice %select_n3A_2238 {offsets = [656, 0], sizes = [8, 128], strides = [1, 1]} : vector<672x128xf32> to vector<8x128xf32>
    %add3A_2403 = arith.addf %add3A_2401, %slice3A_2402 : vector<8x128xf32>
    %slice3A_2404 = vector.extract_strided_slice %select_n3A_2238 {offsets = [664, 0], sizes = [8, 128], strides = [1, 1]} : vector<672x128xf32> to vector<8x128xf32>
    %add3A_2405 = arith.addf %add3A_2403, %slice3A_2404 : vector<8x128xf32>
    %add3A_2406 = arith.addf %get3A_2232, %add3A_2405 : vector<8x128xf32>
    %swap3A_2407 = arith.constant 4 : index
    %swap3A_2408 = arith.constant 0 : index
    %swap3A_2409 = arith.constant 0 : index
    %swap3A_2410 = vector.load %arg5[%swap3A_2407, %swap3A_2408, %swap3A_2409] : memref<5x8x128xf32, #tpu.memory_space<vmem>>, vector<1x8x128xf32>
    %swap3A_2411 = vector.shape_cast %swap3A_2410 : vector<1x8x128xf32> to vector<8x128xf32>
    %swap3A_2412 = vector.shape_cast %add3A_2406 : vector<8x128xf32> to vector<1x8x128xf32>
    tpu.vector_store %arg5[%swap3A_2407, %swap3A_2408, %swap3A_2409], %swap3A_2412 {strides = array<i32>} : memref<5x8x128xf32, #tpu.memory_space<vmem>>, vector<1x8x128xf32>,
    %get3A_2413 = arith.constant 4 : index
    %get3A_2414 = arith.constant 0 : index
    %get3A_2415 = arith.constant 0 : index
    %get3A_2416 = vector.load %arg6[%get3A_2413, %get3A_2414, %get3A_2415] : memref<5x8x128xf32, #tpu.memory_space<vmem>>, vector<1x8x128xf32>
    %get3A_2417 = vector.shape_cast %get3A_2416 : vector<1x8x128xf32> to vector<8x128xf32>
    %jit3A_2418 = arith.constant 0.000000e+00 : f32
    %broadcast_in_dim3A_2419 = vector.broadcast %jit3A_2418 : f32 to vector<672x128xf32>
    %select_n3A_2420 = arith.select %ge3A_31, %select_n3A, %broadcast_in_dim3A_2419 : vector<672x128xi1>, vector<672x128xf32>
    %slice3A_2421 = vector.extract_strided_slice %select_n3A_2420 {offsets = [0, 0], sizes = [8, 128], strides = [1, 1]} : vector<672x128xf32> to vector<8x128xf32>
    %slice3A_2422 = vector.extract_strided_slice %select_n3A_2420 {offsets = [8, 0], sizes = [8, 128], strides = [1, 1]} : vector<672x128xf32> to vector<8x128xf32>
    %add3A_2423 = arith.addf %slice3A_2421, %slice3A_2422 : vector<8x128xf32>
    %slice3A_2424 = vector.extract_strided_slice %select_n3A_2420 {offsets = [16, 0], sizes = [8, 128], strides = [1, 1]} : vector<672x128xf32> to vector<8x128xf32>
    %add3A_2425 = arith.addf %add3A_2423, %slice3A_2424 : vector<8x128xf32>
    %slice3A_2426 = vector.extract_strided_slice %select_n3A_2420 {offsets = [24, 0], sizes = [8, 128], strides = [1, 1]} : vector<672x128xf32> to vector<8x128xf32>
    %add3A_2427 = arith.addf %add3A_2425, %slice3A_2426 : vector<8x128xf32>
    %slice3A_2428 = vector.extract_strided_slice %select_n3A_2420 {offsets = [32, 0], sizes = [8, 128], strides = [1, 1]} : vector<672x128xf32> to vector<8x128xf32>
    %add3A_2429 = arith.addf %add3A_2427, %slice3A_2428 : vector<8x128xf32>
    %slice3A_2430 = vector.extract_strided_slice %select_n3A_2420 {offsets = [40, 0], sizes = [8, 128], strides = [1, 1]} : vector<672x128xf32> to vector<8x128xf32>
    %add3A_2431 = arith.addf %add3A_2429, %slice3A_2430 : vector<8x128xf32>
    %slice3A_2432 = vector.extract_strided_slice %select_n3A_2420 {offsets = [48, 0], sizes = [8, 128], strides = [1, 1]} : vector<672x128xf32> to vector<8x128xf32>
    %add3A_2433 = arith.addf %add3A_2431, %slice3A_2432 : vector<8x128xf32>
    %slice3A_2434 = vector.extract_strided_slice %select_n3A_2420 {offsets = [56, 0], sizes = [8, 128], strides = [1, 1]} : vector<672x128xf32> to vector<8x128xf32>
    %add3A_2435 = arith.addf %add3A_2433, %slice3A_2434 : vector<8x128xf32>
    %slice3A_2436 = vector.extract_strided_slice %select_n3A_2420 {offsets = [64, 0], sizes = [8, 128], strides = [1, 1]} : vector<672x128xf32> to vector<8x128xf32>
    %add3A_2437 = arith.addf %add3A_2435, %slice3A_2436 : vector<8x128xf32>
    %slice3A_2438 = vector.extract_strided_slice %select_n3A_2420 {offsets = [72, 0], sizes = [8, 128], strides = [1, 1]} : vector<672x128xf32> to vector<8x128xf32>
    %add3A_2439 = arith.addf %add3A_2437, %slice3A_2438 : vector<8x128xf32>
    %slice3A_2440 = vector.extract_strided_slice %select_n3A_2420 {offsets = [80, 0], sizes = [8, 128], strides = [1, 1]} : vector<672x128xf32> to vector<8x128xf32>
    %add3A_2441 = arith.addf %add3A_2439, %slice3A_2440 : vector<8x128xf32>
    %slice3A_2442 = vector.extract_strided_slice %select_n3A_2420 {offsets = [88, 0], sizes = [8, 128], strides = [1, 1]} : vector<672x128xf32> to vector<8x128xf32>
    %add3A_2443 = arith.addf %add3A_2441, %slice3A_2442 : vector<8x128xf32>
    %slice3A_2444 = vector.extract_strided_slice %select_n3A_2420 {offsets = [96, 0], sizes = [8, 128], strides = [1, 1]} : vector<672x128xf32> to vector<8x128xf32>
    %add3A_2445 = arith.addf %add3A_2443, %slice3A_2444 : vector<8x128xf32>
    %slice3A_2446 = vector.extract_strided_slice %select_n3A_2420 {offsets = [104, 0], sizes = [8, 128], strides = [1, 1]} : vector<672x128xf32> to vector<8x128xf32>
    %add3A_2447 = arith.addf %add3A_2445, %slice3A_2446 : vector<8x128xf32>
    %slice3A_2448 = vector.extract_strided_slice %select_n3A_2420 {offsets = [112, 0], sizes = [8, 128], strides = [1, 1]} : vector<672x128xf32> to vector<8x128xf32>
    %add3A_2449 = arith.addf %add3A_2447, %slice3A_2448 : vector<8x128xf32>
    %slice3A_2450 = vector.extract_strided_slice %select_n3A_2420 {offsets = [120, 0], sizes = [8, 128], strides = [1, 1]} : vector<672x128xf32> to vector<8x128xf32>
    %add3A_2451 = arith.addf %add3A_2449, %slice3A_2450 : vector<8x128xf32>
    %slice3A_2452 = vector.extract_strided_slice %select_n3A_2420 {offsets = [128, 0], sizes = [8, 128], strides = [1, 1]} : vector<672x128xf32> to vector<8x128xf32>
    %add3A_2453 = arith.addf %add3A_2451, %slice3A_2452 : vector<8x128xf32>
    %slice3A_2454 = vector.extract_strided_slice %select_n3A_2420 {offsets = [136, 0], sizes = [8, 128], strides = [1, 1]} : vector<672x128xf32> to vector<8x128xf32>
    %add3A_2455 = arith.addf %add3A_2453, %slice3A_2454 : vector<8x128xf32>
    %slice3A_2456 = vector.extract_strided_slice %select_n3A_2420 {offsets = [144, 0], sizes = [8, 128], strides = [1, 1]} : vector<672x128xf32> to vector<8x128xf32>
    %add3A_2457 = arith.addf %add3A_2455, %slice3A_2456 : vector<8x128xf32>
    %slice3A_2458 = vector.extract_strided_slice %select_n3A_2420 {offsets = [152, 0], sizes = [8, 128], strides = [1, 1]} : vector<672x128xf32> to vector<8x128xf32>
    %add3A_2459 = arith.addf %add3A_2457, %slice3A_2458 : vector<8x128xf32>
    %slice3A_2460 = vector.extract_strided_slice %select_n3A_2420 {offsets = [160, 0], sizes = [8, 128], strides = [1, 1]} : vector<672x128xf32> to vector<8x128xf32>
    %add3A_2461 = arith.addf %add3A_2459, %slice3A_2460 : vector<8x128xf32>
    %slice3A_2462 = vector.extract_strided_slice %select_n3A_2420 {offsets = [168, 0], sizes = [8, 128], strides = [1, 1]} : vector<672x128xf32> to vector<8x128xf32>
    %add3A_2463 = arith.addf %add3A_2461, %slice3A_2462 : vector<8x128xf32>
    %slice3A_2464 = vector.extract_strided_slice %select_n3A_2420 {offsets = [176, 0], sizes = [8, 128], strides = [1, 1]} : vector<672x128xf32> to vector<8x128xf32>
    %add3A_2465 = arith.addf %add3A_2463, %slice3A_2464 : vector<8x128xf32>
    %slice3A_2466 = vector.extract_strided_slice %select_n3A_2420 {offsets = [184, 0], sizes = [8, 128], strides = [1, 1]} : vector<672x128xf32> to vector<8x128xf32>
    %add3A_2467 = arith.addf %add3A_2465, %slice3A_2466 : vector<8x128xf32>
    %slice3A_2468 = vector.extract_strided_slice %select_n3A_2420 {offsets = [192, 0], sizes = [8, 128], strides = [1, 1]} : vector<672x128xf32> to vector<8x128xf32>
    %add3A_2469 = arith.addf %add3A_2467, %slice3A_2468 : vector<8x128xf32>
    %slice3A_2470 = vector.extract_strided_slice %select_n3A_2420 {offsets = [200, 0], sizes = [8, 128], strides = [1, 1]} : vector<672x128xf32> to vector<8x128xf32>
    %add3A_2471 = arith.addf %add3A_2469, %slice3A_2470 : vector<8x128xf32>
    %slice3A_2472 = vector.extract_strided_slice %select_n3A_2420 {offsets = [208, 0], sizes = [8, 128], strides = [1, 1]} : vector<672x128xf32> to vector<8x128xf32>
    %add3A_2473 = arith.addf %add3A_2471, %slice3A_2472 : vector<8x128xf32>
    %slice3A_2474 = vector.extract_strided_slice %select_n3A_2420 {offsets = [216, 0], sizes = [8, 128], strides = [1, 1]} : vector<672x128xf32> to vector<8x128xf32>
    %add3A_2475 = arith.addf %add3A_2473, %slice3A_2474 : vector<8x128xf32>
    %slice3A_2476 = vector.extract_strided_slice %select_n3A_2420 {offsets = [224, 0], sizes = [8, 128], strides = [1, 1]} : vector<672x128xf32> to vector<8x128xf32>
    %add3A_2477 = arith.addf %add3A_2475, %slice3A_2476 : vector<8x128xf32>
    %slice3A_2478 = vector.extract_strided_slice %select_n3A_2420 {offsets = [232, 0], sizes = [8, 128], strides = [1, 1]} : vector<672x128xf32> to vector<8x128xf32>
    %add3A_2479 = arith.addf %add3A_2477, %slice3A_2478 : vector<8x128xf32>
    %slice3A_2480 = vector.extract_strided_slice %select_n3A_2420 {offsets = [240, 0], sizes = [8, 128], strides = [1, 1]} : vector<672x128xf32> to vector<8x128xf32>
    %add3A_2481 = arith.addf %add3A_2479, %slice3A_2480 : vector<8x128xf32>
    %slice3A_2482 = vector.extract_strided_slice %select_n3A_2420 {offsets = [248, 0], sizes = [8, 128], strides = [1, 1]} : vector<672x128xf32> to vector<8x128xf32>
    %add3A_2483 = arith.addf %add3A_2481, %slice3A_2482 : vector<8x128xf32>
    %slice3A_2484 = vector.extract_strided_slice %select_n3A_2420 {offsets = [256, 0], sizes = [8, 128], strides = [1, 1]} : vector<672x128xf32> to vector<8x128xf32>
    %add3A_2485 = arith.addf %add3A_2483, %slice3A_2484 : vector<8x128xf32>
    %slice3A_2486 = vector.extract_strided_slice %select_n3A_2420 {offsets = [264, 0], sizes = [8, 128], strides = [1, 1]} : vector<672x128xf32> to vector<8x128xf32>
    %add3A_2487 = arith.addf %add3A_2485, %slice3A_2486 : vector<8x128xf32>
    %slice3A_2488 = vector.extract_strided_slice %select_n3A_2420 {offsets = [272, 0], sizes = [8, 128], strides = [1, 1]} : vector<672x128xf32> to vector<8x128xf32>
    %add3A_2489 = arith.addf %add3A_2487, %slice3A_2488 : vector<8x128xf32>
    %slice3A_2490 = vector.extract_strided_slice %select_n3A_2420 {offsets = [280, 0], sizes = [8, 128], strides = [1, 1]} : vector<672x128xf32> to vector<8x128xf32>
    %add3A_2491 = arith.addf %add3A_2489, %slice3A_2490 : vector<8x128xf32>
    %slice3A_2492 = vector.extract_strided_slice %select_n3A_2420 {offsets = [288, 0], sizes = [8, 128], strides = [1, 1]} : vector<672x128xf32> to vector<8x128xf32>
    %add3A_2493 = arith.addf %add3A_2491, %slice3A_2492 : vector<8x128xf32>
    %slice3A_2494 = vector.extract_strided_slice %select_n3A_2420 {offsets = [296, 0], sizes = [8, 128], strides = [1, 1]} : vector<672x128xf32> to vector<8x128xf32>
    %add3A_2495 = arith.addf %add3A_2493, %slice3A_2494 : vector<8x128xf32>
    %slice3A_2496 = vector.extract_strided_slice %select_n3A_2420 {offsets = [304, 0], sizes = [8, 128], strides = [1, 1]} : vector<672x128xf32> to vector<8x128xf32>
    %add3A_2497 = arith.addf %add3A_2495, %slice3A_2496 : vector<8x128xf32>
    %slice3A_2498 = vector.extract_strided_slice %select_n3A_2420 {offsets = [312, 0], sizes = [8, 128], strides = [1, 1]} : vector<672x128xf32> to vector<8x128xf32>
    %add3A_2499 = arith.addf %add3A_2497, %slice3A_2498 : vector<8x128xf32>
    %slice3A_2500 = vector.extract_strided_slice %select_n3A_2420 {offsets = [320, 0], sizes = [8, 128], strides = [1, 1]} : vector<672x128xf32> to vector<8x128xf32>
    %add3A_2501 = arith.addf %add3A_2499, %slice3A_2500 : vector<8x128xf32>
    %slice3A_2502 = vector.extract_strided_slice %select_n3A_2420 {offsets = [328, 0], sizes = [8, 128], strides = [1, 1]} : vector<672x128xf32> to vector<8x128xf32>
    %add3A_2503 = arith.addf %add3A_2501, %slice3A_2502 : vector<8x128xf32>
    %slice3A_2504 = vector.extract_strided_slice %select_n3A_2420 {offsets = [336, 0], sizes = [8, 128], strides = [1, 1]} : vector<672x128xf32> to vector<8x128xf32>
    %add3A_2505 = arith.addf %add3A_2503, %slice3A_2504 : vector<8x128xf32>
    %slice3A_2506 = vector.extract_strided_slice %select_n3A_2420 {offsets = [344, 0], sizes = [8, 128], strides = [1, 1]} : vector<672x128xf32> to vector<8x128xf32>
    %add3A_2507 = arith.addf %add3A_2505, %slice3A_2506 : vector<8x128xf32>
    %slice3A_2508 = vector.extract_strided_slice %select_n3A_2420 {offsets = [352, 0], sizes = [8, 128], strides = [1, 1]} : vector<672x128xf32> to vector<8x128xf32>
    %add3A_2509 = arith.addf %add3A_2507, %slice3A_2508 : vector<8x128xf32>
    %slice3A_2510 = vector.extract_strided_slice %select_n3A_2420 {offsets = [360, 0], sizes = [8, 128], strides = [1, 1]} : vector<672x128xf32> to vector<8x128xf32>
    %add3A_2511 = arith.addf %add3A_2509, %slice3A_2510 : vector<8x128xf32>
    %slice3A_2512 = vector.extract_strided_slice %select_n3A_2420 {offsets = [368, 0], sizes = [8, 128], strides = [1, 1]} : vector<672x128xf32> to vector<8x128xf32>
    %add3A_2513 = arith.addf %add3A_2511, %slice3A_2512 : vector<8x128xf32>
    %slice3A_2514 = vector.extract_strided_slice %select_n3A_2420 {offsets = [376, 0], sizes = [8, 128], strides = [1, 1]} : vector<672x128xf32> to vector<8x128xf32>
    %add3A_2515 = arith.addf %add3A_2513, %slice3A_2514 : vector<8x128xf32>
    %slice3A_2516 = vector.extract_strided_slice %select_n3A_2420 {offsets = [384, 0], sizes = [8, 128], strides = [1, 1]} : vector<672x128xf32> to vector<8x128xf32>
    %add3A_2517 = arith.addf %add3A_2515, %slice3A_2516 : vector<8x128xf32>
    %slice3A_2518 = vector.extract_strided_slice %select_n3A_2420 {offsets = [392, 0], sizes = [8, 128], strides = [1, 1]} : vector<672x128xf32> to vector<8x128xf32>
    %add3A_2519 = arith.addf %add3A_2517, %slice3A_2518 : vector<8x128xf32>
    %slice3A_2520 = vector.extract_strided_slice %select_n3A_2420 {offsets = [400, 0], sizes = [8, 128], strides = [1, 1]} : vector<672x128xf32> to vector<8x128xf32>
    %add3A_2521 = arith.addf %add3A_2519, %slice3A_2520 : vector<8x128xf32>
    %slice3A_2522 = vector.extract_strided_slice %select_n3A_2420 {offsets = [408, 0], sizes = [8, 128], strides = [1, 1]} : vector<672x128xf32> to vector<8x128xf32>
    %add3A_2523 = arith.addf %add3A_2521, %slice3A_2522 : vector<8x128xf32>
    %slice3A_2524 = vector.extract_strided_slice %select_n3A_2420 {offsets = [416, 0], sizes = [8, 128], strides = [1, 1]} : vector<672x128xf32> to vector<8x128xf32>
    %add3A_2525 = arith.addf %add3A_2523, %slice3A_2524 : vector<8x128xf32>
    %slice3A_2526 = vector.extract_strided_slice %select_n3A_2420 {offsets = [424, 0], sizes = [8, 128], strides = [1, 1]} : vector<672x128xf32> to vector<8x128xf32>
    %add3A_2527 = arith.addf %add3A_2525, %slice3A_2526 : vector<8x128xf32>
    %slice3A_2528 = vector.extract_strided_slice %select_n3A_2420 {offsets = [432, 0], sizes = [8, 128], strides = [1, 1]} : vector<672x128xf32> to vector<8x128xf32>
    %add3A_2529 = arith.addf %add3A_2527, %slice3A_2528 : vector<8x128xf32>
    %slice3A_2530 = vector.extract_strided_slice %select_n3A_2420 {offsets = [440, 0], sizes = [8, 128], strides = [1, 1]} : vector<672x128xf32> to vector<8x128xf32>
    %add3A_2531 = arith.addf %add3A_2529, %slice3A_2530 : vector<8x128xf32>
    %slice3A_2532 = vector.extract_strided_slice %select_n3A_2420 {offsets = [448, 0], sizes = [8, 128], strides = [1, 1]} : vector<672x128xf32> to vector<8x128xf32>
    %add3A_2533 = arith.addf %add3A_2531, %slice3A_2532 : vector<8x128xf32>
    %slice3A_2534 = vector.extract_strided_slice %select_n3A_2420 {offsets = [456, 0], sizes = [8, 128], strides = [1, 1]} : vector<672x128xf32> to vector<8x128xf32>
    %add3A_2535 = arith.addf %add3A_2533, %slice3A_2534 : vector<8x128xf32>
    %slice3A_2536 = vector.extract_strided_slice %select_n3A_2420 {offsets = [464, 0], sizes = [8, 128], strides = [1, 1]} : vector<672x128xf32> to vector<8x128xf32>
    %add3A_2537 = arith.addf %add3A_2535, %slice3A_2536 : vector<8x128xf32>
    %slice3A_2538 = vector.extract_strided_slice %select_n3A_2420 {offsets = [472, 0], sizes = [8, 128], strides = [1, 1]} : vector<672x128xf32> to vector<8x128xf32>
    %add3A_2539 = arith.addf %add3A_2537, %slice3A_2538 : vector<8x128xf32>
    %slice3A_2540 = vector.extract_strided_slice %select_n3A_2420 {offsets = [480, 0], sizes = [8, 128], strides = [1, 1]} : vector<672x128xf32> to vector<8x128xf32>
    %add3A_2541 = arith.addf %add3A_2539, %slice3A_2540 : vector<8x128xf32>
    %slice3A_2542 = vector.extract_strided_slice %select_n3A_2420 {offsets = [488, 0], sizes = [8, 128], strides = [1, 1]} : vector<672x128xf32> to vector<8x128xf32>
    %add3A_2543 = arith.addf %add3A_2541, %slice3A_2542 : vector<8x128xf32>
    %slice3A_2544 = vector.extract_strided_slice %select_n3A_2420 {offsets = [496, 0], sizes = [8, 128], strides = [1, 1]} : vector<672x128xf32> to vector<8x128xf32>
    %add3A_2545 = arith.addf %add3A_2543, %slice3A_2544 : vector<8x128xf32>
    %slice3A_2546 = vector.extract_strided_slice %select_n3A_2420 {offsets = [504, 0], sizes = [8, 128], strides = [1, 1]} : vector<672x128xf32> to vector<8x128xf32>
    %add3A_2547 = arith.addf %add3A_2545, %slice3A_2546 : vector<8x128xf32>
    %slice3A_2548 = vector.extract_strided_slice %select_n3A_2420 {offsets = [512, 0], sizes = [8, 128], strides = [1, 1]} : vector<672x128xf32> to vector<8x128xf32>
    %add3A_2549 = arith.addf %add3A_2547, %slice3A_2548 : vector<8x128xf32>
    %slice3A_2550 = vector.extract_strided_slice %select_n3A_2420 {offsets = [520, 0], sizes = [8, 128], strides = [1, 1]} : vector<672x128xf32> to vector<8x128xf32>
    %add3A_2551 = arith.addf %add3A_2549, %slice3A_2550 : vector<8x128xf32>
    %slice3A_2552 = vector.extract_strided_slice %select_n3A_2420 {offsets = [528, 0], sizes = [8, 128], strides = [1, 1]} : vector<672x128xf32> to vector<8x128xf32>
    %add3A_2553 = arith.addf %add3A_2551, %slice3A_2552 : vector<8x128xf32>
    %slice3A_2554 = vector.extract_strided_slice %select_n3A_2420 {offsets = [536, 0], sizes = [8, 128], strides = [1, 1]} : vector<672x128xf32> to vector<8x128xf32>
    %add3A_2555 = arith.addf %add3A_2553, %slice3A_2554 : vector<8x128xf32>
    %slice3A_2556 = vector.extract_strided_slice %select_n3A_2420 {offsets = [544, 0], sizes = [8, 128], strides = [1, 1]} : vector<672x128xf32> to vector<8x128xf32>
    %add3A_2557 = arith.addf %add3A_2555, %slice3A_2556 : vector<8x128xf32>
    %slice3A_2558 = vector.extract_strided_slice %select_n3A_2420 {offsets = [552, 0], sizes = [8, 128], strides = [1, 1]} : vector<672x128xf32> to vector<8x128xf32>
    %add3A_2559 = arith.addf %add3A_2557, %slice3A_2558 : vector<8x128xf32>
    %slice3A_2560 = vector.extract_strided_slice %select_n3A_2420 {offsets = [560, 0], sizes = [8, 128], strides = [1, 1]} : vector<672x128xf32> to vector<8x128xf32>
    %add3A_2561 = arith.addf %add3A_2559, %slice3A_2560 : vector<8x128xf32>
    %slice3A_2562 = vector.extract_strided_slice %select_n3A_2420 {offsets = [568, 0], sizes = [8, 128], strides = [1, 1]} : vector<672x128xf32> to vector<8x128xf32>
    %add3A_2563 = arith.addf %add3A_2561, %slice3A_2562 : vector<8x128xf32>
    %slice3A_2564 = vector.extract_strided_slice %select_n3A_2420 {offsets = [576, 0], sizes = [8, 128], strides = [1, 1]} : vector<672x128xf32> to vector<8x128xf32>
    %add3A_2565 = arith.addf %add3A_2563, %slice3A_2564 : vector<8x128xf32>
    %slice3A_2566 = vector.extract_strided_slice %select_n3A_2420 {offsets = [584, 0], sizes = [8, 128], strides = [1, 1]} : vector<672x128xf32> to vector<8x128xf32>
    %add3A_2567 = arith.addf %add3A_2565, %slice3A_2566 : vector<8x128xf32>
    %slice3A_2568 = vector.extract_strided_slice %select_n3A_2420 {offsets = [592, 0], sizes = [8, 128], strides = [1, 1]} : vector<672x128xf32> to vector<8x128xf32>
    %add3A_2569 = arith.addf %add3A_2567, %slice3A_2568 : vector<8x128xf32>
    %slice3A_2570 = vector.extract_strided_slice %select_n3A_2420 {offsets = [600, 0], sizes = [8, 128], strides = [1, 1]} : vector<672x128xf32> to vector<8x128xf32>
    %add3A_2571 = arith.addf %add3A_2569, %slice3A_2570 : vector<8x128xf32>
    %slice3A_2572 = vector.extract_strided_slice %select_n3A_2420 {offsets = [608, 0], sizes = [8, 128], strides = [1, 1]} : vector<672x128xf32> to vector<8x128xf32>
    %add3A_2573 = arith.addf %add3A_2571, %slice3A_2572 : vector<8x128xf32>
    %slice3A_2574 = vector.extract_strided_slice %select_n3A_2420 {offsets = [616, 0], sizes = [8, 128], strides = [1, 1]} : vector<672x128xf32> to vector<8x128xf32>
    %add3A_2575 = arith.addf %add3A_2573, %slice3A_2574 : vector<8x128xf32>
    %slice3A_2576 = vector.extract_strided_slice %select_n3A_2420 {offsets = [624, 0], sizes = [8, 128], strides = [1, 1]} : vector<672x128xf32> to vector<8x128xf32>
    %add3A_2577 = arith.addf %add3A_2575, %slice3A_2576 : vector<8x128xf32>
    %slice3A_2578 = vector.extract_strided_slice %select_n3A_2420 {offsets = [632, 0], sizes = [8, 128], strides = [1, 1]} : vector<672x128xf32> to vector<8x128xf32>
    %add3A_2579 = arith.addf %add3A_2577, %slice3A_2578 : vector<8x128xf32>
    %slice3A_2580 = vector.extract_strided_slice %select_n3A_2420 {offsets = [640, 0], sizes = [8, 128], strides = [1, 1]} : vector<672x128xf32> to vector<8x128xf32>
    %add3A_2581 = arith.addf %add3A_2579, %slice3A_2580 : vector<8x128xf32>
    %slice3A_2582 = vector.extract_strided_slice %select_n3A_2420 {offsets = [648, 0], sizes = [8, 128], strides = [1, 1]} : vector<672x128xf32> to vector<8x128xf32>
    %add3A_2583 = arith.addf %add3A_2581, %slice3A_2582 : vector<8x128xf32>
    %slice3A_2584 = vector.extract_strided_slice %select_n3A_2420 {offsets = [656, 0], sizes = [8, 128], strides = [1, 1]} : vector<672x128xf32> to vector<8x128xf32>
    %add3A_2585 = arith.addf %add3A_2583, %slice3A_2584 : vector<8x128xf32>
    %slice3A_2586 = vector.extract_strided_slice %select_n3A_2420 {offsets = [664, 0], sizes = [8, 128], strides = [1, 1]} : vector<672x128xf32> to vector<8x128xf32>
    %add3A_2587 = arith.addf %add3A_2585, %slice3A_2586 : vector<8x128xf32>
    %add3A_2588 = arith.addf %get3A_2417, %add3A_2587 : vector<8x128xf32>
    %swap3A_2589 = arith.constant 4 : index
    %swap3A_2590 = arith.constant 0 : index
    %swap3A_2591 = arith.constant 0 : index
    %swap3A_2592 = vector.load %arg6[%swap3A_2589, %swap3A_2590, %swap3A_2591] : memref<5x8x128xf32, #tpu.memory_space<vmem>>, vector<1x8x128xf32>
    %swap3A_2593 = vector.shape_cast %swap3A_2592 : vector<1x8x128xf32> to vector<8x128xf32>
    %swap3A_2594 = vector.shape_cast %add3A_2588 : vector<8x128xf32> to vector<1x8x128xf32>
    tpu.vector_store %arg6[%swap3A_2589, %swap3A_2590, %swap3A_2591], %swap3A_2594 {strides = array<i32>} : memref<5x8x128xf32, #tpu.memory_space<vmem>>, vector<1x8x128xf32>,
    return
  }
  func.func @transform_0(%arg0: i32) -> (i32, i32) {
    %c0_i32 = arith.constant 0 : i32
    %c0_i32_0 = arith.constant 0 : i32
    return %arg0, %c0_i32 : i32, i32
  }
  func.func @transform_1(%arg0: i32) -> (i32, i32) {
    %c0_i32 = arith.constant 0 : i32
    %c0_i32_0 = arith.constant 0 : i32
    return %arg0, %c0_i32 : i32, i32
  }
  func.func @transform_2(%arg0: i32) -> (i32, i32) {
    %c0_i32 = arith.constant 0 : i32
    %c0_i32_0 = arith.constant 0 : i32
    return %arg0, %c0_i32 : i32, i32
  }
  func.func @transform_3(%arg0: i32) -> (i32, i32, i32) {
    %c0_i32 = arith.constant 0 : i32
    %c0_i32_0 = arith.constant 0 : i32
    %c0_i32_1 = arith.constant 0 : i32
    %c0_i32_2 = arith.constant 0 : i32
    return %c0_i32, %c0_i32_0, %c0_i32_1 : i32, i32, i32
  }
  func.func @transform_4(%arg0: i32) -> (i32, i32, i32) {
    %c0_i32 = arith.constant 0 : i32
    %c0_i32_0 = arith.constant 0 : i32
    %c0_i32_1 = arith.constant 0 : i32
    %c0_i32_2 = arith.constant 0 : i32
    return %c0_i32, %c0_i32_0, %c0_i32_1 : i32, i32, i32
  }
  func.func @transform_5(%arg0: i32) -> (i32, i32, i32) {
    %c0_i32 = arith.constant 0 : i32
    %c0_i32_0 = arith.constant 0 : i32
    %c0_i32_1 = arith.constant 0 : i32
    %c0_i32_2 = arith.constant 0 : i32
    return %c0_i32, %c0_i32_0, %c0_i32_1 : i32, i32, i32
  }
}

</mosaic_0001>

<sc_bundles>
// kernel: kernel.4.cloned.1.call-start
scs
__scs_entry_jumppad:
0x0: {  	(pc) =	sbr.rel $0x88, $3  }
0x1: {  	(tag) =	ssettag $0x0;
	lr =	simm.s32 $0x1  }
0x2: {  	[smem:$0x3F9E] =	sst lr;
	_ =	strace $0xD0000000  }
0x3: {  	_ = 	snop  }
0x4: {  	_ = 	snop  }
0x5: {  	_ = 	snop  }
0x6: {  	_ = 	snop  }
0x7: {  	_ = 	snop  }
__scs_overlays_trampoline_lowered:
0x8: {  	[smem:$0x3FAD] =	sst s0  }
0x9: {  	[smem:$0x3FAE] =	sst s1  }
0xa: {  	[smem:$0x3FAF] =	sst s2  }
0xb: {  	[smem:$0x3FB0] =	sst s3  }
0xc: {  	[smem:$0x3FB1] =	sst s4  }
0xd: {  	[smem:$0x3FB2] =	sst s5  }
0xe: {  	[smem:$0x3FB3] =	sst s6  }
0xf: {  	[smem:$0x3FB4] =	sst s7  }
0x10: {  	[smem:$0x3FB5] =	sst s8  }
0x11: {  	[smem:$0x3FB6] =	sst s9;
	s0 =	simm.s32 @!p0 $0x0  }
0x12: {  	s1 =	sld [smem:$0x3F9C];
	s0 =	simm.s32 @p0 $0x1  }
0x13: {  	[smem:$0x3FB7] =	sst s0;
	s0 =	simm.s32 @!p1 $0x0  }
0x14: {  	s2 =	sld [smem:$0x3F9B];
	s0 =	simm.s32 @p1 $0x1  }
0x15: {  	[smem:$0x3FB8] =	sst s0;
	s0 =	simm.s32 @!p2 $0x0  }
0x16: {  	s3 =	sld [smem:$0x3FDB];
	s0 =	simm.s32 @p2 $0x1  }
0x17: {  	s4 =	simm.s32 $0x1BF5;
	[smem:$0x3FBA] =	sst s0  }
0x18: {  	s0 =	sld [smem:$0x3F9D];
	_ =	swait.ge [sflag:s4], $0x0  }
0x19: {  	s7 =	sld [smem:$0x3F9E]  }
0x1a: {  	s8 =	sadd.s32 $0xFFFFE003, lr  }
0x1b: {  	s9 =	sadd.s32 $0xFFFFFEF7, lr;
	s5 =	simm.s32 $0xFFFFFFFF;
	p2 =	slt.u32 s8, $0xFFFFF086  }
0x1c: {  	p1 =	slt.u32 s9, $0xF7A;
	s5 =	simm.s32 @!p2 $0x0  }
0x1d: {  	s5 =	simm.s32 @p1 $0x1;
	p0 =	seq.s32 s7, s2  }
0x1e: {  	s7 =	smul.u32 @!p0 $0xF7A, s2;
	p2 =	seq.s32 @!p0 s5, $0x0  }
0x1f: {  	s9 =	smul.u32 $0xF7A, s1;
	s8 =	simm.s32 @!p0 $0x1BF5;
	p2 =	por !p2, p0  }
0x20: {  	[sflag:s8] =	ssyncset.s32 @!p0 $0xFFFFF086;
	s6 =	sadd.s32 @!p0 s3, s7;
	s7 =	simm.s32 @!p0 $0x108  }
0x21: {  	s3 =	sadd.s32 s3, s9;
	s6 =	sadd.s32 @!p0 $0x88, s6;
	s7 =	simm.s32 @p2 $0x1082  }
0x22: {  	[simem:s7], [sflag:s8] =	dma.local @!p0 [hbm:s6], $0xF7A  }
0x23: {  	s9 =	sor.u32 $0xD0000000, s2;
	s6 =	simm.s32 $0x108;
	_ =	swait.ge @!p0 [sflag:s8], $0x0  }
0x24: {  	s3 =	sadd.s32 $0x88, s3;
	s6 =	simm.s32 @!p1 $0x1082;
	[sflag:s4] =	ssyncset.s32 $0xFFFFF086  }
0x25: {  	[simem:s6], [sflag:s4] =	dma.local [hbm:s3], $0xF7A  }
0x26: {  	[smem:$0x3F9E] =	sst s1;
	(tag) =	ssettag s2;
	_ =	strace s9  }
0x27: {  	s1 =	sld [smem:$0x3FAE]  }
0x28: {  	s2 =	sld [smem:$0x3FAF]  }
0x29: {  	s4 =	sld [smem:$0x3FB1]  }
0x2a: {  	p0 =	seq.s32 s5, $0x0;
	s5 =	sld [smem:$0x3FB2]  }
0x2b: {  	s6 =	sld [smem:$0x3FB3]  }
0x2c: {  	s7 =	sld [smem:$0x3FB4]  }
0x2d: {  	s3 =	simm.s32 $0x108;
	s8 =	sld [smem:$0x3FB5]  }
0x2e: {  	s3 =	simm.s32 @!p0 $0x1082;
	s9 =	sld [smem:$0x3FB6]  }
0x2f: {  	lr =	sadd.s32 s0, s3;
	s0 =	sld [smem:$0x3FAD]  }
0x30: {  	s3 =	sld [smem:$0x3FB0]  }
0x31: {  	[smem:$0x3FB9] =	sst s10  }
0x32: {  	s10 =	sld [smem:$0x3FB7];
	_ =	sdelay $0x3  }
0x33: {  	p0 =	seq.s32 s10, $0x1;
	s10 =	sld [smem:$0x3FB9];
	_ =	sdelay $0x3  }
0x34: {  	[smem:$0x3FB9] =	sst s10  }
0x35: {  	s10 =	sld [smem:$0x3FB8];
	_ =	sdelay $0x3  }
0x36: {  	p1 =	seq.s32 s10, $0x1;
	s10 =	sld [smem:$0x3FB9];
	_ =	sdelay $0x3  }
0x37: {  	[smem:$0x3FB9] =	sst s10  }
0x38: {  	s10 =	sld [smem:$0x3FBA]  }
0x39: {  	_ = 	snop;
	(pc) =	sbr.ind lr, $3  }
0x3a: {  	_ = 	snop  }
0x3b: {  	_ = 	snop  }
0x3c: {  	p2 =	seq.s32 s10, $0x1;
	s10 =	sld [smem:$0x3FB9]  }
0x3d: {  	_ =	shalt  }
0x3e: {  	_ =	shalt  }
0x3f: {  	_ =	shalt  }
0x40: {  	_ =	shalt  }
0x41: {  	_ =	shalt  }
0x42: {  	_ =	shalt  }
0x43: {  	_ =	shalt  }
0x44: {  	_ =	shalt  }
0x45: {  	_ =	shalt  }
0x46: {  	_ =	shalt  }
0x47: {  	_ =	shalt  }
0x48: {  	_ =	shalt  }
0x49: {  	_ =	shalt  }
0x4a: {  	_ =	shalt  }
0x4b: {  	_ =	shalt  }
0x4c: {  	_ =	shalt  }
0x4d: {  	_ =	shalt  }
0x4e: {  	_ =	shalt  }
0x4f: {  	_ =	shalt  }
0x50: {  	_ =	shalt  }
0x51: {  	_ =	shalt  }
0x52: {  	_ =	shalt  }
0x53: {  	_ =	shalt  }
0x54: {  	_ =	shalt  }
0x55: {  	_ =	shalt  }
0x56: {  	_ =	shalt  }
0x57: {  	_ =	shalt  }
0x58: {  	_ =	shalt  }
0x59: {  	_ =	shalt  }
0x5a: {  	_ =	shalt  }
0x5b: {  	_ =	shalt  }
0x5c: {  	_ =	shalt  }
0x5d: {  	_ =	shalt  }
0x5e: {  	_ =	shalt  }
0x5f: {  	_ =	shalt  }
0x60: {  	_ =	shalt  }
0x61: {  	_ =	shalt  }
0x62: {  	_ =	shalt  }
0x63: {  	_ =	shalt  }
0x64: {  	_ =	shalt  }
0x65: {  	_ =	shalt  }
0x66: {  	_ =	shalt  }
0x67: {  	_ =	shalt  }
0x68: {  	_ =	shalt  }
0x69: {  	_ =	shalt  }
0x6a: {  	_ =	shalt  }
0x6b: {  	_ =	shalt  }
0x6c: {  	_ =	shalt  }
0x6d: {  	_ =	shalt  }
0x6e: {  	_ =	shalt  }
0x6f: {  	_ =	shalt  }
0x70: {  	_ =	shalt  }
0x71: {  	_ =	shalt  }
0x72: {  	_ =	shalt  }
0x73: {  	_ =	shalt  }
0x74: {  	_ =	shalt  }
0x75: {  	_ =	shalt  }
0x76: {  	_ =	shalt  }
0x77: {  	_ =	shalt  }
0x78: {  	_ =	shalt  }
0x79: {  	_ =	shalt  }
0x7a: {  	_ =	shalt  }
0x7b: {  	_ =	shalt  }
0x7c: {  	_ =	shalt  }
0x7d: {  	_ =	shalt  }
0x7e: {  	_ =	shalt  }
0x7f: {  	_ =	shalt  }
0x80: {  	_ =	shalt  }
0x81: {  	_ =	shalt  }
0x82: {  	_ =	shalt  }
0x83: {  	_ =	shalt  }
0x84: {  	_ =	shalt  }
0x85: {  	_ =	shalt  }
0x86: {  	_ =	shalt  }
0x87: {  	_ =	shalt  }
.Lfunc_end0:
.L_simem_size_0:
called_computation_lowered:
.L_overlay_start_0:
0x88: {  	s2 =	sld [smem:$0x3FD9]  }
0x89: {  	s3 =	sld [smem:$0x3FFE];
	_ =	sdelay $0x1  }
0x8a: {  	s1 =	srdreg.scid  }
0x8b: {  	s0 =	sand.u32 $0x1, s1  }
0x8c: {  	s17 =	sshll.u32 s0, $0xA;
	s2 =	sadd.s32 s3, s2  }
0x8d: {  	s2 =	sadd.s32 s2, s17  }
0x8e: {  	[smem:$0x3FC5] =	sst s2  }
0x8f: {  	_ = 	snop  }
0x90: {  	s2 =	sld [smem:$0x3FC9]  }
0x91: {  	s18 =	sld [smem:$0x3FC8]  }
0x92: {  	s4 =	sld [smem:$0x3FC7];
	(tm) =	ssettm $0x1  }
0x93: {  	s5 =	sld [smem:$0x3FFB];
	_ =	sdelay $0x3  }
0x94: {  	_ =	strace s5  }
0x95: {  	s5 =	sld [smem:$0x3FFC];
	_ =	sdelay $0x3  }
0x96: {  	_ =	strace s5  }
0x97: {  	s5 =	sld [smem:$0x3FFD];
	_ =	sdelay $0x3  }
0x98: {  	_ =	strace s5  }
0x99: {  	_ =	strace $0x8FFFFFFF  }
0x9a: {  	s19 =	sld [smem:$0x3FDB];
	_ =	sdelay $0x1  }
0x9b: {  	s6 =	simm.s32 $_scs_section_size  }
0x9c: {  	s7 =	simm.s32 $_size__tile_overlayer_lowered;
	s8 =	simm.s32 $_tile_overlayer_lowered  }
0x9d: {  	s22 =	simm.s32 $0x1BFF;
	s21 =	sshll.u32 s8, $0x1;
	s5 =	sadd.s32 s6, s19  }
0x9e: {  	s9 =	simm.s32 $0x0;
	s20 =	sshll.u32 s7, $0x1;
	s7 =	sadd.s32 s21, s5  }
0x9f: {  	[timem:s9], [sflag:s22] =	dma.local [hbm:s7], s20  }
0xa0: {  	_ =	swait.ge [sflag:s22], s20  }
0xa1: {  	s6 =	ssub.s32 $0x0, s20;
	[sflag:s22] =	ssyncset.done $0x0  }
0xa2: {  	[sflag:s22] =	ssyncadd.s32 s6;
	_ =	sdelay $0x1  }
0xa3: {  	s23 =	simm.s32 $0x1B8B  }
0xa4: {  	_ =	swait.ge [sflag:s23], $0x1  }
0xa5: {  	[sflag:s23] =	ssyncset.done $0x0  }
0xa6: {  	s25 =	simm.s32 $0x1B8E;
	s24 =	sld [smem:$0x3FFE];
	[sflag:s23] =	ssyncadd.s32 $0xFFFFFFFF  }
0xa7: {  	s26 =	simm.s32 $execute0_lowered;
	[smem:$0x3FD2] =	sst s25  }
0xa8: {  	s7 =	sshll.u32 s26, $0x1;
	_ =	strace $0x80000046;
	[dreg:$0x1] =	wrdreg $0xFFFFFFFF  }
0xa9: {  	s28 =	simm.s32 $_size_execute0_lowered;
	s5 =	sadd.s32 s5, s7;
	[dreg:$0x0] =	wrdreg $0x0  }
0xaa: {  	s7 =	sshll.u32 s28, $0x1;
	[dreg:$0x2] =	wrdreg s5  }
0xab: {  	[dreg:$0x3] =	wrdreg s7  }
0xac: {  	[dreg:$0x4] =	wrdreg $0xC0  }
0xad: {  	_ =	task [dreg:s9], $0x5FFFF  }
0xae: {  	[dreg:$0x1] =	wrdreg $0xFFFFFFFF  }
0xaf: {  	[dreg:$0x0] =	wrdreg $0x60  }
0xb0: {  	[dreg:$0x2] =	wrdreg s2  }
0xb1: {  	[dreg:$0x3] =	wrdreg s18  }
0xb2: {  	[dreg:$0x4] =	wrdreg s4  }
0xb3: {  	[dreg:$0x5] =	wrdreg s24  }
0xb4: {  	[dreg:$0x6] =	wrdreg $0x9  }
0xb5: {  	_ =	task.clear_ibuf [dreg:s9], $0x7FFFF;
	_ =	strace $0x90000046  }
0xb6: {  	s29 =	simm.s32 $0x9;
	_ =	strace $0x80000048  }
0xb7: {  	_ =	swait.ge [sflag:s29], $0x1  }
0xb8: {  	[sflag:s29] =	ssyncadd.s32 $0xFFFFFFFF  }
0xb9: {  	_ =	strace $0x90000048  }
0xba: {  	_ =	sfence  }
0xbb: {  	s30 =	sld [smem:$0x0];
	_ =	sdelay $0x2  }
0xbc: {  	s31 =	sshll.u32 s1, $0xD;
	s1 =	sshrl.u32 s1, $0x2  }
0xbd: {  	s3 =	sand.u32 $0x4000, s31;
	s1 =	sadd.s32 s1, s30  }
0xbe: {  	s0 =	sor.u32 s3, s0;
	s1 =	sshll.u32 s1, $0x11  }
0xbf: {  	s0 =	sor.u32 s1, s0  }
0xc0: {  	s0 =	sadd.s32 $0x8F2B, s0  }
0xc1: {  	[sflag:s0] =	ssyncadd.remote.s32 $0x1  }
0xc2: {  	_ =	sfence.sel $0xFFFF  }
0xc3: {  	[dreg:$0x0] =	wrdreg $0xFFFFFFFF;
	(pc) =	sbr.abs _section_cstart, $3  }
0xc4: {  	[dreg:$0x1] =	wrdreg $0xFFFFFFFF  }
0xc5: {  	_ =	task.clear_ibuf [dreg:s9], $0x2FFFF;
	_ =	strace $0x9FFFFFFF  }
0xc6: {  	(tm) =	ssettm $0x7FFFFFFF  }
0xc7: {  	_ =	shalt  }
tec
execute0_lowered:
.L_overlay_start_1:
0x0: {  	(tag) =	ssettag $0x1  }
0x1: {  	s0 =	rddreg [dreg:$0x0]  }
0x2: {  	s3 =	rddreg [dreg:$0x1]  }
0x3: {  	s1 =	srdreg.scid;
	s4 =	rddreg [dreg:$0x2]  }
0x4: {  	s10 =	stileid.u32;
	s6 =	rddreg [dreg:$0x3]  }
0x5: {  	s28 =	simm.s32 $0x17800;
	s29 =	simm.s32 $0x17700;
	s30 =	simm.s32 $0x2  }
0x6: {  	s31 =	simm.s32 $0x80;
	s1 =	sand.u32 $0x1, s1;
	s2 =	sshll.u32 s10, $0x1  }
0x7: {  	s25 =	sshll.u32 s10, $0x6;
	s5 =	sor.u32 s1, s2;
	s2 =	simm.s32 $0x0  }
0x8: {  	s1 =	ssub.s32 $0x2, s1;
	s7 =	smul.u32 $0x10148, s5;
	[smem:$0x7FF] =	sst s2  }
0x9: {  	s8 =	sshrl.u32 s1, $0x1;
	s5 =	sshll.u32 s5, $0x4;
	_ =	strace $0x80000047  }
0xa: {  	s1 =	ssub.s32 s1, s8;
	s5 =	sand.u32 $0x70, s5;
	s7 =	sshrl.u32 s7, $0x3  }
0xb: {  	s9 =	sadd.s32 $0x39C00, s7;
	s19 =	sadd.s32 $0x3A3D0, s7;
	s22 =	sadd.s32 $0x3ABA0, s7  }
0xc: {  	s24 =	sadd.s32 $0x3B370, s7;
	s7 =	sadd.s32 $0x3BB40, s7;
	s16 =	sadd.s32 s0, s9  }
0xd: {  	s17 =	sadd.s32 s3, s9;
	s18 =	sadd.s32 s4, s9;
	[dreg:$0x5] =	wrdreg s16  }
0xe: {  	s20 =	sadd.s32 s0, s19;
	s21 =	sadd.s32 s3, s19;
	[dreg:$0x6] =	wrdreg s17  }
0xf: {  	s8 =	sadd.s32 s4, s19;
	s23 =	sadd.s32 s0, s22;
	[dreg:$0x7] =	wrdreg s18  }
0x10: {  	s11 =	sadd.s32 s3, s22;
	s12 =	sadd.s32 s0, s24;
	[dreg:$0x8] =	wrdreg s20  }
0x11: {  	s13 =	sadd.s32 s3, s24;
	s9 =	sand.u32 $0x300, s25;
	[dreg:$0x9] =	wrdreg s21  }
0x12: {  	s14 =	sadd.s32 s4, s24;
	s15 =	sadd.s32 s0, s7;
	[dreg:$0xa] =	wrdreg s8  }
0x13: {  	s24 =	simm.s32 $0xBB80;
	s25 =	simm.s32 $0x13880;
	[dreg:$0xb] =	wrdreg s23  }
0x14: {  	s0 =	simm.s32 $0x3;
	[dreg:$0xc] =	wrdreg s11;
	s11 =	sadd.s32 s4, s22  }
0x15: {  	s26 =	sor.u32 s9, s5;
	s16 =	sadd.s32 s3, s7;
	s17 =	sadd.s32 s4, s7  }
0x16: {  	s20 =	smax.u32 s1, $0x1;
	s21 =	simm.s32 $0x7D00;
	s22 =	simm.s32 $0xFA00  }
0x17: {  	v0 =	vimm.f32 $0.0e+00;
	v1 =	vimm.s32 $0x0;
	v3 =	vlaneseq.u32;
	s8 =	simm.s32 $0x3E80;
	s1 =	simm.s32 $0x400;
	s18 =	sadd.s32 s6, s26  }
0x18: {  	v4 =	vimm.f32 $1.000000000e+00;
	v2 =	vor.u32 $0x50, v3;
	v3 =	vor.u32 $0x40, v3;
	s3 =	simm.s32 $0x0;
	s26 =	simm.s32 $0x1;
	s19 =	sadd.s32 $0x400, s18  }
.LBB2_1:
0x19: {  	[tilespmem:$0x17700] =	vst v0  }
0x1a: {  	[tilespmem:$0x17800] =	vst v0  }
0x1b: {  	[tilespmem:$0x17710] =	vst v0  }
0x1c: {  	[tilespmem:$0x17810] =	vst v0  }
0x1d: {  	[tilespmem:$0x17720] =	vst v0  }
0x1e: {  	[tilespmem:$0x17820] =	vst v0  }
0x1f: {  	[tilespmem:$0x17730] =	vst v0  }
0x20: {  	[tilespmem:$0x17830] =	vst v0  }
0x21: {  	[tilespmem:$0x17740] =	vst v0  }
0x22: {  	[tilespmem:$0x17840] =	vst v0  }
0x23: {  	[tilespmem:$0x17750] =	vst v0  }
0x24: {  	[tilespmem:$0x17850] =	vst v0  }
0x25: {  	[tilespmem:$0x17760] =	vst v0  }
0x26: {  	[tilespmem:$0x17860] =	vst v0  }
0x27: {  	[tilespmem:$0x17770] =	vst v0  }
0x28: {  	[tilespmem:$0x17870] =	vst v0  }
0x29: {  	[tilespmem:$0x17780] =	vst v0  }
0x2a: {  	[tilespmem:$0x17880] =	vst v0  }
0x2b: {  	[tilespmem:$0x17790] =	vst v0  }
0x2c: {  	[tilespmem:$0x17890] =	vst v0;
	s4 =	rddreg [dreg:$0x5]  }
0x2d: {  	[tilespmem:s2], [sflag:$0x1] =	stream.linear.gather [hbm4b:s4+s2], $0x3E80, $0x38;
	[tilespmem:$0x17900] =	vst v63  }
0x2e: {  	s6 =	rddreg [dreg:$0x6]  }
0x2f: {  	[tilespmem:s21], [sflag:$0x1] =	stream.linear.gather [hbm4b:s6+s2], $0x3E80, $0x38;
	[tilespmem:$0x17900] =	vst v63  }
0x30: {  	s7 =	rddreg [dreg:$0x7]  }
0x31: {  	[tilespmem:s22], [sflag:$0x1] =	stream.linear.gather [hbm4b:s7+s2], $0x3E80, $0x38;
	[tilespmem:$0x17900] =	vst v63  }
0x32: {  	s9 =	rddreg [dreg:$0x8]  }
0x33: {  	[tilespmem:s8], [sflag:$0x2] =	stream.linear.gather [hbm4b:s9+s2], $0x3E80, $0x38;
	[tilespmem:$0x17900] =	vst v63  }
0x34: {  	s10 =	rddreg [dreg:$0x9]  }
0x35: {  	[tilespmem:s24], [sflag:$0x2] =	stream.linear.gather [hbm4b:s10+s2], $0x3E80, $0x38;
	[tilespmem:$0x17900] =	vst v63  }
0x36: {  	s23 =	rddreg [dreg:$0xa]  }
0x37: {  	[tilespmem:s25], [sflag:$0x2] =	stream.linear.gather [hbm4b:s23+s2], $0x3E80, $0x38;
	[tilespmem:$0x17900] =	vst v63  }
0x38: {  	_ =	swait.ge [sflag:s26], $0x3E80  }
0x39: {  	[sflag:s26] =	ssyncset.done $0x0  }
0x3a: {  	[sflag:s26] =	ssyncadd.s32 $0xFFFFC180  }
0x3b: {  	_ =	swait.ge [sflag:s26], $0x3E80  }
0x3c: {  	[sflag:s26] =	ssyncset.done $0x0  }
0x3d: {  	[sflag:s26] =	ssyncadd.s32 $0xFFFFC180  }
0x3e: {  	_ =	swait.ge [sflag:s26], $0x3E80  }
0x3f: {  	[sflag:s26] =	ssyncset.done $0x0  }
0x40: {  	s6 =	simm.s32 $0x10;
	[sflag:s26] =	ssyncadd.s32 $0xFFFFC180  }
0x41: {  	s4 =	simm.s32 $0x7D20;
	v5 =	vld [tilespmem:s6+$0x10]  }
0x42: {  	v6 =	vld [tilespmem:s4+$0x0];
	_ =	sdelay $0x1  }
0x43: {  	v7 =	vld [tilespmem:s6+$0x0]  }
0x44: {  	v8 =	vld [tilespmem:s4+$0xFFFFFFF0];
	_ =	sdelay $0x1  }
0x45: {  	s5 =	simm.s32 $0xFA20;
	v6 =	vsub.f32 v6, v5  }
0x46: {  	v9 =	vld [tilespmem:s5+$0x0]  }
0x47: {  	v11 =	vld [tilespmem:s4+$0xFFFFFFE0];
	v10 =	vand.u32 $0x7FFFFFFF, v6  }
0x48: {  	v5 =	vsub.f32 v8, v7;
	v8 =	vld [tilespmem:s6+$0xFFFFFFF0];
	vm0 =	vge.f32 v10, $4.054650960e-01  }
0x49: {  	vm1 =	vge.f32 v10, $8.472978470e-01;
	v7 =	vsel vm0, $0x10, v1  }
0x4a: {  	v12 =	vsel vm1, $0x10, v1;
	vm0 =	vge.f32 v10, $1.386294360e+00;
	vm1 =	vge.f32 v6, $0.0e+00  }
0x4b: {  	v7 =	vadd.s32 v12, v7;
	v12 =	vsel vm0, $0x10, v1;
	vm0 =	vge.f32 v10, $2.197224620e+00  }
0x4c: {  	vm1 =	vmneg vm1;
	v7 =	vadd.s32 v12, v7;
	v10 =	vsel vm0, $0x10, v1  }
0x4d: {  	v8 =	vsub.f32 v11, v8;
	vm0 =	veq.s32 v9, $0x1;
	v7 =	vadd.s32 v10, v7  }
0x4e: {  	vm1 =	vmxor vm0, vm1;
	v9 =	vadd.s32 v2, v7;
	v10 =	vsub.s32 v3, v7  }
0x4f: {  	v11 =	vand.u32 $0x7FFFFFFF, v5;
	v10 =	vsel vm1, v9, v10  }
0x50: {  	vm2 =	vge.f32 v11, $4.054650960e-01;
	vm3 =	vge.f32 v11, $8.472978470e-01;
	v12 =	vand.u32 $0x7FFFFFFF, v8  }
0x51: {  	v13 =	vsel vm2, $0x10, v1;
	v14 =	vsel vm3, $0x10, v1;
	v7 =	vld [tilespmem:s5+$0xFFFFFFE0];
	vm3 =	vge.f32 v12, $4.054650960e-01  }
0x52: {  	s7 =	simm.s32 $0x40;
	s6 =	simm.s32 $0x0;
	vm4 =	vge.f32 v12, $8.472978470e-01;
	vm2 =	vge.f32 v12, $1.386294360e+00;
	vm1 =	vge.f32 v11, $1.386294360e+00;
	v9 =	vld [tilespmem:s5+$0xFFFFFFF0]  }
.LBB2_2:
0x53: {  	v15 =	vld [tilespmem:s7+$0x10];
	v16 =	vsel vm3, $0x10, v1;
	v17 =	vsel vm4, $0x10, v1;
	v6 =	vmax.f32 v6, $0.0e+00  }
0x54: {  	v13 =	vadd.s32 v14, v13;
	v16 =	vadd.s32 v17, v16;
	v17 =	vsel vm2, $0x10, v1;
	[tilespmem:v10+s28+$0x0] =	vst.idx.add.f32.msk vm0, v6  }
0x55: {  	s4 =	sadd.s32 $0x30, s4;
	vm0 =	vge.f32 v12, $2.197224620e+00;
	v6 =	vsel vm1, $0x10, v1;
	vm1 =	vge.f32 v11, $2.197224620e+00;
	[tilespmem:v10+s29+$0x0] =	vst.idx.add.f32.msk $0xffff, v4  }
0x56: {  	v11 =	vadd.s32 v17, v16;
	v12 =	vsel vm0, $0x10, v1;
	v6 =	vadd.s32 v6, v13;
	v10 =	vld [tilespmem:s4+$0x0]  }
0x57: {  	s6 =	sadd.s32 $0x30, s6;
	vm2 =	vge.f32 v5, $0.0e+00;
	vm0 =	vge.f32 v8, $0.0e+00;
	v14 =	vsel vm1, $0x10, v1;
	v13 =	vld [tilespmem:s4+$0xFFFFFFE0]  }
0x58: {  	p0 =	slt.u32 s6, $0x3E40;
	v11 =	vadd.s32 v12, v11;
	vm3 =	vmneg vm0;
	v12 =	vadd.s32 v14, v6;
	v16 =	vld [tilespmem:s7+$0x0]  }
0x59: {  	vm1 =	veq.s32 v9, $0x1;
	vm2 =	vmneg vm2;
	vm0 =	veq.s32 v7, $0x1;
	v14 =	vld [tilespmem:s4+$0xFFFFFFF0]  }
0x5a: {  	v7 =	vadd.s32 v2, v11;
	v9 =	vsub.s32 v3, v11;
	v11 =	vadd.s32 v2, v12;
	v17 =	vld [tilespmem:s7+$0xFFFFFFF0]  }
0x5b: {  	vm3 =	vmxor vm0, vm3;
	v6 =	vsub.f32 v10, v15;
	v10 =	vsub.s32 v3, v12  }
0x5c: {  	s5 =	sadd.s32 $0x30, s5;
	v8 =	vmax.f32 v8, $0.0e+00;
	vm2 =	vmxor vm1, vm2;
	v12 =	vsel vm3, v7, v9  }
0x5d: {  	v19 =	vsel vm2, v11, v10;
	v10 =	vmax.f32 v5, $0.0e+00;
	v15 =	vld [tilespmem:s5+$0x0];
	v18 =	vand.u32 $0x7FFFFFFF, v6  }
0x5e: {  	v7 =	vld [tilespmem:s5+$0xFFFFFFE0];
	v5 =	vsub.f32 v14, v16;
	vm2 =	vge.f32 v18, $4.054650960e-01;
	vm3 =	vge.f32 v18, $8.472978470e-01  }
0x5f: {  	v9 =	vld [tilespmem:s5+$0xFFFFFFF0];
	v11 =	vsel vm2, $0x10, v1;
	v14 =	vsel vm3, $0x10, v1;
	vm2 =	vge.f32 v18, $1.386294360e+00  }
0x60: {  	v11 =	vadd.s32 v14, v11;
	v14 =	vsel vm2, $0x10, v1;
	vm2 =	vge.f32 v18, $2.197224620e+00  }
0x61: {  	v11 =	vadd.s32 v14, v11;
	v14 =	vsel vm2, $0x10, v1;
	vm2 =	vge.f32 v6, $0.0e+00;
	[tilespmem:v12+s28+$0x0] =	vst.idx.add.f32.msk vm0, v8  }
0x62: {  	v8 =	vadd.s32 v14, v11;
	vm0 =	veq.s32 v15, $0x1;
	vm2 =	vmneg vm2;
	[tilespmem:v12+s29+$0x0] =	vst.idx.add.f32.msk $0xffff, v4  }
.Ltmp0:
0x63: {  	vm2 =	vmxor vm0, vm2;
	v12 =	vadd.s32 v2, v8;
	v14 =	vsub.s32 v3, v8;
	[tilespmem:v19+s28+$0x0] =	vst.idx.add.f32.msk vm1, v10;
	(pc) =	sbr.rel @p0 .LBB2_2-.Ltmp0, $4  }
0x64: {  	v11 =	vand.u32 $0x7FFFFFFF, v5;
	v8 =	vsub.f32 v13, v17;
	v10 =	vsel vm2, v12, v14;
	[tilespmem:v19+s29+$0x0] =	vst.idx.add.f32.msk $0xffff, v4  }
0x65: {  	vm3 =	vge.f32 v11, $8.472978470e-01;
	vm1 =	vge.f32 v11, $1.386294360e+00;
	vm2 =	vge.f32 v11, $4.054650960e-01  }
0x66: {  	v14 =	vsel vm3, $0x10, v1;
	v12 =	vand.u32 $0x7FFFFFFF, v8;
	v13 =	vsel vm2, $0x10, v1  }
0x67: {  	s7 =	sadd.s32 $0x30, s7;
	vm3 =	vge.f32 v12, $4.054650960e-01;
	vm4 =	vge.f32 v12, $8.472978470e-01;
	vm2 =	vge.f32 v12, $1.386294360e+00  }
0x68: {  	v15 =	vsel vm3, $0x10, v1;
	v16 =	vsel vm4, $0x10, v1;
	v63 =	vsel vm2, $0x10, v1  }
0x69: {  	v13 =	vadd.s32 v14, v13;
	vm2 =	vge.f32 v12, $2.197224620e+00;
	v12 =	vsel vm1, $0x10, v1  }
0x6a: {  	vm1 =	vge.f32 v11, $2.197224620e+00;
	vm3 =	veq.s32 v7, $0x1;
	vm4 =	veq.s32 v9, $0x1  }
0x6b: {  	v15 =	vadd.s32 v16, v15;
	v14 =	vsel vm2, $0x10, v1;
	v12 =	vadd.s32 v12, v13  }
0x6c: {  	vm2 =	vge.f32 v8, $0.0e+00;
	v13 =	vsel vm1, $0x10, v1;
	v11 =	vadd.s32 v63, v15  }
0x6d: {  	vm1 =	vge.f32 v5, $0.0e+00;
	vm2 =	vmneg vm2;
	v11 =	vadd.s32 v14, v11  }
0x6e: {  	vm2 =	vmxor vm3, vm2;
	v7 =	vadd.s32 v2, v11;
	v11 =	vsub.s32 v3, v11  }
0x6f: {  	v12 =	vadd.s32 v13, v12;
	vm1 =	vmneg vm1;
	v7 =	vsel vm2, v7, v11  }
0x70: {  	v9 =	vadd.s32 v2, v12;
	vm1 =	vmxor vm4, vm1;
	v11 =	vsub.s32 v3, v12  }
0x71: {  	v6 =	vmax.f32 v6, $0.0e+00;
	v9 =	vsel vm1, v9, v11  }
0x72: {  	[tilespmem:v10+s28+$0x0] =	vst.idx.add.f32.msk vm0, v6  }
0x73: {  	v6 =	vmax.f32 v8, $0.0e+00;
	[tilespmem:v10+s29+$0x0] =	vst.idx.add.f32.msk $0xffff, v4  }
0x74: {  	[tilespmem:v7+s28+$0x0] =	vst.idx.add.f32.msk vm3, v6  }
0x75: {  	v5 =	vmax.f32 v5, $0.0e+00;
	[tilespmem:v7+s29+$0x0] =	vst.idx.add.f32.msk $0xffff, v4  }
0x76: {  	[tilespmem:v9+s28+$0x0] =	vst.idx.add.f32.msk vm4, v5  }
0x77: {  	[tilespmem:v9+s29+$0x0] =	vst.idx.add.f32.msk $0xffff, v4  }
0x78: {  	v5 =	vld [tilespmem:$0x3E70]  }
0x79: {  	v6 =	vld [tilespmem:$0xBB70];
	_ =	sdelay $0x4  }
0x7a: {  	v5 =	vsub.f32 v6, v5;
	_ =	sdelay $0x1  }
0x7b: {  	v6 =	vld [tilespmem:$0x13870];
	v7 =	vand.u32 $0x7FFFFFFF, v5  }
0x7c: {  	vm0 =	vge.f32 v7, $4.054650960e-01;
	vm1 =	vge.f32 v7, $8.472978470e-01  }
0x7d: {  	v8 =	vsel vm0, $0x10, v1;
	v9 =	vsel vm1, $0x10, v1;
	vm0 =	vge.f32 v7, $1.386294360e+00  }
0x7e: {  	v8 =	vadd.s32 v9, v8;
	v9 =	vsel vm0, $0x10, v1;
	vm0 =	vge.f32 v7, $2.197224620e+00  }
0x7f: {  	v7 =	vadd.s32 v9, v8;
	v8 =	vsel vm0, $0x10, v1;
	vm0 =	vge.f32 v5, $0.0e+00  }
0x80: {  	vm1 =	veq.s32 v6, $0x1;
	v7 =	vadd.s32 v8, v7;
	vm0 =	vmneg vm0  }
0x81: {  	vm0 =	vmxor vm1, vm0;
	v6 =	vadd.s32 v2, v7;
	v7 =	vsub.s32 v3, v7  }
0x82: {  	v6 =	vsel vm0, v6, v7;
	_ =	sdelay $0x3  }
0x83: {  	v5 =	vmax.f32 v5, $0.0e+00  }
0x84: {  	[tilespmem:v6+s28+$0x0] =	vst.idx.add.f32.msk vm1, v5  }
0x85: {  	s4 =	rddreg [dreg:$0xb];
	[tilespmem:v6+s29+$0x0] =	vst.idx.add.f32.msk $0xffff, v4  }
0x86: {  	[tilespmem:s2], [sflag:$0x1] =	stream.linear.gather [hbm4b:s4+s2], $0x3E80, $0x38;
	[tilespmem:$0x17900] =	vst v63  }
0x87: {  	s23 =	rddreg [dreg:$0xc]  }
0x88: {  	[tilespmem:s21], [sflag:$0x1] =	stream.linear.gather [hbm4b:s23+s2], $0x3E80, $0x38;
	[tilespmem:$0x17900] =	vst v63  }
0x89: {  	_ = 	snop  }
0x8a: {  	[tilespmem:s22], [sflag:$0x1] =	stream.linear.gather [hbm4b:s11+s2], $0x3E80, $0x38;
	[tilespmem:$0x17900] =	vst v63  }
0x8b: {  	_ =	swait.ge [sflag:s30], $0x3E80  }
0x8c: {  	[sflag:s30] =	ssyncset.done $0x0  }
0x8d: {  	[sflag:s30] =	ssyncadd.s32 $0xFFFFC180  }
0x8e: {  	_ =	swait.ge [sflag:s30], $0x3E80  }
0x8f: {  	[sflag:s30] =	ssyncset.done $0x0  }
0x90: {  	[sflag:s30] =	ssyncadd.s32 $0xFFFFC180  }
0x91: {  	_ =	swait.ge [sflag:s30], $0x3E80  }
0x92: {  	[sflag:s30] =	ssyncset.done $0x0  }
0x93: {  	s6 =	simm.s32 $0x3E90;
	[sflag:s30] =	ssyncadd.s32 $0xFFFFC180  }
0x94: {  	s4 =	simm.s32 $0xBBA0;
	v5 =	vld [tilespmem:s6+$0x10]  }
0x95: {  	v6 =	vld [tilespmem:s4+$0x0];
	_ =	sdelay $0x2  }
0x96: {  	v7 =	vld [tilespmem:s4+$0xFFFFFFE0]  }
0x97: {  	v11 =	vld [tilespmem:s6+$0xFFFFFFF0]  }
0x98: {  	s5 =	simm.s32 $0x138A0;
	v6 =	vsub.f32 v6, v5  }
0x99: {  	v8 =	vld [tilespmem:s5+$0x0]  }
0x9a: {  	v10 =	vld [tilespmem:s4+$0xFFFFFFF0];
	v9 =	vand.u32 $0x7FFFFFFF, v6  }
0x9b: {  	v5 =	vld [tilespmem:s6+$0x0];
	vm0 =	vge.f32 v9, $4.054650960e-01  }
0x9c: {  	v7 =	vsub.f32 v7, v11;
	vm1 =	vge.f32 v9, $8.472978470e-01;
	v12 =	vsel vm0, $0x10, v1  }
0x9d: {  	v13 =	vsel vm1, $0x10, v1;
	vm0 =	vge.f32 v9, $1.386294360e+00;
	vm1 =	vge.f32 v6, $0.0e+00  }
0x9e: {  	v12 =	vadd.s32 v13, v12;
	v13 =	vsel vm0, $0x10, v1;
	vm0 =	vge.f32 v9, $2.197224620e+00  }
0x9f: {  	vm1 =	vmneg vm1;
	v9 =	vadd.s32 v13, v12;
	v12 =	vsel vm0, $0x10, v1  }
0xa0: {  	v5 =	vsub.f32 v10, v5;
	vm0 =	veq.s32 v8, $0x1;
	v8 =	vadd.s32 v12, v9  }
0xa1: {  	vm1 =	vmxor vm0, vm1;
	v9 =	vadd.s32 v2, v8;
	v10 =	vsub.s32 v3, v8  }
0xa2: {  	s7 =	simm.s32 $0x3EC0;
	v11 =	vand.u32 $0x7FFFFFFF, v5;
	v10 =	vsel vm1, v9, v10  }
0xa3: {  	v12 =	vand.u32 $0x7FFFFFFF, v7;
	vm2 =	vge.f32 v11, $4.054650960e-01;
	vm4 =	vge.f32 v11, $8.472978470e-01  }
0xa4: {  	v8 =	vld [tilespmem:s5+$0xFFFFFFE0];
	vm3 =	vge.f32 v12, $4.054650960e-01;
	vm1 =	vge.f32 v11, $1.386294360e+00;
	v13 =	vsel vm2, $0x10, v1  }
0xa5: {  	s6 =	simm.s32 $0x0;
	v9 =	vld [tilespmem:s5+$0xFFFFFFF0];
	v14 =	vsel vm4, $0x10, v1;
	vm4 =	vge.f32 v12, $8.472978470e-01;
	vm2 =	vge.f32 v12, $1.386294360e+00  }
.LBB2_4:
0xa6: {  	v15 =	vld [tilespmem:s7+$0x10];
	v16 =	vsel vm3, $0x10, v1;
	v17 =	vsel vm4, $0x10, v1;
	v6 =	vmax.f32 v6, $0.0e+00  }
0xa7: {  	v13 =	vadd.s32 v14, v13;
	v16 =	vadd.s32 v17, v16;
	v17 =	vsel vm2, $0x10, v1;
	[tilespmem:v10+s28+$0x0] =	vst.idx.add.f32.msk vm0, v6  }
0xa8: {  	s4 =	sadd.s32 $0x30, s4;
	vm0 =	vge.f32 v12, $2.197224620e+00;
	v6 =	vsel vm1, $0x10, v1;
	vm1 =	vge.f32 v11, $2.197224620e+00;
	[tilespmem:v10+s29+$0x0] =	vst.idx.add.f32.msk $0xffff, v4  }
0xa9: {  	v11 =	vadd.s32 v17, v16;
	v12 =	vsel vm0, $0x10, v1;
	v6 =	vadd.s32 v6, v13;
	v10 =	vld [tilespmem:s4+$0x0]  }
0xaa: {  	s6 =	sadd.s32 $0x30, s6;
	vm2 =	vge.f32 v5, $0.0e+00;
	vm0 =	vge.f32 v7, $0.0e+00;
	v14 =	vsel vm1, $0x10, v1;
	v13 =	vld [tilespmem:s4+$0xFFFFFFE0]  }
0xab: {  	p0 =	slt.u32 s6, $0x3E40;
	v11 =	vadd.s32 v12, v11;
	vm3 =	vmneg vm0;
	v12 =	vadd.s32 v14, v6;
	v16 =	vld [tilespmem:s7+$0x0]  }
0xac: {  	vm1 =	veq.s32 v9, $0x1;
	vm2 =	vmneg vm2;
	vm0 =	veq.s32 v8, $0x1;
	v14 =	vld [tilespmem:s4+$0xFFFFFFF0]  }
0xad: {  	v8 =	vadd.s32 v2, v11;
	v9 =	vsub.s32 v3, v11;
	v11 =	vadd.s32 v2, v12;
	v17 =	vld [tilespmem:s7+$0xFFFFFFF0]  }
0xae: {  	vm3 =	vmxor vm0, vm3;
	v6 =	vsub.f32 v10, v15;
	v10 =	vsub.s32 v3, v12  }
0xaf: {  	s5 =	sadd.s32 $0x30, s5;
	v7 =	vmax.f32 v7, $0.0e+00;
	vm2 =	vmxor vm1, vm2;
	v12 =	vsel vm3, v8, v9  }
0xb0: {  	v19 =	vsel vm2, v11, v10;
	v10 =	vmax.f32 v5, $0.0e+00;
	v15 =	vld [tilespmem:s5+$0x0];
	v18 =	vand.u32 $0x7FFFFFFF, v6  }
0xb1: {  	v8 =	vld [tilespmem:s5+$0xFFFFFFE0];
	v5 =	vsub.f32 v14, v16;
	vm2 =	vge.f32 v18, $4.054650960e-01;
	vm3 =	vge.f32 v18, $8.472978470e-01  }
0xb2: {  	v9 =	vld [tilespmem:s5+$0xFFFFFFF0];
	v11 =	vsel vm2, $0x10, v1;
	v14 =	vsel vm3, $0x10, v1;
	vm2 =	vge.f32 v18, $1.386294360e+00  }
0xb3: {  	v11 =	vadd.s32 v14, v11;
	v14 =	vsel vm2, $0x10, v1;
	vm2 =	vge.f32 v18, $2.197224620e+00  }
0xb4: {  	v11 =	vadd.s32 v14, v11;
	v14 =	vsel vm2, $0x10, v1;
	vm2 =	vge.f32 v6, $0.0e+00;
	[tilespmem:v12+s28+$0x0] =	vst.idx.add.f32.msk vm0, v7  }
0xb5: {  	v7 =	vadd.s32 v14, v11;
	vm0 =	veq.s32 v15, $0x1;
	vm2 =	vmneg vm2;
	[tilespmem:v12+s29+$0x0] =	vst.idx.add.f32.msk $0xffff, v4  }
.Ltmp1:
0xb6: {  	vm2 =	vmxor vm0, vm2;
	v12 =	vadd.s32 v2, v7;
	v14 =	vsub.s32 v3, v7;
	[tilespmem:v19+s28+$0x0] =	vst.idx.add.f32.msk vm1, v10;
	(pc) =	sbr.rel @p0 .LBB2_4-.Ltmp1, $4  }
0xb7: {  	v11 =	vand.u32 $0x7FFFFFFF, v5;
	v7 =	vsub.f32 v13, v17;
	v10 =	vsel vm2, v12, v14;
	[tilespmem:v19+s29+$0x0] =	vst.idx.add.f32.msk $0xffff, v4  }
0xb8: {  	vm3 =	vge.f32 v11, $8.472978470e-01;
	vm1 =	vge.f32 v11, $1.386294360e+00;
	vm2 =	vge.f32 v11, $4.054650960e-01  }
0xb9: {  	v14 =	vsel vm3, $0x10, v1;
	v12 =	vand.u32 $0x7FFFFFFF, v7;
	v13 =	vsel vm2, $0x10, v1  }
0xba: {  	s7 =	sadd.s32 $0x30, s7;
	vm3 =	vge.f32 v12, $4.054650960e-01;
	vm4 =	vge.f32 v12, $8.472978470e-01;
	vm2 =	vge.f32 v12, $1.386294360e+00  }
0xbb: {  	v15 =	vsel vm3, $0x10, v1;
	v16 =	vsel vm4, $0x10, v1;
	v63 =	vsel vm2, $0x10, v1  }
0xbc: {  	v13 =	vadd.s32 v14, v13;
	vm2 =	vge.f32 v12, $2.197224620e+00;
	v12 =	vsel vm1, $0x10, v1  }
0xbd: {  	vm1 =	vge.f32 v11, $2.197224620e+00;
	vm3 =	veq.s32 v8, $0x1;
	vm4 =	veq.s32 v9, $0x1  }
0xbe: {  	v15 =	vadd.s32 v16, v15;
	v14 =	vsel vm2, $0x10, v1;
	v12 =	vadd.s32 v12, v13  }
0xbf: {  	vm2 =	vge.f32 v7, $0.0e+00;
	v13 =	vsel vm1, $0x10, v1;
	v11 =	vadd.s32 v63, v15  }
0xc0: {  	vm1 =	vge.f32 v5, $0.0e+00;
	vm2 =	vmneg vm2;
	v11 =	vadd.s32 v14, v11  }
0xc1: {  	vm2 =	vmxor vm3, vm2;
	v8 =	vadd.s32 v2, v11;
	v11 =	vsub.s32 v3, v11  }
0xc2: {  	v12 =	vadd.s32 v13, v12;
	vm1 =	vmneg vm1;
	v8 =	vsel vm2, v8, v11  }
0xc3: {  	v9 =	vadd.s32 v2, v12;
	vm1 =	vmxor vm4, vm1;
	v11 =	vsub.s32 v3, v12  }
0xc4: {  	v6 =	vmax.f32 v6, $0.0e+00;
	v9 =	vsel vm1, v9, v11  }
0xc5: {  	[tilespmem:v10+s28+$0x0] =	vst.idx.add.f32.msk vm0, v6  }
0xc6: {  	v6 =	vmax.f32 v7, $0.0e+00;
	[tilespmem:v10+s29+$0x0] =	vst.idx.add.f32.msk $0xffff, v4  }
0xc7: {  	[tilespmem:v8+s28+$0x0] =	vst.idx.add.f32.msk vm3, v6  }
0xc8: {  	v5 =	vmax.f32 v5, $0.0e+00;
	[tilespmem:v8+s29+$0x0] =	vst.idx.add.f32.msk $0xffff, v4  }
0xc9: {  	[tilespmem:v9+s28+$0x0] =	vst.idx.add.f32.msk vm4, v5  }
0xca: {  	[tilespmem:v9+s29+$0x0] =	vst.idx.add.f32.msk $0xffff, v4  }
0xcb: {  	v5 =	vld [tilespmem:$0x7CF0]  }
0xcc: {  	v6 =	vld [tilespmem:$0xF9F0];
	_ =	sdelay $0x4  }
0xcd: {  	v5 =	vsub.f32 v6, v5;
	_ =	sdelay $0x1  }
0xce: {  	v6 =	vld [tilespmem:$0x176F0];
	v7 =	vand.u32 $0x7FFFFFFF, v5  }
0xcf: {  	vm0 =	vge.f32 v7, $4.054650960e-01;
	vm1 =	vge.f32 v7, $8.472978470e-01  }
0xd0: {  	v8 =	vsel vm0, $0x10, v1;
	v9 =	vsel vm1, $0x10, v1;
	vm0 =	vge.f32 v7, $1.386294360e+00  }
0xd1: {  	v8 =	vadd.s32 v9, v8;
	v9 =	vsel vm0, $0x10, v1;
	vm0 =	vge.f32 v7, $2.197224620e+00  }
0xd2: {  	v7 =	vadd.s32 v9, v8;
	v8 =	vsel vm0, $0x10, v1;
	vm0 =	vge.f32 v5, $0.0e+00  }
0xd3: {  	vm1 =	veq.s32 v6, $0x1;
	v7 =	vadd.s32 v8, v7;
	vm0 =	vmneg vm0  }
0xd4: {  	vm0 =	vmxor vm1, vm0;
	v6 =	vadd.s32 v2, v7;
	v7 =	vsub.s32 v3, v7  }
0xd5: {  	v6 =	vsel vm0, v6, v7;
	_ =	sdelay $0x3  }
0xd6: {  	v5 =	vmax.f32 v5, $0.0e+00  }
0xd7: {  	[tilespmem:v6+s28+$0x0] =	vst.idx.add.f32.msk vm1, v5  }
0xd8: {  	[tilespmem:v6+s29+$0x0] =	vst.idx.add.f32.msk $0xffff, v4  }
0xd9: {  	[tilespmem:s8], [sflag:$0x2] =	stream.linear.gather [hbm4b:s12+s2], $0x3E80, $0x38;
	[tilespmem:$0x17900] =	vst v63  }
0xda: {  	_ = 	snop  }
0xdb: {  	[tilespmem:s24], [sflag:$0x2] =	stream.linear.gather [hbm4b:s13+s2], $0x3E80, $0x38;
	[tilespmem:$0x17900] =	vst v63  }
0xdc: {  	_ = 	snop  }
0xdd: {  	[tilespmem:s25], [sflag:$0x2] =	stream.linear.gather [hbm4b:s14+s2], $0x3E80, $0x38;
	[tilespmem:$0x17900] =	vst v63  }
0xde: {  	_ =	swait.ge [sflag:s26], $0x3E80  }
0xdf: {  	[sflag:s26] =	ssyncset.done $0x0  }
0xe0: {  	[sflag:s26] =	ssyncadd.s32 $0xFFFFC180  }
0xe1: {  	_ =	swait.ge [sflag:s26], $0x3E80  }
0xe2: {  	[sflag:s26] =	ssyncset.done $0x0  }
0xe3: {  	[sflag:s26] =	ssyncadd.s32 $0xFFFFC180  }
0xe4: {  	_ =	swait.ge [sflag:s26], $0x3E80  }
0xe5: {  	[sflag:s26] =	ssyncset.done $0x0  }
0xe6: {  	s6 =	simm.s32 $0x10;
	[sflag:s26] =	ssyncadd.s32 $0xFFFFC180  }
0xe7: {  	s4 =	simm.s32 $0x7D20;
	v5 =	vld [tilespmem:s6+$0x10]  }
0xe8: {  	v6 =	vld [tilespmem:s4+$0x0];
	_ =	sdelay $0x1  }
0xe9: {  	v7 =	vld [tilespmem:s6+$0x0]  }
0xea: {  	v8 =	vld [tilespmem:s4+$0xFFFFFFF0];
	_ =	sdelay $0x1  }
0xeb: {  	s5 =	simm.s32 $0xFA20;
	v6 =	vsub.f32 v6, v5  }
0xec: {  	v9 =	vld [tilespmem:s5+$0x0]  }
0xed: {  	v11 =	vld [tilespmem:s4+$0xFFFFFFE0];
	v10 =	vand.u32 $0x7FFFFFFF, v6  }
0xee: {  	v5 =	vsub.f32 v8, v7;
	v8 =	vld [tilespmem:s6+$0xFFFFFFF0];
	vm0 =	vge.f32 v10, $4.054650960e-01  }
0xef: {  	vm1 =	vge.f32 v10, $8.472978470e-01;
	v7 =	vsel vm0, $0x10, v1  }
0xf0: {  	v12 =	vsel vm1, $0x10, v1;
	vm0 =	vge.f32 v10, $1.386294360e+00;
	vm1 =	vge.f32 v6, $0.0e+00  }
0xf1: {  	v7 =	vadd.s32 v12, v7;
	v12 =	vsel vm0, $0x10, v1;
	vm0 =	vge.f32 v10, $2.197224620e+00  }
0xf2: {  	vm1 =	vmneg vm1;
	v7 =	vadd.s32 v12, v7;
	v10 =	vsel vm0, $0x10, v1  }
0xf3: {  	v8 =	vsub.f32 v11, v8;
	vm0 =	veq.s32 v9, $0x1;
	v7 =	vadd.s32 v10, v7  }
0xf4: {  	vm1 =	vmxor vm0, vm1;
	v9 =	vadd.s32 v2, v7;
	v10 =	vsub.s32 v3, v7  }
0xf5: {  	v11 =	vand.u32 $0x7FFFFFFF, v5;
	v10 =	vsel vm1, v9, v10  }
0xf6: {  	vm2 =	vge.f32 v11, $4.054650960e-01;
	vm3 =	vge.f32 v11, $8.472978470e-01;
	v12 =	vand.u32 $0x7FFFFFFF, v8  }
0xf7: {  	v13 =	vsel vm2, $0x10, v1;
	v14 =	vsel vm3, $0x10, v1;
	v7 =	vld [tilespmem:s5+$0xFFFFFFE0];
	vm3 =	vge.f32 v12, $4.054650960e-01  }
0xf8: {  	s7 =	simm.s32 $0x40;
	s6 =	simm.s32 $0x0;
	vm4 =	vge.f32 v12, $8.472978470e-01;
	vm2 =	vge.f32 v12, $1.386294360e+00;
	vm1 =	vge.f32 v11, $1.386294360e+00;
	v9 =	vld [tilespmem:s5+$0xFFFFFFF0]  }
.LBB2_6:
0xf9: {  	v15 =	vld [tilespmem:s7+$0x10];
	v16 =	vsel vm3, $0x10, v1;
	v17 =	vsel vm4, $0x10, v1;
	v6 =	vmax.f32 v6, $0.0e+00  }
0xfa: {  	v13 =	vadd.s32 v14, v13;
	v16 =	vadd.s32 v17, v16;
	v17 =	vsel vm2, $0x10, v1;
	[tilespmem:v10+s28+$0x0] =	vst.idx.add.f32.msk vm0, v6  }
0xfb: {  	s4 =	sadd.s32 $0x30, s4;
	vm0 =	vge.f32 v12, $2.197224620e+00;
	v6 =	vsel vm1, $0x10, v1;
	vm1 =	vge.f32 v11, $2.197224620e+00;
	[tilespmem:v10+s29+$0x0] =	vst.idx.add.f32.msk $0xffff, v4  }
0xfc: {  	v11 =	vadd.s32 v17, v16;
	v12 =	vsel vm0, $0x10, v1;
	v6 =	vadd.s32 v6, v13;
	v10 =	vld [tilespmem:s4+$0x0]  }
0xfd: {  	s6 =	sadd.s32 $0x30, s6;
	vm2 =	vge.f32 v5, $0.0e+00;
	vm0 =	vge.f32 v8, $0.0e+00;
	v14 =	vsel vm1, $0x10, v1;
	v13 =	vld [tilespmem:s4+$0xFFFFFFE0]  }
0xfe: {  	p0 =	slt.u32 s6, $0x3E40;
	v11 =	vadd.s32 v12, v11;
	vm3 =	vmneg vm0;
	v12 =	vadd.s32 v14, v6;
	v16 =	vld [tilespmem:s7+$0x0]  }
0xff: {  	vm1 =	veq.s32 v9, $0x1;
	vm2 =	vmneg vm2;
	vm0 =	veq.s32 v7, $0x1;
	v14 =	vld [tilespmem:s4+$0xFFFFFFF0]  }
0x100: {  	v7 =	vadd.s32 v2, v11;
	v9 =	vsub.s32 v3, v11;
	v11 =	vadd.s32 v2, v12;
	v17 =	vld [tilespmem:s7+$0xFFFFFFF0]  }
0x101: {  	vm3 =	vmxor vm0, vm3;
	v6 =	vsub.f32 v10, v15;
	v10 =	vsub.s32 v3, v12  }
0x102: {  	s5 =	sadd.s32 $0x30, s5;
	v8 =	vmax.f32 v8, $0.0e+00;
	vm2 =	vmxor vm1, vm2;
	v12 =	vsel vm3, v7, v9  }
0x103: {  	v19 =	vsel vm2, v11, v10;
	v10 =	vmax.f32 v5, $0.0e+00;
	v15 =	vld [tilespmem:s5+$0x0];
	v18 =	vand.u32 $0x7FFFFFFF, v6  }
0x104: {  	v7 =	vld [tilespmem:s5+$0xFFFFFFE0];
	v5 =	vsub.f32 v14, v16;
	vm2 =	vge.f32 v18, $4.054650960e-01;
	vm3 =	vge.f32 v18, $8.472978470e-01  }
0x105: {  	v9 =	vld [tilespmem:s5+$0xFFFFFFF0];
	v11 =	vsel vm2, $0x10, v1;
	v14 =	vsel vm3, $0x10, v1;
	vm2 =	vge.f32 v18, $1.386294360e+00  }
0x106: {  	v11 =	vadd.s32 v14, v11;
	v14 =	vsel vm2, $0x10, v1;
	vm2 =	vge.f32 v18, $2.197224620e+00  }
0x107: {  	v11 =	vadd.s32 v14, v11;
	v14 =	vsel vm2, $0x10, v1;
	vm2 =	vge.f32 v6, $0.0e+00;
	[tilespmem:v12+s28+$0x0] =	vst.idx.add.f32.msk vm0, v8  }
0x108: {  	v8 =	vadd.s32 v14, v11;
	vm0 =	veq.s32 v15, $0x1;
	vm2 =	vmneg vm2;
	[tilespmem:v12+s29+$0x0] =	vst.idx.add.f32.msk $0xffff, v4  }
.Ltmp2:
0x109: {  	vm2 =	vmxor vm0, vm2;
	v12 =	vadd.s32 v2, v8;
	v14 =	vsub.s32 v3, v8;
	[tilespmem:v19+s28+$0x0] =	vst.idx.add.f32.msk vm1, v10;
	(pc) =	sbr.rel @p0 .LBB2_6-.Ltmp2, $4  }
0x10a: {  	v11 =	vand.u32 $0x7FFFFFFF, v5;
	v8 =	vsub.f32 v13, v17;
	v10 =	vsel vm2, v12, v14;
	[tilespmem:v19+s29+$0x0] =	vst.idx.add.f32.msk $0xffff, v4  }
0x10b: {  	vm3 =	vge.f32 v11, $8.472978470e-01;
	vm1 =	vge.f32 v11, $1.386294360e+00;
	vm2 =	vge.f32 v11, $4.054650960e-01  }
0x10c: {  	v14 =	vsel vm3, $0x10, v1;
	v12 =	vand.u32 $0x7FFFFFFF, v8;
	v13 =	vsel vm2, $0x10, v1  }
0x10d: {  	s7 =	sadd.s32 $0x30, s7;
	vm3 =	vge.f32 v12, $4.054650960e-01;
	vm4 =	vge.f32 v12, $8.472978470e-01;
	vm2 =	vge.f32 v12, $1.386294360e+00  }
0x10e: {  	v15 =	vsel vm3, $0x10, v1;
	v16 =	vsel vm4, $0x10, v1;
	v63 =	vsel vm2, $0x10, v1  }
0x10f: {  	v13 =	vadd.s32 v14, v13;
	vm2 =	vge.f32 v12, $2.197224620e+00;
	v12 =	vsel vm1, $0x10, v1  }
0x110: {  	vm1 =	vge.f32 v11, $2.197224620e+00;
	vm3 =	veq.s32 v7, $0x1;
	vm4 =	veq.s32 v9, $0x1  }
0x111: {  	v15 =	vadd.s32 v16, v15;
	v14 =	vsel vm2, $0x10, v1;
	v12 =	vadd.s32 v12, v13  }
0x112: {  	vm2 =	vge.f32 v8, $0.0e+00;
	v13 =	vsel vm1, $0x10, v1;
	v11 =	vadd.s32 v63, v15  }
0x113: {  	vm1 =	vge.f32 v5, $0.0e+00;
	vm2 =	vmneg vm2;
	v11 =	vadd.s32 v14, v11  }
0x114: {  	vm2 =	vmxor vm3, vm2;
	v7 =	vadd.s32 v2, v11;
	v11 =	vsub.s32 v3, v11  }
0x115: {  	v12 =	vadd.s32 v13, v12;
	vm1 =	vmneg vm1;
	v7 =	vsel vm2, v7, v11  }
0x116: {  	v9 =	vadd.s32 v2, v12;
	vm1 =	vmxor vm4, vm1;
	v11 =	vsub.s32 v3, v12  }
0x117: {  	v6 =	vmax.f32 v6, $0.0e+00;
	v9 =	vsel vm1, v9, v11  }
0x118: {  	[tilespmem:v10+s28+$0x0] =	vst.idx.add.f32.msk vm0, v6  }
0x119: {  	v6 =	vmax.f32 v8, $0.0e+00;
	[tilespmem:v10+s29+$0x0] =	vst.idx.add.f32.msk $0xffff, v4  }
0x11a: {  	[tilespmem:v7+s28+$0x0] =	vst.idx.add.f32.msk vm3, v6  }
0x11b: {  	v5 =	vmax.f32 v5, $0.0e+00;
	[tilespmem:v7+s29+$0x0] =	vst.idx.add.f32.msk $0xffff, v4  }
0x11c: {  	[tilespmem:v9+s28+$0x0] =	vst.idx.add.f32.msk vm4, v5  }
0x11d: {  	[tilespmem:v9+s29+$0x0] =	vst.idx.add.f32.msk $0xffff, v4  }
0x11e: {  	v5 =	vld [tilespmem:$0x3E70]  }
0x11f: {  	v6 =	vld [tilespmem:$0xBB70];
	_ =	sdelay $0x4  }
0x120: {  	v5 =	vsub.f32 v6, v5;
	_ =	sdelay $0x1  }
0x121: {  	v6 =	vld [tilespmem:$0x13870];
	v7 =	vand.u32 $0x7FFFFFFF, v5  }
0x122: {  	vm0 =	vge.f32 v7, $4.054650960e-01;
	vm1 =	vge.f32 v7, $8.472978470e-01  }
0x123: {  	v8 =	vsel vm0, $0x10, v1;
	v9 =	vsel vm1, $0x10, v1;
	vm0 =	vge.f32 v7, $1.386294360e+00  }
0x124: {  	v8 =	vadd.s32 v9, v8;
	v9 =	vsel vm0, $0x10, v1;
	vm0 =	vge.f32 v7, $2.197224620e+00  }
0x125: {  	v7 =	vadd.s32 v9, v8;
	v8 =	vsel vm0, $0x10, v1;
	vm0 =	vge.f32 v5, $0.0e+00  }
0x126: {  	vm1 =	veq.s32 v6, $0x1;
	v7 =	vadd.s32 v8, v7;
	vm0 =	vmneg vm0  }
0x127: {  	vm0 =	vmxor vm1, vm0;
	v6 =	vadd.s32 v2, v7;
	v7 =	vsub.s32 v3, v7  }
0x128: {  	v6 =	vsel vm0, v6, v7;
	_ =	sdelay $0x3  }
0x129: {  	v5 =	vmax.f32 v5, $0.0e+00  }
0x12a: {  	[tilespmem:v6+s28+$0x0] =	vst.idx.add.f32.msk vm1, v5  }
0x12b: {  	[tilespmem:v6+s29+$0x0] =	vst.idx.add.f32.msk $0xffff, v4  }
0x12c: {  	[tilespmem:s2], [sflag:$0x1] =	stream.linear.gather [hbm4b:s15+s2], $0x748, $0x38;
	[tilespmem:$0x17900] =	vst v63  }
0x12d: {  	_ = 	snop  }
0x12e: {  	[tilespmem:s21], [sflag:$0x1] =	stream.linear.gather [hbm4b:s16+s2], $0x748, $0x38;
	[tilespmem:$0x17900] =	vst v63  }
0x12f: {  	_ = 	snop  }
0x130: {  	[tilespmem:s22], [sflag:$0x1] =	stream.linear.gather [hbm4b:s17+s2], $0x748, $0x38;
	[tilespmem:$0x17900] =	vst v63  }
0x131: {  	_ =	swait.ge [sflag:s30], $0x3E80  }
0x132: {  	[sflag:s30] =	ssyncset.done $0x0  }
0x133: {  	[sflag:s30] =	ssyncadd.s32 $0xFFFFC180  }
0x134: {  	_ =	swait.ge [sflag:s30], $0x3E80  }
0x135: {  	[sflag:s30] =	ssyncset.done $0x0  }
0x136: {  	[sflag:s30] =	ssyncadd.s32 $0xFFFFC180  }
0x137: {  	_ =	swait.ge [sflag:s30], $0x3E80  }
0x138: {  	[sflag:s30] =	ssyncset.done $0x0  }
0x139: {  	s6 =	simm.s32 $0x3E90;
	[sflag:s30] =	ssyncadd.s32 $0xFFFFC180  }
0x13a: {  	s4 =	simm.s32 $0xBBA0;
	v5 =	vld [tilespmem:s6+$0x10]  }
0x13b: {  	v6 =	vld [tilespmem:s4+$0x0];
	_ =	sdelay $0x2  }
0x13c: {  	v7 =	vld [tilespmem:s4+$0xFFFFFFE0]  }
0x13d: {  	v11 =	vld [tilespmem:s6+$0xFFFFFFF0]  }
0x13e: {  	s5 =	simm.s32 $0x138A0;
	v6 =	vsub.f32 v6, v5  }
0x13f: {  	v8 =	vld [tilespmem:s5+$0x0]  }
0x140: {  	v10 =	vld [tilespmem:s4+$0xFFFFFFF0];
	v9 =	vand.u32 $0x7FFFFFFF, v6  }
0x141: {  	v5 =	vld [tilespmem:s6+$0x0];
	vm0 =	vge.f32 v9, $4.054650960e-01  }
0x142: {  	v7 =	vsub.f32 v7, v11;
	vm1 =	vge.f32 v9, $8.472978470e-01;
	v12 =	vsel vm0, $0x10, v1  }
0x143: {  	v13 =	vsel vm1, $0x10, v1;
	vm0 =	vge.f32 v9, $1.386294360e+00;
	vm1 =	vge.f32 v6, $0.0e+00  }
0x144: {  	v12 =	vadd.s32 v13, v12;
	v13 =	vsel vm0, $0x10, v1;
	vm0 =	vge.f32 v9, $2.197224620e+00  }
0x145: {  	vm1 =	vmneg vm1;
	v9 =	vadd.s32 v13, v12;
	v12 =	vsel vm0, $0x10, v1  }
0x146: {  	v5 =	vsub.f32 v10, v5;
	vm0 =	veq.s32 v8, $0x1;
	v8 =	vadd.s32 v12, v9  }
0x147: {  	vm1 =	vmxor vm0, vm1;
	v9 =	vadd.s32 v2, v8;
	v10 =	vsub.s32 v3, v8  }
0x148: {  	s7 =	simm.s32 $0x3EC0;
	v11 =	vand.u32 $0x7FFFFFFF, v5;
	v10 =	vsel vm1, v9, v10  }
0x149: {  	v12 =	vand.u32 $0x7FFFFFFF, v7;
	vm2 =	vge.f32 v11, $4.054650960e-01;
	vm4 =	vge.f32 v11, $8.472978470e-01  }
0x14a: {  	v8 =	vld [tilespmem:s5+$0xFFFFFFE0];
	vm3 =	vge.f32 v12, $4.054650960e-01;
	vm1 =	vge.f32 v11, $1.386294360e+00;
	v13 =	vsel vm2, $0x10, v1  }
0x14b: {  	s6 =	simm.s32 $0x0;
	v9 =	vld [tilespmem:s5+$0xFFFFFFF0];
	v14 =	vsel vm4, $0x10, v1;
	vm4 =	vge.f32 v12, $8.472978470e-01;
	vm2 =	vge.f32 v12, $1.386294360e+00  }
.LBB2_8:
0x14c: {  	v15 =	vld [tilespmem:s7+$0x10];
	v16 =	vsel vm3, $0x10, v1;
	v17 =	vsel vm4, $0x10, v1;
	v6 =	vmax.f32 v6, $0.0e+00  }
0x14d: {  	v13 =	vadd.s32 v14, v13;
	v16 =	vadd.s32 v17, v16;
	v17 =	vsel vm2, $0x10, v1;
	[tilespmem:v10+s28+$0x0] =	vst.idx.add.f32.msk vm0, v6  }
0x14e: {  	s4 =	sadd.s32 $0x30, s4;
	vm0 =	vge.f32 v12, $2.197224620e+00;
	v6 =	vsel vm1, $0x10, v1;
	vm1 =	vge.f32 v11, $2.197224620e+00;
	[tilespmem:v10+s29+$0x0] =	vst.idx.add.f32.msk $0xffff, v4  }
0x14f: {  	v11 =	vadd.s32 v17, v16;
	v12 =	vsel vm0, $0x10, v1;
	v6 =	vadd.s32 v6, v13;
	v10 =	vld [tilespmem:s4+$0x0]  }
0x150: {  	s6 =	sadd.s32 $0x30, s6;
	vm2 =	vge.f32 v5, $0.0e+00;
	vm0 =	vge.f32 v7, $0.0e+00;
	v14 =	vsel vm1, $0x10, v1;
	v13 =	vld [tilespmem:s4+$0xFFFFFFE0]  }
0x151: {  	p0 =	slt.u32 s6, $0x3E40;
	v11 =	vadd.s32 v12, v11;
	vm3 =	vmneg vm0;
	v12 =	vadd.s32 v14, v6;
	v16 =	vld [tilespmem:s7+$0x0]  }
0x152: {  	vm1 =	veq.s32 v9, $0x1;
	vm2 =	vmneg vm2;
	vm0 =	veq.s32 v8, $0x1;
	v14 =	vld [tilespmem:s4+$0xFFFFFFF0]  }
0x153: {  	v8 =	vadd.s32 v2, v11;
	v9 =	vsub.s32 v3, v11;
	v11 =	vadd.s32 v2, v12;
	v17 =	vld [tilespmem:s7+$0xFFFFFFF0]  }
0x154: {  	vm3 =	vmxor vm0, vm3;
	v6 =	vsub.f32 v10, v15;
	v10 =	vsub.s32 v3, v12  }
0x155: {  	s5 =	sadd.s32 $0x30, s5;
	v7 =	vmax.f32 v7, $0.0e+00;
	vm2 =	vmxor vm1, vm2;
	v12 =	vsel vm3, v8, v9  }
0x156: {  	v19 =	vsel vm2, v11, v10;
	v10 =	vmax.f32 v5, $0.0e+00;
	v15 =	vld [tilespmem:s5+$0x0];
	v18 =	vand.u32 $0x7FFFFFFF, v6  }
0x157: {  	v8 =	vld [tilespmem:s5+$0xFFFFFFE0];
	v5 =	vsub.f32 v14, v16;
	vm2 =	vge.f32 v18, $4.054650960e-01;
	vm3 =	vge.f32 v18, $8.472978470e-01  }
0x158: {  	v9 =	vld [tilespmem:s5+$0xFFFFFFF0];
	v11 =	vsel vm2, $0x10, v1;
	v14 =	vsel vm3, $0x10, v1;
	vm2 =	vge.f32 v18, $1.386294360e+00  }
0x159: {  	v11 =	vadd.s32 v14, v11;
	v14 =	vsel vm2, $0x10, v1;
	vm2 =	vge.f32 v18, $2.197224620e+00  }
0x15a: {  	v11 =	vadd.s32 v14, v11;
	v14 =	vsel vm2, $0x10, v1;
	vm2 =	vge.f32 v6, $0.0e+00;
	[tilespmem:v12+s28+$0x0] =	vst.idx.add.f32.msk vm0, v7  }
0x15b: {  	v7 =	vadd.s32 v14, v11;
	vm0 =	veq.s32 v15, $0x1;
	vm2 =	vmneg vm2;
	[tilespmem:v12+s29+$0x0] =	vst.idx.add.f32.msk $0xffff, v4  }
.Ltmp3:
0x15c: {  	vm2 =	vmxor vm0, vm2;
	v12 =	vadd.s32 v2, v7;
	v14 =	vsub.s32 v3, v7;
	[tilespmem:v19+s28+$0x0] =	vst.idx.add.f32.msk vm1, v10;
	(pc) =	sbr.rel @p0 .LBB2_8-.Ltmp3, $4  }
0x15d: {  	v11 =	vand.u32 $0x7FFFFFFF, v5;
	v7 =	vsub.f32 v13, v17;
	v10 =	vsel vm2, v12, v14;
	[tilespmem:v19+s29+$0x0] =	vst.idx.add.f32.msk $0xffff, v4  }
0x15e: {  	vm3 =	vge.f32 v11, $8.472978470e-01;
	vm1 =	vge.f32 v11, $1.386294360e+00;
	vm2 =	vge.f32 v11, $4.054650960e-01  }
0x15f: {  	v14 =	vsel vm3, $0x10, v1;
	v12 =	vand.u32 $0x7FFFFFFF, v7;
	v13 =	vsel vm2, $0x10, v1  }
0x160: {  	s7 =	sadd.s32 $0x30, s7;
	vm3 =	vge.f32 v12, $4.054650960e-01;
	vm4 =	vge.f32 v12, $8.472978470e-01;
	vm2 =	vge.f32 v12, $1.386294360e+00  }
0x161: {  	v15 =	vsel vm3, $0x10, v1;
	v16 =	vsel vm4, $0x10, v1;
	v63 =	vsel vm2, $0x10, v1  }
0x162: {  	v13 =	vadd.s32 v14, v13;
	vm2 =	vge.f32 v12, $2.197224620e+00;
	v12 =	vsel vm1, $0x10, v1  }
0x163: {  	vm1 =	vge.f32 v11, $2.197224620e+00;
	vm3 =	veq.s32 v8, $0x1;
	vm4 =	veq.s32 v9, $0x1  }
0x164: {  	v15 =	vadd.s32 v16, v15;
	v14 =	vsel vm2, $0x10, v1;
	v12 =	vadd.s32 v12, v13  }
0x165: {  	vm2 =	vge.f32 v7, $0.0e+00;
	v13 =	vsel vm1, $0x10, v1;
	v11 =	vadd.s32 v63, v15  }
0x166: {  	vm1 =	vge.f32 v5, $0.0e+00;
	vm2 =	vmneg vm2;
	v11 =	vadd.s32 v14, v11  }
0x167: {  	vm2 =	vmxor vm3, vm2;
	v8 =	vadd.s32 v2, v11;
	v11 =	vsub.s32 v3, v11  }
0x168: {  	v12 =	vadd.s32 v13, v12;
	vm1 =	vmneg vm1;
	v8 =	vsel vm2, v8, v11  }
0x169: {  	v9 =	vadd.s32 v2, v12;
	vm1 =	vmxor vm4, vm1;
	v11 =	vsub.s32 v3, v12  }
0x16a: {  	v6 =	vmax.f32 v6, $0.0e+00;
	v9 =	vsel vm1, v9, v11  }
0x16b: {  	[tilespmem:v10+s28+$0x0] =	vst.idx.add.f32.msk vm0, v6  }
0x16c: {  	v6 =	vmax.f32 v7, $0.0e+00;
	[tilespmem:v10+s29+$0x0] =	vst.idx.add.f32.msk $0xffff, v4  }
0x16d: {  	[tilespmem:v8+s28+$0x0] =	vst.idx.add.f32.msk vm3, v6  }
0x16e: {  	v5 =	vmax.f32 v5, $0.0e+00;
	[tilespmem:v8+s29+$0x0] =	vst.idx.add.f32.msk $0xffff, v4  }
0x16f: {  	[tilespmem:v9+s28+$0x0] =	vst.idx.add.f32.msk vm4, v5  }
0x170: {  	[tilespmem:v9+s29+$0x0] =	vst.idx.add.f32.msk $0xffff, v4  }
0x171: {  	v5 =	vld [tilespmem:$0x7CF0]  }
0x172: {  	v6 =	vld [tilespmem:$0xF9F0];
	_ =	sdelay $0x4  }
0x173: {  	v5 =	vsub.f32 v6, v5;
	_ =	sdelay $0x1  }
0x174: {  	v6 =	vld [tilespmem:$0x176F0];
	v7 =	vand.u32 $0x7FFFFFFF, v5  }
0x175: {  	vm0 =	vge.f32 v7, $4.054650960e-01;
	vm1 =	vge.f32 v7, $8.472978470e-01  }
0x176: {  	v8 =	vsel vm0, $0x10, v1;
	v9 =	vsel vm1, $0x10, v1;
	vm0 =	vge.f32 v7, $1.386294360e+00  }
0x177: {  	v8 =	vadd.s32 v9, v8;
	v9 =	vsel vm0, $0x10, v1;
	vm0 =	vge.f32 v7, $2.197224620e+00  }
0x178: {  	v7 =	vadd.s32 v9, v8;
	v8 =	vsel vm0, $0x10, v1;
	vm0 =	vge.f32 v5, $0.0e+00  }
0x179: {  	vm1 =	veq.s32 v6, $0x1;
	v7 =	vadd.s32 v8, v7;
	vm0 =	vmneg vm0  }
0x17a: {  	vm0 =	vmxor vm1, vm0;
	v6 =	vadd.s32 v2, v7;
	v7 =	vsub.s32 v3, v7  }
0x17b: {  	v6 =	vsel vm0, v6, v7;
	_ =	sdelay $0x3  }
0x17c: {  	v5 =	vmax.f32 v5, $0.0e+00  }
0x17d: {  	[tilespmem:v6+s28+$0x0] =	vst.idx.add.f32.msk vm1, v5  }
0x17e: {  	[tilespmem:v6+s29+$0x0] =	vst.idx.add.f32.msk $0xffff, v4  }
0x17f: {  	_ =	swait.ge [sflag:s26], $0x748  }
0x180: {  	[sflag:s26] =	ssyncset.done $0x0  }
0x181: {  	[sflag:s26] =	ssyncadd.s32 $0xFFFFF8B8  }
0x182: {  	_ =	swait.ge [sflag:s26], $0x748  }
0x183: {  	[sflag:s26] =	ssyncset.done $0x0  }
0x184: {  	[sflag:s26] =	ssyncadd.s32 $0xFFFFF8B8  }
0x185: {  	_ =	swait.ge [sflag:s26], $0x748  }
0x186: {  	[sflag:s26] =	ssyncset.done $0x0  }
0x187: {  	s4 =	simm.s32 $0x10;
	[sflag:s26] =	ssyncadd.s32 $0xFFFFF8B8  }
0x188: {  	s8 =	simm.s32 $0x7D20;
	v5 =	vld [tilespmem:s4+$0x10]  }
0x189: {  	v6 =	vld [tilespmem:s8+$0x0];
	_ =	sdelay $0x1  }
0x18a: {  	v7 =	vld [tilespmem:s4+$0x0]  }
0x18b: {  	v8 =	vld [tilespmem:s8+$0xFFFFFFF0];
	_ =	sdelay $0x1  }
0x18c: {  	s9 =	simm.s32 $0xFA20;
	v6 =	vsub.f32 v6, v5  }
0x18d: {  	v9 =	vld [tilespmem:s9+$0x0]  }
0x18e: {  	v11 =	vld [tilespmem:s8+$0xFFFFFFE0];
	v10 =	vand.u32 $0x7FFFFFFF, v6  }
0x18f: {  	v5 =	vsub.f32 v8, v7;
	v8 =	vld [tilespmem:s4+$0xFFFFFFF0];
	vm0 =	vge.f32 v10, $4.054650960e-01  }
0x190: {  	vm1 =	vge.f32 v10, $8.472978470e-01;
	v7 =	vsel vm0, $0x10, v1  }
0x191: {  	v12 =	vsel vm1, $0x10, v1;
	vm0 =	vge.f32 v10, $1.386294360e+00;
	vm1 =	vge.f32 v6, $0.0e+00  }
0x192: {  	v7 =	vadd.s32 v12, v7;
	v12 =	vsel vm0, $0x10, v1;
	vm0 =	vge.f32 v10, $2.197224620e+00  }
0x193: {  	vm1 =	vmneg vm1;
	v7 =	vadd.s32 v12, v7;
	v10 =	vsel vm0, $0x10, v1  }
0x194: {  	v8 =	vsub.f32 v11, v8;
	vm0 =	veq.s32 v9, $0x1;
	v7 =	vadd.s32 v10, v7  }
0x195: {  	vm1 =	vmxor vm0, vm1;
	v9 =	vadd.s32 v2, v7;
	v10 =	vsub.s32 v3, v7  }
0x196: {  	v11 =	vand.u32 $0x7FFFFFFF, v5;
	v10 =	vsel vm1, v9, v10  }
0x197: {  	vm2 =	vge.f32 v11, $4.054650960e-01;
	vm3 =	vge.f32 v11, $8.472978470e-01;
	v12 =	vand.u32 $0x7FFFFFFF, v8  }
0x198: {  	v13 =	vsel vm2, $0x10, v1;
	v14 =	vsel vm3, $0x10, v1;
	v7 =	vld [tilespmem:s9+$0xFFFFFFE0];
	vm3 =	vge.f32 v12, $4.054650960e-01  }
0x199: {  	s23 =	simm.s32 $0x0;
	s10 =	simm.s32 $0x40;
	vm4 =	vge.f32 v12, $8.472978470e-01;
	vm2 =	vge.f32 v12, $1.386294360e+00;
	vm1 =	vge.f32 v11, $1.386294360e+00;
	v9 =	vld [tilespmem:s9+$0xFFFFFFF0]  }
.LBB2_10:
0x19a: {  	v15 =	vld [tilespmem:s10+$0x10];
	v16 =	vsel vm3, $0x10, v1;
	v17 =	vsel vm4, $0x10, v1;
	v6 =	vmax.f32 v6, $0.0e+00  }
0x19b: {  	v13 =	vadd.s32 v14, v13;
	s4 =	simm.s32 $0x8420;
	s5 =	simm.s32 $0x720;
	v16 =	vadd.s32 v17, v16;
	v17 =	vsel vm2, $0x10, v1;
	[tilespmem:v10+s28+$0x0] =	vst.idx.add.f32.msk vm0, v6  }
0x19c: {  	s8 =	sadd.s32 $0x30, s8;
	s6 =	simm.s32 $0x710;
	s7 =	simm.s32 $0x10120;
	vm0 =	vge.f32 v12, $2.197224620e+00;
	v6 =	vsel vm1, $0x10, v1;
	vm1 =	vge.f32 v11, $2.197224620e+00;
	[tilespmem:v10+s29+$0x0] =	vst.idx.add.f32.msk $0xffff, v4  }
0x19d: {  	v11 =	vadd.s32 v17, v16;
	v12 =	vsel vm0, $0x10, v1;
	v6 =	vadd.s32 v6, v13;
	v10 =	vld [tilespmem:s8+$0x0]  }
0x19e: {  	s23 =	sadd.s32 $0x30, s23;
	vm2 =	vge.f32 v5, $0.0e+00;
	vm0 =	vge.f32 v8, $0.0e+00;
	v14 =	vsel vm1, $0x10, v1;
	v13 =	vld [tilespmem:s8+$0xFFFFFFE0]  }
0x19f: {  	p0 =	slt.u32 s23, $0x6F0;
	v11 =	vadd.s32 v12, v11;
	vm3 =	vmneg vm0;
	v12 =	vadd.s32 v14, v6;
	v16 =	vld [tilespmem:s10+$0x0]  }
0x1a0: {  	vm1 =	veq.s32 v9, $0x1;
	vm2 =	vmneg vm2;
	vm0 =	veq.s32 v7, $0x1;
	v14 =	vld [tilespmem:s8+$0xFFFFFFF0]  }
0x1a1: {  	v7 =	vadd.s32 v2, v11;
	v9 =	vsub.s32 v3, v11;
	v11 =	vadd.s32 v2, v12;
	v17 =	vld [tilespmem:s10+$0xFFFFFFF0]  }
0x1a2: {  	vm3 =	vmxor vm0, vm3;
	v6 =	vsub.f32 v10, v15;
	v10 =	vsub.s32 v3, v12  }
0x1a3: {  	s9 =	sadd.s32 $0x30, s9;
	v8 =	vmax.f32 v8, $0.0e+00;
	vm2 =	vmxor vm1, vm2;
	v12 =	vsel vm3, v7, v9  }
0x1a4: {  	v19 =	vsel vm2, v11, v10;
	v10 =	vmax.f32 v5, $0.0e+00;
	v15 =	vld [tilespmem:s9+$0x0];
	v18 =	vand.u32 $0x7FFFFFFF, v6  }
0x1a5: {  	v7 =	vld [tilespmem:s9+$0xFFFFFFE0];
	v5 =	vsub.f32 v14, v16;
	vm2 =	vge.f32 v18, $4.054650960e-01;
	vm3 =	vge.f32 v18, $8.472978470e-01  }
0x1a6: {  	v9 =	vld [tilespmem:s9+$0xFFFFFFF0];
	v11 =	vsel vm2, $0x10, v1;
	v14 =	vsel vm3, $0x10, v1;
	vm2 =	vge.f32 v18, $1.386294360e+00  }
0x1a7: {  	v11 =	vadd.s32 v14, v11;
	v14 =	vsel vm2, $0x10, v1;
	vm2 =	vge.f32 v18, $2.197224620e+00  }
0x1a8: {  	v11 =	vadd.s32 v14, v11;
	v14 =	vsel vm2, $0x10, v1;
	vm2 =	vge.f32 v6, $0.0e+00;
	[tilespmem:v12+s28+$0x0] =	vst.idx.add.f32.msk vm0, v8  }
0x1a9: {  	v8 =	vadd.s32 v14, v11;
	vm0 =	veq.s32 v15, $0x1;
	vm2 =	vmneg vm2;
	[tilespmem:v12+s29+$0x0] =	vst.idx.add.f32.msk $0xffff, v4  }
.Ltmp4:
0x1aa: {  	vm2 =	vmxor vm0, vm2;
	v12 =	vadd.s32 v2, v8;
	v14 =	vsub.s32 v3, v8;
	[tilespmem:v19+s28+$0x0] =	vst.idx.add.f32.msk vm1, v10;
	(pc) =	sbr.rel @p0 .LBB2_10-.Ltmp4, $4  }
0x1ab: {  	v11 =	vand.u32 $0x7FFFFFFF, v5;
	v8 =	vsub.f32 v13, v17;
	v10 =	vsel vm2, v12, v14;
	[tilespmem:v19+s29+$0x0] =	vst.idx.add.f32.msk $0xffff, v4  }
0x1ac: {  	vm3 =	vge.f32 v11, $8.472978470e-01;
	vm1 =	vge.f32 v11, $1.386294360e+00;
	vm2 =	vge.f32 v11, $4.054650960e-01  }
0x1ad: {  	v14 =	vsel vm3, $0x10, v1;
	v12 =	vand.u32 $0x7FFFFFFF, v8;
	v13 =	vsel vm2, $0x10, v1  }
0x1ae: {  	s10 =	sadd.s32 $0x30, s10;
	vm3 =	vge.f32 v12, $4.054650960e-01;
	vm4 =	vge.f32 v12, $8.472978470e-01;
	vm2 =	vge.f32 v12, $1.386294360e+00  }
0x1af: {  	v15 =	vsel vm3, $0x10, v1;
	v16 =	vsel vm4, $0x10, v1;
	v57 =	vsel vm2, $0x10, v1  }
0x1b0: {  	v13 =	vadd.s32 v14, v13;
	vm10 =	vge.f32 v12, $2.197224620e+00;
	v58 =	vsel vm1, $0x10, v1  }
0x1b1: {  	vm11 =	vge.f32 v11, $2.197224620e+00;
	vm12 =	vge.f32 v8, $0.0e+00;
	vm13 =	vge.f32 v5, $0.0e+00  }
0x1b2: {  	vm14 =	veq.s32 v7, $0x1;
	vm15 =	veq.s32 v9, $0x1;
	v15 =	vadd.s32 v16, v15  }
0x1b3: {  	v60 =	vsel vm10, $0x10, v1;
	v12 =	vadd.s32 v58, v13;
	v61 =	vsel vm11, $0x10, v1  }
0x1b4: {  	vm2 =	vmneg vm12;
	vm1 =	vmneg vm13;
	v59 =	vadd.s32 v57, v15  }
0x1b5: {  	v12 =	vadd.s32 v61, v12;
	vm2 =	vmxor vm14, vm2;
	vm1 =	vmxor vm15, vm1  }
0x1b6: {  	v11 =	vadd.s32 v60, v59;
	v62 =	vadd.s32 v2, v12;
	v63 =	vsub.s32 v3, v12  }
0x1b7: {  	v7 =	vadd.s32 v2, v11;
	v11 =	vsub.s32 v3, v11;
	v9 =	vsel vm1, v62, v63  }
0x1b8: {  	v7 =	vsel vm2, v7, v11  }
0x1b9: {  	v6 =	vmax.f32 v6, $0.0e+00  }
0x1ba: {  	[tilespmem:v10+s28+$0x0] =	vst.idx.add.f32.msk vm0, v6  }
0x1bb: {  	v5 =	vmax.f32 v5, $0.0e+00;
	[tilespmem:v10+s29+$0x0] =	vst.idx.add.f32.msk $0xffff, v4  }
0x1bc: {  	v6 =	vmax.f32 v8, $0.0e+00;
	[tilespmem:v9+s28+$0x0] =	vst.idx.add.f32.msk vm15, v5  }
0x1bd: {  	[tilespmem:v7+s28+$0x0] =	vst.idx.add.f32.msk vm14, v6  }
0x1be: {  	[tilespmem:v9+s29+$0x0] =	vst.idx.add.f32.msk $0xffff, v4  }
0x1bf: {  	s8 =	simm.s32 $0x3E80;
	[tilespmem:v7+s29+$0x0] =	vst.idx.add.f32.msk $0xffff, v4  }
.LBB2_12:
0x1c0: {  	v5 =	vld [tilespmem:s5+$0x0]  }
0x1c1: {  	v6 =	vld [tilespmem:s4+$0x0];
	_ =	sdelay $0x4  }
0x1c2: {  	v5 =	vsub.f32 v6, v5;
	_ =	sdelay $0x1  }
0x1c3: {  	v6 =	vld [tilespmem:s7+$0x0];
	v7 =	vand.u32 $0x7FFFFFFF, v5  }
0x1c4: {  	vm0 =	vge.f32 v7, $4.054650960e-01;
	vm1 =	vge.f32 v7, $8.472978470e-01  }
0x1c5: {  	vm12 =	vge.f32 v7, $1.386294360e+00;
	v8 =	vsel vm0, $0x10, v1;
	v9 =	vsel vm1, $0x10, v1  }
0x1c6: {  	vm13 =	vge.f32 v7, $2.197224620e+00;
	v62 =	vsel vm12, $0x10, v1;
	v8 =	vadd.s32 v9, v8  }
0x1c7: {  	vm14 =	vge.f32 v5, $0.0e+00;
	v63 =	vsel vm13, $0x10, v1;
	v7 =	vadd.s32 v62, v8  }
0x1c8: {  	vm0 =	vmneg vm14;
	vm15 =	veq.s32 v6, $0x1;
	v7 =	vadd.s32 v63, v7  }
0x1c9: {  	vm0 =	vmxor vm15, vm0;
	v6 =	vadd.s32 v2, v7;
	v7 =	vsub.s32 v3, v7  }
0x1ca: {  	s6 =	sadd.s32 $0x10, s6;
	v6 =	vsel vm0, v6, v7  }
0x1cb: {  	p0 =	slt.u32 s6, $0x730  }
.Ltmp5:
0x1cc: {  	_ = 	snop;
	(pc) =	sbr.rel @p0 .LBB2_12-.Ltmp5, $4  }
0x1cd: {  	_ = 	snop  }
0x1ce: {  	v5 =	vmax.f32 v5, $0.0e+00  }
0x1cf: {  	[tilespmem:v6+s28+$0x0] =	vst.idx.add.f32.msk vm15, v5  }
0x1d0: {  	s4 =	sadd.s32 $0x10, s4;
	s5 =	sadd.s32 $0x10, s5;
	s7 =	sadd.s32 $0x10, s7;
	[tilespmem:v6+s29+$0x0] =	vst.idx.add.f32.msk $0xffff, v4  }
0x1d1: {  	v5 =	vld [tilespmem:$0x740]  }
0x1d2: {  	v6 =	vld [tilespmem:$0x8440];
	_ =	sdelay $0x4  }
0x1d3: {  	v5 =	vsub.f32 v6, v5  }
0x1d4: {  	v6 =	vld [tilespmem:$0x10140]  }
0x1d5: {  	v7 =	vand.u32 $0x7FFFFFFF, v5;
	vm14 =	vge.f32 v5, $0.0e+00  }
0x1d6: {  	vm0 =	vge.f32 v7, $4.054650960e-01;
	vm1 =	vge.f32 v7, $8.472978470e-01;
	vm12 =	vge.f32 v7, $1.386294360e+00  }
0x1d7: {  	vm13 =	vge.f32 v7, $2.197224620e+00;
	v8 =	vsel vm0, $0x10, v1;
	v9 =	vsel vm1, $0x10, v1  }
0x1d8: {  	v63 =	vsel vm12, $0x10, v1;
	v7 =	vsel vm13, $0x10, v1;
	v8 =	vadd.s32 v9, v8  }
0x1d9: {  	vm1 =	vmneg vm14;
	vm15 =	veq.s32 v6, $0x1;
	v8 =	vadd.s32 v63, v8  }
0x1da: {  	vm2 =	vmmov $0xff;
	vm1 =	vmxor vm15, vm1;
	v6 =	vadd.s32 v7, v8  }
0x1db: {  	vm0 =	vmand vm15, vm2;
	v7 =	vadd.s32 v2, v6;
	v6 =	vsub.s32 v3, v6  }
0x1dc: {  	v6 =	vsel vm1, v7, v6;
	_ =	sdelay $0x3  }
0x1dd: {  	v5 =	vmax.f32 v5, $0.0e+00  }
0x1de: {  	[tilespmem:v6+s28+$0x0] =	vst.idx.add.f32.msk vm0, v5  }
0x1df: {  	[tilespmem:v6+s29+$0x0] =	vst.idx.add.f32.msk $0xff, v4  }
0x1e0: {  	[hbm4b:s19+s31] =	stream.strided.scatter [tilespmem:s29], [sflag:$0x3], $0x100, s1, s31, $0x38;
	[tilespmem:$0x17900] =	vst v63  }
0x1e1: {  	s3 =	sadd.s32 $0x1, s3;
	_ =	swait.ge [sflag:s0], $0x100  }
0x1e2: {  	p0 =	sne.s32 s3, s20;
	[sflag:s0] =	ssyncset.done $0x0  }
.Ltmp6:
0x1e3: {  	[sflag:s0] =	ssyncadd.s32 $0xFFFFFF00;
	(pc) =	sbr.rel @p0 .LBB2_1-.Ltmp6, $4  }
0x1e4: {  	[hbm4b:s18+s31] =	stream.strided.scatter [tilespmem:s28], [sflag:$0x3], $0x100, s1, s31, $0x38;
	[tilespmem:$0x17900] =	vst v63  }
0x1e5: {  	_ =	swait.ge [sflag:s0], $0x100  }
0x1e6: {  	[sflag:s0] =	ssyncset.done $0x0  }
0x1e7: {  	[sflag:s0] =	ssyncadd.s32 $0xFFFFFF00  }
0x1e8: {  	_ =	sfence.sel $0x180000  }
0x1e9: {  	[bflag:$0x0] =	sbarrier.arrive $0xFFFF  }
0x1ea: {  	_ =	strace $0x90000047  }
0x1eb: {  	s0 =	stileid.u32;
	[bflag:$0x2] =	sbarrier.arrive $0xFFFF  }
0x1ec: {  	p0 =	sne.s32 s0, $0x0;
	s0 =	rddreg [dreg:$0x4]  }
0x1ed: {  	s0 =	sadd.s32 @!p0 $0x100000, s0  }
0x1ee: {  	[sflag:s0] =	ssyncadd.tile.s32 @!p0 $0x1;
	_ =	shalt  }
.Lfunc_end2:
_tile_overlayer_lowered:
.L_overlay_start_2:
0x1ef: {  	(tag) =	ssettag $0x2  }
0x1f0: {  	s0 =	rddreg [dreg:$0x0];
	s2 =	stileid.u32  }
0x1f1: {  	s1 =	rddreg [dreg:$0x1];
	p0 =	sne.s32 s2, $0x0  }
0x1f2: {  	s3 =	rddreg [dreg:$0x2];
	[bflag:$0x3] =	sbarrier.arrive $0xFFFF;
	s2 =	simm.s32 @!p0 $0x1C03  }
0x1f3: {  	[timem:s3], [sflag:s2] =	dma.local @!p0 [hbm:s0], s1  }
0x1f4: {  	s0 =	simm.s32 @!p0 $0x3  }
0x1f5: {  	_ =	swait.ge @!p0 [sflag:s0], s1  }
0x1f6: {  	s1 =	ssub.s32 @!p0 $0x0, s1;
	[sflag:s0] =	ssyncset.done @!p0 $0x0  }
0x1f7: {  	[sflag:s0] =	ssyncadd.s32 @!p0 s1  }
0x1f8: {  	[bflag:$0x3] =	sbarrier.arrive $0xFFFF  }
0x1f9: {  	_ =	shalt  }

</sc_bundles>
